<compile_context>
chip_gen: v7x
topology: tpu7x:2x2x1
jax: 0.10.2.dev20260603
libtpu: 0.0.44.dev20260713+nightly
codegen_flags: <defaults>
</compile_context>

<pallas_src>
import functools

import jax
import jax.numpy as jnp
from jax import lax
from jax.experimental import pallas as pl
from jax.experimental.pallas import tpu as pltpu
from jax.experimental.pallas import tpu_sc as plsc

N_NODES = 10000
NPAD = 10240
N_EDGES = 320000
NB = 79
EB = 128
EP = 32 * NB * EB
TRASH = 10000
ROWS_PER_SUB = NPAD // 16
BM = 2000

_mesh = plsc.VectorSubcoreMesh(core_axis_name="c", subcore_axis_name="s")



@functools.partial(
    pl.kernel,
    out_type=jax.ShapeDtypeStruct((2, NPAD, 128), jnp.float32),
    mesh=_mesh,
    scratch_types=[
        pltpu.VMEM((NB, EB), jnp.int32),
        pltpu.VMEM((NB, EB), jnp.int32),
        pltpu.VMEM((EB, 128), jnp.float32),
        pltpu.VMEM_SHARED((NPAD, 128), jnp.float32),
        pltpu.SemaphoreType.DMA,
    ],
)
def _sc_aggregate(table_hbm, src_hbm, dst_hbm, zeros_hbm, out_hbm,
                  src_v, dst_v, buf, acc, sem):
    c = lax.axis_index("c")
    s = lax.axis_index("s")
    wid = s * 2 + c
    pltpu.sync_copy(src_hbm.at[wid], src_v)
    pltpu.sync_copy(dst_hbm.at[wid], dst_v)
    pltpu.sync_copy(zeros_hbm, acc.at[pl.ds(s * ROWS_PER_SUB, ROWS_PER_SUB)])
    plsc.subcore_barrier()

    def body(b, carry):
        pltpu.async_copy(table_hbm.at[src_v.at[b]], buf, sem).wait()
        pltpu.sync_copy(buf, acc.at[dst_v.at[b]], add=True)
        return carry

    lax.fori_loop(0, NB, body, 0)
    plsc.subcore_barrier()
    pltpu.sync_copy(
        acc.at[pl.ds(s * ROWS_PER_SUB, ROWS_PER_SUB)],
        out_hbm.at[c].at[pl.ds(s * ROWS_PER_SUB, ROWS_PER_SUB)],
    )



def _dot(a, b):
    return jax.lax.dot_general(
        a, b, (((1,), (0,)), ((), ())),
        preferred_element_type=jnp.float32,
        precision=jax.lax.Precision.HIGHEST,
    )


def _first_body(aggx_ref, xs_ref, dinv_ref, w1_ref, b1_ref, w2_ref, o_ref):
    u = dinv_ref[...] * (aggx_ref[...] + xs_ref[...])
    h = jnp.maximum(_dot(u, w1_ref[...]) + b1_ref[...], 0.0)
    o_ref[...] = dinv_ref[...] * _dot(h, w2_ref[...])


def _mid_body(agg_ref, hs_ref, dinv_ref, b_ref, w_ref, o_ref):
    h = jnp.maximum(dinv_ref[...] * (agg_ref[...] + hs_ref[...]) + b_ref[...], 0.0)
    o_ref[...] = dinv_ref[...] * _dot(h, w_ref[...])


def _last_body(agg_ref, hs_ref, dinv_ref, b_ref, o_ref):
    logits = dinv_ref[...] * (agg_ref[...] + hs_ref[...]) + b_ref[...]
    mask = jax.lax.broadcasted_iota(jnp.int32, logits.shape, 1) < 10
    logits = jnp.where(mask, logits, -jnp.inf)
    m = jnp.max(logits, axis=1, keepdims=True)
    lse = jnp.log(jnp.sum(jnp.where(mask, jnp.exp(logits - m), 0.0),
                          axis=1, keepdims=True))
    o_ref[...] = logits - m - lse


def _row_spec(f):
    return pl.BlockSpec((BM, f), lambda i: (i, 0))


def _full_spec(shape):
    return pl.BlockSpec(shape, lambda i: (0, 0))


def _first_tc(aggx, xs, dinv, w1, b1, w2):
    f1, f2 = w1.shape[1], w2.shape[1]
    return pl.pallas_call(
        _first_body,
        grid=(N_NODES // BM,),
        in_specs=[_row_spec(128), _row_spec(128), _row_spec(1),
                  _full_spec((128, f1)), _full_spec((1, f1)),
                  _full_spec((f1, f2))],
        out_specs=_row_spec(f2),
        out_shape=jax.ShapeDtypeStruct((N_NODES, f2), jnp.float32),
    )(aggx, xs, dinv, w1, b1.reshape(1, f1), w2)


def _mid_tc(agg, hs, dinv, b, w):
    f, fn = w.shape
    return pl.pallas_call(
        _mid_body,
        grid=(N_NODES // BM,),
        in_specs=[_row_spec(f), _row_spec(f), _row_spec(1),
                  _full_spec((1, f)), _full_spec((f, fn))],
        out_specs=_row_spec(fn),
        out_shape=jax.ShapeDtypeStruct((N_NODES, fn), jnp.float32),
    )(agg, hs, dinv, b.reshape(1, f), w)


def _last_tc(agg, hs, dinv, b):
    return pl.pallas_call(
        _last_body,
        grid=(N_NODES // BM,),
        in_specs=[_row_spec(128), _row_spec(128), _row_spec(1),
                  _full_spec((1, 128))],
        out_specs=_row_spec(128),
        out_shape=jax.ShapeDtypeStruct((N_NODES, 128), jnp.float32),
    )(agg, hs, dinv, b)



def kernel(x, edge_index, W1, b1, W2, b2, W3, b3, W4, b4, W5, b5, W6, b6):
    src = edge_index[0].astype(jnp.int32)
    dst = edge_index[1].astype(jnp.int32)
    pad = EP - N_EDGES
    src_p = jnp.concatenate([src, jnp.zeros((pad,), jnp.int32)]).reshape(32, NB, EB)
    trash_rows = TRASH + (jnp.arange(pad, dtype=jnp.int32) % (NPAD - N_NODES))
    dst_p = jnp.concatenate([dst, trash_rows]).reshape(32, NB, EB)

    zeros128 = jnp.zeros((ROWS_PER_SUB, 128), jnp.float32)

    def aggregate(hs):
        f = hs.shape[1]
        outs = []
        for ci in range(f // 128):
            part = _sc_aggregate(hs[:, ci * 128:(ci + 1) * 128], src_p, dst_p, zeros128)
            outs.append(part[0, :N_NODES] + part[1, :N_NODES])
        return outs[0] if len(outs) == 1 else jnp.concatenate(outs, axis=1)

    ones_tab = jnp.ones((N_NODES, 128), jnp.float32)
    dpart = _sc_aggregate(ones_tab, src_p, dst_p, zeros128)
    deg = dpart[0, :N_NODES, 0] + dpart[1, :N_NODES, 0] + 1.0
    dinv = lax.rsqrt(jnp.maximum(deg, 1e-12))[:, None]

    xs = dinv * x
    hs = _first_tc(aggregate(xs), xs, dinv, W1, b1, W2)
    for W, b in ((W3, b2), (W4, b3), (W5, b4)):
        hs = _mid_tc(aggregate(hs), hs, dinv, b, W)
    W6p = jnp.pad(W6, ((0, 0), (0, 118)))
    b6p = jnp.pad(b6, (0, 118)).reshape(1, 128)
    hs6 = _mid_tc(aggregate(hs), hs, dinv, b5, W6p)
    out = _last_tc(aggregate(hs6), hs6, dinv, b6p)
    return out[:, :10]

# --- scband reference (transcript-rebuilt; emitter-appended) ---
"""Pipeline reference for scband-net-14525579395835 (READ-ONLY COPY).

The authoritative reference and input builder live on the scoring server;
editing this copy changes nothing except your own understanding.
"""

import jax, jax.numpy as jnp
import numpy as np

N_NODES = 10000
N_EDGES = 320000
IN_FEAT = 128
HIDDEN = [640, 512, 384, 256, 128]
NUM_CLASSES = 10


def gcn_conv(x, src, dst, W, b, n):
    # symmetric-normalized GCN conv with self loops (matches torch_geometric GCNConv)
    loop = jnp.arange(n, dtype=src.dtype)
    s = jnp.concatenate([src, loop])
    d = jnp.concatenate([dst, loop])
    deg = jax.ops.segment_sum(jnp.ones(s.shape[0], dtype=x.dtype), d, num_segments=n)
    dinv = jax.lax.rsqrt(jnp.maximum(deg, 1e-12))
    norm = dinv[s] * dinv[d]
    h = x @ W
    out = jax.ops.segment_sum(h[s] * norm[:, None], d, num_segments=n)
    return out + b


def setup_inputs(seed: int = 0) -> dict:
    key = jax.random.key(seed)
    ks = jax.random.split(key, 16)
    x = jax.random.normal(ks[0], (N_NODES, IN_FEAT), dtype=jnp.float32)
    edge_index = jax.random.randint(ks[1], (2, N_EDGES), 0, N_NODES, dtype=jnp.int64)
    dims = [IN_FEAT] + HIDDEN + [NUM_CLASSES]
    inp = {"x": x, "edge_index": edge_index}
    for i in range(6):
        fan_in, fan_out = dims[i], dims[i + 1]
        scale = jnp.sqrt(2.0 / (fan_in + fan_out)).astype(jnp.float32)
        inp[f"W{i+1}"] = jax.random.normal(ks[2 + 2 * i], (fan_in, fan_out), dtype=jnp.float32) * scale
        inp[f"b{i+1}"] = jnp.zeros((fan_out,), dtype=jnp.float32)
    return inp


def reference(x, edge_index, W1, b1, W2, b2, W3, b3, W4, b4, W5, b5, W6, b6):
    src, dst = edge_index[0], edge_index[1]
    n = x.shape[0]
    h = gcn_conv(x, src, dst, W1, b1, n)
    h = jax.nn.relu(h)
    h = gcn_conv(h, src, dst, W2, b2, n)
    h = jax.nn.relu(h)
    h = gcn_conv(h, src, dst, W3, b3, n)
    h = jax.nn.relu(h)
    h = gcn_conv(h, src, dst, W4, b4, n)
    h = jax.nn.relu(h)
    h = gcn_conv(h, src, dst, W5, b5, n)
    h = jax.nn.relu(h)
    h = gcn_conv(h, src, dst, W6, b6, n)
    return jax.nn.log_softmax(h, axis=1)

if __name__ == "__main__":
    import jax
    _d = setup_inputs()
    print(jax.jit(kernel)(*tuple(_d.values())))

</pallas_src>

<mosaic_0001>
#map = affine_map<(d0, d1) -> (0, 0)>
#map1 = affine_map<(d0, d1) -> (0, 0, 0)>
module attributes {stable_mosaic.version = 14 : i64} {
  func.func @_sc_aggregate(%arg0: i32, %arg1: i32, %arg2: memref<10000x128xf32, #tpu.memory_space<hbm>>, %arg3: memref<32x79x128xi32, #tpu.memory_space<hbm>>, %arg4: memref<32x79x128xi32, #tpu.memory_space<hbm>>, %arg5: memref<640x128xf32, #tpu.memory_space<hbm>>, %arg6: memref<2x10240x128xf32, #tpu.memory_space<hbm>>, %arg7: memref<79x128xi32, #tpu.memory_space<vmem>>, %arg8: memref<79x128xi32, #tpu.memory_space<vmem>>, %arg9: memref<128x128xf32, #tpu.memory_space<vmem>>, %arg10: memref<10240x128xf32, #tpu.memory_space<vmem_shared>>, %arg11: memref<!tpu.dma_semaphore, #tpu.memory_space<semaphore_mem>>) attributes {dimension_semantics = [#tpu.dimension_semantics<core_parallel>, #tpu.dimension_semantics<subcore_parallel>], iteration_bounds = array<i64: 2, 16>, scalar_prefetch = 0 : i64, scratch_operands = 5 : i64, tpu.core_type = #tpu.core_type<sc_vector_subcore>, window_params = [{transform_indices = #map}, {transform_indices = #map1}, {transform_indices = #map1}, {transform_indices = #map}, {transform_indices = #map1}]} {
    %mul3A = arith.constant 2 : i32
    %mul3A_0 = arith.muli %arg1, %mul3A : i32
    %add3A = arith.addi %mul3A_0, %arg0 : i32
    "tpu.region"() ({
      %run_scoped3A = tpu.sem_alloc : memref<!tpu.dma_semaphore, #tpu.memory_space<semaphore_mem>>
      %dma_start3A = arith.constant 0 : i32
      %dma_start3A_13 = arith.constant 0 : i32
      %dma_start3A_14 = tpu.memref_slice %arg3[%add3A, %dma_start3A, %dma_start3A_13] : memref<32x79x128xi32, #tpu.memory_space<hbm>> -> memref<1x79x128xi32, #tpu.memory_space<hbm>>
      %dma_start3A_15 = tpu.memref_squeeze %dma_start3A_14 : memref<1x79x128xi32, #tpu.memory_space<hbm>> -> memref<79x128xi32, #tpu.memory_space<hbm>>
      %dma_start3A_16 = arith.constant 0 : i32
      %dma_start3A_17 = arith.constant 0 : i32
      %dma_start3A_18 = tpu.memref_slice %arg3[%add3A, %dma_start3A_16, %dma_start3A_17] : memref<32x79x128xi32, #tpu.memory_space<hbm>> -> memref<1x79x128xi32, #tpu.memory_space<hbm>>
      %dma_start3A_19 = tpu.memref_squeeze %dma_start3A_18 : memref<1x79x128xi32, #tpu.memory_space<hbm>> -> memref<79x128xi32, #tpu.memory_space<hbm>>
      tpu.enqueue_dma source(%dma_start3A_19 : memref<79x128xi32, #tpu.memory_space<hbm>>) target(%arg7 : memref<79x128xi32, #tpu.memory_space<vmem>>) target_semaphore(%run_scoped3A : memref<!tpu.dma_semaphore, #tpu.memory_space<semaphore_mem>>)
      %dma_wait3A = arith.constant 0 : i32
      %dma_wait3A_20 = arith.constant 0 : i32
      %dma_wait3A_21 = tpu.memref_slice %arg3[%add3A, %dma_wait3A, %dma_wait3A_20] : memref<32x79x128xi32, #tpu.memory_space<hbm>> -> memref<1x79x128xi32, #tpu.memory_space<hbm>>
      %dma_wait3A_22 = tpu.memref_squeeze %dma_wait3A_21 : memref<1x79x128xi32, #tpu.memory_space<hbm>> -> memref<79x128xi32, #tpu.memory_space<hbm>>
      %dma_wait3A_23 = arith.constant 0 : i32
      %dma_wait3A_24 = arith.constant 0 : i32
      %dma_wait3A_25 = tpu.memref_slice %arg3[%add3A, %dma_wait3A_23, %dma_wait3A_24] : memref<32x79x128xi32, #tpu.memory_space<hbm>> -> memref<1x79x128xi32, #tpu.memory_space<hbm>>
      %dma_wait3A_26 = tpu.memref_squeeze %dma_wait3A_25 : memref<1x79x128xi32, #tpu.memory_space<hbm>> -> memref<79x128xi32, #tpu.memory_space<hbm>>
      tpu.wait_dma2 semaphore(%run_scoped3A : memref<!tpu.dma_semaphore, #tpu.memory_space<semaphore_mem>>) src(%dma_wait3A_26 : memref<79x128xi32, #tpu.memory_space<hbm>>) dst(%arg7 : memref<79x128xi32, #tpu.memory_space<vmem>>)
      tpu.yield
    }) : () -> ()
    "tpu.region"() ({
      %run_scoped3A = tpu.sem_alloc : memref<!tpu.dma_semaphore, #tpu.memory_space<semaphore_mem>>
      %dma_start3A = arith.constant 0 : i32
      %dma_start3A_13 = arith.constant 0 : i32
      %dma_start3A_14 = tpu.memref_slice %arg4[%add3A, %dma_start3A, %dma_start3A_13] : memref<32x79x128xi32, #tpu.memory_space<hbm>> -> memref<1x79x128xi32, #tpu.memory_space<hbm>>
      %dma_start3A_15 = tpu.memref_squeeze %dma_start3A_14 : memref<1x79x128xi32, #tpu.memory_space<hbm>> -> memref<79x128xi32, #tpu.memory_space<hbm>>
      %dma_start3A_16 = arith.constant 0 : i32
      %dma_start3A_17 = arith.constant 0 : i32
      %dma_start3A_18 = tpu.memref_slice %arg4[%add3A, %dma_start3A_16, %dma_start3A_17] : memref<32x79x128xi32, #tpu.memory_space<hbm>> -> memref<1x79x128xi32, #tpu.memory_space<hbm>>
      %dma_start3A_19 = tpu.memref_squeeze %dma_start3A_18 : memref<1x79x128xi32, #tpu.memory_space<hbm>> -> memref<79x128xi32, #tpu.memory_space<hbm>>
      tpu.enqueue_dma source(%dma_start3A_19 : memref<79x128xi32, #tpu.memory_space<hbm>>) target(%arg8 : memref<79x128xi32, #tpu.memory_space<vmem>>) target_semaphore(%run_scoped3A : memref<!tpu.dma_semaphore, #tpu.memory_space<semaphore_mem>>)
      %dma_wait3A = arith.constant 0 : i32
      %dma_wait3A_20 = arith.constant 0 : i32
      %dma_wait3A_21 = tpu.memref_slice %arg4[%add3A, %dma_wait3A, %dma_wait3A_20] : memref<32x79x128xi32, #tpu.memory_space<hbm>> -> memref<1x79x128xi32, #tpu.memory_space<hbm>>
      %dma_wait3A_22 = tpu.memref_squeeze %dma_wait3A_21 : memref<1x79x128xi32, #tpu.memory_space<hbm>> -> memref<79x128xi32, #tpu.memory_space<hbm>>
      %dma_wait3A_23 = arith.constant 0 : i32
      %dma_wait3A_24 = arith.constant 0 : i32
      %dma_wait3A_25 = tpu.memref_slice %arg4[%add3A, %dma_wait3A_23, %dma_wait3A_24] : memref<32x79x128xi32, #tpu.memory_space<hbm>> -> memref<1x79x128xi32, #tpu.memory_space<hbm>>
      %dma_wait3A_26 = tpu.memref_squeeze %dma_wait3A_25 : memref<1x79x128xi32, #tpu.memory_space<hbm>> -> memref<79x128xi32, #tpu.memory_space<hbm>>
      tpu.wait_dma2 semaphore(%run_scoped3A : memref<!tpu.dma_semaphore, #tpu.memory_space<semaphore_mem>>) src(%dma_wait3A_26 : memref<79x128xi32, #tpu.memory_space<hbm>>) dst(%arg8 : memref<79x128xi32, #tpu.memory_space<vmem>>)
      tpu.yield
    }) : () -> ()
    %mul3A_1 = arith.constant 640 : i32
    %mul3A_2 = arith.muli %arg1, %mul3A_1 : i32
    "tpu.region"() ({
      %run_scoped3A = tpu.sem_alloc : memref<!tpu.dma_semaphore, #tpu.memory_space<semaphore_mem>>
      %dma_start3A = arith.constant 0 : i32
      %dma_start3A_13 = tpu.memref_slice %arg10[%mul3A_2, %dma_start3A] : memref<10240x128xf32, #tpu.memory_space<vmem_shared>> -> memref<640x128xf32, #tpu.memory_space<vmem_shared>>
      tpu.enqueue_dma source(%arg5 : memref<640x128xf32, #tpu.memory_space<hbm>>) target(%dma_start3A_13 : memref<640x128xf32, #tpu.memory_space<vmem_shared>>) target_semaphore(%run_scoped3A : memref<!tpu.dma_semaphore, #tpu.memory_space<semaphore_mem>>)
      %dma_wait3A = arith.constant 0 : i32
      %dma_wait3A_14 = tpu.memref_slice %arg10[%mul3A_2, %dma_wait3A] : memref<10240x128xf32, #tpu.memory_space<vmem_shared>> -> memref<640x128xf32, #tpu.memory_space<vmem_shared>>
      tpu.wait_dma2 semaphore(%run_scoped3A : memref<!tpu.dma_semaphore, #tpu.memory_space<semaphore_mem>>) src(%arg5 : memref<640x128xf32, #tpu.memory_space<hbm>>) dst(%dma_wait3A_14 : memref<640x128xf32, #tpu.memory_space<vmem_shared>>)
      tpu.yield
    }) : () -> ()
    %barrier3A = arith.constant 0 : index
    tpu.barrier barrier_id(%barrier3A)
    %scan3A = arith.constant 0 : i32
    %scan3A_3 = arith.constant 0 : i32
    %scan3A_4 = arith.constant 79 : i32
    %scan3A_5 = arith.addi %scan3A_3, %scan3A_4 : i32
    %scan3A_6 = arith.constant 1 : i32
    scf.for %scan3A_13 = %scan3A_3 to %scan3A_5 step %scan3A_6  : i32 {
      %dma_start3A = arith.constant 0 : i32
      %dma_start3A_14 = tpu.memref_slice %arg7[%scan3A_13, %dma_start3A] : memref<79x128xi32, #tpu.memory_space<vmem>> -> memref<1x128xi32, #tpu.memory_space<vmem>>
      %dma_start3A_15 = tpu.memref_squeeze %dma_start3A_14 : memref<1x128xi32, #tpu.memory_space<vmem>> -> memref<128xi32, #tpu.memory_space<vmem>>
      %dma_start3A_16 = arith.constant 0 : i32
      %dma_start3A_17 = arith.constant 0 : i32
      %dma_start3A_18 = tpu.memref_slice %arg2[%dma_start3A_16, %dma_start3A_17] : memref<10000x128xf32, #tpu.memory_space<hbm>> -> memref<10000x128xf32, #tpu.memory_space<hbm>>
      tpu.enqueue_indirect_dma source(%dma_start3A_18 : memref<10000x128xf32, #tpu.memory_space<hbm>>) target(%arg9 : memref<128x128xf32, #tpu.memory_space<vmem>>) offsets(%dma_start3A_15 : memref<128xi32, #tpu.memory_space<vmem>>) semaphore(%arg11 : memref<!tpu.dma_semaphore, #tpu.memory_space<semaphore_mem>>)
      %dma_wait3A = arith.constant 0 : i32
      %dma_wait3A_19 = tpu.memref_slice %arg7[%scan3A_13, %dma_wait3A] : memref<79x128xi32, #tpu.memory_space<vmem>> -> memref<1x128xi32, #tpu.memory_space<vmem>>
      %dma_wait3A_20 = tpu.memref_squeeze %dma_wait3A_19 : memref<1x128xi32, #tpu.memory_space<vmem>> -> memref<128xi32, #tpu.memory_space<vmem>>
      %dma_wait3A_21 = arith.constant 0 : i32
      %dma_wait3A_22 = arith.constant 0 : i32
      %dma_wait3A_23 = tpu.memref_slice %arg2[%dma_wait3A_21, %dma_wait3A_22] : memref<10000x128xf32, #tpu.memory_space<hbm>> -> memref<10000x128xf32, #tpu.memory_space<hbm>>
      tpu.wait_indirect_dma semaphore(%arg11 : memref<!tpu.dma_semaphore, #tpu.memory_space<semaphore_mem>>) src(%dma_wait3A_23 : memref<10000x128xf32, #tpu.memory_space<hbm>>) dst(%arg9 : memref<128x128xf32, #tpu.memory_space<vmem>>)
      "tpu.region"() ({
        %run_scoped3A = tpu.sem_alloc : memref<!tpu.dma_semaphore, #tpu.memory_space<semaphore_mem>>
        %dma_start3A_24 = arith.constant 0 : i32
        %dma_start3A_25 = tpu.memref_slice %arg8[%scan3A_13, %dma_start3A_24] : memref<79x128xi32, #tpu.memory_space<vmem>> -> memref<1x128xi32, #tpu.memory_space<vmem>>
        %dma_start3A_26 = tpu.memref_squeeze %dma_start3A_25 : memref<1x128xi32, #tpu.memory_space<vmem>> -> memref<128xi32, #tpu.memory_space<vmem>>
        %dma_start3A_27 = arith.constant 0 : i32
        %dma_start3A_28 = arith.constant 0 : i32
        %dma_start3A_29 = tpu.memref_slice %arg10[%dma_start3A_27, %dma_start3A_28] : memref<10240x128xf32, #tpu.memory_space<vmem_shared>> -> memref<10240x128xf32, #tpu.memory_space<vmem_shared>>
        tpu.enqueue_indirect_dma source(%arg9 : memref<128x128xf32, #tpu.memory_space<vmem>>) target(%dma_start3A_29 : memref<10240x128xf32, #tpu.memory_space<vmem_shared>>) offsets(%dma_start3A_26 : memref<128xi32, #tpu.memory_space<vmem>>) semaphore(%run_scoped3A : memref<!tpu.dma_semaphore, #tpu.memory_space<semaphore_mem>>) {add = true}
        %dma_wait3A_30 = arith.constant 0 : i32
        %dma_wait3A_31 = tpu.memref_slice %arg8[%scan3A_13, %dma_wait3A_30] : memref<79x128xi32, #tpu.memory_space<vmem>> -> memref<1x128xi32, #tpu.memory_space<vmem>>
        %dma_wait3A_32 = tpu.memref_squeeze %dma_wait3A_31 : memref<1x128xi32, #tpu.memory_space<vmem>> -> memref<128xi32, #tpu.memory_space<vmem>>
        %dma_wait3A_33 = arith.constant 0 : i32
        %dma_wait3A_34 = arith.constant 0 : i32
        %dma_wait3A_35 = tpu.memref_slice %arg10[%dma_wait3A_33, %dma_wait3A_34] : memref<10240x128xf32, #tpu.memory_space<vmem_shared>> -> memref<10240x128xf32, #tpu.memory_space<vmem_shared>>
        tpu.wait_indirect_dma semaphore(%run_scoped3A : memref<!tpu.dma_semaphore, #tpu.memory_space<semaphore_mem>>) src(%arg9 : memref<128x128xf32, #tpu.memory_space<vmem>>) dst(%dma_wait3A_35 : memref<10240x128xf32, #tpu.memory_space<vmem_shared>>)
        tpu.yield
      }) : () -> ()
    }
    %scan3A_7 = arith.constant 79 : i32
    %barrier3A_8 = arith.constant 0 : index
    tpu.barrier barrier_id(%barrier3A_8)
    %mul3A_9 = arith.constant 640 : i32
    %mul3A_10 = arith.muli %arg1, %mul3A_9 : i32
    %mul3A_11 = arith.constant 640 : i32
    %mul3A_12 = arith.muli %arg1, %mul3A_11 : i32
    "tpu.region"() ({
      %run_scoped3A = tpu.sem_alloc : memref<!tpu.dma_semaphore, #tpu.memory_space<semaphore_mem>>
      %dma_start3A = arith.constant 0 : i32
      %dma_start3A_13 = arith.constant 0 : i32
      %dma_start3A_14 = tpu.memref_slice %arg6[%arg0, %dma_start3A, %dma_start3A_13] : memref<2x10240x128xf32, #tpu.memory_space<hbm>> -> memref<1x10240x128xf32, #tpu.memory_space<hbm>>
      %dma_start3A_15 = tpu.memref_squeeze %dma_start3A_14 : memref<1x10240x128xf32, #tpu.memory_space<hbm>> -> memref<10240x128xf32, #tpu.memory_space<hbm>>
      %dma_start3A_16 = arith.constant 0 : i32
      %dma_start3A_17 = tpu.memref_slice %dma_start3A_15[%mul3A_12, %dma_start3A_16] : memref<10240x128xf32, #tpu.memory_space<hbm>> -> memref<640x128xf32, #tpu.memory_space<hbm>>
      %dma_start3A_18 = arith.constant 0 : i32
      %dma_start3A_19 = tpu.memref_slice %arg10[%mul3A_10, %dma_start3A_18] : memref<10240x128xf32, #tpu.memory_space<vmem_shared>> -> memref<640x128xf32, #tpu.memory_space<vmem_shared>>
      tpu.enqueue_dma source(%dma_start3A_19 : memref<640x128xf32, #tpu.memory_space<vmem_shared>>) target(%dma_start3A_17 : memref<640x128xf32, #tpu.memory_space<hbm>>) target_semaphore(%run_scoped3A : memref<!tpu.dma_semaphore, #tpu.memory_space<semaphore_mem>>)
      %dma_wait3A = arith.constant 0 : i32
      %dma_wait3A_20 = arith.constant 0 : i32
      %dma_wait3A_21 = tpu.memref_slice %arg6[%arg0, %dma_wait3A, %dma_wait3A_20] : memref<2x10240x128xf32, #tpu.memory_space<hbm>> -> memref<1x10240x128xf32, #tpu.memory_space<hbm>>
      %dma_wait3A_22 = tpu.memref_squeeze %dma_wait3A_21 : memref<1x10240x128xf32, #tpu.memory_space<hbm>> -> memref<10240x128xf32, #tpu.memory_space<hbm>>
      %dma_wait3A_23 = arith.constant 0 : i32
      %dma_wait3A_24 = tpu.memref_slice %dma_wait3A_22[%mul3A_12, %dma_wait3A_23] : memref<10240x128xf32, #tpu.memory_space<hbm>> -> memref<640x128xf32, #tpu.memory_space<hbm>>
      %dma_wait3A_25 = arith.constant 0 : i32
      %dma_wait3A_26 = tpu.memref_slice %arg10[%mul3A_10, %dma_wait3A_25] : memref<10240x128xf32, #tpu.memory_space<vmem_shared>> -> memref<640x128xf32, #tpu.memory_space<vmem_shared>>
      tpu.wait_dma2 semaphore(%run_scoped3A : memref<!tpu.dma_semaphore, #tpu.memory_space<semaphore_mem>>) src(%dma_wait3A_26 : memref<640x128xf32, #tpu.memory_space<vmem_shared>>) dst(%dma_wait3A_24 : memref<640x128xf32, #tpu.memory_space<hbm>>)
      tpu.yield
    }) : () -> ()
    return
  }
}

#map = affine_map<(d0, d1) -> (0, 0)>
#map1 = affine_map<(d0, d1) -> (0, 0, 0)>
module attributes {stable_mosaic.version = 14 : i64} {
  func.func @_sc_aggregate(%arg0: i32, %arg1: i32, %arg2: memref<10000x128xf32, #tpu.memory_space<hbm>>, %arg3: memref<32x79x128xi32, #tpu.memory_space<hbm>>, %arg4: memref<32x79x128xi32, #tpu.memory_space<hbm>>, %arg5: memref<640x128xf32, #tpu.memory_space<hbm>>, %arg6: memref<2x10240x128xf32, #tpu.memory_space<hbm>>, %arg7: memref<79x128xi32, #tpu.memory_space<vmem>>, %arg8: memref<79x128xi32, #tpu.memory_space<vmem>>, %arg9: memref<128x128xf32, #tpu.memory_space<vmem>>, %arg10: memref<10240x128xf32, #tpu.memory_space<vmem_shared>>, %arg11: memref<!tpu.dma_semaphore, #tpu.memory_space<semaphore_mem>>) attributes {dimension_semantics = [#tpu.dimension_semantics<core_parallel>, #tpu.dimension_semantics<subcore_parallel>], iteration_bounds = array<i64: 2, 16>, scalar_prefetch = 0 : i64, scratch_operands = 5 : i64, tpu.core_type = #tpu.core_type<sc_vector_subcore>, window_params = [{transform_indices = #map}, {transform_indices = #map1}, {transform_indices = #map1}, {transform_indices = #map}, {transform_indices = #map1}]} {
    %mul3A = arith.constant 2 : i32
    %mul3A_0 = arith.muli %arg1, %mul3A : i32
    %add3A = arith.addi %mul3A_0, %arg0 : i32
    "tpu.region"() ({
      %run_scoped3A = tpu.sem_alloc : memref<!tpu.dma_semaphore, #tpu.memory_space<semaphore_mem>>
      %dma_start3A = arith.constant 0 : i32
      %dma_start3A_13 = arith.constant 0 : i32
      %dma_start3A_14 = tpu.memref_slice %arg3[%add3A, %dma_start3A, %dma_start3A_13] : memref<32x79x128xi32, #tpu.memory_space<hbm>> -> memref<1x79x128xi32, #tpu.memory_space<hbm>>
      %dma_start3A_15 = tpu.memref_squeeze %dma_start3A_14 : memref<1x79x128xi32, #tpu.memory_space<hbm>> -> memref<79x128xi32, #tpu.memory_space<hbm>>
      %dma_start3A_16 = arith.constant 0 : i32
      %dma_start3A_17 = arith.constant 0 : i32
      %dma_start3A_18 = tpu.memref_slice %arg3[%add3A, %dma_start3A_16, %dma_start3A_17] : memref<32x79x128xi32, #tpu.memory_space<hbm>> -> memref<1x79x128xi32, #tpu.memory_space<hbm>>
      %dma_start3A_19 = tpu.memref_squeeze %dma_start3A_18 : memref<1x79x128xi32, #tpu.memory_space<hbm>> -> memref<79x128xi32, #tpu.memory_space<hbm>>
      tpu.enqueue_dma source(%dma_start3A_19 : memref<79x128xi32, #tpu.memory_space<hbm>>) target(%arg7 : memref<79x128xi32, #tpu.memory_space<vmem>>) target_semaphore(%run_scoped3A : memref<!tpu.dma_semaphore, #tpu.memory_space<semaphore_mem>>)
      %dma_wait3A = arith.constant 0 : i32
      %dma_wait3A_20 = arith.constant 0 : i32
      %dma_wait3A_21 = tpu.memref_slice %arg3[%add3A, %dma_wait3A, %dma_wait3A_20] : memref<32x79x128xi32, #tpu.memory_space<hbm>> -> memref<1x79x128xi32, #tpu.memory_space<hbm>>
      %dma_wait3A_22 = tpu.memref_squeeze %dma_wait3A_21 : memref<1x79x128xi32, #tpu.memory_space<hbm>> -> memref<79x128xi32, #tpu.memory_space<hbm>>
      %dma_wait3A_23 = arith.constant 0 : i32
      %dma_wait3A_24 = arith.constant 0 : i32
      %dma_wait3A_25 = tpu.memref_slice %arg3[%add3A, %dma_wait3A_23, %dma_wait3A_24] : memref<32x79x128xi32, #tpu.memory_space<hbm>> -> memref<1x79x128xi32, #tpu.memory_space<hbm>>
      %dma_wait3A_26 = tpu.memref_squeeze %dma_wait3A_25 : memref<1x79x128xi32, #tpu.memory_space<hbm>> -> memref<79x128xi32, #tpu.memory_space<hbm>>
      tpu.wait_dma2 semaphore(%run_scoped3A : memref<!tpu.dma_semaphore, #tpu.memory_space<semaphore_mem>>) src(%dma_wait3A_26 : memref<79x128xi32, #tpu.memory_space<hbm>>) dst(%arg7 : memref<79x128xi32, #tpu.memory_space<vmem>>)
      tpu.yield
    }) : () -> ()
    "tpu.region"() ({
      %run_scoped3A = tpu.sem_alloc : memref<!tpu.dma_semaphore, #tpu.memory_space<semaphore_mem>>
      %dma_start3A = arith.constant 0 : i32
      %dma_start3A_13 = arith.constant 0 : i32
      %dma_start3A_14 = tpu.memref_slice %arg4[%add3A, %dma_start3A, %dma_start3A_13] : memref<32x79x128xi32, #tpu.memory_space<hbm>> -> memref<1x79x128xi32, #tpu.memory_space<hbm>>
      %dma_start3A_15 = tpu.memref_squeeze %dma_start3A_14 : memref<1x79x128xi32, #tpu.memory_space<hbm>> -> memref<79x128xi32, #tpu.memory_space<hbm>>
      %dma_start3A_16 = arith.constant 0 : i32
      %dma_start3A_17 = arith.constant 0 : i32
      %dma_start3A_18 = tpu.memref_slice %arg4[%add3A, %dma_start3A_16, %dma_start3A_17] : memref<32x79x128xi32, #tpu.memory_space<hbm>> -> memref<1x79x128xi32, #tpu.memory_space<hbm>>
      %dma_start3A_19 = tpu.memref_squeeze %dma_start3A_18 : memref<1x79x128xi32, #tpu.memory_space<hbm>> -> memref<79x128xi32, #tpu.memory_space<hbm>>
      tpu.enqueue_dma source(%dma_start3A_19 : memref<79x128xi32, #tpu.memory_space<hbm>>) target(%arg8 : memref<79x128xi32, #tpu.memory_space<vmem>>) target_semaphore(%run_scoped3A : memref<!tpu.dma_semaphore, #tpu.memory_space<semaphore_mem>>)
      %dma_wait3A = arith.constant 0 : i32
      %dma_wait3A_20 = arith.constant 0 : i32
      %dma_wait3A_21 = tpu.memref_slice %arg4[%add3A, %dma_wait3A, %dma_wait3A_20] : memref<32x79x128xi32, #tpu.memory_space<hbm>> -> memref<1x79x128xi32, #tpu.memory_space<hbm>>
      %dma_wait3A_22 = tpu.memref_squeeze %dma_wait3A_21 : memref<1x79x128xi32, #tpu.memory_space<hbm>> -> memref<79x128xi32, #tpu.memory_space<hbm>>
      %dma_wait3A_23 = arith.constant 0 : i32
      %dma_wait3A_24 = arith.constant 0 : i32
      %dma_wait3A_25 = tpu.memref_slice %arg4[%add3A, %dma_wait3A_23, %dma_wait3A_24] : memref<32x79x128xi32, #tpu.memory_space<hbm>> -> memref<1x79x128xi32, #tpu.memory_space<hbm>>
      %dma_wait3A_26 = tpu.memref_squeeze %dma_wait3A_25 : memref<1x79x128xi32, #tpu.memory_space<hbm>> -> memref<79x128xi32, #tpu.memory_space<hbm>>
      tpu.wait_dma2 semaphore(%run_scoped3A : memref<!tpu.dma_semaphore, #tpu.memory_space<semaphore_mem>>) src(%dma_wait3A_26 : memref<79x128xi32, #tpu.memory_space<hbm>>) dst(%arg8 : memref<79x128xi32, #tpu.memory_space<vmem>>)
      tpu.yield
    }) : () -> ()
    %mul3A_1 = arith.constant 640 : i32
    %mul3A_2 = arith.muli %arg1, %mul3A_1 : i32
    "tpu.region"() ({
      %run_scoped3A = tpu.sem_alloc : memref<!tpu.dma_semaphore, #tpu.memory_space<semaphore_mem>>
      %dma_start3A = arith.constant 0 : i32
      %dma_start3A_13 = tpu.memref_slice %arg10[%mul3A_2, %dma_start3A] : memref<10240x128xf32, #tpu.memory_space<vmem_shared>> -> memref<640x128xf32, #tpu.memory_space<vmem_shared>>
      tpu.enqueue_dma source(%arg5 : memref<640x128xf32, #tpu.memory_space<hbm>>) target(%dma_start3A_13 : memref<640x128xf32, #tpu.memory_space<vmem_shared>>) target_semaphore(%run_scoped3A : memref<!tpu.dma_semaphore, #tpu.memory_space<semaphore_mem>>)
      %dma_wait3A = arith.constant 0 : i32
      %dma_wait3A_14 = tpu.memref_slice %arg10[%mul3A_2, %dma_wait3A] : memref<10240x128xf32, #tpu.memory_space<vmem_shared>> -> memref<640x128xf32, #tpu.memory_space<vmem_shared>>
      tpu.wait_dma2 semaphore(%run_scoped3A : memref<!tpu.dma_semaphore, #tpu.memory_space<semaphore_mem>>) src(%arg5 : memref<640x128xf32, #tpu.memory_space<hbm>>) dst(%dma_wait3A_14 : memref<640x128xf32, #tpu.memory_space<vmem_shared>>)
      tpu.yield
    }) : () -> ()
    %barrier3A = arith.constant 0 : index
    tpu.barrier barrier_id(%barrier3A)
    %scan3A = arith.constant 0 : i32
    %scan3A_3 = arith.constant 0 : i32
    %scan3A_4 = arith.constant 79 : i32
    %scan3A_5 = arith.addi %scan3A_3, %scan3A_4 : i32
    %scan3A_6 = arith.constant 1 : i32
    scf.for %scan3A_13 = %scan3A_3 to %scan3A_5 step %scan3A_6  : i32 {
      %dma_start3A = arith.constant 0 : i32
      %dma_start3A_14 = tpu.memref_slice %arg7[%scan3A_13, %dma_start3A] : memref<79x128xi32, #tpu.memory_space<vmem>> -> memref<1x128xi32, #tpu.memory_space<vmem>>
      %dma_start3A_15 = tpu.memref_squeeze %dma_start3A_14 : memref<1x128xi32, #tpu.memory_space<vmem>> -> memref<128xi32, #tpu.memory_space<vmem>>
      %dma_start3A_16 = arith.constant 0 : i32
      %dma_start3A_17 = arith.constant 0 : i32
      %dma_start3A_18 = tpu.memref_slice %arg2[%dma_start3A_16, %dma_start3A_17] : memref<10000x128xf32, #tpu.memory_space<hbm>> -> memref<10000x128xf32, #tpu.memory_space<hbm>>
      tpu.enqueue_indirect_dma source(%dma_start3A_18 : memref<10000x128xf32, #tpu.memory_space<hbm>>) target(%arg9 : memref<128x128xf32, #tpu.memory_space<vmem>>) offsets(%dma_start3A_15 : memref<128xi32, #tpu.memory_space<vmem>>) semaphore(%arg11 : memref<!tpu.dma_semaphore, #tpu.memory_space<semaphore_mem>>)
      %dma_wait3A = arith.constant 0 : i32
      %dma_wait3A_19 = tpu.memref_slice %arg7[%scan3A_13, %dma_wait3A] : memref<79x128xi32, #tpu.memory_space<vmem>> -> memref<1x128xi32, #tpu.memory_space<vmem>>
      %dma_wait3A_20 = tpu.memref_squeeze %dma_wait3A_19 : memref<1x128xi32, #tpu.memory_space<vmem>> -> memref<128xi32, #tpu.memory_space<vmem>>
      %dma_wait3A_21 = arith.constant 0 : i32
      %dma_wait3A_22 = arith.constant 0 : i32
      %dma_wait3A_23 = tpu.memref_slice %arg2[%dma_wait3A_21, %dma_wait3A_22] : memref<10000x128xf32, #tpu.memory_space<hbm>> -> memref<10000x128xf32, #tpu.memory_space<hbm>>
      tpu.wait_indirect_dma semaphore(%arg11 : memref<!tpu.dma_semaphore, #tpu.memory_space<semaphore_mem>>) src(%dma_wait3A_23 : memref<10000x128xf32, #tpu.memory_space<hbm>>) dst(%arg9 : memref<128x128xf32, #tpu.memory_space<vmem>>)
      "tpu.region"() ({
        %run_scoped3A = tpu.sem_alloc : memref<!tpu.dma_semaphore, #tpu.memory_space<semaphore_mem>>
        %dma_start3A_24 = arith.constant 0 : i32
        %dma_start3A_25 = tpu.memref_slice %arg8[%scan3A_13, %dma_start3A_24] : memref<79x128xi32, #tpu.memory_space<vmem>> -> memref<1x128xi32, #tpu.memory_space<vmem>>
        %dma_start3A_26 = tpu.memref_squeeze %dma_start3A_25 : memref<1x128xi32, #tpu.memory_space<vmem>> -> memref<128xi32, #tpu.memory_space<vmem>>
        %dma_start3A_27 = arith.constant 0 : i32
        %dma_start3A_28 = arith.constant 0 : i32
        %dma_start3A_29 = tpu.memref_slice %arg10[%dma_start3A_27, %dma_start3A_28] : memref<10240x128xf32, #tpu.memory_space<vmem_shared>> -> memref<10240x128xf32, #tpu.memory_space<vmem_shared>>
        tpu.enqueue_indirect_dma source(%arg9 : memref<128x128xf32, #tpu.memory_space<vmem>>) target(%dma_start3A_29 : memref<10240x128xf32, #tpu.memory_space<vmem_shared>>) offsets(%dma_start3A_26 : memref<128xi32, #tpu.memory_space<vmem>>) semaphore(%run_scoped3A : memref<!tpu.dma_semaphore, #tpu.memory_space<semaphore_mem>>) {add = true}
        %dma_wait3A_30 = arith.constant 0 : i32
        %dma_wait3A_31 = tpu.memref_slice %arg8[%scan3A_13, %dma_wait3A_30] : memref<79x128xi32, #tpu.memory_space<vmem>> -> memref<1x128xi32, #tpu.memory_space<vmem>>
        %dma_wait3A_32 = tpu.memref_squeeze %dma_wait3A_31 : memref<1x128xi32, #tpu.memory_space<vmem>> -> memref<128xi32, #tpu.memory_space<vmem>>
        %dma_wait3A_33 = arith.constant 0 : i32
        %dma_wait3A_34 = arith.constant 0 : i32
        %dma_wait3A_35 = tpu.memref_slice %arg10[%dma_wait3A_33, %dma_wait3A_34] : memref<10240x128xf32, #tpu.memory_space<vmem_shared>> -> memref<10240x128xf32, #tpu.memory_space<vmem_shared>>
        tpu.wait_indirect_dma semaphore(%run_scoped3A : memref<!tpu.dma_semaphore, #tpu.memory_space<semaphore_mem>>) src(%arg9 : memref<128x128xf32, #tpu.memory_space<vmem>>) dst(%dma_wait3A_35 : memref<10240x128xf32, #tpu.memory_space<vmem_shared>>)
        tpu.yield
      }) : () -> ()
    }
    %scan3A_7 = arith.constant 79 : i32
    %barrier3A_8 = arith.constant 0 : index
    tpu.barrier barrier_id(%barrier3A_8)
    %mul3A_9 = arith.constant 640 : i32
    %mul3A_10 = arith.muli %arg1, %mul3A_9 : i32
    %mul3A_11 = arith.constant 640 : i32
    %mul3A_12 = arith.muli %arg1, %mul3A_11 : i32
    "tpu.region"() ({
      %run_scoped3A = tpu.sem_alloc : memref<!tpu.dma_semaphore, #tpu.memory_space<semaphore_mem>>
      %dma_start3A = arith.constant 0 : i32
      %dma_start3A_13 = arith.constant 0 : i32
      %dma_start3A_14 = tpu.memref_slice %arg6[%arg0, %dma_start3A, %dma_start3A_13] : memref<2x10240x128xf32, #tpu.memory_space<hbm>> -> memref<1x10240x128xf32, #tpu.memory_space<hbm>>
      %dma_start3A_15 = tpu.memref_squeeze %dma_start3A_14 : memref<1x10240x128xf32, #tpu.memory_space<hbm>> -> memref<10240x128xf32, #tpu.memory_space<hbm>>
      %dma_start3A_16 = arith.constant 0 : i32
      %dma_start3A_17 = tpu.memref_slice %dma_start3A_15[%mul3A_12, %dma_start3A_16] : memref<10240x128xf32, #tpu.memory_space<hbm>> -> memref<640x128xf32, #tpu.memory_space<hbm>>
      %dma_start3A_18 = arith.constant 0 : i32
      %dma_start3A_19 = tpu.memref_slice %arg10[%mul3A_10, %dma_start3A_18] : memref<10240x128xf32, #tpu.memory_space<vmem_shared>> -> memref<640x128xf32, #tpu.memory_space<vmem_shared>>
      tpu.enqueue_dma source(%dma_start3A_19 : memref<640x128xf32, #tpu.memory_space<vmem_shared>>) target(%dma_start3A_17 : memref<640x128xf32, #tpu.memory_space<hbm>>) target_semaphore(%run_scoped3A : memref<!tpu.dma_semaphore, #tpu.memory_space<semaphore_mem>>)
      %dma_wait3A = arith.constant 0 : i32
      %dma_wait3A_20 = arith.constant 0 : i32
      %dma_wait3A_21 = tpu.memref_slice %arg6[%arg0, %dma_wait3A, %dma_wait3A_20] : memref<2x10240x128xf32, #tpu.memory_space<hbm>> -> memref<1x10240x128xf32, #tpu.memory_space<hbm>>
      %dma_wait3A_22 = tpu.memref_squeeze %dma_wait3A_21 : memref<1x10240x128xf32, #tpu.memory_space<hbm>> -> memref<10240x128xf32, #tpu.memory_space<hbm>>
      %dma_wait3A_23 = arith.constant 0 : i32
      %dma_wait3A_24 = tpu.memref_slice %dma_wait3A_22[%mul3A_12, %dma_wait3A_23] : memref<10240x128xf32, #tpu.memory_space<hbm>> -> memref<640x128xf32, #tpu.memory_space<hbm>>
      %dma_wait3A_25 = arith.constant 0 : i32
      %dma_wait3A_26 = tpu.memref_slice %arg10[%mul3A_10, %dma_wait3A_25] : memref<10240x128xf32, #tpu.memory_space<vmem_shared>> -> memref<640x128xf32, #tpu.memory_space<vmem_shared>>
      tpu.wait_dma2 semaphore(%run_scoped3A : memref<!tpu.dma_semaphore, #tpu.memory_space<semaphore_mem>>) src(%dma_wait3A_26 : memref<640x128xf32, #tpu.memory_space<vmem_shared>>) dst(%dma_wait3A_24 : memref<640x128xf32, #tpu.memory_space<hbm>>)
      tpu.yield
    }) : () -> ()
    return
  }
}

#map = affine_map<(d0, d1) -> (0, 0)>
#map1 = affine_map<(d0, d1) -> (0, 0, 0)>
module attributes {stable_mosaic.version = 14 : i64} {
  func.func @_sc_aggregate(%arg0: i32, %arg1: i32, %arg2: memref<10000x128xf32, #tpu.memory_space<hbm>>, %arg3: memref<32x79x128xi32, #tpu.memory_space<hbm>>, %arg4: memref<32x79x128xi32, #tpu.memory_space<hbm>>, %arg5: memref<640x128xf32, #tpu.memory_space<hbm>>, %arg6: memref<2x10240x128xf32, #tpu.memory_space<hbm>>, %arg7: memref<79x128xi32, #tpu.memory_space<vmem>>, %arg8: memref<79x128xi32, #tpu.memory_space<vmem>>, %arg9: memref<128x128xf32, #tpu.memory_space<vmem>>, %arg10: memref<10240x128xf32, #tpu.memory_space<vmem_shared>>, %arg11: memref<!tpu.dma_semaphore, #tpu.memory_space<semaphore_mem>>) attributes {dimension_semantics = [#tpu.dimension_semantics<core_parallel>, #tpu.dimension_semantics<subcore_parallel>], iteration_bounds = array<i64: 2, 16>, scalar_prefetch = 0 : i64, scratch_operands = 5 : i64, tpu.core_type = #tpu.core_type<sc_vector_subcore>, window_params = [{transform_indices = #map}, {transform_indices = #map1}, {transform_indices = #map1}, {transform_indices = #map}, {transform_indices = #map1}]} {
    %mul3A = arith.constant 2 : i32
    %mul3A_0 = arith.muli %arg1, %mul3A : i32
    %add3A = arith.addi %mul3A_0, %arg0 : i32
    "tpu.region"() ({
      %run_scoped3A = tpu.sem_alloc : memref<!tpu.dma_semaphore, #tpu.memory_space<semaphore_mem>>
      %dma_start3A = arith.constant 0 : i32
      %dma_start3A_13 = arith.constant 0 : i32
      %dma_start3A_14 = tpu.memref_slice %arg3[%add3A, %dma_start3A, %dma_start3A_13] : memref<32x79x128xi32, #tpu.memory_space<hbm>> -> memref<1x79x128xi32, #tpu.memory_space<hbm>>
      %dma_start3A_15 = tpu.memref_squeeze %dma_start3A_14 : memref<1x79x128xi32, #tpu.memory_space<hbm>> -> memref<79x128xi32, #tpu.memory_space<hbm>>
      %dma_start3A_16 = arith.constant 0 : i32
      %dma_start3A_17 = arith.constant 0 : i32
      %dma_start3A_18 = tpu.memref_slice %arg3[%add3A, %dma_start3A_16, %dma_start3A_17] : memref<32x79x128xi32, #tpu.memory_space<hbm>> -> memref<1x79x128xi32, #tpu.memory_space<hbm>>
      %dma_start3A_19 = tpu.memref_squeeze %dma_start3A_18 : memref<1x79x128xi32, #tpu.memory_space<hbm>> -> memref<79x128xi32, #tpu.memory_space<hbm>>
      tpu.enqueue_dma source(%dma_start3A_19 : memref<79x128xi32, #tpu.memory_space<hbm>>) target(%arg7 : memref<79x128xi32, #tpu.memory_space<vmem>>) target_semaphore(%run_scoped3A : memref<!tpu.dma_semaphore, #tpu.memory_space<semaphore_mem>>)
      %dma_wait3A = arith.constant 0 : i32
      %dma_wait3A_20 = arith.constant 0 : i32
      %dma_wait3A_21 = tpu.memref_slice %arg3[%add3A, %dma_wait3A, %dma_wait3A_20] : memref<32x79x128xi32, #tpu.memory_space<hbm>> -> memref<1x79x128xi32, #tpu.memory_space<hbm>>
      %dma_wait3A_22 = tpu.memref_squeeze %dma_wait3A_21 : memref<1x79x128xi32, #tpu.memory_space<hbm>> -> memref<79x128xi32, #tpu.memory_space<hbm>>
      %dma_wait3A_23 = arith.constant 0 : i32
      %dma_wait3A_24 = arith.constant 0 : i32
      %dma_wait3A_25 = tpu.memref_slice %arg3[%add3A, %dma_wait3A_23, %dma_wait3A_24] : memref<32x79x128xi32, #tpu.memory_space<hbm>> -> memref<1x79x128xi32, #tpu.memory_space<hbm>>
      %dma_wait3A_26 = tpu.memref_squeeze %dma_wait3A_25 : memref<1x79x128xi32, #tpu.memory_space<hbm>> -> memref<79x128xi32, #tpu.memory_space<hbm>>
      tpu.wait_dma2 semaphore(%run_scoped3A : memref<!tpu.dma_semaphore, #tpu.memory_space<semaphore_mem>>) src(%dma_wait3A_26 : memref<79x128xi32, #tpu.memory_space<hbm>>) dst(%arg7 : memref<79x128xi32, #tpu.memory_space<vmem>>)
      tpu.yield
    }) : () -> ()
    "tpu.region"() ({
      %run_scoped3A = tpu.sem_alloc : memref<!tpu.dma_semaphore, #tpu.memory_space<semaphore_mem>>
      %dma_start3A = arith.constant 0 : i32
      %dma_start3A_13 = arith.constant 0 : i32
      %dma_start3A_14 = tpu.memref_slice %arg4[%add3A, %dma_start3A, %dma_start3A_13] : memref<32x79x128xi32, #tpu.memory_space<hbm>> -> memref<1x79x128xi32, #tpu.memory_space<hbm>>
      %dma_start3A_15 = tpu.memref_squeeze %dma_start3A_14 : memref<1x79x128xi32, #tpu.memory_space<hbm>> -> memref<79x128xi32, #tpu.memory_space<hbm>>
      %dma_start3A_16 = arith.constant 0 : i32
      %dma_start3A_17 = arith.constant 0 : i32
      %dma_start3A_18 = tpu.memref_slice %arg4[%add3A, %dma_start3A_16, %dma_start3A_17] : memref<32x79x128xi32, #tpu.memory_space<hbm>> -> memref<1x79x128xi32, #tpu.memory_space<hbm>>
      %dma_start3A_19 = tpu.memref_squeeze %dma_start3A_18 : memref<1x79x128xi32, #tpu.memory_space<hbm>> -> memref<79x128xi32, #tpu.memory_space<hbm>>
      tpu.enqueue_dma source(%dma_start3A_19 : memref<79x128xi32, #tpu.memory_space<hbm>>) target(%arg8 : memref<79x128xi32, #tpu.memory_space<vmem>>) target_semaphore(%run_scoped3A : memref<!tpu.dma_semaphore, #tpu.memory_space<semaphore_mem>>)
      %dma_wait3A = arith.constant 0 : i32
      %dma_wait3A_20 = arith.constant 0 : i32
      %dma_wait3A_21 = tpu.memref_slice %arg4[%add3A, %dma_wait3A, %dma_wait3A_20] : memref<32x79x128xi32, #tpu.memory_space<hbm>> -> memref<1x79x128xi32, #tpu.memory_space<hbm>>
      %dma_wait3A_22 = tpu.memref_squeeze %dma_wait3A_21 : memref<1x79x128xi32, #tpu.memory_space<hbm>> -> memref<79x128xi32, #tpu.memory_space<hbm>>
      %dma_wait3A_23 = arith.constant 0 : i32
      %dma_wait3A_24 = arith.constant 0 : i32
      %dma_wait3A_25 = tpu.memref_slice %arg4[%add3A, %dma_wait3A_23, %dma_wait3A_24] : memref<32x79x128xi32, #tpu.memory_space<hbm>> -> memref<1x79x128xi32, #tpu.memory_space<hbm>>
      %dma_wait3A_26 = tpu.memref_squeeze %dma_wait3A_25 : memref<1x79x128xi32, #tpu.memory_space<hbm>> -> memref<79x128xi32, #tpu.memory_space<hbm>>
      tpu.wait_dma2 semaphore(%run_scoped3A : memref<!tpu.dma_semaphore, #tpu.memory_space<semaphore_mem>>) src(%dma_wait3A_26 : memref<79x128xi32, #tpu.memory_space<hbm>>) dst(%arg8 : memref<79x128xi32, #tpu.memory_space<vmem>>)
      tpu.yield
    }) : () -> ()
    %mul3A_1 = arith.constant 640 : i32
    %mul3A_2 = arith.muli %arg1, %mul3A_1 : i32
    "tpu.region"() ({
      %run_scoped3A = tpu.sem_alloc : memref<!tpu.dma_semaphore, #tpu.memory_space<semaphore_mem>>
      %dma_start3A = arith.constant 0 : i32
      %dma_start3A_13 = tpu.memref_slice %arg10[%mul3A_2, %dma_start3A] : memref<10240x128xf32, #tpu.memory_space<vmem_shared>> -> memref<640x128xf32, #tpu.memory_space<vmem_shared>>
      tpu.enqueue_dma source(%arg5 : memref<640x128xf32, #tpu.memory_space<hbm>>) target(%dma_start3A_13 : memref<640x128xf32, #tpu.memory_space<vmem_shared>>) target_semaphore(%run_scoped3A : memref<!tpu.dma_semaphore, #tpu.memory_space<semaphore_mem>>)
      %dma_wait3A = arith.constant 0 : i32
      %dma_wait3A_14 = tpu.memref_slice %arg10[%mul3A_2, %dma_wait3A] : memref<10240x128xf32, #tpu.memory_space<vmem_shared>> -> memref<640x128xf32, #tpu.memory_space<vmem_shared>>
      tpu.wait_dma2 semaphore(%run_scoped3A : memref<!tpu.dma_semaphore, #tpu.memory_space<semaphore_mem>>) src(%arg5 : memref<640x128xf32, #tpu.memory_space<hbm>>) dst(%dma_wait3A_14 : memref<640x128xf32, #tpu.memory_space<vmem_shared>>)
      tpu.yield
    }) : () -> ()
    %barrier3A = arith.constant 0 : index
    tpu.barrier barrier_id(%barrier3A)
    %scan3A = arith.constant 0 : i32
    %scan3A_3 = arith.constant 0 : i32
    %scan3A_4 = arith.constant 79 : i32
    %scan3A_5 = arith.addi %scan3A_3, %scan3A_4 : i32
    %scan3A_6 = arith.constant 1 : i32
    scf.for %scan3A_13 = %scan3A_3 to %scan3A_5 step %scan3A_6  : i32 {
      %dma_start3A = arith.constant 0 : i32
      %dma_start3A_14 = tpu.memref_slice %arg7[%scan3A_13, %dma_start3A] : memref<79x128xi32, #tpu.memory_space<vmem>> -> memref<1x128xi32, #tpu.memory_space<vmem>>
      %dma_start3A_15 = tpu.memref_squeeze %dma_start3A_14 : memref<1x128xi32, #tpu.memory_space<vmem>> -> memref<128xi32, #tpu.memory_space<vmem>>
      %dma_start3A_16 = arith.constant 0 : i32
      %dma_start3A_17 = arith.constant 0 : i32
      %dma_start3A_18 = tpu.memref_slice %arg2[%dma_start3A_16, %dma_start3A_17] : memref<10000x128xf32, #tpu.memory_space<hbm>> -> memref<10000x128xf32, #tpu.memory_space<hbm>>
      tpu.enqueue_indirect_dma source(%dma_start3A_18 : memref<10000x128xf32, #tpu.memory_space<hbm>>) target(%arg9 : memref<128x128xf32, #tpu.memory_space<vmem>>) offsets(%dma_start3A_15 : memref<128xi32, #tpu.memory_space<vmem>>) semaphore(%arg11 : memref<!tpu.dma_semaphore, #tpu.memory_space<semaphore_mem>>)
      %dma_wait3A = arith.constant 0 : i32
      %dma_wait3A_19 = tpu.memref_slice %arg7[%scan3A_13, %dma_wait3A] : memref<79x128xi32, #tpu.memory_space<vmem>> -> memref<1x128xi32, #tpu.memory_space<vmem>>
      %dma_wait3A_20 = tpu.memref_squeeze %dma_wait3A_19 : memref<1x128xi32, #tpu.memory_space<vmem>> -> memref<128xi32, #tpu.memory_space<vmem>>
      %dma_wait3A_21 = arith.constant 0 : i32
      %dma_wait3A_22 = arith.constant 0 : i32
      %dma_wait3A_23 = tpu.memref_slice %arg2[%dma_wait3A_21, %dma_wait3A_22] : memref<10000x128xf32, #tpu.memory_space<hbm>> -> memref<10000x128xf32, #tpu.memory_space<hbm>>
      tpu.wait_indirect_dma semaphore(%arg11 : memref<!tpu.dma_semaphore, #tpu.memory_space<semaphore_mem>>) src(%dma_wait3A_23 : memref<10000x128xf32, #tpu.memory_space<hbm>>) dst(%arg9 : memref<128x128xf32, #tpu.memory_space<vmem>>)
      "tpu.region"() ({
        %run_scoped3A = tpu.sem_alloc : memref<!tpu.dma_semaphore, #tpu.memory_space<semaphore_mem>>
        %dma_start3A_24 = arith.constant 0 : i32
        %dma_start3A_25 = tpu.memref_slice %arg8[%scan3A_13, %dma_start3A_24] : memref<79x128xi32, #tpu.memory_space<vmem>> -> memref<1x128xi32, #tpu.memory_space<vmem>>
        %dma_start3A_26 = tpu.memref_squeeze %dma_start3A_25 : memref<1x128xi32, #tpu.memory_space<vmem>> -> memref<128xi32, #tpu.memory_space<vmem>>
        %dma_start3A_27 = arith.constant 0 : i32
        %dma_start3A_28 = arith.constant 0 : i32
        %dma_start3A_29 = tpu.memref_slice %arg10[%dma_start3A_27, %dma_start3A_28] : memref<10240x128xf32, #tpu.memory_space<vmem_shared>> -> memref<10240x128xf32, #tpu.memory_space<vmem_shared>>
        tpu.enqueue_indirect_dma source(%arg9 : memref<128x128xf32, #tpu.memory_space<vmem>>) target(%dma_start3A_29 : memref<10240x128xf32, #tpu.memory_space<vmem_shared>>) offsets(%dma_start3A_26 : memref<128xi32, #tpu.memory_space<vmem>>) semaphore(%run_scoped3A : memref<!tpu.dma_semaphore, #tpu.memory_space<semaphore_mem>>) {add = true}
        %dma_wait3A_30 = arith.constant 0 : i32
        %dma_wait3A_31 = tpu.memref_slice %arg8[%scan3A_13, %dma_wait3A_30] : memref<79x128xi32, #tpu.memory_space<vmem>> -> memref<1x128xi32, #tpu.memory_space<vmem>>
        %dma_wait3A_32 = tpu.memref_squeeze %dma_wait3A_31 : memref<1x128xi32, #tpu.memory_space<vmem>> -> memref<128xi32, #tpu.memory_space<vmem>>
        %dma_wait3A_33 = arith.constant 0 : i32
        %dma_wait3A_34 = arith.constant 0 : i32
        %dma_wait3A_35 = tpu.memref_slice %arg10[%dma_wait3A_33, %dma_wait3A_34] : memref<10240x128xf32, #tpu.memory_space<vmem_shared>> -> memref<10240x128xf32, #tpu.memory_space<vmem_shared>>
        tpu.wait_indirect_dma semaphore(%run_scoped3A : memref<!tpu.dma_semaphore, #tpu.memory_space<semaphore_mem>>) src(%arg9 : memref<128x128xf32, #tpu.memory_space<vmem>>) dst(%dma_wait3A_35 : memref<10240x128xf32, #tpu.memory_space<vmem_shared>>)
        tpu.yield
      }) : () -> ()
    }
    %scan3A_7 = arith.constant 79 : i32
    %barrier3A_8 = arith.constant 0 : index
    tpu.barrier barrier_id(%barrier3A_8)
    %mul3A_9 = arith.constant 640 : i32
    %mul3A_10 = arith.muli %arg1, %mul3A_9 : i32
    %mul3A_11 = arith.constant 640 : i32
    %mul3A_12 = arith.muli %arg1, %mul3A_11 : i32
    "tpu.region"() ({
      %run_scoped3A = tpu.sem_alloc : memref<!tpu.dma_semaphore, #tpu.memory_space<semaphore_mem>>
      %dma_start3A = arith.constant 0 : i32
      %dma_start3A_13 = arith.constant 0 : i32
      %dma_start3A_14 = tpu.memref_slice %arg6[%arg0, %dma_start3A, %dma_start3A_13] : memref<2x10240x128xf32, #tpu.memory_space<hbm>> -> memref<1x10240x128xf32, #tpu.memory_space<hbm>>
      %dma_start3A_15 = tpu.memref_squeeze %dma_start3A_14 : memref<1x10240x128xf32, #tpu.memory_space<hbm>> -> memref<10240x128xf32, #tpu.memory_space<hbm>>
      %dma_start3A_16 = arith.constant 0 : i32
      %dma_start3A_17 = tpu.memref_slice %dma_start3A_15[%mul3A_12, %dma_start3A_16] : memref<10240x128xf32, #tpu.memory_space<hbm>> -> memref<640x128xf32, #tpu.memory_space<hbm>>
      %dma_start3A_18 = arith.constant 0 : i32
      %dma_start3A_19 = tpu.memref_slice %arg10[%mul3A_10, %dma_start3A_18] : memref<10240x128xf32, #tpu.memory_space<vmem_shared>> -> memref<640x128xf32, #tpu.memory_space<vmem_shared>>
      tpu.enqueue_dma source(%dma_start3A_19 : memref<640x128xf32, #tpu.memory_space<vmem_shared>>) target(%dma_start3A_17 : memref<640x128xf32, #tpu.memory_space<hbm>>) target_semaphore(%run_scoped3A : memref<!tpu.dma_semaphore, #tpu.memory_space<semaphore_mem>>)
      %dma_wait3A = arith.constant 0 : i32
      %dma_wait3A_20 = arith.constant 0 : i32
      %dma_wait3A_21 = tpu.memref_slice %arg6[%arg0, %dma_wait3A, %dma_wait3A_20] : memref<2x10240x128xf32, #tpu.memory_space<hbm>> -> memref<1x10240x128xf32, #tpu.memory_space<hbm>>
      %dma_wait3A_22 = tpu.memref_squeeze %dma_wait3A_21 : memref<1x10240x128xf32, #tpu.memory_space<hbm>> -> memref<10240x128xf32, #tpu.memory_space<hbm>>
      %dma_wait3A_23 = arith.constant 0 : i32
      %dma_wait3A_24 = tpu.memref_slice %dma_wait3A_22[%mul3A_12, %dma_wait3A_23] : memref<10240x128xf32, #tpu.memory_space<hbm>> -> memref<640x128xf32, #tpu.memory_space<hbm>>
      %dma_wait3A_25 = arith.constant 0 : i32
      %dma_wait3A_26 = tpu.memref_slice %arg10[%mul3A_10, %dma_wait3A_25] : memref<10240x128xf32, #tpu.memory_space<vmem_shared>> -> memref<640x128xf32, #tpu.memory_space<vmem_shared>>
      tpu.wait_dma2 semaphore(%run_scoped3A : memref<!tpu.dma_semaphore, #tpu.memory_space<semaphore_mem>>) src(%dma_wait3A_26 : memref<640x128xf32, #tpu.memory_space<vmem_shared>>) dst(%dma_wait3A_24 : memref<640x128xf32, #tpu.memory_space<hbm>>)
      tpu.yield
    }) : () -> ()
    return
  }
}

#map = affine_map<(d0, d1) -> (0, 0)>
#map1 = affine_map<(d0, d1) -> (0, 0, 0)>
module attributes {stable_mosaic.version = 14 : i64} {
  func.func @_sc_aggregate(%arg0: i32, %arg1: i32, %arg2: memref<10000x128xf32, #tpu.memory_space<hbm>>, %arg3: memref<32x79x128xi32, #tpu.memory_space<hbm>>, %arg4: memref<32x79x128xi32, #tpu.memory_space<hbm>>, %arg5: memref<640x128xf32, #tpu.memory_space<hbm>>, %arg6: memref<2x10240x128xf32, #tpu.memory_space<hbm>>, %arg7: memref<79x128xi32, #tpu.memory_space<vmem>>, %arg8: memref<79x128xi32, #tpu.memory_space<vmem>>, %arg9: memref<128x128xf32, #tpu.memory_space<vmem>>, %arg10: memref<10240x128xf32, #tpu.memory_space<vmem_shared>>, %arg11: memref<!tpu.dma_semaphore, #tpu.memory_space<semaphore_mem>>) attributes {dimension_semantics = [#tpu.dimension_semantics<core_parallel>, #tpu.dimension_semantics<subcore_parallel>], iteration_bounds = array<i64: 2, 16>, scalar_prefetch = 0 : i64, scratch_operands = 5 : i64, tpu.core_type = #tpu.core_type<sc_vector_subcore>, window_params = [{transform_indices = #map}, {transform_indices = #map1}, {transform_indices = #map1}, {transform_indices = #map}, {transform_indices = #map1}]} {
    %mul3A = arith.constant 2 : i32
    %mul3A_0 = arith.muli %arg1, %mul3A : i32
    %add3A = arith.addi %mul3A_0, %arg0 : i32
    "tpu.region"() ({
      %run_scoped3A = tpu.sem_alloc : memref<!tpu.dma_semaphore, #tpu.memory_space<semaphore_mem>>
      %dma_start3A = arith.constant 0 : i32
      %dma_start3A_13 = arith.constant 0 : i32
      %dma_start3A_14 = tpu.memref_slice %arg3[%add3A, %dma_start3A, %dma_start3A_13] : memref<32x79x128xi32, #tpu.memory_space<hbm>> -> memref<1x79x128xi32, #tpu.memory_space<hbm>>
      %dma_start3A_15 = tpu.memref_squeeze %dma_start3A_14 : memref<1x79x128xi32, #tpu.memory_space<hbm>> -> memref<79x128xi32, #tpu.memory_space<hbm>>
      %dma_start3A_16 = arith.constant 0 : i32
      %dma_start3A_17 = arith.constant 0 : i32
      %dma_start3A_18 = tpu.memref_slice %arg3[%add3A, %dma_start3A_16, %dma_start3A_17] : memref<32x79x128xi32, #tpu.memory_space<hbm>> -> memref<1x79x128xi32, #tpu.memory_space<hbm>>
      %dma_start3A_19 = tpu.memref_squeeze %dma_start3A_18 : memref<1x79x128xi32, #tpu.memory_space<hbm>> -> memref<79x128xi32, #tpu.memory_space<hbm>>
      tpu.enqueue_dma source(%dma_start3A_19 : memref<79x128xi32, #tpu.memory_space<hbm>>) target(%arg7 : memref<79x128xi32, #tpu.memory_space<vmem>>) target_semaphore(%run_scoped3A : memref<!tpu.dma_semaphore, #tpu.memory_space<semaphore_mem>>)
      %dma_wait3A = arith.constant 0 : i32
      %dma_wait3A_20 = arith.constant 0 : i32
      %dma_wait3A_21 = tpu.memref_slice %arg3[%add3A, %dma_wait3A, %dma_wait3A_20] : memref<32x79x128xi32, #tpu.memory_space<hbm>> -> memref<1x79x128xi32, #tpu.memory_space<hbm>>
      %dma_wait3A_22 = tpu.memref_squeeze %dma_wait3A_21 : memref<1x79x128xi32, #tpu.memory_space<hbm>> -> memref<79x128xi32, #tpu.memory_space<hbm>>
      %dma_wait3A_23 = arith.constant 0 : i32
      %dma_wait3A_24 = arith.constant 0 : i32
      %dma_wait3A_25 = tpu.memref_slice %arg3[%add3A, %dma_wait3A_23, %dma_wait3A_24] : memref<32x79x128xi32, #tpu.memory_space<hbm>> -> memref<1x79x128xi32, #tpu.memory_space<hbm>>
      %dma_wait3A_26 = tpu.memref_squeeze %dma_wait3A_25 : memref<1x79x128xi32, #tpu.memory_space<hbm>> -> memref<79x128xi32, #tpu.memory_space<hbm>>
      tpu.wait_dma2 semaphore(%run_scoped3A : memref<!tpu.dma_semaphore, #tpu.memory_space<semaphore_mem>>) src(%dma_wait3A_26 : memref<79x128xi32, #tpu.memory_space<hbm>>) dst(%arg7 : memref<79x128xi32, #tpu.memory_space<vmem>>)
      tpu.yield
    }) : () -> ()
    "tpu.region"() ({
      %run_scoped3A = tpu.sem_alloc : memref<!tpu.dma_semaphore, #tpu.memory_space<semaphore_mem>>
      %dma_start3A = arith.constant 0 : i32
      %dma_start3A_13 = arith.constant 0 : i32
      %dma_start3A_14 = tpu.memref_slice %arg4[%add3A, %dma_start3A, %dma_start3A_13] : memref<32x79x128xi32, #tpu.memory_space<hbm>> -> memref<1x79x128xi32, #tpu.memory_space<hbm>>
      %dma_start3A_15 = tpu.memref_squeeze %dma_start3A_14 : memref<1x79x128xi32, #tpu.memory_space<hbm>> -> memref<79x128xi32, #tpu.memory_space<hbm>>
      %dma_start3A_16 = arith.constant 0 : i32
      %dma_start3A_17 = arith.constant 0 : i32
      %dma_start3A_18 = tpu.memref_slice %arg4[%add3A, %dma_start3A_16, %dma_start3A_17] : memref<32x79x128xi32, #tpu.memory_space<hbm>> -> memref<1x79x128xi32, #tpu.memory_space<hbm>>
      %dma_start3A_19 = tpu.memref_squeeze %dma_start3A_18 : memref<1x79x128xi32, #tpu.memory_space<hbm>> -> memref<79x128xi32, #tpu.memory_space<hbm>>
      tpu.enqueue_dma source(%dma_start3A_19 : memref<79x128xi32, #tpu.memory_space<hbm>>) target(%arg8 : memref<79x128xi32, #tpu.memory_space<vmem>>) target_semaphore(%run_scoped3A : memref<!tpu.dma_semaphore, #tpu.memory_space<semaphore_mem>>)
      %dma_wait3A = arith.constant 0 : i32
      %dma_wait3A_20 = arith.constant 0 : i32
      %dma_wait3A_21 = tpu.memref_slice %arg4[%add3A, %dma_wait3A, %dma_wait3A_20] : memref<32x79x128xi32, #tpu.memory_space<hbm>> -> memref<1x79x128xi32, #tpu.memory_space<hbm>>
      %dma_wait3A_22 = tpu.memref_squeeze %dma_wait3A_21 : memref<1x79x128xi32, #tpu.memory_space<hbm>> -> memref<79x128xi32, #tpu.memory_space<hbm>>
      %dma_wait3A_23 = arith.constant 0 : i32
      %dma_wait3A_24 = arith.constant 0 : i32
      %dma_wait3A_25 = tpu.memref_slice %arg4[%add3A, %dma_wait3A_23, %dma_wait3A_24] : memref<32x79x128xi32, #tpu.memory_space<hbm>> -> memref<1x79x128xi32, #tpu.memory_space<hbm>>
      %dma_wait3A_26 = tpu.memref_squeeze %dma_wait3A_25 : memref<1x79x128xi32, #tpu.memory_space<hbm>> -> memref<79x128xi32, #tpu.memory_space<hbm>>
      tpu.wait_dma2 semaphore(%run_scoped3A : memref<!tpu.dma_semaphore, #tpu.memory_space<semaphore_mem>>) src(%dma_wait3A_26 : memref<79x128xi32, #tpu.memory_space<hbm>>) dst(%arg8 : memref<79x128xi32, #tpu.memory_space<vmem>>)
      tpu.yield
    }) : () -> ()
    %mul3A_1 = arith.constant 640 : i32
    %mul3A_2 = arith.muli %arg1, %mul3A_1 : i32
    "tpu.region"() ({
      %run_scoped3A = tpu.sem_alloc : memref<!tpu.dma_semaphore, #tpu.memory_space<semaphore_mem>>
      %dma_start3A = arith.constant 0 : i32
      %dma_start3A_13 = tpu.memref_slice %arg10[%mul3A_2, %dma_start3A] : memref<10240x128xf32, #tpu.memory_space<vmem_shared>> -> memref<640x128xf32, #tpu.memory_space<vmem_shared>>
      tpu.enqueue_dma source(%arg5 : memref<640x128xf32, #tpu.memory_space<hbm>>) target(%dma_start3A_13 : memref<640x128xf32, #tpu.memory_space<vmem_shared>>) target_semaphore(%run_scoped3A : memref<!tpu.dma_semaphore, #tpu.memory_space<semaphore_mem>>)
      %dma_wait3A = arith.constant 0 : i32
      %dma_wait3A_14 = tpu.memref_slice %arg10[%mul3A_2, %dma_wait3A] : memref<10240x128xf32, #tpu.memory_space<vmem_shared>> -> memref<640x128xf32, #tpu.memory_space<vmem_shared>>
      tpu.wait_dma2 semaphore(%run_scoped3A : memref<!tpu.dma_semaphore, #tpu.memory_space<semaphore_mem>>) src(%arg5 : memref<640x128xf32, #tpu.memory_space<hbm>>) dst(%dma_wait3A_14 : memref<640x128xf32, #tpu.memory_space<vmem_shared>>)
      tpu.yield
    }) : () -> ()
    %barrier3A = arith.constant 0 : index
    tpu.barrier barrier_id(%barrier3A)
    %scan3A = arith.constant 0 : i32
    %scan3A_3 = arith.constant 0 : i32
    %scan3A_4 = arith.constant 79 : i32
    %scan3A_5 = arith.addi %scan3A_3, %scan3A_4 : i32
    %scan3A_6 = arith.constant 1 : i32
    scf.for %scan3A_13 = %scan3A_3 to %scan3A_5 step %scan3A_6  : i32 {
      %dma_start3A = arith.constant 0 : i32
      %dma_start3A_14 = tpu.memref_slice %arg7[%scan3A_13, %dma_start3A] : memref<79x128xi32, #tpu.memory_space<vmem>> -> memref<1x128xi32, #tpu.memory_space<vmem>>
      %dma_start3A_15 = tpu.memref_squeeze %dma_start3A_14 : memref<1x128xi32, #tpu.memory_space<vmem>> -> memref<128xi32, #tpu.memory_space<vmem>>
      %dma_start3A_16 = arith.constant 0 : i32
      %dma_start3A_17 = arith.constant 0 : i32
      %dma_start3A_18 = tpu.memref_slice %arg2[%dma_start3A_16, %dma_start3A_17] : memref<10000x128xf32, #tpu.memory_space<hbm>> -> memref<10000x128xf32, #tpu.memory_space<hbm>>
      tpu.enqueue_indirect_dma source(%dma_start3A_18 : memref<10000x128xf32, #tpu.memory_space<hbm>>) target(%arg9 : memref<128x128xf32, #tpu.memory_space<vmem>>) offsets(%dma_start3A_15 : memref<128xi32, #tpu.memory_space<vmem>>) semaphore(%arg11 : memref<!tpu.dma_semaphore, #tpu.memory_space<semaphore_mem>>)
      %dma_wait3A = arith.constant 0 : i32
      %dma_wait3A_19 = tpu.memref_slice %arg7[%scan3A_13, %dma_wait3A] : memref<79x128xi32, #tpu.memory_space<vmem>> -> memref<1x128xi32, #tpu.memory_space<vmem>>
      %dma_wait3A_20 = tpu.memref_squeeze %dma_wait3A_19 : memref<1x128xi32, #tpu.memory_space<vmem>> -> memref<128xi32, #tpu.memory_space<vmem>>
      %dma_wait3A_21 = arith.constant 0 : i32
      %dma_wait3A_22 = arith.constant 0 : i32
      %dma_wait3A_23 = tpu.memref_slice %arg2[%dma_wait3A_21, %dma_wait3A_22] : memref<10000x128xf32, #tpu.memory_space<hbm>> -> memref<10000x128xf32, #tpu.memory_space<hbm>>
      tpu.wait_indirect_dma semaphore(%arg11 : memref<!tpu.dma_semaphore, #tpu.memory_space<semaphore_mem>>) src(%dma_wait3A_23 : memref<10000x128xf32, #tpu.memory_space<hbm>>) dst(%arg9 : memref<128x128xf32, #tpu.memory_space<vmem>>)
      "tpu.region"() ({
        %run_scoped3A = tpu.sem_alloc : memref<!tpu.dma_semaphore, #tpu.memory_space<semaphore_mem>>
        %dma_start3A_24 = arith.constant 0 : i32
        %dma_start3A_25 = tpu.memref_slice %arg8[%scan3A_13, %dma_start3A_24] : memref<79x128xi32, #tpu.memory_space<vmem>> -> memref<1x128xi32, #tpu.memory_space<vmem>>
        %dma_start3A_26 = tpu.memref_squeeze %dma_start3A_25 : memref<1x128xi32, #tpu.memory_space<vmem>> -> memref<128xi32, #tpu.memory_space<vmem>>
        %dma_start3A_27 = arith.constant 0 : i32
        %dma_start3A_28 = arith.constant 0 : i32
        %dma_start3A_29 = tpu.memref_slice %arg10[%dma_start3A_27, %dma_start3A_28] : memref<10240x128xf32, #tpu.memory_space<vmem_shared>> -> memref<10240x128xf32, #tpu.memory_space<vmem_shared>>
        tpu.enqueue_indirect_dma source(%arg9 : memref<128x128xf32, #tpu.memory_space<vmem>>) target(%dma_start3A_29 : memref<10240x128xf32, #tpu.memory_space<vmem_shared>>) offsets(%dma_start3A_26 : memref<128xi32, #tpu.memory_space<vmem>>) semaphore(%run_scoped3A : memref<!tpu.dma_semaphore, #tpu.memory_space<semaphore_mem>>) {add = true}
        %dma_wait3A_30 = arith.constant 0 : i32
        %dma_wait3A_31 = tpu.memref_slice %arg8[%scan3A_13, %dma_wait3A_30] : memref<79x128xi32, #tpu.memory_space<vmem>> -> memref<1x128xi32, #tpu.memory_space<vmem>>
        %dma_wait3A_32 = tpu.memref_squeeze %dma_wait3A_31 : memref<1x128xi32, #tpu.memory_space<vmem>> -> memref<128xi32, #tpu.memory_space<vmem>>
        %dma_wait3A_33 = arith.constant 0 : i32
        %dma_wait3A_34 = arith.constant 0 : i32
        %dma_wait3A_35 = tpu.memref_slice %arg10[%dma_wait3A_33, %dma_wait3A_34] : memref<10240x128xf32, #tpu.memory_space<vmem_shared>> -> memref<10240x128xf32, #tpu.memory_space<vmem_shared>>
        tpu.wait_indirect_dma semaphore(%run_scoped3A : memref<!tpu.dma_semaphore, #tpu.memory_space<semaphore_mem>>) src(%arg9 : memref<128x128xf32, #tpu.memory_space<vmem>>) dst(%dma_wait3A_35 : memref<10240x128xf32, #tpu.memory_space<vmem_shared>>)
        tpu.yield
      }) : () -> ()
    }
    %scan3A_7 = arith.constant 79 : i32
    %barrier3A_8 = arith.constant 0 : index
    tpu.barrier barrier_id(%barrier3A_8)
    %mul3A_9 = arith.constant 640 : i32
    %mul3A_10 = arith.muli %arg1, %mul3A_9 : i32
    %mul3A_11 = arith.constant 640 : i32
    %mul3A_12 = arith.muli %arg1, %mul3A_11 : i32
    "tpu.region"() ({
      %run_scoped3A = tpu.sem_alloc : memref<!tpu.dma_semaphore, #tpu.memory_space<semaphore_mem>>
      %dma_start3A = arith.constant 0 : i32
      %dma_start3A_13 = arith.constant 0 : i32
      %dma_start3A_14 = tpu.memref_slice %arg6[%arg0, %dma_start3A, %dma_start3A_13] : memref<2x10240x128xf32, #tpu.memory_space<hbm>> -> memref<1x10240x128xf32, #tpu.memory_space<hbm>>
      %dma_start3A_15 = tpu.memref_squeeze %dma_start3A_14 : memref<1x10240x128xf32, #tpu.memory_space<hbm>> -> memref<10240x128xf32, #tpu.memory_space<hbm>>
      %dma_start3A_16 = arith.constant 0 : i32
      %dma_start3A_17 = tpu.memref_slice %dma_start3A_15[%mul3A_12, %dma_start3A_16] : memref<10240x128xf32, #tpu.memory_space<hbm>> -> memref<640x128xf32, #tpu.memory_space<hbm>>
      %dma_start3A_18 = arith.constant 0 : i32
      %dma_start3A_19 = tpu.memref_slice %arg10[%mul3A_10, %dma_start3A_18] : memref<10240x128xf32, #tpu.memory_space<vmem_shared>> -> memref<640x128xf32, #tpu.memory_space<vmem_shared>>
      tpu.enqueue_dma source(%dma_start3A_19 : memref<640x128xf32, #tpu.memory_space<vmem_shared>>) target(%dma_start3A_17 : memref<640x128xf32, #tpu.memory_space<hbm>>) target_semaphore(%run_scoped3A : memref<!tpu.dma_semaphore, #tpu.memory_space<semaphore_mem>>)
      %dma_wait3A = arith.constant 0 : i32
      %dma_wait3A_20 = arith.constant 0 : i32
      %dma_wait3A_21 = tpu.memref_slice %arg6[%arg0, %dma_wait3A, %dma_wait3A_20] : memref<2x10240x128xf32, #tpu.memory_space<hbm>> -> memref<1x10240x128xf32, #tpu.memory_space<hbm>>
      %dma_wait3A_22 = tpu.memref_squeeze %dma_wait3A_21 : memref<1x10240x128xf32, #tpu.memory_space<hbm>> -> memref<10240x128xf32, #tpu.memory_space<hbm>>
      %dma_wait3A_23 = arith.constant 0 : i32
      %dma_wait3A_24 = tpu.memref_slice %dma_wait3A_22[%mul3A_12, %dma_wait3A_23] : memref<10240x128xf32, #tpu.memory_space<hbm>> -> memref<640x128xf32, #tpu.memory_space<hbm>>
      %dma_wait3A_25 = arith.constant 0 : i32
      %dma_wait3A_26 = tpu.memref_slice %arg10[%mul3A_10, %dma_wait3A_25] : memref<10240x128xf32, #tpu.memory_space<vmem_shared>> -> memref<640x128xf32, #tpu.memory_space<vmem_shared>>
      tpu.wait_dma2 semaphore(%run_scoped3A : memref<!tpu.dma_semaphore, #tpu.memory_space<semaphore_mem>>) src(%dma_wait3A_26 : memref<640x128xf32, #tpu.memory_space<vmem_shared>>) dst(%dma_wait3A_24 : memref<640x128xf32, #tpu.memory_space<hbm>>)
      tpu.yield
    }) : () -> ()
    return
  }
}

#map = affine_map<(d0, d1) -> (0, 0)>
#map1 = affine_map<(d0, d1) -> (0, 0, 0)>
module attributes {stable_mosaic.version = 14 : i64} {
  func.func @_sc_aggregate(%arg0: i32, %arg1: i32, %arg2: memref<10000x128xf32, #tpu.memory_space<hbm>>, %arg3: memref<32x79x128xi32, #tpu.memory_space<hbm>>, %arg4: memref<32x79x128xi32, #tpu.memory_space<hbm>>, %arg5: memref<640x128xf32, #tpu.memory_space<hbm>>, %arg6: memref<2x10240x128xf32, #tpu.memory_space<hbm>>, %arg7: memref<79x128xi32, #tpu.memory_space<vmem>>, %arg8: memref<79x128xi32, #tpu.memory_space<vmem>>, %arg9: memref<128x128xf32, #tpu.memory_space<vmem>>, %arg10: memref<10240x128xf32, #tpu.memory_space<vmem_shared>>, %arg11: memref<!tpu.dma_semaphore, #tpu.memory_space<semaphore_mem>>) attributes {dimension_semantics = [#tpu.dimension_semantics<core_parallel>, #tpu.dimension_semantics<subcore_parallel>], iteration_bounds = array<i64: 2, 16>, scalar_prefetch = 0 : i64, scratch_operands = 5 : i64, tpu.core_type = #tpu.core_type<sc_vector_subcore>, window_params = [{transform_indices = #map}, {transform_indices = #map1}, {transform_indices = #map1}, {transform_indices = #map}, {transform_indices = #map1}]} {
    %mul3A = arith.constant 2 : i32
    %mul3A_0 = arith.muli %arg1, %mul3A : i32
    %add3A = arith.addi %mul3A_0, %arg0 : i32
    "tpu.region"() ({
      %run_scoped3A = tpu.sem_alloc : memref<!tpu.dma_semaphore, #tpu.memory_space<semaphore_mem>>
      %dma_start3A = arith.constant 0 : i32
      %dma_start3A_13 = arith.constant 0 : i32
      %dma_start3A_14 = tpu.memref_slice %arg3[%add3A, %dma_start3A, %dma_start3A_13] : memref<32x79x128xi32, #tpu.memory_space<hbm>> -> memref<1x79x128xi32, #tpu.memory_space<hbm>>
      %dma_start3A_15 = tpu.memref_squeeze %dma_start3A_14 : memref<1x79x128xi32, #tpu.memory_space<hbm>> -> memref<79x128xi32, #tpu.memory_space<hbm>>
      %dma_start3A_16 = arith.constant 0 : i32
      %dma_start3A_17 = arith.constant 0 : i32
      %dma_start3A_18 = tpu.memref_slice %arg3[%add3A, %dma_start3A_16, %dma_start3A_17] : memref<32x79x128xi32, #tpu.memory_space<hbm>> -> memref<1x79x128xi32, #tpu.memory_space<hbm>>
      %dma_start3A_19 = tpu.memref_squeeze %dma_start3A_18 : memref<1x79x128xi32, #tpu.memory_space<hbm>> -> memref<79x128xi32, #tpu.memory_space<hbm>>
      tpu.enqueue_dma source(%dma_start3A_19 : memref<79x128xi32, #tpu.memory_space<hbm>>) target(%arg7 : memref<79x128xi32, #tpu.memory_space<vmem>>) target_semaphore(%run_scoped3A : memref<!tpu.dma_semaphore, #tpu.memory_space<semaphore_mem>>)
      %dma_wait3A = arith.constant 0 : i32
      %dma_wait3A_20 = arith.constant 0 : i32
      %dma_wait3A_21 = tpu.memref_slice %arg3[%add3A, %dma_wait3A, %dma_wait3A_20] : memref<32x79x128xi32, #tpu.memory_space<hbm>> -> memref<1x79x128xi32, #tpu.memory_space<hbm>>
      %dma_wait3A_22 = tpu.memref_squeeze %dma_wait3A_21 : memref<1x79x128xi32, #tpu.memory_space<hbm>> -> memref<79x128xi32, #tpu.memory_space<hbm>>
      %dma_wait3A_23 = arith.constant 0 : i32
      %dma_wait3A_24 = arith.constant 0 : i32
      %dma_wait3A_25 = tpu.memref_slice %arg3[%add3A, %dma_wait3A_23, %dma_wait3A_24] : memref<32x79x128xi32, #tpu.memory_space<hbm>> -> memref<1x79x128xi32, #tpu.memory_space<hbm>>
      %dma_wait3A_26 = tpu.memref_squeeze %dma_wait3A_25 : memref<1x79x128xi32, #tpu.memory_space<hbm>> -> memref<79x128xi32, #tpu.memory_space<hbm>>
      tpu.wait_dma2 semaphore(%run_scoped3A : memref<!tpu.dma_semaphore, #tpu.memory_space<semaphore_mem>>) src(%dma_wait3A_26 : memref<79x128xi32, #tpu.memory_space<hbm>>) dst(%arg7 : memref<79x128xi32, #tpu.memory_space<vmem>>)
      tpu.yield
    }) : () -> ()
    "tpu.region"() ({
      %run_scoped3A = tpu.sem_alloc : memref<!tpu.dma_semaphore, #tpu.memory_space<semaphore_mem>>
      %dma_start3A = arith.constant 0 : i32
      %dma_start3A_13 = arith.constant 0 : i32
      %dma_start3A_14 = tpu.memref_slice %arg4[%add3A, %dma_start3A, %dma_start3A_13] : memref<32x79x128xi32, #tpu.memory_space<hbm>> -> memref<1x79x128xi32, #tpu.memory_space<hbm>>
      %dma_start3A_15 = tpu.memref_squeeze %dma_start3A_14 : memref<1x79x128xi32, #tpu.memory_space<hbm>> -> memref<79x128xi32, #tpu.memory_space<hbm>>
      %dma_start3A_16 = arith.constant 0 : i32
      %dma_start3A_17 = arith.constant 0 : i32
      %dma_start3A_18 = tpu.memref_slice %arg4[%add3A, %dma_start3A_16, %dma_start3A_17] : memref<32x79x128xi32, #tpu.memory_space<hbm>> -> memref<1x79x128xi32, #tpu.memory_space<hbm>>
      %dma_start3A_19 = tpu.memref_squeeze %dma_start3A_18 : memref<1x79x128xi32, #tpu.memory_space<hbm>> -> memref<79x128xi32, #tpu.memory_space<hbm>>
      tpu.enqueue_dma source(%dma_start3A_19 : memref<79x128xi32, #tpu.memory_space<hbm>>) target(%arg8 : memref<79x128xi32, #tpu.memory_space<vmem>>) target_semaphore(%run_scoped3A : memref<!tpu.dma_semaphore, #tpu.memory_space<semaphore_mem>>)
      %dma_wait3A = arith.constant 0 : i32
      %dma_wait3A_20 = arith.constant 0 : i32
      %dma_wait3A_21 = tpu.memref_slice %arg4[%add3A, %dma_wait3A, %dma_wait3A_20] : memref<32x79x128xi32, #tpu.memory_space<hbm>> -> memref<1x79x128xi32, #tpu.memory_space<hbm>>
      %dma_wait3A_22 = tpu.memref_squeeze %dma_wait3A_21 : memref<1x79x128xi32, #tpu.memory_space<hbm>> -> memref<79x128xi32, #tpu.memory_space<hbm>>
      %dma_wait3A_23 = arith.constant 0 : i32
      %dma_wait3A_24 = arith.constant 0 : i32
      %dma_wait3A_25 = tpu.memref_slice %arg4[%add3A, %dma_wait3A_23, %dma_wait3A_24] : memref<32x79x128xi32, #tpu.memory_space<hbm>> -> memref<1x79x128xi32, #tpu.memory_space<hbm>>
      %dma_wait3A_26 = tpu.memref_squeeze %dma_wait3A_25 : memref<1x79x128xi32, #tpu.memory_space<hbm>> -> memref<79x128xi32, #tpu.memory_space<hbm>>
      tpu.wait_dma2 semaphore(%run_scoped3A : memref<!tpu.dma_semaphore, #tpu.memory_space<semaphore_mem>>) src(%dma_wait3A_26 : memref<79x128xi32, #tpu.memory_space<hbm>>) dst(%arg8 : memref<79x128xi32, #tpu.memory_space<vmem>>)
      tpu.yield
    }) : () -> ()
    %mul3A_1 = arith.constant 640 : i32
    %mul3A_2 = arith.muli %arg1, %mul3A_1 : i32
    "tpu.region"() ({
      %run_scoped3A = tpu.sem_alloc : memref<!tpu.dma_semaphore, #tpu.memory_space<semaphore_mem>>
      %dma_start3A = arith.constant 0 : i32
      %dma_start3A_13 = tpu.memref_slice %arg10[%mul3A_2, %dma_start3A] : memref<10240x128xf32, #tpu.memory_space<vmem_shared>> -> memref<640x128xf32, #tpu.memory_space<vmem_shared>>
      tpu.enqueue_dma source(%arg5 : memref<640x128xf32, #tpu.memory_space<hbm>>) target(%dma_start3A_13 : memref<640x128xf32, #tpu.memory_space<vmem_shared>>) target_semaphore(%run_scoped3A : memref<!tpu.dma_semaphore, #tpu.memory_space<semaphore_mem>>)
      %dma_wait3A = arith.constant 0 : i32
      %dma_wait3A_14 = tpu.memref_slice %arg10[%mul3A_2, %dma_wait3A] : memref<10240x128xf32, #tpu.memory_space<vmem_shared>> -> memref<640x128xf32, #tpu.memory_space<vmem_shared>>
      tpu.wait_dma2 semaphore(%run_scoped3A : memref<!tpu.dma_semaphore, #tpu.memory_space<semaphore_mem>>) src(%arg5 : memref<640x128xf32, #tpu.memory_space<hbm>>) dst(%dma_wait3A_14 : memref<640x128xf32, #tpu.memory_space<vmem_shared>>)
      tpu.yield
    }) : () -> ()
    %barrier3A = arith.constant 0 : index
    tpu.barrier barrier_id(%barrier3A)
    %scan3A = arith.constant 0 : i32
    %scan3A_3 = arith.constant 0 : i32
    %scan3A_4 = arith.constant 79 : i32
    %scan3A_5 = arith.addi %scan3A_3, %scan3A_4 : i32
    %scan3A_6 = arith.constant 1 : i32
    scf.for %scan3A_13 = %scan3A_3 to %scan3A_5 step %scan3A_6  : i32 {
      %dma_start3A = arith.constant 0 : i32
      %dma_start3A_14 = tpu.memref_slice %arg7[%scan3A_13, %dma_start3A] : memref<79x128xi32, #tpu.memory_space<vmem>> -> memref<1x128xi32, #tpu.memory_space<vmem>>
      %dma_start3A_15 = tpu.memref_squeeze %dma_start3A_14 : memref<1x128xi32, #tpu.memory_space<vmem>> -> memref<128xi32, #tpu.memory_space<vmem>>
      %dma_start3A_16 = arith.constant 0 : i32
      %dma_start3A_17 = arith.constant 0 : i32
      %dma_start3A_18 = tpu.memref_slice %arg2[%dma_start3A_16, %dma_start3A_17] : memref<10000x128xf32, #tpu.memory_space<hbm>> -> memref<10000x128xf32, #tpu.memory_space<hbm>>
      tpu.enqueue_indirect_dma source(%dma_start3A_18 : memref<10000x128xf32, #tpu.memory_space<hbm>>) target(%arg9 : memref<128x128xf32, #tpu.memory_space<vmem>>) offsets(%dma_start3A_15 : memref<128xi32, #tpu.memory_space<vmem>>) semaphore(%arg11 : memref<!tpu.dma_semaphore, #tpu.memory_space<semaphore_mem>>)
      %dma_wait3A = arith.constant 0 : i32
      %dma_wait3A_19 = tpu.memref_slice %arg7[%scan3A_13, %dma_wait3A] : memref<79x128xi32, #tpu.memory_space<vmem>> -> memref<1x128xi32, #tpu.memory_space<vmem>>
      %dma_wait3A_20 = tpu.memref_squeeze %dma_wait3A_19 : memref<1x128xi32, #tpu.memory_space<vmem>> -> memref<128xi32, #tpu.memory_space<vmem>>
      %dma_wait3A_21 = arith.constant 0 : i32
      %dma_wait3A_22 = arith.constant 0 : i32
      %dma_wait3A_23 = tpu.memref_slice %arg2[%dma_wait3A_21, %dma_wait3A_22] : memref<10000x128xf32, #tpu.memory_space<hbm>> -> memref<10000x128xf32, #tpu.memory_space<hbm>>
      tpu.wait_indirect_dma semaphore(%arg11 : memref<!tpu.dma_semaphore, #tpu.memory_space<semaphore_mem>>) src(%dma_wait3A_23 : memref<10000x128xf32, #tpu.memory_space<hbm>>) dst(%arg9 : memref<128x128xf32, #tpu.memory_space<vmem>>)
      "tpu.region"() ({
        %run_scoped3A = tpu.sem_alloc : memref<!tpu.dma_semaphore, #tpu.memory_space<semaphore_mem>>
        %dma_start3A_24 = arith.constant 0 : i32
        %dma_start3A_25 = tpu.memref_slice %arg8[%scan3A_13, %dma_start3A_24] : memref<79x128xi32, #tpu.memory_space<vmem>> -> memref<1x128xi32, #tpu.memory_space<vmem>>
        %dma_start3A_26 = tpu.memref_squeeze %dma_start3A_25 : memref<1x128xi32, #tpu.memory_space<vmem>> -> memref<128xi32, #tpu.memory_space<vmem>>
        %dma_start3A_27 = arith.constant 0 : i32
        %dma_start3A_28 = arith.constant 0 : i32
        %dma_start3A_29 = tpu.memref_slice %arg10[%dma_start3A_27, %dma_start3A_28] : memref<10240x128xf32, #tpu.memory_space<vmem_shared>> -> memref<10240x128xf32, #tpu.memory_space<vmem_shared>>
        tpu.enqueue_indirect_dma source(%arg9 : memref<128x128xf32, #tpu.memory_space<vmem>>) target(%dma_start3A_29 : memref<10240x128xf32, #tpu.memory_space<vmem_shared>>) offsets(%dma_start3A_26 : memref<128xi32, #tpu.memory_space<vmem>>) semaphore(%run_scoped3A : memref<!tpu.dma_semaphore, #tpu.memory_space<semaphore_mem>>) {add = true}
        %dma_wait3A_30 = arith.constant 0 : i32
        %dma_wait3A_31 = tpu.memref_slice %arg8[%scan3A_13, %dma_wait3A_30] : memref<79x128xi32, #tpu.memory_space<vmem>> -> memref<1x128xi32, #tpu.memory_space<vmem>>
        %dma_wait3A_32 = tpu.memref_squeeze %dma_wait3A_31 : memref<1x128xi32, #tpu.memory_space<vmem>> -> memref<128xi32, #tpu.memory_space<vmem>>
        %dma_wait3A_33 = arith.constant 0 : i32
        %dma_wait3A_34 = arith.constant 0 : i32
        %dma_wait3A_35 = tpu.memref_slice %arg10[%dma_wait3A_33, %dma_wait3A_34] : memref<10240x128xf32, #tpu.memory_space<vmem_shared>> -> memref<10240x128xf32, #tpu.memory_space<vmem_shared>>
        tpu.wait_indirect_dma semaphore(%run_scoped3A : memref<!tpu.dma_semaphore, #tpu.memory_space<semaphore_mem>>) src(%arg9 : memref<128x128xf32, #tpu.memory_space<vmem>>) dst(%dma_wait3A_35 : memref<10240x128xf32, #tpu.memory_space<vmem_shared>>)
        tpu.yield
      }) : () -> ()
    }
    %scan3A_7 = arith.constant 79 : i32
    %barrier3A_8 = arith.constant 0 : index
    tpu.barrier barrier_id(%barrier3A_8)
    %mul3A_9 = arith.constant 640 : i32
    %mul3A_10 = arith.muli %arg1, %mul3A_9 : i32
    %mul3A_11 = arith.constant 640 : i32
    %mul3A_12 = arith.muli %arg1, %mul3A_11 : i32
    "tpu.region"() ({
      %run_scoped3A = tpu.sem_alloc : memref<!tpu.dma_semaphore, #tpu.memory_space<semaphore_mem>>
      %dma_start3A = arith.constant 0 : i32
      %dma_start3A_13 = arith.constant 0 : i32
      %dma_start3A_14 = tpu.memref_slice %arg6[%arg0, %dma_start3A, %dma_start3A_13] : memref<2x10240x128xf32, #tpu.memory_space<hbm>> -> memref<1x10240x128xf32, #tpu.memory_space<hbm>>
      %dma_start3A_15 = tpu.memref_squeeze %dma_start3A_14 : memref<1x10240x128xf32, #tpu.memory_space<hbm>> -> memref<10240x128xf32, #tpu.memory_space<hbm>>
      %dma_start3A_16 = arith.constant 0 : i32
      %dma_start3A_17 = tpu.memref_slice %dma_start3A_15[%mul3A_12, %dma_start3A_16] : memref<10240x128xf32, #tpu.memory_space<hbm>> -> memref<640x128xf32, #tpu.memory_space<hbm>>
      %dma_start3A_18 = arith.constant 0 : i32
      %dma_start3A_19 = tpu.memref_slice %arg10[%mul3A_10, %dma_start3A_18] : memref<10240x128xf32, #tpu.memory_space<vmem_shared>> -> memref<640x128xf32, #tpu.memory_space<vmem_shared>>
      tpu.enqueue_dma source(%dma_start3A_19 : memref<640x128xf32, #tpu.memory_space<vmem_shared>>) target(%dma_start3A_17 : memref<640x128xf32, #tpu.memory_space<hbm>>) target_semaphore(%run_scoped3A : memref<!tpu.dma_semaphore, #tpu.memory_space<semaphore_mem>>)
      %dma_wait3A = arith.constant 0 : i32
      %dma_wait3A_20 = arith.constant 0 : i32
      %dma_wait3A_21 = tpu.memref_slice %arg6[%arg0, %dma_wait3A, %dma_wait3A_20] : memref<2x10240x128xf32, #tpu.memory_space<hbm>> -> memref<1x10240x128xf32, #tpu.memory_space<hbm>>
      %dma_wait3A_22 = tpu.memref_squeeze %dma_wait3A_21 : memref<1x10240x128xf32, #tpu.memory_space<hbm>> -> memref<10240x128xf32, #tpu.memory_space<hbm>>
      %dma_wait3A_23 = arith.constant 0 : i32
      %dma_wait3A_24 = tpu.memref_slice %dma_wait3A_22[%mul3A_12, %dma_wait3A_23] : memref<10240x128xf32, #tpu.memory_space<hbm>> -> memref<640x128xf32, #tpu.memory_space<hbm>>
      %dma_wait3A_25 = arith.constant 0 : i32
      %dma_wait3A_26 = tpu.memref_slice %arg10[%mul3A_10, %dma_wait3A_25] : memref<10240x128xf32, #tpu.memory_space<vmem_shared>> -> memref<640x128xf32, #tpu.memory_space<vmem_shared>>
      tpu.wait_dma2 semaphore(%run_scoped3A : memref<!tpu.dma_semaphore, #tpu.memory_space<semaphore_mem>>) src(%dma_wait3A_26 : memref<640x128xf32, #tpu.memory_space<vmem_shared>>) dst(%dma_wait3A_24 : memref<640x128xf32, #tpu.memory_space<hbm>>)
      tpu.yield
    }) : () -> ()
    return
  }
}

#map = affine_map<(d0, d1) -> (0, 0)>
#map1 = affine_map<(d0, d1) -> (0, 0, 0)>
module attributes {stable_mosaic.version = 14 : i64} {
  func.func @_sc_aggregate(%arg0: i32, %arg1: i32, %arg2: memref<10000x128xf32, #tpu.memory_space<hbm>>, %arg3: memref<32x79x128xi32, #tpu.memory_space<hbm>>, %arg4: memref<32x79x128xi32, #tpu.memory_space<hbm>>, %arg5: memref<640x128xf32, #tpu.memory_space<hbm>>, %arg6: memref<2x10240x128xf32, #tpu.memory_space<hbm>>, %arg7: memref<79x128xi32, #tpu.memory_space<vmem>>, %arg8: memref<79x128xi32, #tpu.memory_space<vmem>>, %arg9: memref<128x128xf32, #tpu.memory_space<vmem>>, %arg10: memref<10240x128xf32, #tpu.memory_space<vmem_shared>>, %arg11: memref<!tpu.dma_semaphore, #tpu.memory_space<semaphore_mem>>) attributes {dimension_semantics = [#tpu.dimension_semantics<core_parallel>, #tpu.dimension_semantics<subcore_parallel>], iteration_bounds = array<i64: 2, 16>, scalar_prefetch = 0 : i64, scratch_operands = 5 : i64, tpu.core_type = #tpu.core_type<sc_vector_subcore>, window_params = [{transform_indices = #map}, {transform_indices = #map1}, {transform_indices = #map1}, {transform_indices = #map}, {transform_indices = #map1}]} {
    %mul3A = arith.constant 2 : i32
    %mul3A_0 = arith.muli %arg1, %mul3A : i32
    %add3A = arith.addi %mul3A_0, %arg0 : i32
    "tpu.region"() ({
      %run_scoped3A = tpu.sem_alloc : memref<!tpu.dma_semaphore, #tpu.memory_space<semaphore_mem>>
      %dma_start3A = arith.constant 0 : i32
      %dma_start3A_13 = arith.constant 0 : i32
      %dma_start3A_14 = tpu.memref_slice %arg3[%add3A, %dma_start3A, %dma_start3A_13] : memref<32x79x128xi32, #tpu.memory_space<hbm>> -> memref<1x79x128xi32, #tpu.memory_space<hbm>>
      %dma_start3A_15 = tpu.memref_squeeze %dma_start3A_14 : memref<1x79x128xi32, #tpu.memory_space<hbm>> -> memref<79x128xi32, #tpu.memory_space<hbm>>
      %dma_start3A_16 = arith.constant 0 : i32
      %dma_start3A_17 = arith.constant 0 : i32
      %dma_start3A_18 = tpu.memref_slice %arg3[%add3A, %dma_start3A_16, %dma_start3A_17] : memref<32x79x128xi32, #tpu.memory_space<hbm>> -> memref<1x79x128xi32, #tpu.memory_space<hbm>>
      %dma_start3A_19 = tpu.memref_squeeze %dma_start3A_18 : memref<1x79x128xi32, #tpu.memory_space<hbm>> -> memref<79x128xi32, #tpu.memory_space<hbm>>
      tpu.enqueue_dma source(%dma_start3A_19 : memref<79x128xi32, #tpu.memory_space<hbm>>) target(%arg7 : memref<79x128xi32, #tpu.memory_space<vmem>>) target_semaphore(%run_scoped3A : memref<!tpu.dma_semaphore, #tpu.memory_space<semaphore_mem>>)
      %dma_wait3A = arith.constant 0 : i32
      %dma_wait3A_20 = arith.constant 0 : i32
      %dma_wait3A_21 = tpu.memref_slice %arg3[%add3A, %dma_wait3A, %dma_wait3A_20] : memref<32x79x128xi32, #tpu.memory_space<hbm>> -> memref<1x79x128xi32, #tpu.memory_space<hbm>>
      %dma_wait3A_22 = tpu.memref_squeeze %dma_wait3A_21 : memref<1x79x128xi32, #tpu.memory_space<hbm>> -> memref<79x128xi32, #tpu.memory_space<hbm>>
      %dma_wait3A_23 = arith.constant 0 : i32
      %dma_wait3A_24 = arith.constant 0 : i32
      %dma_wait3A_25 = tpu.memref_slice %arg3[%add3A, %dma_wait3A_23, %dma_wait3A_24] : memref<32x79x128xi32, #tpu.memory_space<hbm>> -> memref<1x79x128xi32, #tpu.memory_space<hbm>>
      %dma_wait3A_26 = tpu.memref_squeeze %dma_wait3A_25 : memref<1x79x128xi32, #tpu.memory_space<hbm>> -> memref<79x128xi32, #tpu.memory_space<hbm>>
      tpu.wait_dma2 semaphore(%run_scoped3A : memref<!tpu.dma_semaphore, #tpu.memory_space<semaphore_mem>>) src(%dma_wait3A_26 : memref<79x128xi32, #tpu.memory_space<hbm>>) dst(%arg7 : memref<79x128xi32, #tpu.memory_space<vmem>>)
      tpu.yield
    }) : () -> ()
    "tpu.region"() ({
      %run_scoped3A = tpu.sem_alloc : memref<!tpu.dma_semaphore, #tpu.memory_space<semaphore_mem>>
      %dma_start3A = arith.constant 0 : i32
      %dma_start3A_13 = arith.constant 0 : i32
      %dma_start3A_14 = tpu.memref_slice %arg4[%add3A, %dma_start3A, %dma_start3A_13] : memref<32x79x128xi32, #tpu.memory_space<hbm>> -> memref<1x79x128xi32, #tpu.memory_space<hbm>>
      %dma_start3A_15 = tpu.memref_squeeze %dma_start3A_14 : memref<1x79x128xi32, #tpu.memory_space<hbm>> -> memref<79x128xi32, #tpu.memory_space<hbm>>
      %dma_start3A_16 = arith.constant 0 : i32
      %dma_start3A_17 = arith.constant 0 : i32
      %dma_start3A_18 = tpu.memref_slice %arg4[%add3A, %dma_start3A_16, %dma_start3A_17] : memref<32x79x128xi32, #tpu.memory_space<hbm>> -> memref<1x79x128xi32, #tpu.memory_space<hbm>>
      %dma_start3A_19 = tpu.memref_squeeze %dma_start3A_18 : memref<1x79x128xi32, #tpu.memory_space<hbm>> -> memref<79x128xi32, #tpu.memory_space<hbm>>
      tpu.enqueue_dma source(%dma_start3A_19 : memref<79x128xi32, #tpu.memory_space<hbm>>) target(%arg8 : memref<79x128xi32, #tpu.memory_space<vmem>>) target_semaphore(%run_scoped3A : memref<!tpu.dma_semaphore, #tpu.memory_space<semaphore_mem>>)
      %dma_wait3A = arith.constant 0 : i32
      %dma_wait3A_20 = arith.constant 0 : i32
      %dma_wait3A_21 = tpu.memref_slice %arg4[%add3A, %dma_wait3A, %dma_wait3A_20] : memref<32x79x128xi32, #tpu.memory_space<hbm>> -> memref<1x79x128xi32, #tpu.memory_space<hbm>>
      %dma_wait3A_22 = tpu.memref_squeeze %dma_wait3A_21 : memref<1x79x128xi32, #tpu.memory_space<hbm>> -> memref<79x128xi32, #tpu.memory_space<hbm>>
      %dma_wait3A_23 = arith.constant 0 : i32
      %dma_wait3A_24 = arith.constant 0 : i32
      %dma_wait3A_25 = tpu.memref_slice %arg4[%add3A, %dma_wait3A_23, %dma_wait3A_24] : memref<32x79x128xi32, #tpu.memory_space<hbm>> -> memref<1x79x128xi32, #tpu.memory_space<hbm>>
      %dma_wait3A_26 = tpu.memref_squeeze %dma_wait3A_25 : memref<1x79x128xi32, #tpu.memory_space<hbm>> -> memref<79x128xi32, #tpu.memory_space<hbm>>
      tpu.wait_dma2 semaphore(%run_scoped3A : memref<!tpu.dma_semaphore, #tpu.memory_space<semaphore_mem>>) src(%dma_wait3A_26 : memref<79x128xi32, #tpu.memory_space<hbm>>) dst(%arg8 : memref<79x128xi32, #tpu.memory_space<vmem>>)
      tpu.yield
    }) : () -> ()
    %mul3A_1 = arith.constant 640 : i32
    %mul3A_2 = arith.muli %arg1, %mul3A_1 : i32
    "tpu.region"() ({
      %run_scoped3A = tpu.sem_alloc : memref<!tpu.dma_semaphore, #tpu.memory_space<semaphore_mem>>
      %dma_start3A = arith.constant 0 : i32
      %dma_start3A_13 = tpu.memref_slice %arg10[%mul3A_2, %dma_start3A] : memref<10240x128xf32, #tpu.memory_space<vmem_shared>> -> memref<640x128xf32, #tpu.memory_space<vmem_shared>>
      tpu.enqueue_dma source(%arg5 : memref<640x128xf32, #tpu.memory_space<hbm>>) target(%dma_start3A_13 : memref<640x128xf32, #tpu.memory_space<vmem_shared>>) target_semaphore(%run_scoped3A : memref<!tpu.dma_semaphore, #tpu.memory_space<semaphore_mem>>)
      %dma_wait3A = arith.constant 0 : i32
      %dma_wait3A_14 = tpu.memref_slice %arg10[%mul3A_2, %dma_wait3A] : memref<10240x128xf32, #tpu.memory_space<vmem_shared>> -> memref<640x128xf32, #tpu.memory_space<vmem_shared>>
      tpu.wait_dma2 semaphore(%run_scoped3A : memref<!tpu.dma_semaphore, #tpu.memory_space<semaphore_mem>>) src(%arg5 : memref<640x128xf32, #tpu.memory_space<hbm>>) dst(%dma_wait3A_14 : memref<640x128xf32, #tpu.memory_space<vmem_shared>>)
      tpu.yield
    }) : () -> ()
    %barrier3A = arith.constant 0 : index
    tpu.barrier barrier_id(%barrier3A)
    %scan3A = arith.constant 0 : i32
    %scan3A_3 = arith.constant 0 : i32
    %scan3A_4 = arith.constant 79 : i32
    %scan3A_5 = arith.addi %scan3A_3, %scan3A_4 : i32
    %scan3A_6 = arith.constant 1 : i32
    scf.for %scan3A_13 = %scan3A_3 to %scan3A_5 step %scan3A_6  : i32 {
      %dma_start3A = arith.constant 0 : i32
      %dma_start3A_14 = tpu.memref_slice %arg7[%scan3A_13, %dma_start3A] : memref<79x128xi32, #tpu.memory_space<vmem>> -> memref<1x128xi32, #tpu.memory_space<vmem>>
      %dma_start3A_15 = tpu.memref_squeeze %dma_start3A_14 : memref<1x128xi32, #tpu.memory_space<vmem>> -> memref<128xi32, #tpu.memory_space<vmem>>
      %dma_start3A_16 = arith.constant 0 : i32
      %dma_start3A_17 = arith.constant 0 : i32
      %dma_start3A_18 = tpu.memref_slice %arg2[%dma_start3A_16, %dma_start3A_17] : memref<10000x128xf32, #tpu.memory_space<hbm>> -> memref<10000x128xf32, #tpu.memory_space<hbm>>
      tpu.enqueue_indirect_dma source(%dma_start3A_18 : memref<10000x128xf32, #tpu.memory_space<hbm>>) target(%arg9 : memref<128x128xf32, #tpu.memory_space<vmem>>) offsets(%dma_start3A_15 : memref<128xi32, #tpu.memory_space<vmem>>) semaphore(%arg11 : memref<!tpu.dma_semaphore, #tpu.memory_space<semaphore_mem>>)
      %dma_wait3A = arith.constant 0 : i32
      %dma_wait3A_19 = tpu.memref_slice %arg7[%scan3A_13, %dma_wait3A] : memref<79x128xi32, #tpu.memory_space<vmem>> -> memref<1x128xi32, #tpu.memory_space<vmem>>
      %dma_wait3A_20 = tpu.memref_squeeze %dma_wait3A_19 : memref<1x128xi32, #tpu.memory_space<vmem>> -> memref<128xi32, #tpu.memory_space<vmem>>
      %dma_wait3A_21 = arith.constant 0 : i32
      %dma_wait3A_22 = arith.constant 0 : i32
      %dma_wait3A_23 = tpu.memref_slice %arg2[%dma_wait3A_21, %dma_wait3A_22] : memref<10000x128xf32, #tpu.memory_space<hbm>> -> memref<10000x128xf32, #tpu.memory_space<hbm>>
      tpu.wait_indirect_dma semaphore(%arg11 : memref<!tpu.dma_semaphore, #tpu.memory_space<semaphore_mem>>) src(%dma_wait3A_23 : memref<10000x128xf32, #tpu.memory_space<hbm>>) dst(%arg9 : memref<128x128xf32, #tpu.memory_space<vmem>>)
      "tpu.region"() ({
        %run_scoped3A = tpu.sem_alloc : memref<!tpu.dma_semaphore, #tpu.memory_space<semaphore_mem>>
        %dma_start3A_24 = arith.constant 0 : i32
        %dma_start3A_25 = tpu.memref_slice %arg8[%scan3A_13, %dma_start3A_24] : memref<79x128xi32, #tpu.memory_space<vmem>> -> memref<1x128xi32, #tpu.memory_space<vmem>>
        %dma_start3A_26 = tpu.memref_squeeze %dma_start3A_25 : memref<1x128xi32, #tpu.memory_space<vmem>> -> memref<128xi32, #tpu.memory_space<vmem>>
        %dma_start3A_27 = arith.constant 0 : i32
        %dma_start3A_28 = arith.constant 0 : i32
        %dma_start3A_29 = tpu.memref_slice %arg10[%dma_start3A_27, %dma_start3A_28] : memref<10240x128xf32, #tpu.memory_space<vmem_shared>> -> memref<10240x128xf32, #tpu.memory_space<vmem_shared>>
        tpu.enqueue_indirect_dma source(%arg9 : memref<128x128xf32, #tpu.memory_space<vmem>>) target(%dma_start3A_29 : memref<10240x128xf32, #tpu.memory_space<vmem_shared>>) offsets(%dma_start3A_26 : memref<128xi32, #tpu.memory_space<vmem>>) semaphore(%run_scoped3A : memref<!tpu.dma_semaphore, #tpu.memory_space<semaphore_mem>>) {add = true}
        %dma_wait3A_30 = arith.constant 0 : i32
        %dma_wait3A_31 = tpu.memref_slice %arg8[%scan3A_13, %dma_wait3A_30] : memref<79x128xi32, #tpu.memory_space<vmem>> -> memref<1x128xi32, #tpu.memory_space<vmem>>
        %dma_wait3A_32 = tpu.memref_squeeze %dma_wait3A_31 : memref<1x128xi32, #tpu.memory_space<vmem>> -> memref<128xi32, #tpu.memory_space<vmem>>
        %dma_wait3A_33 = arith.constant 0 : i32
        %dma_wait3A_34 = arith.constant 0 : i32
        %dma_wait3A_35 = tpu.memref_slice %arg10[%dma_wait3A_33, %dma_wait3A_34] : memref<10240x128xf32, #tpu.memory_space<vmem_shared>> -> memref<10240x128xf32, #tpu.memory_space<vmem_shared>>
        tpu.wait_indirect_dma semaphore(%run_scoped3A : memref<!tpu.dma_semaphore, #tpu.memory_space<semaphore_mem>>) src(%arg9 : memref<128x128xf32, #tpu.memory_space<vmem>>) dst(%dma_wait3A_35 : memref<10240x128xf32, #tpu.memory_space<vmem_shared>>)
        tpu.yield
      }) : () -> ()
    }
    %scan3A_7 = arith.constant 79 : i32
    %barrier3A_8 = arith.constant 0 : index
    tpu.barrier barrier_id(%barrier3A_8)
    %mul3A_9 = arith.constant 640 : i32
    %mul3A_10 = arith.muli %arg1, %mul3A_9 : i32
    %mul3A_11 = arith.constant 640 : i32
    %mul3A_12 = arith.muli %arg1, %mul3A_11 : i32
    "tpu.region"() ({
      %run_scoped3A = tpu.sem_alloc : memref<!tpu.dma_semaphore, #tpu.memory_space<semaphore_mem>>
      %dma_start3A = arith.constant 0 : i32
      %dma_start3A_13 = arith.constant 0 : i32
      %dma_start3A_14 = tpu.memref_slice %arg6[%arg0, %dma_start3A, %dma_start3A_13] : memref<2x10240x128xf32, #tpu.memory_space<hbm>> -> memref<1x10240x128xf32, #tpu.memory_space<hbm>>
      %dma_start3A_15 = tpu.memref_squeeze %dma_start3A_14 : memref<1x10240x128xf32, #tpu.memory_space<hbm>> -> memref<10240x128xf32, #tpu.memory_space<hbm>>
      %dma_start3A_16 = arith.constant 0 : i32
      %dma_start3A_17 = tpu.memref_slice %dma_start3A_15[%mul3A_12, %dma_start3A_16] : memref<10240x128xf32, #tpu.memory_space<hbm>> -> memref<640x128xf32, #tpu.memory_space<hbm>>
      %dma_start3A_18 = arith.constant 0 : i32
      %dma_start3A_19 = tpu.memref_slice %arg10[%mul3A_10, %dma_start3A_18] : memref<10240x128xf32, #tpu.memory_space<vmem_shared>> -> memref<640x128xf32, #tpu.memory_space<vmem_shared>>
      tpu.enqueue_dma source(%dma_start3A_19 : memref<640x128xf32, #tpu.memory_space<vmem_shared>>) target(%dma_start3A_17 : memref<640x128xf32, #tpu.memory_space<hbm>>) target_semaphore(%run_scoped3A : memref<!tpu.dma_semaphore, #tpu.memory_space<semaphore_mem>>)
      %dma_wait3A = arith.constant 0 : i32
      %dma_wait3A_20 = arith.constant 0 : i32
      %dma_wait3A_21 = tpu.memref_slice %arg6[%arg0, %dma_wait3A, %dma_wait3A_20] : memref<2x10240x128xf32, #tpu.memory_space<hbm>> -> memref<1x10240x128xf32, #tpu.memory_space<hbm>>
      %dma_wait3A_22 = tpu.memref_squeeze %dma_wait3A_21 : memref<1x10240x128xf32, #tpu.memory_space<hbm>> -> memref<10240x128xf32, #tpu.memory_space<hbm>>
      %dma_wait3A_23 = arith.constant 0 : i32
      %dma_wait3A_24 = tpu.memref_slice %dma_wait3A_22[%mul3A_12, %dma_wait3A_23] : memref<10240x128xf32, #tpu.memory_space<hbm>> -> memref<640x128xf32, #tpu.memory_space<hbm>>
      %dma_wait3A_25 = arith.constant 0 : i32
      %dma_wait3A_26 = tpu.memref_slice %arg10[%mul3A_10, %dma_wait3A_25] : memref<10240x128xf32, #tpu.memory_space<vmem_shared>> -> memref<640x128xf32, #tpu.memory_space<vmem_shared>>
      tpu.wait_dma2 semaphore(%run_scoped3A : memref<!tpu.dma_semaphore, #tpu.memory_space<semaphore_mem>>) src(%dma_wait3A_26 : memref<640x128xf32, #tpu.memory_space<vmem_shared>>) dst(%dma_wait3A_24 : memref<640x128xf32, #tpu.memory_space<hbm>>)
      tpu.yield
    }) : () -> ()
    return
  }
}

#map = affine_map<(d0, d1) -> (0, 0)>
#map1 = affine_map<(d0, d1) -> (0, 0, 0)>
module attributes {stable_mosaic.version = 14 : i64} {
  func.func @_sc_aggregate(%arg0: i32, %arg1: i32, %arg2: memref<10000x128xf32, #tpu.memory_space<hbm>>, %arg3: memref<32x79x128xi32, #tpu.memory_space<hbm>>, %arg4: memref<32x79x128xi32, #tpu.memory_space<hbm>>, %arg5: memref<640x128xf32, #tpu.memory_space<hbm>>, %arg6: memref<2x10240x128xf32, #tpu.memory_space<hbm>>, %arg7: memref<79x128xi32, #tpu.memory_space<vmem>>, %arg8: memref<79x128xi32, #tpu.memory_space<vmem>>, %arg9: memref<128x128xf32, #tpu.memory_space<vmem>>, %arg10: memref<10240x128xf32, #tpu.memory_space<vmem_shared>>, %arg11: memref<!tpu.dma_semaphore, #tpu.memory_space<semaphore_mem>>) attributes {dimension_semantics = [#tpu.dimension_semantics<core_parallel>, #tpu.dimension_semantics<subcore_parallel>], iteration_bounds = array<i64: 2, 16>, scalar_prefetch = 0 : i64, scratch_operands = 5 : i64, tpu.core_type = #tpu.core_type<sc_vector_subcore>, window_params = [{transform_indices = #map}, {transform_indices = #map1}, {transform_indices = #map1}, {transform_indices = #map}, {transform_indices = #map1}]} {
    %mul3A = arith.constant 2 : i32
    %mul3A_0 = arith.muli %arg1, %mul3A : i32
    %add3A = arith.addi %mul3A_0, %arg0 : i32
    "tpu.region"() ({
      %run_scoped3A = tpu.sem_alloc : memref<!tpu.dma_semaphore, #tpu.memory_space<semaphore_mem>>
      %dma_start3A = arith.constant 0 : i32
      %dma_start3A_13 = arith.constant 0 : i32
      %dma_start3A_14 = tpu.memref_slice %arg3[%add3A, %dma_start3A, %dma_start3A_13] : memref<32x79x128xi32, #tpu.memory_space<hbm>> -> memref<1x79x128xi32, #tpu.memory_space<hbm>>
      %dma_start3A_15 = tpu.memref_squeeze %dma_start3A_14 : memref<1x79x128xi32, #tpu.memory_space<hbm>> -> memref<79x128xi32, #tpu.memory_space<hbm>>
      %dma_start3A_16 = arith.constant 0 : i32
      %dma_start3A_17 = arith.constant 0 : i32
      %dma_start3A_18 = tpu.memref_slice %arg3[%add3A, %dma_start3A_16, %dma_start3A_17] : memref<32x79x128xi32, #tpu.memory_space<hbm>> -> memref<1x79x128xi32, #tpu.memory_space<hbm>>
      %dma_start3A_19 = tpu.memref_squeeze %dma_start3A_18 : memref<1x79x128xi32, #tpu.memory_space<hbm>> -> memref<79x128xi32, #tpu.memory_space<hbm>>
      tpu.enqueue_dma source(%dma_start3A_19 : memref<79x128xi32, #tpu.memory_space<hbm>>) target(%arg7 : memref<79x128xi32, #tpu.memory_space<vmem>>) target_semaphore(%run_scoped3A : memref<!tpu.dma_semaphore, #tpu.memory_space<semaphore_mem>>)
      %dma_wait3A = arith.constant 0 : i32
      %dma_wait3A_20 = arith.constant 0 : i32
      %dma_wait3A_21 = tpu.memref_slice %arg3[%add3A, %dma_wait3A, %dma_wait3A_20] : memref<32x79x128xi32, #tpu.memory_space<hbm>> -> memref<1x79x128xi32, #tpu.memory_space<hbm>>
      %dma_wait3A_22 = tpu.memref_squeeze %dma_wait3A_21 : memref<1x79x128xi32, #tpu.memory_space<hbm>> -> memref<79x128xi32, #tpu.memory_space<hbm>>
      %dma_wait3A_23 = arith.constant 0 : i32
      %dma_wait3A_24 = arith.constant 0 : i32
      %dma_wait3A_25 = tpu.memref_slice %arg3[%add3A, %dma_wait3A_23, %dma_wait3A_24] : memref<32x79x128xi32, #tpu.memory_space<hbm>> -> memref<1x79x128xi32, #tpu.memory_space<hbm>>
      %dma_wait3A_26 = tpu.memref_squeeze %dma_wait3A_25 : memref<1x79x128xi32, #tpu.memory_space<hbm>> -> memref<79x128xi32, #tpu.memory_space<hbm>>
      tpu.wait_dma2 semaphore(%run_scoped3A : memref<!tpu.dma_semaphore, #tpu.memory_space<semaphore_mem>>) src(%dma_wait3A_26 : memref<79x128xi32, #tpu.memory_space<hbm>>) dst(%arg7 : memref<79x128xi32, #tpu.memory_space<vmem>>)
      tpu.yield
    }) : () -> ()
    "tpu.region"() ({
      %run_scoped3A = tpu.sem_alloc : memref<!tpu.dma_semaphore, #tpu.memory_space<semaphore_mem>>
      %dma_start3A = arith.constant 0 : i32
      %dma_start3A_13 = arith.constant 0 : i32
      %dma_start3A_14 = tpu.memref_slice %arg4[%add3A, %dma_start3A, %dma_start3A_13] : memref<32x79x128xi32, #tpu.memory_space<hbm>> -> memref<1x79x128xi32, #tpu.memory_space<hbm>>
      %dma_start3A_15 = tpu.memref_squeeze %dma_start3A_14 : memref<1x79x128xi32, #tpu.memory_space<hbm>> -> memref<79x128xi32, #tpu.memory_space<hbm>>
      %dma_start3A_16 = arith.constant 0 : i32
      %dma_start3A_17 = arith.constant 0 : i32
      %dma_start3A_18 = tpu.memref_slice %arg4[%add3A, %dma_start3A_16, %dma_start3A_17] : memref<32x79x128xi32, #tpu.memory_space<hbm>> -> memref<1x79x128xi32, #tpu.memory_space<hbm>>
      %dma_start3A_19 = tpu.memref_squeeze %dma_start3A_18 : memref<1x79x128xi32, #tpu.memory_space<hbm>> -> memref<79x128xi32, #tpu.memory_space<hbm>>
      tpu.enqueue_dma source(%dma_start3A_19 : memref<79x128xi32, #tpu.memory_space<hbm>>) target(%arg8 : memref<79x128xi32, #tpu.memory_space<vmem>>) target_semaphore(%run_scoped3A : memref<!tpu.dma_semaphore, #tpu.memory_space<semaphore_mem>>)
      %dma_wait3A = arith.constant 0 : i32
      %dma_wait3A_20 = arith.constant 0 : i32
      %dma_wait3A_21 = tpu.memref_slice %arg4[%add3A, %dma_wait3A, %dma_wait3A_20] : memref<32x79x128xi32, #tpu.memory_space<hbm>> -> memref<1x79x128xi32, #tpu.memory_space<hbm>>
      %dma_wait3A_22 = tpu.memref_squeeze %dma_wait3A_21 : memref<1x79x128xi32, #tpu.memory_space<hbm>> -> memref<79x128xi32, #tpu.memory_space<hbm>>
      %dma_wait3A_23 = arith.constant 0 : i32
      %dma_wait3A_24 = arith.constant 0 : i32
      %dma_wait3A_25 = tpu.memref_slice %arg4[%add3A, %dma_wait3A_23, %dma_wait3A_24] : memref<32x79x128xi32, #tpu.memory_space<hbm>> -> memref<1x79x128xi32, #tpu.memory_space<hbm>>
      %dma_wait3A_26 = tpu.memref_squeeze %dma_wait3A_25 : memref<1x79x128xi32, #tpu.memory_space<hbm>> -> memref<79x128xi32, #tpu.memory_space<hbm>>
      tpu.wait_dma2 semaphore(%run_scoped3A : memref<!tpu.dma_semaphore, #tpu.memory_space<semaphore_mem>>) src(%dma_wait3A_26 : memref<79x128xi32, #tpu.memory_space<hbm>>) dst(%arg8 : memref<79x128xi32, #tpu.memory_space<vmem>>)
      tpu.yield
    }) : () -> ()
    %mul3A_1 = arith.constant 640 : i32
    %mul3A_2 = arith.muli %arg1, %mul3A_1 : i32
    "tpu.region"() ({
      %run_scoped3A = tpu.sem_alloc : memref<!tpu.dma_semaphore, #tpu.memory_space<semaphore_mem>>
      %dma_start3A = arith.constant 0 : i32
      %dma_start3A_13 = tpu.memref_slice %arg10[%mul3A_2, %dma_start3A] : memref<10240x128xf32, #tpu.memory_space<vmem_shared>> -> memref<640x128xf32, #tpu.memory_space<vmem_shared>>
      tpu.enqueue_dma source(%arg5 : memref<640x128xf32, #tpu.memory_space<hbm>>) target(%dma_start3A_13 : memref<640x128xf32, #tpu.memory_space<vmem_shared>>) target_semaphore(%run_scoped3A : memref<!tpu.dma_semaphore, #tpu.memory_space<semaphore_mem>>)
      %dma_wait3A = arith.constant 0 : i32
      %dma_wait3A_14 = tpu.memref_slice %arg10[%mul3A_2, %dma_wait3A] : memref<10240x128xf32, #tpu.memory_space<vmem_shared>> -> memref<640x128xf32, #tpu.memory_space<vmem_shared>>
      tpu.wait_dma2 semaphore(%run_scoped3A : memref<!tpu.dma_semaphore, #tpu.memory_space<semaphore_mem>>) src(%arg5 : memref<640x128xf32, #tpu.memory_space<hbm>>) dst(%dma_wait3A_14 : memref<640x128xf32, #tpu.memory_space<vmem_shared>>)
      tpu.yield
    }) : () -> ()
    %barrier3A = arith.constant 0 : index
    tpu.barrier barrier_id(%barrier3A)
    %scan3A = arith.constant 0 : i32
    %scan3A_3 = arith.constant 0 : i32
    %scan3A_4 = arith.constant 79 : i32
    %scan3A_5 = arith.addi %scan3A_3, %scan3A_4 : i32
    %scan3A_6 = arith.constant 1 : i32
    scf.for %scan3A_13 = %scan3A_3 to %scan3A_5 step %scan3A_6  : i32 {
      %dma_start3A = arith.constant 0 : i32
      %dma_start3A_14 = tpu.memref_slice %arg7[%scan3A_13, %dma_start3A] : memref<79x128xi32, #tpu.memory_space<vmem>> -> memref<1x128xi32, #tpu.memory_space<vmem>>
      %dma_start3A_15 = tpu.memref_squeeze %dma_start3A_14 : memref<1x128xi32, #tpu.memory_space<vmem>> -> memref<128xi32, #tpu.memory_space<vmem>>
      %dma_start3A_16 = arith.constant 0 : i32
      %dma_start3A_17 = arith.constant 0 : i32
      %dma_start3A_18 = tpu.memref_slice %arg2[%dma_start3A_16, %dma_start3A_17] : memref<10000x128xf32, #tpu.memory_space<hbm>> -> memref<10000x128xf32, #tpu.memory_space<hbm>>
      tpu.enqueue_indirect_dma source(%dma_start3A_18 : memref<10000x128xf32, #tpu.memory_space<hbm>>) target(%arg9 : memref<128x128xf32, #tpu.memory_space<vmem>>) offsets(%dma_start3A_15 : memref<128xi32, #tpu.memory_space<vmem>>) semaphore(%arg11 : memref<!tpu.dma_semaphore, #tpu.memory_space<semaphore_mem>>)
      %dma_wait3A = arith.constant 0 : i32
      %dma_wait3A_19 = tpu.memref_slice %arg7[%scan3A_13, %dma_wait3A] : memref<79x128xi32, #tpu.memory_space<vmem>> -> memref<1x128xi32, #tpu.memory_space<vmem>>
      %dma_wait3A_20 = tpu.memref_squeeze %dma_wait3A_19 : memref<1x128xi32, #tpu.memory_space<vmem>> -> memref<128xi32, #tpu.memory_space<vmem>>
      %dma_wait3A_21 = arith.constant 0 : i32
      %dma_wait3A_22 = arith.constant 0 : i32
      %dma_wait3A_23 = tpu.memref_slice %arg2[%dma_wait3A_21, %dma_wait3A_22] : memref<10000x128xf32, #tpu.memory_space<hbm>> -> memref<10000x128xf32, #tpu.memory_space<hbm>>
      tpu.wait_indirect_dma semaphore(%arg11 : memref<!tpu.dma_semaphore, #tpu.memory_space<semaphore_mem>>) src(%dma_wait3A_23 : memref<10000x128xf32, #tpu.memory_space<hbm>>) dst(%arg9 : memref<128x128xf32, #tpu.memory_space<vmem>>)
      "tpu.region"() ({
        %run_scoped3A = tpu.sem_alloc : memref<!tpu.dma_semaphore, #tpu.memory_space<semaphore_mem>>
        %dma_start3A_24 = arith.constant 0 : i32
        %dma_start3A_25 = tpu.memref_slice %arg8[%scan3A_13, %dma_start3A_24] : memref<79x128xi32, #tpu.memory_space<vmem>> -> memref<1x128xi32, #tpu.memory_space<vmem>>
        %dma_start3A_26 = tpu.memref_squeeze %dma_start3A_25 : memref<1x128xi32, #tpu.memory_space<vmem>> -> memref<128xi32, #tpu.memory_space<vmem>>
        %dma_start3A_27 = arith.constant 0 : i32
        %dma_start3A_28 = arith.constant 0 : i32
        %dma_start3A_29 = tpu.memref_slice %arg10[%dma_start3A_27, %dma_start3A_28] : memref<10240x128xf32, #tpu.memory_space<vmem_shared>> -> memref<10240x128xf32, #tpu.memory_space<vmem_shared>>
        tpu.enqueue_indirect_dma source(%arg9 : memref<128x128xf32, #tpu.memory_space<vmem>>) target(%dma_start3A_29 : memref<10240x128xf32, #tpu.memory_space<vmem_shared>>) offsets(%dma_start3A_26 : memref<128xi32, #tpu.memory_space<vmem>>) semaphore(%run_scoped3A : memref<!tpu.dma_semaphore, #tpu.memory_space<semaphore_mem>>) {add = true}
        %dma_wait3A_30 = arith.constant 0 : i32
        %dma_wait3A_31 = tpu.memref_slice %arg8[%scan3A_13, %dma_wait3A_30] : memref<79x128xi32, #tpu.memory_space<vmem>> -> memref<1x128xi32, #tpu.memory_space<vmem>>
        %dma_wait3A_32 = tpu.memref_squeeze %dma_wait3A_31 : memref<1x128xi32, #tpu.memory_space<vmem>> -> memref<128xi32, #tpu.memory_space<vmem>>
        %dma_wait3A_33 = arith.constant 0 : i32
        %dma_wait3A_34 = arith.constant 0 : i32
        %dma_wait3A_35 = tpu.memref_slice %arg10[%dma_wait3A_33, %dma_wait3A_34] : memref<10240x128xf32, #tpu.memory_space<vmem_shared>> -> memref<10240x128xf32, #tpu.memory_space<vmem_shared>>
        tpu.wait_indirect_dma semaphore(%run_scoped3A : memref<!tpu.dma_semaphore, #tpu.memory_space<semaphore_mem>>) src(%arg9 : memref<128x128xf32, #tpu.memory_space<vmem>>) dst(%dma_wait3A_35 : memref<10240x128xf32, #tpu.memory_space<vmem_shared>>)
        tpu.yield
      }) : () -> ()
    }
    %scan3A_7 = arith.constant 79 : i32
    %barrier3A_8 = arith.constant 0 : index
    tpu.barrier barrier_id(%barrier3A_8)
    %mul3A_9 = arith.constant 640 : i32
    %mul3A_10 = arith.muli %arg1, %mul3A_9 : i32
    %mul3A_11 = arith.constant 640 : i32
    %mul3A_12 = arith.muli %arg1, %mul3A_11 : i32
    "tpu.region"() ({
      %run_scoped3A = tpu.sem_alloc : memref<!tpu.dma_semaphore, #tpu.memory_space<semaphore_mem>>
      %dma_start3A = arith.constant 0 : i32
      %dma_start3A_13 = arith.constant 0 : i32
      %dma_start3A_14 = tpu.memref_slice %arg6[%arg0, %dma_start3A, %dma_start3A_13] : memref<2x10240x128xf32, #tpu.memory_space<hbm>> -> memref<1x10240x128xf32, #tpu.memory_space<hbm>>
      %dma_start3A_15 = tpu.memref_squeeze %dma_start3A_14 : memref<1x10240x128xf32, #tpu.memory_space<hbm>> -> memref<10240x128xf32, #tpu.memory_space<hbm>>
      %dma_start3A_16 = arith.constant 0 : i32
      %dma_start3A_17 = tpu.memref_slice %dma_start3A_15[%mul3A_12, %dma_start3A_16] : memref<10240x128xf32, #tpu.memory_space<hbm>> -> memref<640x128xf32, #tpu.memory_space<hbm>>
      %dma_start3A_18 = arith.constant 0 : i32
      %dma_start3A_19 = tpu.memref_slice %arg10[%mul3A_10, %dma_start3A_18] : memref<10240x128xf32, #tpu.memory_space<vmem_shared>> -> memref<640x128xf32, #tpu.memory_space<vmem_shared>>
      tpu.enqueue_dma source(%dma_start3A_19 : memref<640x128xf32, #tpu.memory_space<vmem_shared>>) target(%dma_start3A_17 : memref<640x128xf32, #tpu.memory_space<hbm>>) target_semaphore(%run_scoped3A : memref<!tpu.dma_semaphore, #tpu.memory_space<semaphore_mem>>)
      %dma_wait3A = arith.constant 0 : i32
      %dma_wait3A_20 = arith.constant 0 : i32
      %dma_wait3A_21 = tpu.memref_slice %arg6[%arg0, %dma_wait3A, %dma_wait3A_20] : memref<2x10240x128xf32, #tpu.memory_space<hbm>> -> memref<1x10240x128xf32, #tpu.memory_space<hbm>>
      %dma_wait3A_22 = tpu.memref_squeeze %dma_wait3A_21 : memref<1x10240x128xf32, #tpu.memory_space<hbm>> -> memref<10240x128xf32, #tpu.memory_space<hbm>>
      %dma_wait3A_23 = arith.constant 0 : i32
      %dma_wait3A_24 = tpu.memref_slice %dma_wait3A_22[%mul3A_12, %dma_wait3A_23] : memref<10240x128xf32, #tpu.memory_space<hbm>> -> memref<640x128xf32, #tpu.memory_space<hbm>>
      %dma_wait3A_25 = arith.constant 0 : i32
      %dma_wait3A_26 = tpu.memref_slice %arg10[%mul3A_10, %dma_wait3A_25] : memref<10240x128xf32, #tpu.memory_space<vmem_shared>> -> memref<640x128xf32, #tpu.memory_space<vmem_shared>>
      tpu.wait_dma2 semaphore(%run_scoped3A : memref<!tpu.dma_semaphore, #tpu.memory_space<semaphore_mem>>) src(%dma_wait3A_26 : memref<640x128xf32, #tpu.memory_space<vmem_shared>>) dst(%dma_wait3A_24 : memref<640x128xf32, #tpu.memory_space<hbm>>)
      tpu.yield
    }) : () -> ()
    return
  }
}

#map = affine_map<(d0, d1) -> (0, 0)>
#map1 = affine_map<(d0, d1) -> (0, 0, 0)>
module attributes {stable_mosaic.version = 14 : i64} {
  func.func @_sc_aggregate(%arg0: i32, %arg1: i32, %arg2: memref<10000x128xf32, #tpu.memory_space<hbm>>, %arg3: memref<32x79x128xi32, #tpu.memory_space<hbm>>, %arg4: memref<32x79x128xi32, #tpu.memory_space<hbm>>, %arg5: memref<640x128xf32, #tpu.memory_space<hbm>>, %arg6: memref<2x10240x128xf32, #tpu.memory_space<hbm>>, %arg7: memref<79x128xi32, #tpu.memory_space<vmem>>, %arg8: memref<79x128xi32, #tpu.memory_space<vmem>>, %arg9: memref<128x128xf32, #tpu.memory_space<vmem>>, %arg10: memref<10240x128xf32, #tpu.memory_space<vmem_shared>>, %arg11: memref<!tpu.dma_semaphore, #tpu.memory_space<semaphore_mem>>) attributes {dimension_semantics = [#tpu.dimension_semantics<core_parallel>, #tpu.dimension_semantics<subcore_parallel>], iteration_bounds = array<i64: 2, 16>, scalar_prefetch = 0 : i64, scratch_operands = 5 : i64, tpu.core_type = #tpu.core_type<sc_vector_subcore>, window_params = [{transform_indices = #map}, {transform_indices = #map1}, {transform_indices = #map1}, {transform_indices = #map}, {transform_indices = #map1}]} {
    %mul3A = arith.constant 2 : i32
    %mul3A_0 = arith.muli %arg1, %mul3A : i32
    %add3A = arith.addi %mul3A_0, %arg0 : i32
    "tpu.region"() ({
      %run_scoped3A = tpu.sem_alloc : memref<!tpu.dma_semaphore, #tpu.memory_space<semaphore_mem>>
      %dma_start3A = arith.constant 0 : i32
      %dma_start3A_13 = arith.constant 0 : i32
      %dma_start3A_14 = tpu.memref_slice %arg3[%add3A, %dma_start3A, %dma_start3A_13] : memref<32x79x128xi32, #tpu.memory_space<hbm>> -> memref<1x79x128xi32, #tpu.memory_space<hbm>>
      %dma_start3A_15 = tpu.memref_squeeze %dma_start3A_14 : memref<1x79x128xi32, #tpu.memory_space<hbm>> -> memref<79x128xi32, #tpu.memory_space<hbm>>
      %dma_start3A_16 = arith.constant 0 : i32
      %dma_start3A_17 = arith.constant 0 : i32
      %dma_start3A_18 = tpu.memref_slice %arg3[%add3A, %dma_start3A_16, %dma_start3A_17] : memref<32x79x128xi32, #tpu.memory_space<hbm>> -> memref<1x79x128xi32, #tpu.memory_space<hbm>>
      %dma_start3A_19 = tpu.memref_squeeze %dma_start3A_18 : memref<1x79x128xi32, #tpu.memory_space<hbm>> -> memref<79x128xi32, #tpu.memory_space<hbm>>
      tpu.enqueue_dma source(%dma_start3A_19 : memref<79x128xi32, #tpu.memory_space<hbm>>) target(%arg7 : memref<79x128xi32, #tpu.memory_space<vmem>>) target_semaphore(%run_scoped3A : memref<!tpu.dma_semaphore, #tpu.memory_space<semaphore_mem>>)
      %dma_wait3A = arith.constant 0 : i32
      %dma_wait3A_20 = arith.constant 0 : i32
      %dma_wait3A_21 = tpu.memref_slice %arg3[%add3A, %dma_wait3A, %dma_wait3A_20] : memref<32x79x128xi32, #tpu.memory_space<hbm>> -> memref<1x79x128xi32, #tpu.memory_space<hbm>>
      %dma_wait3A_22 = tpu.memref_squeeze %dma_wait3A_21 : memref<1x79x128xi32, #tpu.memory_space<hbm>> -> memref<79x128xi32, #tpu.memory_space<hbm>>
      %dma_wait3A_23 = arith.constant 0 : i32
      %dma_wait3A_24 = arith.constant 0 : i32
      %dma_wait3A_25 = tpu.memref_slice %arg3[%add3A, %dma_wait3A_23, %dma_wait3A_24] : memref<32x79x128xi32, #tpu.memory_space<hbm>> -> memref<1x79x128xi32, #tpu.memory_space<hbm>>
      %dma_wait3A_26 = tpu.memref_squeeze %dma_wait3A_25 : memref<1x79x128xi32, #tpu.memory_space<hbm>> -> memref<79x128xi32, #tpu.memory_space<hbm>>
      tpu.wait_dma2 semaphore(%run_scoped3A : memref<!tpu.dma_semaphore, #tpu.memory_space<semaphore_mem>>) src(%dma_wait3A_26 : memref<79x128xi32, #tpu.memory_space<hbm>>) dst(%arg7 : memref<79x128xi32, #tpu.memory_space<vmem>>)
      tpu.yield
    }) : () -> ()
    "tpu.region"() ({
      %run_scoped3A = tpu.sem_alloc : memref<!tpu.dma_semaphore, #tpu.memory_space<semaphore_mem>>
      %dma_start3A = arith.constant 0 : i32
      %dma_start3A_13 = arith.constant 0 : i32
      %dma_start3A_14 = tpu.memref_slice %arg4[%add3A, %dma_start3A, %dma_start3A_13] : memref<32x79x128xi32, #tpu.memory_space<hbm>> -> memref<1x79x128xi32, #tpu.memory_space<hbm>>
      %dma_start3A_15 = tpu.memref_squeeze %dma_start3A_14 : memref<1x79x128xi32, #tpu.memory_space<hbm>> -> memref<79x128xi32, #tpu.memory_space<hbm>>
      %dma_start3A_16 = arith.constant 0 : i32
      %dma_start3A_17 = arith.constant 0 : i32
      %dma_start3A_18 = tpu.memref_slice %arg4[%add3A, %dma_start3A_16, %dma_start3A_17] : memref<32x79x128xi32, #tpu.memory_space<hbm>> -> memref<1x79x128xi32, #tpu.memory_space<hbm>>
      %dma_start3A_19 = tpu.memref_squeeze %dma_start3A_18 : memref<1x79x128xi32, #tpu.memory_space<hbm>> -> memref<79x128xi32, #tpu.memory_space<hbm>>
      tpu.enqueue_dma source(%dma_start3A_19 : memref<79x128xi32, #tpu.memory_space<hbm>>) target(%arg8 : memref<79x128xi32, #tpu.memory_space<vmem>>) target_semaphore(%run_scoped3A : memref<!tpu.dma_semaphore, #tpu.memory_space<semaphore_mem>>)
      %dma_wait3A = arith.constant 0 : i32
      %dma_wait3A_20 = arith.constant 0 : i32
      %dma_wait3A_21 = tpu.memref_slice %arg4[%add3A, %dma_wait3A, %dma_wait3A_20] : memref<32x79x128xi32, #tpu.memory_space<hbm>> -> memref<1x79x128xi32, #tpu.memory_space<hbm>>
      %dma_wait3A_22 = tpu.memref_squeeze %dma_wait3A_21 : memref<1x79x128xi32, #tpu.memory_space<hbm>> -> memref<79x128xi32, #tpu.memory_space<hbm>>
      %dma_wait3A_23 = arith.constant 0 : i32
      %dma_wait3A_24 = arith.constant 0 : i32
      %dma_wait3A_25 = tpu.memref_slice %arg4[%add3A, %dma_wait3A_23, %dma_wait3A_24] : memref<32x79x128xi32, #tpu.memory_space<hbm>> -> memref<1x79x128xi32, #tpu.memory_space<hbm>>
      %dma_wait3A_26 = tpu.memref_squeeze %dma_wait3A_25 : memref<1x79x128xi32, #tpu.memory_space<hbm>> -> memref<79x128xi32, #tpu.memory_space<hbm>>
      tpu.wait_dma2 semaphore(%run_scoped3A : memref<!tpu.dma_semaphore, #tpu.memory_space<semaphore_mem>>) src(%dma_wait3A_26 : memref<79x128xi32, #tpu.memory_space<hbm>>) dst(%arg8 : memref<79x128xi32, #tpu.memory_space<vmem>>)
      tpu.yield
    }) : () -> ()
    %mul3A_1 = arith.constant 640 : i32
    %mul3A_2 = arith.muli %arg1, %mul3A_1 : i32
    "tpu.region"() ({
      %run_scoped3A = tpu.sem_alloc : memref<!tpu.dma_semaphore, #tpu.memory_space<semaphore_mem>>
      %dma_start3A = arith.constant 0 : i32
      %dma_start3A_13 = tpu.memref_slice %arg10[%mul3A_2, %dma_start3A] : memref<10240x128xf32, #tpu.memory_space<vmem_shared>> -> memref<640x128xf32, #tpu.memory_space<vmem_shared>>
      tpu.enqueue_dma source(%arg5 : memref<640x128xf32, #tpu.memory_space<hbm>>) target(%dma_start3A_13 : memref<640x128xf32, #tpu.memory_space<vmem_shared>>) target_semaphore(%run_scoped3A : memref<!tpu.dma_semaphore, #tpu.memory_space<semaphore_mem>>)
      %dma_wait3A = arith.constant 0 : i32
      %dma_wait3A_14 = tpu.memref_slice %arg10[%mul3A_2, %dma_wait3A] : memref<10240x128xf32, #tpu.memory_space<vmem_shared>> -> memref<640x128xf32, #tpu.memory_space<vmem_shared>>
      tpu.wait_dma2 semaphore(%run_scoped3A : memref<!tpu.dma_semaphore, #tpu.memory_space<semaphore_mem>>) src(%arg5 : memref<640x128xf32, #tpu.memory_space<hbm>>) dst(%dma_wait3A_14 : memref<640x128xf32, #tpu.memory_space<vmem_shared>>)
      tpu.yield
    }) : () -> ()
    %barrier3A = arith.constant 0 : index
    tpu.barrier barrier_id(%barrier3A)
    %scan3A = arith.constant 0 : i32
    %scan3A_3 = arith.constant 0 : i32
    %scan3A_4 = arith.constant 79 : i32
    %scan3A_5 = arith.addi %scan3A_3, %scan3A_4 : i32
    %scan3A_6 = arith.constant 1 : i32
    scf.for %scan3A_13 = %scan3A_3 to %scan3A_5 step %scan3A_6  : i32 {
      %dma_start3A = arith.constant 0 : i32
      %dma_start3A_14 = tpu.memref_slice %arg7[%scan3A_13, %dma_start3A] : memref<79x128xi32, #tpu.memory_space<vmem>> -> memref<1x128xi32, #tpu.memory_space<vmem>>
      %dma_start3A_15 = tpu.memref_squeeze %dma_start3A_14 : memref<1x128xi32, #tpu.memory_space<vmem>> -> memref<128xi32, #tpu.memory_space<vmem>>
      %dma_start3A_16 = arith.constant 0 : i32
      %dma_start3A_17 = arith.constant 0 : i32
      %dma_start3A_18 = tpu.memref_slice %arg2[%dma_start3A_16, %dma_start3A_17] : memref<10000x128xf32, #tpu.memory_space<hbm>> -> memref<10000x128xf32, #tpu.memory_space<hbm>>
      tpu.enqueue_indirect_dma source(%dma_start3A_18 : memref<10000x128xf32, #tpu.memory_space<hbm>>) target(%arg9 : memref<128x128xf32, #tpu.memory_space<vmem>>) offsets(%dma_start3A_15 : memref<128xi32, #tpu.memory_space<vmem>>) semaphore(%arg11 : memref<!tpu.dma_semaphore, #tpu.memory_space<semaphore_mem>>)
      %dma_wait3A = arith.constant 0 : i32
      %dma_wait3A_19 = tpu.memref_slice %arg7[%scan3A_13, %dma_wait3A] : memref<79x128xi32, #tpu.memory_space<vmem>> -> memref<1x128xi32, #tpu.memory_space<vmem>>
      %dma_wait3A_20 = tpu.memref_squeeze %dma_wait3A_19 : memref<1x128xi32, #tpu.memory_space<vmem>> -> memref<128xi32, #tpu.memory_space<vmem>>
      %dma_wait3A_21 = arith.constant 0 : i32
      %dma_wait3A_22 = arith.constant 0 : i32
      %dma_wait3A_23 = tpu.memref_slice %arg2[%dma_wait3A_21, %dma_wait3A_22] : memref<10000x128xf32, #tpu.memory_space<hbm>> -> memref<10000x128xf32, #tpu.memory_space<hbm>>
      tpu.wait_indirect_dma semaphore(%arg11 : memref<!tpu.dma_semaphore, #tpu.memory_space<semaphore_mem>>) src(%dma_wait3A_23 : memref<10000x128xf32, #tpu.memory_space<hbm>>) dst(%arg9 : memref<128x128xf32, #tpu.memory_space<vmem>>)
      "tpu.region"() ({
        %run_scoped3A = tpu.sem_alloc : memref<!tpu.dma_semaphore, #tpu.memory_space<semaphore_mem>>
        %dma_start3A_24 = arith.constant 0 : i32
        %dma_start3A_25 = tpu.memref_slice %arg8[%scan3A_13, %dma_start3A_24] : memref<79x128xi32, #tpu.memory_space<vmem>> -> memref<1x128xi32, #tpu.memory_space<vmem>>
        %dma_start3A_26 = tpu.memref_squeeze %dma_start3A_25 : memref<1x128xi32, #tpu.memory_space<vmem>> -> memref<128xi32, #tpu.memory_space<vmem>>
        %dma_start3A_27 = arith.constant 0 : i32
        %dma_start3A_28 = arith.constant 0 : i32
        %dma_start3A_29 = tpu.memref_slice %arg10[%dma_start3A_27, %dma_start3A_28] : memref<10240x128xf32, #tpu.memory_space<vmem_shared>> -> memref<10240x128xf32, #tpu.memory_space<vmem_shared>>
        tpu.enqueue_indirect_dma source(%arg9 : memref<128x128xf32, #tpu.memory_space<vmem>>) target(%dma_start3A_29 : memref<10240x128xf32, #tpu.memory_space<vmem_shared>>) offsets(%dma_start3A_26 : memref<128xi32, #tpu.memory_space<vmem>>) semaphore(%run_scoped3A : memref<!tpu.dma_semaphore, #tpu.memory_space<semaphore_mem>>) {add = true}
        %dma_wait3A_30 = arith.constant 0 : i32
        %dma_wait3A_31 = tpu.memref_slice %arg8[%scan3A_13, %dma_wait3A_30] : memref<79x128xi32, #tpu.memory_space<vmem>> -> memref<1x128xi32, #tpu.memory_space<vmem>>
        %dma_wait3A_32 = tpu.memref_squeeze %dma_wait3A_31 : memref<1x128xi32, #tpu.memory_space<vmem>> -> memref<128xi32, #tpu.memory_space<vmem>>
        %dma_wait3A_33 = arith.constant 0 : i32
        %dma_wait3A_34 = arith.constant 0 : i32
        %dma_wait3A_35 = tpu.memref_slice %arg10[%dma_wait3A_33, %dma_wait3A_34] : memref<10240x128xf32, #tpu.memory_space<vmem_shared>> -> memref<10240x128xf32, #tpu.memory_space<vmem_shared>>
        tpu.wait_indirect_dma semaphore(%run_scoped3A : memref<!tpu.dma_semaphore, #tpu.memory_space<semaphore_mem>>) src(%arg9 : memref<128x128xf32, #tpu.memory_space<vmem>>) dst(%dma_wait3A_35 : memref<10240x128xf32, #tpu.memory_space<vmem_shared>>)
        tpu.yield
      }) : () -> ()
    }
    %scan3A_7 = arith.constant 79 : i32
    %barrier3A_8 = arith.constant 0 : index
    tpu.barrier barrier_id(%barrier3A_8)
    %mul3A_9 = arith.constant 640 : i32
    %mul3A_10 = arith.muli %arg1, %mul3A_9 : i32
    %mul3A_11 = arith.constant 640 : i32
    %mul3A_12 = arith.muli %arg1, %mul3A_11 : i32
    "tpu.region"() ({
      %run_scoped3A = tpu.sem_alloc : memref<!tpu.dma_semaphore, #tpu.memory_space<semaphore_mem>>
      %dma_start3A = arith.constant 0 : i32
      %dma_start3A_13 = arith.constant 0 : i32
      %dma_start3A_14 = tpu.memref_slice %arg6[%arg0, %dma_start3A, %dma_start3A_13] : memref<2x10240x128xf32, #tpu.memory_space<hbm>> -> memref<1x10240x128xf32, #tpu.memory_space<hbm>>
      %dma_start3A_15 = tpu.memref_squeeze %dma_start3A_14 : memref<1x10240x128xf32, #tpu.memory_space<hbm>> -> memref<10240x128xf32, #tpu.memory_space<hbm>>
      %dma_start3A_16 = arith.constant 0 : i32
      %dma_start3A_17 = tpu.memref_slice %dma_start3A_15[%mul3A_12, %dma_start3A_16] : memref<10240x128xf32, #tpu.memory_space<hbm>> -> memref<640x128xf32, #tpu.memory_space<hbm>>
      %dma_start3A_18 = arith.constant 0 : i32
      %dma_start3A_19 = tpu.memref_slice %arg10[%mul3A_10, %dma_start3A_18] : memref<10240x128xf32, #tpu.memory_space<vmem_shared>> -> memref<640x128xf32, #tpu.memory_space<vmem_shared>>
      tpu.enqueue_dma source(%dma_start3A_19 : memref<640x128xf32, #tpu.memory_space<vmem_shared>>) target(%dma_start3A_17 : memref<640x128xf32, #tpu.memory_space<hbm>>) target_semaphore(%run_scoped3A : memref<!tpu.dma_semaphore, #tpu.memory_space<semaphore_mem>>)
      %dma_wait3A = arith.constant 0 : i32
      %dma_wait3A_20 = arith.constant 0 : i32
      %dma_wait3A_21 = tpu.memref_slice %arg6[%arg0, %dma_wait3A, %dma_wait3A_20] : memref<2x10240x128xf32, #tpu.memory_space<hbm>> -> memref<1x10240x128xf32, #tpu.memory_space<hbm>>
      %dma_wait3A_22 = tpu.memref_squeeze %dma_wait3A_21 : memref<1x10240x128xf32, #tpu.memory_space<hbm>> -> memref<10240x128xf32, #tpu.memory_space<hbm>>
      %dma_wait3A_23 = arith.constant 0 : i32
      %dma_wait3A_24 = tpu.memref_slice %dma_wait3A_22[%mul3A_12, %dma_wait3A_23] : memref<10240x128xf32, #tpu.memory_space<hbm>> -> memref<640x128xf32, #tpu.memory_space<hbm>>
      %dma_wait3A_25 = arith.constant 0 : i32
      %dma_wait3A_26 = tpu.memref_slice %arg10[%mul3A_10, %dma_wait3A_25] : memref<10240x128xf32, #tpu.memory_space<vmem_shared>> -> memref<640x128xf32, #tpu.memory_space<vmem_shared>>
      tpu.wait_dma2 semaphore(%run_scoped3A : memref<!tpu.dma_semaphore, #tpu.memory_space<semaphore_mem>>) src(%dma_wait3A_26 : memref<640x128xf32, #tpu.memory_space<vmem_shared>>) dst(%dma_wait3A_24 : memref<640x128xf32, #tpu.memory_space<hbm>>)
      tpu.yield
    }) : () -> ()
    return
  }
}

#map = affine_map<(d0, d1) -> (0, 0)>
#map1 = affine_map<(d0, d1) -> (0, 0, 0)>
module attributes {stable_mosaic.version = 14 : i64} {
  func.func @_sc_aggregate(%arg0: i32, %arg1: i32, %arg2: memref<10000x128xf32, #tpu.memory_space<hbm>>, %arg3: memref<32x79x128xi32, #tpu.memory_space<hbm>>, %arg4: memref<32x79x128xi32, #tpu.memory_space<hbm>>, %arg5: memref<640x128xf32, #tpu.memory_space<hbm>>, %arg6: memref<2x10240x128xf32, #tpu.memory_space<hbm>>, %arg7: memref<79x128xi32, #tpu.memory_space<vmem>>, %arg8: memref<79x128xi32, #tpu.memory_space<vmem>>, %arg9: memref<128x128xf32, #tpu.memory_space<vmem>>, %arg10: memref<10240x128xf32, #tpu.memory_space<vmem_shared>>, %arg11: memref<!tpu.dma_semaphore, #tpu.memory_space<semaphore_mem>>) attributes {dimension_semantics = [#tpu.dimension_semantics<core_parallel>, #tpu.dimension_semantics<subcore_parallel>], iteration_bounds = array<i64: 2, 16>, scalar_prefetch = 0 : i64, scratch_operands = 5 : i64, tpu.core_type = #tpu.core_type<sc_vector_subcore>, window_params = [{transform_indices = #map}, {transform_indices = #map1}, {transform_indices = #map1}, {transform_indices = #map}, {transform_indices = #map1}]} {
    %mul3A = arith.constant 2 : i32
    %mul3A_0 = arith.muli %arg1, %mul3A : i32
    %add3A = arith.addi %mul3A_0, %arg0 : i32
    "tpu.region"() ({
      %run_scoped3A = tpu.sem_alloc : memref<!tpu.dma_semaphore, #tpu.memory_space<semaphore_mem>>
      %dma_start3A = arith.constant 0 : i32
      %dma_start3A_13 = arith.constant 0 : i32
      %dma_start3A_14 = tpu.memref_slice %arg3[%add3A, %dma_start3A, %dma_start3A_13] : memref<32x79x128xi32, #tpu.memory_space<hbm>> -> memref<1x79x128xi32, #tpu.memory_space<hbm>>
      %dma_start3A_15 = tpu.memref_squeeze %dma_start3A_14 : memref<1x79x128xi32, #tpu.memory_space<hbm>> -> memref<79x128xi32, #tpu.memory_space<hbm>>
      %dma_start3A_16 = arith.constant 0 : i32
      %dma_start3A_17 = arith.constant 0 : i32
      %dma_start3A_18 = tpu.memref_slice %arg3[%add3A, %dma_start3A_16, %dma_start3A_17] : memref<32x79x128xi32, #tpu.memory_space<hbm>> -> memref<1x79x128xi32, #tpu.memory_space<hbm>>
      %dma_start3A_19 = tpu.memref_squeeze %dma_start3A_18 : memref<1x79x128xi32, #tpu.memory_space<hbm>> -> memref<79x128xi32, #tpu.memory_space<hbm>>
      tpu.enqueue_dma source(%dma_start3A_19 : memref<79x128xi32, #tpu.memory_space<hbm>>) target(%arg7 : memref<79x128xi32, #tpu.memory_space<vmem>>) target_semaphore(%run_scoped3A : memref<!tpu.dma_semaphore, #tpu.memory_space<semaphore_mem>>)
      %dma_wait3A = arith.constant 0 : i32
      %dma_wait3A_20 = arith.constant 0 : i32
      %dma_wait3A_21 = tpu.memref_slice %arg3[%add3A, %dma_wait3A, %dma_wait3A_20] : memref<32x79x128xi32, #tpu.memory_space<hbm>> -> memref<1x79x128xi32, #tpu.memory_space<hbm>>
      %dma_wait3A_22 = tpu.memref_squeeze %dma_wait3A_21 : memref<1x79x128xi32, #tpu.memory_space<hbm>> -> memref<79x128xi32, #tpu.memory_space<hbm>>
      %dma_wait3A_23 = arith.constant 0 : i32
      %dma_wait3A_24 = arith.constant 0 : i32
      %dma_wait3A_25 = tpu.memref_slice %arg3[%add3A, %dma_wait3A_23, %dma_wait3A_24] : memref<32x79x128xi32, #tpu.memory_space<hbm>> -> memref<1x79x128xi32, #tpu.memory_space<hbm>>
      %dma_wait3A_26 = tpu.memref_squeeze %dma_wait3A_25 : memref<1x79x128xi32, #tpu.memory_space<hbm>> -> memref<79x128xi32, #tpu.memory_space<hbm>>
      tpu.wait_dma2 semaphore(%run_scoped3A : memref<!tpu.dma_semaphore, #tpu.memory_space<semaphore_mem>>) src(%dma_wait3A_26 : memref<79x128xi32, #tpu.memory_space<hbm>>) dst(%arg7 : memref<79x128xi32, #tpu.memory_space<vmem>>)
      tpu.yield
    }) : () -> ()
    "tpu.region"() ({
      %run_scoped3A = tpu.sem_alloc : memref<!tpu.dma_semaphore, #tpu.memory_space<semaphore_mem>>
      %dma_start3A = arith.constant 0 : i32
      %dma_start3A_13 = arith.constant 0 : i32
      %dma_start3A_14 = tpu.memref_slice %arg4[%add3A, %dma_start3A, %dma_start3A_13] : memref<32x79x128xi32, #tpu.memory_space<hbm>> -> memref<1x79x128xi32, #tpu.memory_space<hbm>>
      %dma_start3A_15 = tpu.memref_squeeze %dma_start3A_14 : memref<1x79x128xi32, #tpu.memory_space<hbm>> -> memref<79x128xi32, #tpu.memory_space<hbm>>
      %dma_start3A_16 = arith.constant 0 : i32
      %dma_start3A_17 = arith.constant 0 : i32
      %dma_start3A_18 = tpu.memref_slice %arg4[%add3A, %dma_start3A_16, %dma_start3A_17] : memref<32x79x128xi32, #tpu.memory_space<hbm>> -> memref<1x79x128xi32, #tpu.memory_space<hbm>>
      %dma_start3A_19 = tpu.memref_squeeze %dma_start3A_18 : memref<1x79x128xi32, #tpu.memory_space<hbm>> -> memref<79x128xi32, #tpu.memory_space<hbm>>
      tpu.enqueue_dma source(%dma_start3A_19 : memref<79x128xi32, #tpu.memory_space<hbm>>) target(%arg8 : memref<79x128xi32, #tpu.memory_space<vmem>>) target_semaphore(%run_scoped3A : memref<!tpu.dma_semaphore, #tpu.memory_space<semaphore_mem>>)
      %dma_wait3A = arith.constant 0 : i32
      %dma_wait3A_20 = arith.constant 0 : i32
      %dma_wait3A_21 = tpu.memref_slice %arg4[%add3A, %dma_wait3A, %dma_wait3A_20] : memref<32x79x128xi32, #tpu.memory_space<hbm>> -> memref<1x79x128xi32, #tpu.memory_space<hbm>>
      %dma_wait3A_22 = tpu.memref_squeeze %dma_wait3A_21 : memref<1x79x128xi32, #tpu.memory_space<hbm>> -> memref<79x128xi32, #tpu.memory_space<hbm>>
      %dma_wait3A_23 = arith.constant 0 : i32
      %dma_wait3A_24 = arith.constant 0 : i32
      %dma_wait3A_25 = tpu.memref_slice %arg4[%add3A, %dma_wait3A_23, %dma_wait3A_24] : memref<32x79x128xi32, #tpu.memory_space<hbm>> -> memref<1x79x128xi32, #tpu.memory_space<hbm>>
      %dma_wait3A_26 = tpu.memref_squeeze %dma_wait3A_25 : memref<1x79x128xi32, #tpu.memory_space<hbm>> -> memref<79x128xi32, #tpu.memory_space<hbm>>
      tpu.wait_dma2 semaphore(%run_scoped3A : memref<!tpu.dma_semaphore, #tpu.memory_space<semaphore_mem>>) src(%dma_wait3A_26 : memref<79x128xi32, #tpu.memory_space<hbm>>) dst(%arg8 : memref<79x128xi32, #tpu.memory_space<vmem>>)
      tpu.yield
    }) : () -> ()
    %mul3A_1 = arith.constant 640 : i32
    %mul3A_2 = arith.muli %arg1, %mul3A_1 : i32
    "tpu.region"() ({
      %run_scoped3A = tpu.sem_alloc : memref<!tpu.dma_semaphore, #tpu.memory_space<semaphore_mem>>
      %dma_start3A = arith.constant 0 : i32
      %dma_start3A_13 = tpu.memref_slice %arg10[%mul3A_2, %dma_start3A] : memref<10240x128xf32, #tpu.memory_space<vmem_shared>> -> memref<640x128xf32, #tpu.memory_space<vmem_shared>>
      tpu.enqueue_dma source(%arg5 : memref<640x128xf32, #tpu.memory_space<hbm>>) target(%dma_start3A_13 : memref<640x128xf32, #tpu.memory_space<vmem_shared>>) target_semaphore(%run_scoped3A : memref<!tpu.dma_semaphore, #tpu.memory_space<semaphore_mem>>)
      %dma_wait3A = arith.constant 0 : i32
      %dma_wait3A_14 = tpu.memref_slice %arg10[%mul3A_2, %dma_wait3A] : memref<10240x128xf32, #tpu.memory_space<vmem_shared>> -> memref<640x128xf32, #tpu.memory_space<vmem_shared>>
      tpu.wait_dma2 semaphore(%run_scoped3A : memref<!tpu.dma_semaphore, #tpu.memory_space<semaphore_mem>>) src(%arg5 : memref<640x128xf32, #tpu.memory_space<hbm>>) dst(%dma_wait3A_14 : memref<640x128xf32, #tpu.memory_space<vmem_shared>>)
      tpu.yield
    }) : () -> ()
    %barrier3A = arith.constant 0 : index
    tpu.barrier barrier_id(%barrier3A)
    %scan3A = arith.constant 0 : i32
    %scan3A_3 = arith.constant 0 : i32
    %scan3A_4 = arith.constant 79 : i32
    %scan3A_5 = arith.addi %scan3A_3, %scan3A_4 : i32
    %scan3A_6 = arith.constant 1 : i32
    scf.for %scan3A_13 = %scan3A_3 to %scan3A_5 step %scan3A_6  : i32 {
      %dma_start3A = arith.constant 0 : i32
      %dma_start3A_14 = tpu.memref_slice %arg7[%scan3A_13, %dma_start3A] : memref<79x128xi32, #tpu.memory_space<vmem>> -> memref<1x128xi32, #tpu.memory_space<vmem>>
      %dma_start3A_15 = tpu.memref_squeeze %dma_start3A_14 : memref<1x128xi32, #tpu.memory_space<vmem>> -> memref<128xi32, #tpu.memory_space<vmem>>
      %dma_start3A_16 = arith.constant 0 : i32
      %dma_start3A_17 = arith.constant 0 : i32
      %dma_start3A_18 = tpu.memref_slice %arg2[%dma_start3A_16, %dma_start3A_17] : memref<10000x128xf32, #tpu.memory_space<hbm>> -> memref<10000x128xf32, #tpu.memory_space<hbm>>
      tpu.enqueue_indirect_dma source(%dma_start3A_18 : memref<10000x128xf32, #tpu.memory_space<hbm>>) target(%arg9 : memref<128x128xf32, #tpu.memory_space<vmem>>) offsets(%dma_start3A_15 : memref<128xi32, #tpu.memory_space<vmem>>) semaphore(%arg11 : memref<!tpu.dma_semaphore, #tpu.memory_space<semaphore_mem>>)
      %dma_wait3A = arith.constant 0 : i32
      %dma_wait3A_19 = tpu.memref_slice %arg7[%scan3A_13, %dma_wait3A] : memref<79x128xi32, #tpu.memory_space<vmem>> -> memref<1x128xi32, #tpu.memory_space<vmem>>
      %dma_wait3A_20 = tpu.memref_squeeze %dma_wait3A_19 : memref<1x128xi32, #tpu.memory_space<vmem>> -> memref<128xi32, #tpu.memory_space<vmem>>
      %dma_wait3A_21 = arith.constant 0 : i32
      %dma_wait3A_22 = arith.constant 0 : i32
      %dma_wait3A_23 = tpu.memref_slice %arg2[%dma_wait3A_21, %dma_wait3A_22] : memref<10000x128xf32, #tpu.memory_space<hbm>> -> memref<10000x128xf32, #tpu.memory_space<hbm>>
      tpu.wait_indirect_dma semaphore(%arg11 : memref<!tpu.dma_semaphore, #tpu.memory_space<semaphore_mem>>) src(%dma_wait3A_23 : memref<10000x128xf32, #tpu.memory_space<hbm>>) dst(%arg9 : memref<128x128xf32, #tpu.memory_space<vmem>>)
      "tpu.region"() ({
        %run_scoped3A = tpu.sem_alloc : memref<!tpu.dma_semaphore, #tpu.memory_space<semaphore_mem>>
        %dma_start3A_24 = arith.constant 0 : i32
        %dma_start3A_25 = tpu.memref_slice %arg8[%scan3A_13, %dma_start3A_24] : memref<79x128xi32, #tpu.memory_space<vmem>> -> memref<1x128xi32, #tpu.memory_space<vmem>>
        %dma_start3A_26 = tpu.memref_squeeze %dma_start3A_25 : memref<1x128xi32, #tpu.memory_space<vmem>> -> memref<128xi32, #tpu.memory_space<vmem>>
        %dma_start3A_27 = arith.constant 0 : i32
        %dma_start3A_28 = arith.constant 0 : i32
        %dma_start3A_29 = tpu.memref_slice %arg10[%dma_start3A_27, %dma_start3A_28] : memref<10240x128xf32, #tpu.memory_space<vmem_shared>> -> memref<10240x128xf32, #tpu.memory_space<vmem_shared>>
        tpu.enqueue_indirect_dma source(%arg9 : memref<128x128xf32, #tpu.memory_space<vmem>>) target(%dma_start3A_29 : memref<10240x128xf32, #tpu.memory_space<vmem_shared>>) offsets(%dma_start3A_26 : memref<128xi32, #tpu.memory_space<vmem>>) semaphore(%run_scoped3A : memref<!tpu.dma_semaphore, #tpu.memory_space<semaphore_mem>>) {add = true}
        %dma_wait3A_30 = arith.constant 0 : i32
        %dma_wait3A_31 = tpu.memref_slice %arg8[%scan3A_13, %dma_wait3A_30] : memref<79x128xi32, #tpu.memory_space<vmem>> -> memref<1x128xi32, #tpu.memory_space<vmem>>
        %dma_wait3A_32 = tpu.memref_squeeze %dma_wait3A_31 : memref<1x128xi32, #tpu.memory_space<vmem>> -> memref<128xi32, #tpu.memory_space<vmem>>
        %dma_wait3A_33 = arith.constant 0 : i32
        %dma_wait3A_34 = arith.constant 0 : i32
        %dma_wait3A_35 = tpu.memref_slice %arg10[%dma_wait3A_33, %dma_wait3A_34] : memref<10240x128xf32, #tpu.memory_space<vmem_shared>> -> memref<10240x128xf32, #tpu.memory_space<vmem_shared>>
        tpu.wait_indirect_dma semaphore(%run_scoped3A : memref<!tpu.dma_semaphore, #tpu.memory_space<semaphore_mem>>) src(%arg9 : memref<128x128xf32, #tpu.memory_space<vmem>>) dst(%dma_wait3A_35 : memref<10240x128xf32, #tpu.memory_space<vmem_shared>>)
        tpu.yield
      }) : () -> ()
    }
    %scan3A_7 = arith.constant 79 : i32
    %barrier3A_8 = arith.constant 0 : index
    tpu.barrier barrier_id(%barrier3A_8)
    %mul3A_9 = arith.constant 640 : i32
    %mul3A_10 = arith.muli %arg1, %mul3A_9 : i32
    %mul3A_11 = arith.constant 640 : i32
    %mul3A_12 = arith.muli %arg1, %mul3A_11 : i32
    "tpu.region"() ({
      %run_scoped3A = tpu.sem_alloc : memref<!tpu.dma_semaphore, #tpu.memory_space<semaphore_mem>>
      %dma_start3A = arith.constant 0 : i32
      %dma_start3A_13 = arith.constant 0 : i32
      %dma_start3A_14 = tpu.memref_slice %arg6[%arg0, %dma_start3A, %dma_start3A_13] : memref<2x10240x128xf32, #tpu.memory_space<hbm>> -> memref<1x10240x128xf32, #tpu.memory_space<hbm>>
      %dma_start3A_15 = tpu.memref_squeeze %dma_start3A_14 : memref<1x10240x128xf32, #tpu.memory_space<hbm>> -> memref<10240x128xf32, #tpu.memory_space<hbm>>
      %dma_start3A_16 = arith.constant 0 : i32
      %dma_start3A_17 = tpu.memref_slice %dma_start3A_15[%mul3A_12, %dma_start3A_16] : memref<10240x128xf32, #tpu.memory_space<hbm>> -> memref<640x128xf32, #tpu.memory_space<hbm>>
      %dma_start3A_18 = arith.constant 0 : i32
      %dma_start3A_19 = tpu.memref_slice %arg10[%mul3A_10, %dma_start3A_18] : memref<10240x128xf32, #tpu.memory_space<vmem_shared>> -> memref<640x128xf32, #tpu.memory_space<vmem_shared>>
      tpu.enqueue_dma source(%dma_start3A_19 : memref<640x128xf32, #tpu.memory_space<vmem_shared>>) target(%dma_start3A_17 : memref<640x128xf32, #tpu.memory_space<hbm>>) target_semaphore(%run_scoped3A : memref<!tpu.dma_semaphore, #tpu.memory_space<semaphore_mem>>)
      %dma_wait3A = arith.constant 0 : i32
      %dma_wait3A_20 = arith.constant 0 : i32
      %dma_wait3A_21 = tpu.memref_slice %arg6[%arg0, %dma_wait3A, %dma_wait3A_20] : memref<2x10240x128xf32, #tpu.memory_space<hbm>> -> memref<1x10240x128xf32, #tpu.memory_space<hbm>>
      %dma_wait3A_22 = tpu.memref_squeeze %dma_wait3A_21 : memref<1x10240x128xf32, #tpu.memory_space<hbm>> -> memref<10240x128xf32, #tpu.memory_space<hbm>>
      %dma_wait3A_23 = arith.constant 0 : i32
      %dma_wait3A_24 = tpu.memref_slice %dma_wait3A_22[%mul3A_12, %dma_wait3A_23] : memref<10240x128xf32, #tpu.memory_space<hbm>> -> memref<640x128xf32, #tpu.memory_space<hbm>>
      %dma_wait3A_25 = arith.constant 0 : i32
      %dma_wait3A_26 = tpu.memref_slice %arg10[%mul3A_10, %dma_wait3A_25] : memref<10240x128xf32, #tpu.memory_space<vmem_shared>> -> memref<640x128xf32, #tpu.memory_space<vmem_shared>>
      tpu.wait_dma2 semaphore(%run_scoped3A : memref<!tpu.dma_semaphore, #tpu.memory_space<semaphore_mem>>) src(%dma_wait3A_26 : memref<640x128xf32, #tpu.memory_space<vmem_shared>>) dst(%dma_wait3A_24 : memref<640x128xf32, #tpu.memory_space<hbm>>)
      tpu.yield
    }) : () -> ()
    return
  }
}

#map = affine_map<(d0, d1) -> (0, 0)>
#map1 = affine_map<(d0, d1) -> (0, 0, 0)>
module attributes {stable_mosaic.version = 14 : i64} {
  func.func @_sc_aggregate(%arg0: i32, %arg1: i32, %arg2: memref<10000x128xf32, #tpu.memory_space<hbm>>, %arg3: memref<32x79x128xi32, #tpu.memory_space<hbm>>, %arg4: memref<32x79x128xi32, #tpu.memory_space<hbm>>, %arg5: memref<640x128xf32, #tpu.memory_space<hbm>>, %arg6: memref<2x10240x128xf32, #tpu.memory_space<hbm>>, %arg7: memref<79x128xi32, #tpu.memory_space<vmem>>, %arg8: memref<79x128xi32, #tpu.memory_space<vmem>>, %arg9: memref<128x128xf32, #tpu.memory_space<vmem>>, %arg10: memref<10240x128xf32, #tpu.memory_space<vmem_shared>>, %arg11: memref<!tpu.dma_semaphore, #tpu.memory_space<semaphore_mem>>) attributes {dimension_semantics = [#tpu.dimension_semantics<core_parallel>, #tpu.dimension_semantics<subcore_parallel>], iteration_bounds = array<i64: 2, 16>, scalar_prefetch = 0 : i64, scratch_operands = 5 : i64, tpu.core_type = #tpu.core_type<sc_vector_subcore>, window_params = [{transform_indices = #map}, {transform_indices = #map1}, {transform_indices = #map1}, {transform_indices = #map}, {transform_indices = #map1}]} {
    %mul3A = arith.constant 2 : i32
    %mul3A_0 = arith.muli %arg1, %mul3A : i32
    %add3A = arith.addi %mul3A_0, %arg0 : i32
    "tpu.region"() ({
      %run_scoped3A = tpu.sem_alloc : memref<!tpu.dma_semaphore, #tpu.memory_space<semaphore_mem>>
      %dma_start3A = arith.constant 0 : i32
      %dma_start3A_13 = arith.constant 0 : i32
      %dma_start3A_14 = tpu.memref_slice %arg3[%add3A, %dma_start3A, %dma_start3A_13] : memref<32x79x128xi32, #tpu.memory_space<hbm>> -> memref<1x79x128xi32, #tpu.memory_space<hbm>>
      %dma_start3A_15 = tpu.memref_squeeze %dma_start3A_14 : memref<1x79x128xi32, #tpu.memory_space<hbm>> -> memref<79x128xi32, #tpu.memory_space<hbm>>
      %dma_start3A_16 = arith.constant 0 : i32
      %dma_start3A_17 = arith.constant 0 : i32
      %dma_start3A_18 = tpu.memref_slice %arg3[%add3A, %dma_start3A_16, %dma_start3A_17] : memref<32x79x128xi32, #tpu.memory_space<hbm>> -> memref<1x79x128xi32, #tpu.memory_space<hbm>>
      %dma_start3A_19 = tpu.memref_squeeze %dma_start3A_18 : memref<1x79x128xi32, #tpu.memory_space<hbm>> -> memref<79x128xi32, #tpu.memory_space<hbm>>
      tpu.enqueue_dma source(%dma_start3A_19 : memref<79x128xi32, #tpu.memory_space<hbm>>) target(%arg7 : memref<79x128xi32, #tpu.memory_space<vmem>>) target_semaphore(%run_scoped3A : memref<!tpu.dma_semaphore, #tpu.memory_space<semaphore_mem>>)
      %dma_wait3A = arith.constant 0 : i32
      %dma_wait3A_20 = arith.constant 0 : i32
      %dma_wait3A_21 = tpu.memref_slice %arg3[%add3A, %dma_wait3A, %dma_wait3A_20] : memref<32x79x128xi32, #tpu.memory_space<hbm>> -> memref<1x79x128xi32, #tpu.memory_space<hbm>>
      %dma_wait3A_22 = tpu.memref_squeeze %dma_wait3A_21 : memref<1x79x128xi32, #tpu.memory_space<hbm>> -> memref<79x128xi32, #tpu.memory_space<hbm>>
      %dma_wait3A_23 = arith.constant 0 : i32
      %dma_wait3A_24 = arith.constant 0 : i32
      %dma_wait3A_25 = tpu.memref_slice %arg3[%add3A, %dma_wait3A_23, %dma_wait3A_24] : memref<32x79x128xi32, #tpu.memory_space<hbm>> -> memref<1x79x128xi32, #tpu.memory_space<hbm>>
      %dma_wait3A_26 = tpu.memref_squeeze %dma_wait3A_25 : memref<1x79x128xi32, #tpu.memory_space<hbm>> -> memref<79x128xi32, #tpu.memory_space<hbm>>
      tpu.wait_dma2 semaphore(%run_scoped3A : memref<!tpu.dma_semaphore, #tpu.memory_space<semaphore_mem>>) src(%dma_wait3A_26 : memref<79x128xi32, #tpu.memory_space<hbm>>) dst(%arg7 : memref<79x128xi32, #tpu.memory_space<vmem>>)
      tpu.yield
    }) : () -> ()
    "tpu.region"() ({
      %run_scoped3A = tpu.sem_alloc : memref<!tpu.dma_semaphore, #tpu.memory_space<semaphore_mem>>
      %dma_start3A = arith.constant 0 : i32
      %dma_start3A_13 = arith.constant 0 : i32
      %dma_start3A_14 = tpu.memref_slice %arg4[%add3A, %dma_start3A, %dma_start3A_13] : memref<32x79x128xi32, #tpu.memory_space<hbm>> -> memref<1x79x128xi32, #tpu.memory_space<hbm>>
      %dma_start3A_15 = tpu.memref_squeeze %dma_start3A_14 : memref<1x79x128xi32, #tpu.memory_space<hbm>> -> memref<79x128xi32, #tpu.memory_space<hbm>>
      %dma_start3A_16 = arith.constant 0 : i32
      %dma_start3A_17 = arith.constant 0 : i32
      %dma_start3A_18 = tpu.memref_slice %arg4[%add3A, %dma_start3A_16, %dma_start3A_17] : memref<32x79x128xi32, #tpu.memory_space<hbm>> -> memref<1x79x128xi32, #tpu.memory_space<hbm>>
      %dma_start3A_19 = tpu.memref_squeeze %dma_start3A_18 : memref<1x79x128xi32, #tpu.memory_space<hbm>> -> memref<79x128xi32, #tpu.memory_space<hbm>>
      tpu.enqueue_dma source(%dma_start3A_19 : memref<79x128xi32, #tpu.memory_space<hbm>>) target(%arg8 : memref<79x128xi32, #tpu.memory_space<vmem>>) target_semaphore(%run_scoped3A : memref<!tpu.dma_semaphore, #tpu.memory_space<semaphore_mem>>)
      %dma_wait3A = arith.constant 0 : i32
      %dma_wait3A_20 = arith.constant 0 : i32
      %dma_wait3A_21 = tpu.memref_slice %arg4[%add3A, %dma_wait3A, %dma_wait3A_20] : memref<32x79x128xi32, #tpu.memory_space<hbm>> -> memref<1x79x128xi32, #tpu.memory_space<hbm>>
      %dma_wait3A_22 = tpu.memref_squeeze %dma_wait3A_21 : memref<1x79x128xi32, #tpu.memory_space<hbm>> -> memref<79x128xi32, #tpu.memory_space<hbm>>
      %dma_wait3A_23 = arith.constant 0 : i32
      %dma_wait3A_24 = arith.constant 0 : i32
      %dma_wait3A_25 = tpu.memref_slice %arg4[%add3A, %dma_wait3A_23, %dma_wait3A_24] : memref<32x79x128xi32, #tpu.memory_space<hbm>> -> memref<1x79x128xi32, #tpu.memory_space<hbm>>
      %dma_wait3A_26 = tpu.memref_squeeze %dma_wait3A_25 : memref<1x79x128xi32, #tpu.memory_space<hbm>> -> memref<79x128xi32, #tpu.memory_space<hbm>>
      tpu.wait_dma2 semaphore(%run_scoped3A : memref<!tpu.dma_semaphore, #tpu.memory_space<semaphore_mem>>) src(%dma_wait3A_26 : memref<79x128xi32, #tpu.memory_space<hbm>>) dst(%arg8 : memref<79x128xi32, #tpu.memory_space<vmem>>)
      tpu.yield
    }) : () -> ()
    %mul3A_1 = arith.constant 640 : i32
    %mul3A_2 = arith.muli %arg1, %mul3A_1 : i32
    "tpu.region"() ({
      %run_scoped3A = tpu.sem_alloc : memref<!tpu.dma_semaphore, #tpu.memory_space<semaphore_mem>>
      %dma_start3A = arith.constant 0 : i32
      %dma_start3A_13 = tpu.memref_slice %arg10[%mul3A_2, %dma_start3A] : memref<10240x128xf32, #tpu.memory_space<vmem_shared>> -> memref<640x128xf32, #tpu.memory_space<vmem_shared>>
      tpu.enqueue_dma source(%arg5 : memref<640x128xf32, #tpu.memory_space<hbm>>) target(%dma_start3A_13 : memref<640x128xf32, #tpu.memory_space<vmem_shared>>) target_semaphore(%run_scoped3A : memref<!tpu.dma_semaphore, #tpu.memory_space<semaphore_mem>>)
      %dma_wait3A = arith.constant 0 : i32
      %dma_wait3A_14 = tpu.memref_slice %arg10[%mul3A_2, %dma_wait3A] : memref<10240x128xf32, #tpu.memory_space<vmem_shared>> -> memref<640x128xf32, #tpu.memory_space<vmem_shared>>
      tpu.wait_dma2 semaphore(%run_scoped3A : memref<!tpu.dma_semaphore, #tpu.memory_space<semaphore_mem>>) src(%arg5 : memref<640x128xf32, #tpu.memory_space<hbm>>) dst(%dma_wait3A_14 : memref<640x128xf32, #tpu.memory_space<vmem_shared>>)
      tpu.yield
    }) : () -> ()
    %barrier3A = arith.constant 0 : index
    tpu.barrier barrier_id(%barrier3A)
    %scan3A = arith.constant 0 : i32
    %scan3A_3 = arith.constant 0 : i32
    %scan3A_4 = arith.constant 79 : i32
    %scan3A_5 = arith.addi %scan3A_3, %scan3A_4 : i32
    %scan3A_6 = arith.constant 1 : i32
    scf.for %scan3A_13 = %scan3A_3 to %scan3A_5 step %scan3A_6  : i32 {
      %dma_start3A = arith.constant 0 : i32
      %dma_start3A_14 = tpu.memref_slice %arg7[%scan3A_13, %dma_start3A] : memref<79x128xi32, #tpu.memory_space<vmem>> -> memref<1x128xi32, #tpu.memory_space<vmem>>
      %dma_start3A_15 = tpu.memref_squeeze %dma_start3A_14 : memref<1x128xi32, #tpu.memory_space<vmem>> -> memref<128xi32, #tpu.memory_space<vmem>>
      %dma_start3A_16 = arith.constant 0 : i32
      %dma_start3A_17 = arith.constant 0 : i32
      %dma_start3A_18 = tpu.memref_slice %arg2[%dma_start3A_16, %dma_start3A_17] : memref<10000x128xf32, #tpu.memory_space<hbm>> -> memref<10000x128xf32, #tpu.memory_space<hbm>>
      tpu.enqueue_indirect_dma source(%dma_start3A_18 : memref<10000x128xf32, #tpu.memory_space<hbm>>) target(%arg9 : memref<128x128xf32, #tpu.memory_space<vmem>>) offsets(%dma_start3A_15 : memref<128xi32, #tpu.memory_space<vmem>>) semaphore(%arg11 : memref<!tpu.dma_semaphore, #tpu.memory_space<semaphore_mem>>)
      %dma_wait3A = arith.constant 0 : i32
      %dma_wait3A_19 = tpu.memref_slice %arg7[%scan3A_13, %dma_wait3A] : memref<79x128xi32, #tpu.memory_space<vmem>> -> memref<1x128xi32, #tpu.memory_space<vmem>>
      %dma_wait3A_20 = tpu.memref_squeeze %dma_wait3A_19 : memref<1x128xi32, #tpu.memory_space<vmem>> -> memref<128xi32, #tpu.memory_space<vmem>>
      %dma_wait3A_21 = arith.constant 0 : i32
      %dma_wait3A_22 = arith.constant 0 : i32
      %dma_wait3A_23 = tpu.memref_slice %arg2[%dma_wait3A_21, %dma_wait3A_22] : memref<10000x128xf32, #tpu.memory_space<hbm>> -> memref<10000x128xf32, #tpu.memory_space<hbm>>
      tpu.wait_indirect_dma semaphore(%arg11 : memref<!tpu.dma_semaphore, #tpu.memory_space<semaphore_mem>>) src(%dma_wait3A_23 : memref<10000x128xf32, #tpu.memory_space<hbm>>) dst(%arg9 : memref<128x128xf32, #tpu.memory_space<vmem>>)
      "tpu.region"() ({
        %run_scoped3A = tpu.sem_alloc : memref<!tpu.dma_semaphore, #tpu.memory_space<semaphore_mem>>
        %dma_start3A_24 = arith.constant 0 : i32
        %dma_start3A_25 = tpu.memref_slice %arg8[%scan3A_13, %dma_start3A_24] : memref<79x128xi32, #tpu.memory_space<vmem>> -> memref<1x128xi32, #tpu.memory_space<vmem>>
        %dma_start3A_26 = tpu.memref_squeeze %dma_start3A_25 : memref<1x128xi32, #tpu.memory_space<vmem>> -> memref<128xi32, #tpu.memory_space<vmem>>
        %dma_start3A_27 = arith.constant 0 : i32
        %dma_start3A_28 = arith.constant 0 : i32
        %dma_start3A_29 = tpu.memref_slice %arg10[%dma_start3A_27, %dma_start3A_28] : memref<10240x128xf32, #tpu.memory_space<vmem_shared>> -> memref<10240x128xf32, #tpu.memory_space<vmem_shared>>
        tpu.enqueue_indirect_dma source(%arg9 : memref<128x128xf32, #tpu.memory_space<vmem>>) target(%dma_start3A_29 : memref<10240x128xf32, #tpu.memory_space<vmem_shared>>) offsets(%dma_start3A_26 : memref<128xi32, #tpu.memory_space<vmem>>) semaphore(%run_scoped3A : memref<!tpu.dma_semaphore, #tpu.memory_space<semaphore_mem>>) {add = true}
        %dma_wait3A_30 = arith.constant 0 : i32
        %dma_wait3A_31 = tpu.memref_slice %arg8[%scan3A_13, %dma_wait3A_30] : memref<79x128xi32, #tpu.memory_space<vmem>> -> memref<1x128xi32, #tpu.memory_space<vmem>>
        %dma_wait3A_32 = tpu.memref_squeeze %dma_wait3A_31 : memref<1x128xi32, #tpu.memory_space<vmem>> -> memref<128xi32, #tpu.memory_space<vmem>>
        %dma_wait3A_33 = arith.constant 0 : i32
        %dma_wait3A_34 = arith.constant 0 : i32
        %dma_wait3A_35 = tpu.memref_slice %arg10[%dma_wait3A_33, %dma_wait3A_34] : memref<10240x128xf32, #tpu.memory_space<vmem_shared>> -> memref<10240x128xf32, #tpu.memory_space<vmem_shared>>
        tpu.wait_indirect_dma semaphore(%run_scoped3A : memref<!tpu.dma_semaphore, #tpu.memory_space<semaphore_mem>>) src(%arg9 : memref<128x128xf32, #tpu.memory_space<vmem>>) dst(%dma_wait3A_35 : memref<10240x128xf32, #tpu.memory_space<vmem_shared>>)
        tpu.yield
      }) : () -> ()
    }
    %scan3A_7 = arith.constant 79 : i32
    %barrier3A_8 = arith.constant 0 : index
    tpu.barrier barrier_id(%barrier3A_8)
    %mul3A_9 = arith.constant 640 : i32
    %mul3A_10 = arith.muli %arg1, %mul3A_9 : i32
    %mul3A_11 = arith.constant 640 : i32
    %mul3A_12 = arith.muli %arg1, %mul3A_11 : i32
    "tpu.region"() ({
      %run_scoped3A = tpu.sem_alloc : memref<!tpu.dma_semaphore, #tpu.memory_space<semaphore_mem>>
      %dma_start3A = arith.constant 0 : i32
      %dma_start3A_13 = arith.constant 0 : i32
      %dma_start3A_14 = tpu.memref_slice %arg6[%arg0, %dma_start3A, %dma_start3A_13] : memref<2x10240x128xf32, #tpu.memory_space<hbm>> -> memref<1x10240x128xf32, #tpu.memory_space<hbm>>
      %dma_start3A_15 = tpu.memref_squeeze %dma_start3A_14 : memref<1x10240x128xf32, #tpu.memory_space<hbm>> -> memref<10240x128xf32, #tpu.memory_space<hbm>>
      %dma_start3A_16 = arith.constant 0 : i32
      %dma_start3A_17 = tpu.memref_slice %dma_start3A_15[%mul3A_12, %dma_start3A_16] : memref<10240x128xf32, #tpu.memory_space<hbm>> -> memref<640x128xf32, #tpu.memory_space<hbm>>
      %dma_start3A_18 = arith.constant 0 : i32
      %dma_start3A_19 = tpu.memref_slice %arg10[%mul3A_10, %dma_start3A_18] : memref<10240x128xf32, #tpu.memory_space<vmem_shared>> -> memref<640x128xf32, #tpu.memory_space<vmem_shared>>
      tpu.enqueue_dma source(%dma_start3A_19 : memref<640x128xf32, #tpu.memory_space<vmem_shared>>) target(%dma_start3A_17 : memref<640x128xf32, #tpu.memory_space<hbm>>) target_semaphore(%run_scoped3A : memref<!tpu.dma_semaphore, #tpu.memory_space<semaphore_mem>>)
      %dma_wait3A = arith.constant 0 : i32
      %dma_wait3A_20 = arith.constant 0 : i32
      %dma_wait3A_21 = tpu.memref_slice %arg6[%arg0, %dma_wait3A, %dma_wait3A_20] : memref<2x10240x128xf32, #tpu.memory_space<hbm>> -> memref<1x10240x128xf32, #tpu.memory_space<hbm>>
      %dma_wait3A_22 = tpu.memref_squeeze %dma_wait3A_21 : memref<1x10240x128xf32, #tpu.memory_space<hbm>> -> memref<10240x128xf32, #tpu.memory_space<hbm>>
      %dma_wait3A_23 = arith.constant 0 : i32
      %dma_wait3A_24 = tpu.memref_slice %dma_wait3A_22[%mul3A_12, %dma_wait3A_23] : memref<10240x128xf32, #tpu.memory_space<hbm>> -> memref<640x128xf32, #tpu.memory_space<hbm>>
      %dma_wait3A_25 = arith.constant 0 : i32
      %dma_wait3A_26 = tpu.memref_slice %arg10[%mul3A_10, %dma_wait3A_25] : memref<10240x128xf32, #tpu.memory_space<vmem_shared>> -> memref<640x128xf32, #tpu.memory_space<vmem_shared>>
      tpu.wait_dma2 semaphore(%run_scoped3A : memref<!tpu.dma_semaphore, #tpu.memory_space<semaphore_mem>>) src(%dma_wait3A_26 : memref<640x128xf32, #tpu.memory_space<vmem_shared>>) dst(%dma_wait3A_24 : memref<640x128xf32, #tpu.memory_space<hbm>>)
      tpu.yield
    }) : () -> ()
    return
  }
}

#map = affine_map<(d0, d1) -> (0, 0)>
#map1 = affine_map<(d0, d1) -> (0, 0, 0)>
module attributes {stable_mosaic.version = 14 : i64} {
  func.func @_sc_aggregate(%arg0: i32, %arg1: i32, %arg2: memref<10000x128xf32, #tpu.memory_space<hbm>>, %arg3: memref<32x79x128xi32, #tpu.memory_space<hbm>>, %arg4: memref<32x79x128xi32, #tpu.memory_space<hbm>>, %arg5: memref<640x128xf32, #tpu.memory_space<hbm>>, %arg6: memref<2x10240x128xf32, #tpu.memory_space<hbm>>, %arg7: memref<79x128xi32, #tpu.memory_space<vmem>>, %arg8: memref<79x128xi32, #tpu.memory_space<vmem>>, %arg9: memref<128x128xf32, #tpu.memory_space<vmem>>, %arg10: memref<10240x128xf32, #tpu.memory_space<vmem_shared>>, %arg11: memref<!tpu.dma_semaphore, #tpu.memory_space<semaphore_mem>>) attributes {dimension_semantics = [#tpu.dimension_semantics<core_parallel>, #tpu.dimension_semantics<subcore_parallel>], iteration_bounds = array<i64: 2, 16>, scalar_prefetch = 0 : i64, scratch_operands = 5 : i64, tpu.core_type = #tpu.core_type<sc_vector_subcore>, window_params = [{transform_indices = #map}, {transform_indices = #map1}, {transform_indices = #map1}, {transform_indices = #map}, {transform_indices = #map1}]} {
    %mul3A = arith.constant 2 : i32
    %mul3A_0 = arith.muli %arg1, %mul3A : i32
    %add3A = arith.addi %mul3A_0, %arg0 : i32
    "tpu.region"() ({
      %run_scoped3A = tpu.sem_alloc : memref<!tpu.dma_semaphore, #tpu.memory_space<semaphore_mem>>
      %dma_start3A = arith.constant 0 : i32
      %dma_start3A_13 = arith.constant 0 : i32
      %dma_start3A_14 = tpu.memref_slice %arg3[%add3A, %dma_start3A, %dma_start3A_13] : memref<32x79x128xi32, #tpu.memory_space<hbm>> -> memref<1x79x128xi32, #tpu.memory_space<hbm>>
      %dma_start3A_15 = tpu.memref_squeeze %dma_start3A_14 : memref<1x79x128xi32, #tpu.memory_space<hbm>> -> memref<79x128xi32, #tpu.memory_space<hbm>>
      %dma_start3A_16 = arith.constant 0 : i32
      %dma_start3A_17 = arith.constant 0 : i32
      %dma_start3A_18 = tpu.memref_slice %arg3[%add3A, %dma_start3A_16, %dma_start3A_17] : memref<32x79x128xi32, #tpu.memory_space<hbm>> -> memref<1x79x128xi32, #tpu.memory_space<hbm>>
      %dma_start3A_19 = tpu.memref_squeeze %dma_start3A_18 : memref<1x79x128xi32, #tpu.memory_space<hbm>> -> memref<79x128xi32, #tpu.memory_space<hbm>>
      tpu.enqueue_dma source(%dma_start3A_19 : memref<79x128xi32, #tpu.memory_space<hbm>>) target(%arg7 : memref<79x128xi32, #tpu.memory_space<vmem>>) target_semaphore(%run_scoped3A : memref<!tpu.dma_semaphore, #tpu.memory_space<semaphore_mem>>)
      %dma_wait3A = arith.constant 0 : i32
      %dma_wait3A_20 = arith.constant 0 : i32
      %dma_wait3A_21 = tpu.memref_slice %arg3[%add3A, %dma_wait3A, %dma_wait3A_20] : memref<32x79x128xi32, #tpu.memory_space<hbm>> -> memref<1x79x128xi32, #tpu.memory_space<hbm>>
      %dma_wait3A_22 = tpu.memref_squeeze %dma_wait3A_21 : memref<1x79x128xi32, #tpu.memory_space<hbm>> -> memref<79x128xi32, #tpu.memory_space<hbm>>
      %dma_wait3A_23 = arith.constant 0 : i32
      %dma_wait3A_24 = arith.constant 0 : i32
      %dma_wait3A_25 = tpu.memref_slice %arg3[%add3A, %dma_wait3A_23, %dma_wait3A_24] : memref<32x79x128xi32, #tpu.memory_space<hbm>> -> memref<1x79x128xi32, #tpu.memory_space<hbm>>
      %dma_wait3A_26 = tpu.memref_squeeze %dma_wait3A_25 : memref<1x79x128xi32, #tpu.memory_space<hbm>> -> memref<79x128xi32, #tpu.memory_space<hbm>>
      tpu.wait_dma2 semaphore(%run_scoped3A : memref<!tpu.dma_semaphore, #tpu.memory_space<semaphore_mem>>) src(%dma_wait3A_26 : memref<79x128xi32, #tpu.memory_space<hbm>>) dst(%arg7 : memref<79x128xi32, #tpu.memory_space<vmem>>)
      tpu.yield
    }) : () -> ()
    "tpu.region"() ({
      %run_scoped3A = tpu.sem_alloc : memref<!tpu.dma_semaphore, #tpu.memory_space<semaphore_mem>>
      %dma_start3A = arith.constant 0 : i32
      %dma_start3A_13 = arith.constant 0 : i32
      %dma_start3A_14 = tpu.memref_slice %arg4[%add3A, %dma_start3A, %dma_start3A_13] : memref<32x79x128xi32, #tpu.memory_space<hbm>> -> memref<1x79x128xi32, #tpu.memory_space<hbm>>
      %dma_start3A_15 = tpu.memref_squeeze %dma_start3A_14 : memref<1x79x128xi32, #tpu.memory_space<hbm>> -> memref<79x128xi32, #tpu.memory_space<hbm>>
      %dma_start3A_16 = arith.constant 0 : i32
      %dma_start3A_17 = arith.constant 0 : i32
      %dma_start3A_18 = tpu.memref_slice %arg4[%add3A, %dma_start3A_16, %dma_start3A_17] : memref<32x79x128xi32, #tpu.memory_space<hbm>> -> memref<1x79x128xi32, #tpu.memory_space<hbm>>
      %dma_start3A_19 = tpu.memref_squeeze %dma_start3A_18 : memref<1x79x128xi32, #tpu.memory_space<hbm>> -> memref<79x128xi32, #tpu.memory_space<hbm>>
      tpu.enqueue_dma source(%dma_start3A_19 : memref<79x128xi32, #tpu.memory_space<hbm>>) target(%arg8 : memref<79x128xi32, #tpu.memory_space<vmem>>) target_semaphore(%run_scoped3A : memref<!tpu.dma_semaphore, #tpu.memory_space<semaphore_mem>>)
      %dma_wait3A = arith.constant 0 : i32
      %dma_wait3A_20 = arith.constant 0 : i32
      %dma_wait3A_21 = tpu.memref_slice %arg4[%add3A, %dma_wait3A, %dma_wait3A_20] : memref<32x79x128xi32, #tpu.memory_space<hbm>> -> memref<1x79x128xi32, #tpu.memory_space<hbm>>
      %dma_wait3A_22 = tpu.memref_squeeze %dma_wait3A_21 : memref<1x79x128xi32, #tpu.memory_space<hbm>> -> memref<79x128xi32, #tpu.memory_space<hbm>>
      %dma_wait3A_23 = arith.constant 0 : i32
      %dma_wait3A_24 = arith.constant 0 : i32
      %dma_wait3A_25 = tpu.memref_slice %arg4[%add3A, %dma_wait3A_23, %dma_wait3A_24] : memref<32x79x128xi32, #tpu.memory_space<hbm>> -> memref<1x79x128xi32, #tpu.memory_space<hbm>>
      %dma_wait3A_26 = tpu.memref_squeeze %dma_wait3A_25 : memref<1x79x128xi32, #tpu.memory_space<hbm>> -> memref<79x128xi32, #tpu.memory_space<hbm>>
      tpu.wait_dma2 semaphore(%run_scoped3A : memref<!tpu.dma_semaphore, #tpu.memory_space<semaphore_mem>>) src(%dma_wait3A_26 : memref<79x128xi32, #tpu.memory_space<hbm>>) dst(%arg8 : memref<79x128xi32, #tpu.memory_space<vmem>>)
      tpu.yield
    }) : () -> ()
    %mul3A_1 = arith.constant 640 : i32
    %mul3A_2 = arith.muli %arg1, %mul3A_1 : i32
    "tpu.region"() ({
      %run_scoped3A = tpu.sem_alloc : memref<!tpu.dma_semaphore, #tpu.memory_space<semaphore_mem>>
      %dma_start3A = arith.constant 0 : i32
      %dma_start3A_13 = tpu.memref_slice %arg10[%mul3A_2, %dma_start3A] : memref<10240x128xf32, #tpu.memory_space<vmem_shared>> -> memref<640x128xf32, #tpu.memory_space<vmem_shared>>
      tpu.enqueue_dma source(%arg5 : memref<640x128xf32, #tpu.memory_space<hbm>>) target(%dma_start3A_13 : memref<640x128xf32, #tpu.memory_space<vmem_shared>>) target_semaphore(%run_scoped3A : memref<!tpu.dma_semaphore, #tpu.memory_space<semaphore_mem>>)
      %dma_wait3A = arith.constant 0 : i32
      %dma_wait3A_14 = tpu.memref_slice %arg10[%mul3A_2, %dma_wait3A] : memref<10240x128xf32, #tpu.memory_space<vmem_shared>> -> memref<640x128xf32, #tpu.memory_space<vmem_shared>>
      tpu.wait_dma2 semaphore(%run_scoped3A : memref<!tpu.dma_semaphore, #tpu.memory_space<semaphore_mem>>) src(%arg5 : memref<640x128xf32, #tpu.memory_space<hbm>>) dst(%dma_wait3A_14 : memref<640x128xf32, #tpu.memory_space<vmem_shared>>)
      tpu.yield
    }) : () -> ()
    %barrier3A = arith.constant 0 : index
    tpu.barrier barrier_id(%barrier3A)
    %scan3A = arith.constant 0 : i32
    %scan3A_3 = arith.constant 0 : i32
    %scan3A_4 = arith.constant 79 : i32
    %scan3A_5 = arith.addi %scan3A_3, %scan3A_4 : i32
    %scan3A_6 = arith.constant 1 : i32
    scf.for %scan3A_13 = %scan3A_3 to %scan3A_5 step %scan3A_6  : i32 {
      %dma_start3A = arith.constant 0 : i32
      %dma_start3A_14 = tpu.memref_slice %arg7[%scan3A_13, %dma_start3A] : memref<79x128xi32, #tpu.memory_space<vmem>> -> memref<1x128xi32, #tpu.memory_space<vmem>>
      %dma_start3A_15 = tpu.memref_squeeze %dma_start3A_14 : memref<1x128xi32, #tpu.memory_space<vmem>> -> memref<128xi32, #tpu.memory_space<vmem>>
      %dma_start3A_16 = arith.constant 0 : i32
      %dma_start3A_17 = arith.constant 0 : i32
      %dma_start3A_18 = tpu.memref_slice %arg2[%dma_start3A_16, %dma_start3A_17] : memref<10000x128xf32, #tpu.memory_space<hbm>> -> memref<10000x128xf32, #tpu.memory_space<hbm>>
      tpu.enqueue_indirect_dma source(%dma_start3A_18 : memref<10000x128xf32, #tpu.memory_space<hbm>>) target(%arg9 : memref<128x128xf32, #tpu.memory_space<vmem>>) offsets(%dma_start3A_15 : memref<128xi32, #tpu.memory_space<vmem>>) semaphore(%arg11 : memref<!tpu.dma_semaphore, #tpu.memory_space<semaphore_mem>>)
      %dma_wait3A = arith.constant 0 : i32
      %dma_wait3A_19 = tpu.memref_slice %arg7[%scan3A_13, %dma_wait3A] : memref<79x128xi32, #tpu.memory_space<vmem>> -> memref<1x128xi32, #tpu.memory_space<vmem>>
      %dma_wait3A_20 = tpu.memref_squeeze %dma_wait3A_19 : memref<1x128xi32, #tpu.memory_space<vmem>> -> memref<128xi32, #tpu.memory_space<vmem>>
      %dma_wait3A_21 = arith.constant 0 : i32
      %dma_wait3A_22 = arith.constant 0 : i32
      %dma_wait3A_23 = tpu.memref_slice %arg2[%dma_wait3A_21, %dma_wait3A_22] : memref<10000x128xf32, #tpu.memory_space<hbm>> -> memref<10000x128xf32, #tpu.memory_space<hbm>>
      tpu.wait_indirect_dma semaphore(%arg11 : memref<!tpu.dma_semaphore, #tpu.memory_space<semaphore_mem>>) src(%dma_wait3A_23 : memref<10000x128xf32, #tpu.memory_space<hbm>>) dst(%arg9 : memref<128x128xf32, #tpu.memory_space<vmem>>)
      "tpu.region"() ({
        %run_scoped3A = tpu.sem_alloc : memref<!tpu.dma_semaphore, #tpu.memory_space<semaphore_mem>>
        %dma_start3A_24 = arith.constant 0 : i32
        %dma_start3A_25 = tpu.memref_slice %arg8[%scan3A_13, %dma_start3A_24] : memref<79x128xi32, #tpu.memory_space<vmem>> -> memref<1x128xi32, #tpu.memory_space<vmem>>
        %dma_start3A_26 = tpu.memref_squeeze %dma_start3A_25 : memref<1x128xi32, #tpu.memory_space<vmem>> -> memref<128xi32, #tpu.memory_space<vmem>>
        %dma_start3A_27 = arith.constant 0 : i32
        %dma_start3A_28 = arith.constant 0 : i32
        %dma_start3A_29 = tpu.memref_slice %arg10[%dma_start3A_27, %dma_start3A_28] : memref<10240x128xf32, #tpu.memory_space<vmem_shared>> -> memref<10240x128xf32, #tpu.memory_space<vmem_shared>>
        tpu.enqueue_indirect_dma source(%arg9 : memref<128x128xf32, #tpu.memory_space<vmem>>) target(%dma_start3A_29 : memref<10240x128xf32, #tpu.memory_space<vmem_shared>>) offsets(%dma_start3A_26 : memref<128xi32, #tpu.memory_space<vmem>>) semaphore(%run_scoped3A : memref<!tpu.dma_semaphore, #tpu.memory_space<semaphore_mem>>) {add = true}
        %dma_wait3A_30 = arith.constant 0 : i32
        %dma_wait3A_31 = tpu.memref_slice %arg8[%scan3A_13, %dma_wait3A_30] : memref<79x128xi32, #tpu.memory_space<vmem>> -> memref<1x128xi32, #tpu.memory_space<vmem>>
        %dma_wait3A_32 = tpu.memref_squeeze %dma_wait3A_31 : memref<1x128xi32, #tpu.memory_space<vmem>> -> memref<128xi32, #tpu.memory_space<vmem>>
        %dma_wait3A_33 = arith.constant 0 : i32
        %dma_wait3A_34 = arith.constant 0 : i32
        %dma_wait3A_35 = tpu.memref_slice %arg10[%dma_wait3A_33, %dma_wait3A_34] : memref<10240x128xf32, #tpu.memory_space<vmem_shared>> -> memref<10240x128xf32, #tpu.memory_space<vmem_shared>>
        tpu.wait_indirect_dma semaphore(%run_scoped3A : memref<!tpu.dma_semaphore, #tpu.memory_space<semaphore_mem>>) src(%arg9 : memref<128x128xf32, #tpu.memory_space<vmem>>) dst(%dma_wait3A_35 : memref<10240x128xf32, #tpu.memory_space<vmem_shared>>)
        tpu.yield
      }) : () -> ()
    }
    %scan3A_7 = arith.constant 79 : i32
    %barrier3A_8 = arith.constant 0 : index
    tpu.barrier barrier_id(%barrier3A_8)
    %mul3A_9 = arith.constant 640 : i32
    %mul3A_10 = arith.muli %arg1, %mul3A_9 : i32
    %mul3A_11 = arith.constant 640 : i32
    %mul3A_12 = arith.muli %arg1, %mul3A_11 : i32
    "tpu.region"() ({
      %run_scoped3A = tpu.sem_alloc : memref<!tpu.dma_semaphore, #tpu.memory_space<semaphore_mem>>
      %dma_start3A = arith.constant 0 : i32
      %dma_start3A_13 = arith.constant 0 : i32
      %dma_start3A_14 = tpu.memref_slice %arg6[%arg0, %dma_start3A, %dma_start3A_13] : memref<2x10240x128xf32, #tpu.memory_space<hbm>> -> memref<1x10240x128xf32, #tpu.memory_space<hbm>>
      %dma_start3A_15 = tpu.memref_squeeze %dma_start3A_14 : memref<1x10240x128xf32, #tpu.memory_space<hbm>> -> memref<10240x128xf32, #tpu.memory_space<hbm>>
      %dma_start3A_16 = arith.constant 0 : i32
      %dma_start3A_17 = tpu.memref_slice %dma_start3A_15[%mul3A_12, %dma_start3A_16] : memref<10240x128xf32, #tpu.memory_space<hbm>> -> memref<640x128xf32, #tpu.memory_space<hbm>>
      %dma_start3A_18 = arith.constant 0 : i32
      %dma_start3A_19 = tpu.memref_slice %arg10[%mul3A_10, %dma_start3A_18] : memref<10240x128xf32, #tpu.memory_space<vmem_shared>> -> memref<640x128xf32, #tpu.memory_space<vmem_shared>>
      tpu.enqueue_dma source(%dma_start3A_19 : memref<640x128xf32, #tpu.memory_space<vmem_shared>>) target(%dma_start3A_17 : memref<640x128xf32, #tpu.memory_space<hbm>>) target_semaphore(%run_scoped3A : memref<!tpu.dma_semaphore, #tpu.memory_space<semaphore_mem>>)
      %dma_wait3A = arith.constant 0 : i32
      %dma_wait3A_20 = arith.constant 0 : i32
      %dma_wait3A_21 = tpu.memref_slice %arg6[%arg0, %dma_wait3A, %dma_wait3A_20] : memref<2x10240x128xf32, #tpu.memory_space<hbm>> -> memref<1x10240x128xf32, #tpu.memory_space<hbm>>
      %dma_wait3A_22 = tpu.memref_squeeze %dma_wait3A_21 : memref<1x10240x128xf32, #tpu.memory_space<hbm>> -> memref<10240x128xf32, #tpu.memory_space<hbm>>
      %dma_wait3A_23 = arith.constant 0 : i32
      %dma_wait3A_24 = tpu.memref_slice %dma_wait3A_22[%mul3A_12, %dma_wait3A_23] : memref<10240x128xf32, #tpu.memory_space<hbm>> -> memref<640x128xf32, #tpu.memory_space<hbm>>
      %dma_wait3A_25 = arith.constant 0 : i32
      %dma_wait3A_26 = tpu.memref_slice %arg10[%mul3A_10, %dma_wait3A_25] : memref<10240x128xf32, #tpu.memory_space<vmem_shared>> -> memref<640x128xf32, #tpu.memory_space<vmem_shared>>
      tpu.wait_dma2 semaphore(%run_scoped3A : memref<!tpu.dma_semaphore, #tpu.memory_space<semaphore_mem>>) src(%dma_wait3A_26 : memref<640x128xf32, #tpu.memory_space<vmem_shared>>) dst(%dma_wait3A_24 : memref<640x128xf32, #tpu.memory_space<hbm>>)
      tpu.yield
    }) : () -> ()
    return
  }
}

#map = affine_map<(d0, d1) -> (0, 0)>
#map1 = affine_map<(d0, d1) -> (0, 0, 0)>
module attributes {stable_mosaic.version = 14 : i64} {
  func.func @_sc_aggregate(%arg0: i32, %arg1: i32, %arg2: memref<10000x128xf32, #tpu.memory_space<hbm>>, %arg3: memref<32x79x128xi32, #tpu.memory_space<hbm>>, %arg4: memref<32x79x128xi32, #tpu.memory_space<hbm>>, %arg5: memref<640x128xf32, #tpu.memory_space<hbm>>, %arg6: memref<2x10240x128xf32, #tpu.memory_space<hbm>>, %arg7: memref<79x128xi32, #tpu.memory_space<vmem>>, %arg8: memref<79x128xi32, #tpu.memory_space<vmem>>, %arg9: memref<128x128xf32, #tpu.memory_space<vmem>>, %arg10: memref<10240x128xf32, #tpu.memory_space<vmem_shared>>, %arg11: memref<!tpu.dma_semaphore, #tpu.memory_space<semaphore_mem>>) attributes {dimension_semantics = [#tpu.dimension_semantics<core_parallel>, #tpu.dimension_semantics<subcore_parallel>], iteration_bounds = array<i64: 2, 16>, scalar_prefetch = 0 : i64, scratch_operands = 5 : i64, tpu.core_type = #tpu.core_type<sc_vector_subcore>, window_params = [{transform_indices = #map}, {transform_indices = #map1}, {transform_indices = #map1}, {transform_indices = #map}, {transform_indices = #map1}]} {
    %mul3A = arith.constant 2 : i32
    %mul3A_0 = arith.muli %arg1, %mul3A : i32
    %add3A = arith.addi %mul3A_0, %arg0 : i32
    "tpu.region"() ({
      %run_scoped3A = tpu.sem_alloc : memref<!tpu.dma_semaphore, #tpu.memory_space<semaphore_mem>>
      %dma_start3A = arith.constant 0 : i32
      %dma_start3A_13 = arith.constant 0 : i32
      %dma_start3A_14 = tpu.memref_slice %arg3[%add3A, %dma_start3A, %dma_start3A_13] : memref<32x79x128xi32, #tpu.memory_space<hbm>> -> memref<1x79x128xi32, #tpu.memory_space<hbm>>
      %dma_start3A_15 = tpu.memref_squeeze %dma_start3A_14 : memref<1x79x128xi32, #tpu.memory_space<hbm>> -> memref<79x128xi32, #tpu.memory_space<hbm>>
      %dma_start3A_16 = arith.constant 0 : i32
      %dma_start3A_17 = arith.constant 0 : i32
      %dma_start3A_18 = tpu.memref_slice %arg3[%add3A, %dma_start3A_16, %dma_start3A_17] : memref<32x79x128xi32, #tpu.memory_space<hbm>> -> memref<1x79x128xi32, #tpu.memory_space<hbm>>
      %dma_start3A_19 = tpu.memref_squeeze %dma_start3A_18 : memref<1x79x128xi32, #tpu.memory_space<hbm>> -> memref<79x128xi32, #tpu.memory_space<hbm>>
      tpu.enqueue_dma source(%dma_start3A_19 : memref<79x128xi32, #tpu.memory_space<hbm>>) target(%arg7 : memref<79x128xi32, #tpu.memory_space<vmem>>) target_semaphore(%run_scoped3A : memref<!tpu.dma_semaphore, #tpu.memory_space<semaphore_mem>>)
      %dma_wait3A = arith.constant 0 : i32
      %dma_wait3A_20 = arith.constant 0 : i32
      %dma_wait3A_21 = tpu.memref_slice %arg3[%add3A, %dma_wait3A, %dma_wait3A_20] : memref<32x79x128xi32, #tpu.memory_space<hbm>> -> memref<1x79x128xi32, #tpu.memory_space<hbm>>
      %dma_wait3A_22 = tpu.memref_squeeze %dma_wait3A_21 : memref<1x79x128xi32, #tpu.memory_space<hbm>> -> memref<79x128xi32, #tpu.memory_space<hbm>>
      %dma_wait3A_23 = arith.constant 0 : i32
      %dma_wait3A_24 = arith.constant 0 : i32
      %dma_wait3A_25 = tpu.memref_slice %arg3[%add3A, %dma_wait3A_23, %dma_wait3A_24] : memref<32x79x128xi32, #tpu.memory_space<hbm>> -> memref<1x79x128xi32, #tpu.memory_space<hbm>>
      %dma_wait3A_26 = tpu.memref_squeeze %dma_wait3A_25 : memref<1x79x128xi32, #tpu.memory_space<hbm>> -> memref<79x128xi32, #tpu.memory_space<hbm>>
      tpu.wait_dma2 semaphore(%run_scoped3A : memref<!tpu.dma_semaphore, #tpu.memory_space<semaphore_mem>>) src(%dma_wait3A_26 : memref<79x128xi32, #tpu.memory_space<hbm>>) dst(%arg7 : memref<79x128xi32, #tpu.memory_space<vmem>>)
      tpu.yield
    }) : () -> ()
    "tpu.region"() ({
      %run_scoped3A = tpu.sem_alloc : memref<!tpu.dma_semaphore, #tpu.memory_space<semaphore_mem>>
      %dma_start3A = arith.constant 0 : i32
      %dma_start3A_13 = arith.constant 0 : i32
      %dma_start3A_14 = tpu.memref_slice %arg4[%add3A, %dma_start3A, %dma_start3A_13] : memref<32x79x128xi32, #tpu.memory_space<hbm>> -> memref<1x79x128xi32, #tpu.memory_space<hbm>>
      %dma_start3A_15 = tpu.memref_squeeze %dma_start3A_14 : memref<1x79x128xi32, #tpu.memory_space<hbm>> -> memref<79x128xi32, #tpu.memory_space<hbm>>
      %dma_start3A_16 = arith.constant 0 : i32
      %dma_start3A_17 = arith.constant 0 : i32
      %dma_start3A_18 = tpu.memref_slice %arg4[%add3A, %dma_start3A_16, %dma_start3A_17] : memref<32x79x128xi32, #tpu.memory_space<hbm>> -> memref<1x79x128xi32, #tpu.memory_space<hbm>>
      %dma_start3A_19 = tpu.memref_squeeze %dma_start3A_18 : memref<1x79x128xi32, #tpu.memory_space<hbm>> -> memref<79x128xi32, #tpu.memory_space<hbm>>
      tpu.enqueue_dma source(%dma_start3A_19 : memref<79x128xi32, #tpu.memory_space<hbm>>) target(%arg8 : memref<79x128xi32, #tpu.memory_space<vmem>>) target_semaphore(%run_scoped3A : memref<!tpu.dma_semaphore, #tpu.memory_space<semaphore_mem>>)
      %dma_wait3A = arith.constant 0 : i32
      %dma_wait3A_20 = arith.constant 0 : i32
      %dma_wait3A_21 = tpu.memref_slice %arg4[%add3A, %dma_wait3A, %dma_wait3A_20] : memref<32x79x128xi32, #tpu.memory_space<hbm>> -> memref<1x79x128xi32, #tpu.memory_space<hbm>>
      %dma_wait3A_22 = tpu.memref_squeeze %dma_wait3A_21 : memref<1x79x128xi32, #tpu.memory_space<hbm>> -> memref<79x128xi32, #tpu.memory_space<hbm>>
      %dma_wait3A_23 = arith.constant 0 : i32
      %dma_wait3A_24 = arith.constant 0 : i32
      %dma_wait3A_25 = tpu.memref_slice %arg4[%add3A, %dma_wait3A_23, %dma_wait3A_24] : memref<32x79x128xi32, #tpu.memory_space<hbm>> -> memref<1x79x128xi32, #tpu.memory_space<hbm>>
      %dma_wait3A_26 = tpu.memref_squeeze %dma_wait3A_25 : memref<1x79x128xi32, #tpu.memory_space<hbm>> -> memref<79x128xi32, #tpu.memory_space<hbm>>
      tpu.wait_dma2 semaphore(%run_scoped3A : memref<!tpu.dma_semaphore, #tpu.memory_space<semaphore_mem>>) src(%dma_wait3A_26 : memref<79x128xi32, #tpu.memory_space<hbm>>) dst(%arg8 : memref<79x128xi32, #tpu.memory_space<vmem>>)
      tpu.yield
    }) : () -> ()
    %mul3A_1 = arith.constant 640 : i32
    %mul3A_2 = arith.muli %arg1, %mul3A_1 : i32
    "tpu.region"() ({
      %run_scoped3A = tpu.sem_alloc : memref<!tpu.dma_semaphore, #tpu.memory_space<semaphore_mem>>
      %dma_start3A = arith.constant 0 : i32
      %dma_start3A_13 = tpu.memref_slice %arg10[%mul3A_2, %dma_start3A] : memref<10240x128xf32, #tpu.memory_space<vmem_shared>> -> memref<640x128xf32, #tpu.memory_space<vmem_shared>>
      tpu.enqueue_dma source(%arg5 : memref<640x128xf32, #tpu.memory_space<hbm>>) target(%dma_start3A_13 : memref<640x128xf32, #tpu.memory_space<vmem_shared>>) target_semaphore(%run_scoped3A : memref<!tpu.dma_semaphore, #tpu.memory_space<semaphore_mem>>)
      %dma_wait3A = arith.constant 0 : i32
      %dma_wait3A_14 = tpu.memref_slice %arg10[%mul3A_2, %dma_wait3A] : memref<10240x128xf32, #tpu.memory_space<vmem_shared>> -> memref<640x128xf32, #tpu.memory_space<vmem_shared>>
      tpu.wait_dma2 semaphore(%run_scoped3A : memref<!tpu.dma_semaphore, #tpu.memory_space<semaphore_mem>>) src(%arg5 : memref<640x128xf32, #tpu.memory_space<hbm>>) dst(%dma_wait3A_14 : memref<640x128xf32, #tpu.memory_space<vmem_shared>>)
      tpu.yield
    }) : () -> ()
    %barrier3A = arith.constant 0 : index
    tpu.barrier barrier_id(%barrier3A)
    %scan3A = arith.constant 0 : i32
    %scan3A_3 = arith.constant 0 : i32
    %scan3A_4 = arith.constant 79 : i32
    %scan3A_5 = arith.addi %scan3A_3, %scan3A_4 : i32
    %scan3A_6 = arith.constant 1 : i32
    scf.for %scan3A_13 = %scan3A_3 to %scan3A_5 step %scan3A_6  : i32 {
      %dma_start3A = arith.constant 0 : i32
      %dma_start3A_14 = tpu.memref_slice %arg7[%scan3A_13, %dma_start3A] : memref<79x128xi32, #tpu.memory_space<vmem>> -> memref<1x128xi32, #tpu.memory_space<vmem>>
      %dma_start3A_15 = tpu.memref_squeeze %dma_start3A_14 : memref<1x128xi32, #tpu.memory_space<vmem>> -> memref<128xi32, #tpu.memory_space<vmem>>
      %dma_start3A_16 = arith.constant 0 : i32
      %dma_start3A_17 = arith.constant 0 : i32
      %dma_start3A_18 = tpu.memref_slice %arg2[%dma_start3A_16, %dma_start3A_17] : memref<10000x128xf32, #tpu.memory_space<hbm>> -> memref<10000x128xf32, #tpu.memory_space<hbm>>
      tpu.enqueue_indirect_dma source(%dma_start3A_18 : memref<10000x128xf32, #tpu.memory_space<hbm>>) target(%arg9 : memref<128x128xf32, #tpu.memory_space<vmem>>) offsets(%dma_start3A_15 : memref<128xi32, #tpu.memory_space<vmem>>) semaphore(%arg11 : memref<!tpu.dma_semaphore, #tpu.memory_space<semaphore_mem>>)
      %dma_wait3A = arith.constant 0 : i32
      %dma_wait3A_19 = tpu.memref_slice %arg7[%scan3A_13, %dma_wait3A] : memref<79x128xi32, #tpu.memory_space<vmem>> -> memref<1x128xi32, #tpu.memory_space<vmem>>
      %dma_wait3A_20 = tpu.memref_squeeze %dma_wait3A_19 : memref<1x128xi32, #tpu.memory_space<vmem>> -> memref<128xi32, #tpu.memory_space<vmem>>
      %dma_wait3A_21 = arith.constant 0 : i32
      %dma_wait3A_22 = arith.constant 0 : i32
      %dma_wait3A_23 = tpu.memref_slice %arg2[%dma_wait3A_21, %dma_wait3A_22] : memref<10000x128xf32, #tpu.memory_space<hbm>> -> memref<10000x128xf32, #tpu.memory_space<hbm>>
      tpu.wait_indirect_dma semaphore(%arg11 : memref<!tpu.dma_semaphore, #tpu.memory_space<semaphore_mem>>) src(%dma_wait3A_23 : memref<10000x128xf32, #tpu.memory_space<hbm>>) dst(%arg9 : memref<128x128xf32, #tpu.memory_space<vmem>>)
      "tpu.region"() ({
        %run_scoped3A = tpu.sem_alloc : memref<!tpu.dma_semaphore, #tpu.memory_space<semaphore_mem>>
        %dma_start3A_24 = arith.constant 0 : i32
        %dma_start3A_25 = tpu.memref_slice %arg8[%scan3A_13, %dma_start3A_24] : memref<79x128xi32, #tpu.memory_space<vmem>> -> memref<1x128xi32, #tpu.memory_space<vmem>>
        %dma_start3A_26 = tpu.memref_squeeze %dma_start3A_25 : memref<1x128xi32, #tpu.memory_space<vmem>> -> memref<128xi32, #tpu.memory_space<vmem>>
        %dma_start3A_27 = arith.constant 0 : i32
        %dma_start3A_28 = arith.constant 0 : i32
        %dma_start3A_29 = tpu.memref_slice %arg10[%dma_start3A_27, %dma_start3A_28] : memref<10240x128xf32, #tpu.memory_space<vmem_shared>> -> memref<10240x128xf32, #tpu.memory_space<vmem_shared>>
        tpu.enqueue_indirect_dma source(%arg9 : memref<128x128xf32, #tpu.memory_space<vmem>>) target(%dma_start3A_29 : memref<10240x128xf32, #tpu.memory_space<vmem_shared>>) offsets(%dma_start3A_26 : memref<128xi32, #tpu.memory_space<vmem>>) semaphore(%run_scoped3A : memref<!tpu.dma_semaphore, #tpu.memory_space<semaphore_mem>>) {add = true}
        %dma_wait3A_30 = arith.constant 0 : i32
        %dma_wait3A_31 = tpu.memref_slice %arg8[%scan3A_13, %dma_wait3A_30] : memref<79x128xi32, #tpu.memory_space<vmem>> -> memref<1x128xi32, #tpu.memory_space<vmem>>
        %dma_wait3A_32 = tpu.memref_squeeze %dma_wait3A_31 : memref<1x128xi32, #tpu.memory_space<vmem>> -> memref<128xi32, #tpu.memory_space<vmem>>
        %dma_wait3A_33 = arith.constant 0 : i32
        %dma_wait3A_34 = arith.constant 0 : i32
        %dma_wait3A_35 = tpu.memref_slice %arg10[%dma_wait3A_33, %dma_wait3A_34] : memref<10240x128xf32, #tpu.memory_space<vmem_shared>> -> memref<10240x128xf32, #tpu.memory_space<vmem_shared>>
        tpu.wait_indirect_dma semaphore(%run_scoped3A : memref<!tpu.dma_semaphore, #tpu.memory_space<semaphore_mem>>) src(%arg9 : memref<128x128xf32, #tpu.memory_space<vmem>>) dst(%dma_wait3A_35 : memref<10240x128xf32, #tpu.memory_space<vmem_shared>>)
        tpu.yield
      }) : () -> ()
    }
    %scan3A_7 = arith.constant 79 : i32
    %barrier3A_8 = arith.constant 0 : index
    tpu.barrier barrier_id(%barrier3A_8)
    %mul3A_9 = arith.constant 640 : i32
    %mul3A_10 = arith.muli %arg1, %mul3A_9 : i32
    %mul3A_11 = arith.constant 640 : i32
    %mul3A_12 = arith.muli %arg1, %mul3A_11 : i32
    "tpu.region"() ({
      %run_scoped3A = tpu.sem_alloc : memref<!tpu.dma_semaphore, #tpu.memory_space<semaphore_mem>>
      %dma_start3A = arith.constant 0 : i32
      %dma_start3A_13 = arith.constant 0 : i32
      %dma_start3A_14 = tpu.memref_slice %arg6[%arg0, %dma_start3A, %dma_start3A_13] : memref<2x10240x128xf32, #tpu.memory_space<hbm>> -> memref<1x10240x128xf32, #tpu.memory_space<hbm>>
      %dma_start3A_15 = tpu.memref_squeeze %dma_start3A_14 : memref<1x10240x128xf32, #tpu.memory_space<hbm>> -> memref<10240x128xf32, #tpu.memory_space<hbm>>
      %dma_start3A_16 = arith.constant 0 : i32
      %dma_start3A_17 = tpu.memref_slice %dma_start3A_15[%mul3A_12, %dma_start3A_16] : memref<10240x128xf32, #tpu.memory_space<hbm>> -> memref<640x128xf32, #tpu.memory_space<hbm>>
      %dma_start3A_18 = arith.constant 0 : i32
      %dma_start3A_19 = tpu.memref_slice %arg10[%mul3A_10, %dma_start3A_18] : memref<10240x128xf32, #tpu.memory_space<vmem_shared>> -> memref<640x128xf32, #tpu.memory_space<vmem_shared>>
      tpu.enqueue_dma source(%dma_start3A_19 : memref<640x128xf32, #tpu.memory_space<vmem_shared>>) target(%dma_start3A_17 : memref<640x128xf32, #tpu.memory_space<hbm>>) target_semaphore(%run_scoped3A : memref<!tpu.dma_semaphore, #tpu.memory_space<semaphore_mem>>)
      %dma_wait3A = arith.constant 0 : i32
      %dma_wait3A_20 = arith.constant 0 : i32
      %dma_wait3A_21 = tpu.memref_slice %arg6[%arg0, %dma_wait3A, %dma_wait3A_20] : memref<2x10240x128xf32, #tpu.memory_space<hbm>> -> memref<1x10240x128xf32, #tpu.memory_space<hbm>>
      %dma_wait3A_22 = tpu.memref_squeeze %dma_wait3A_21 : memref<1x10240x128xf32, #tpu.memory_space<hbm>> -> memref<10240x128xf32, #tpu.memory_space<hbm>>
      %dma_wait3A_23 = arith.constant 0 : i32
      %dma_wait3A_24 = tpu.memref_slice %dma_wait3A_22[%mul3A_12, %dma_wait3A_23] : memref<10240x128xf32, #tpu.memory_space<hbm>> -> memref<640x128xf32, #tpu.memory_space<hbm>>
      %dma_wait3A_25 = arith.constant 0 : i32
      %dma_wait3A_26 = tpu.memref_slice %arg10[%mul3A_10, %dma_wait3A_25] : memref<10240x128xf32, #tpu.memory_space<vmem_shared>> -> memref<640x128xf32, #tpu.memory_space<vmem_shared>>
      tpu.wait_dma2 semaphore(%run_scoped3A : memref<!tpu.dma_semaphore, #tpu.memory_space<semaphore_mem>>) src(%dma_wait3A_26 : memref<640x128xf32, #tpu.memory_space<vmem_shared>>) dst(%dma_wait3A_24 : memref<640x128xf32, #tpu.memory_space<hbm>>)
      tpu.yield
    }) : () -> ()
    return
  }
}

#map = affine_map<(d0, d1) -> (0, 0)>
#map1 = affine_map<(d0, d1) -> (0, 0, 0)>
module attributes {stable_mosaic.version = 14 : i64} {
  func.func @_sc_aggregate(%arg0: i32, %arg1: i32, %arg2: memref<10000x128xf32, #tpu.memory_space<hbm>>, %arg3: memref<32x79x128xi32, #tpu.memory_space<hbm>>, %arg4: memref<32x79x128xi32, #tpu.memory_space<hbm>>, %arg5: memref<640x128xf32, #tpu.memory_space<hbm>>, %arg6: memref<2x10240x128xf32, #tpu.memory_space<hbm>>, %arg7: memref<79x128xi32, #tpu.memory_space<vmem>>, %arg8: memref<79x128xi32, #tpu.memory_space<vmem>>, %arg9: memref<128x128xf32, #tpu.memory_space<vmem>>, %arg10: memref<10240x128xf32, #tpu.memory_space<vmem_shared>>, %arg11: memref<!tpu.dma_semaphore, #tpu.memory_space<semaphore_mem>>) attributes {dimension_semantics = [#tpu.dimension_semantics<core_parallel>, #tpu.dimension_semantics<subcore_parallel>], iteration_bounds = array<i64: 2, 16>, scalar_prefetch = 0 : i64, scratch_operands = 5 : i64, tpu.core_type = #tpu.core_type<sc_vector_subcore>, window_params = [{transform_indices = #map}, {transform_indices = #map1}, {transform_indices = #map1}, {transform_indices = #map}, {transform_indices = #map1}]} {
    %mul3A = arith.constant 2 : i32
    %mul3A_0 = arith.muli %arg1, %mul3A : i32
    %add3A = arith.addi %mul3A_0, %arg0 : i32
    "tpu.region"() ({
      %run_scoped3A = tpu.sem_alloc : memref<!tpu.dma_semaphore, #tpu.memory_space<semaphore_mem>>
      %dma_start3A = arith.constant 0 : i32
      %dma_start3A_13 = arith.constant 0 : i32
      %dma_start3A_14 = tpu.memref_slice %arg3[%add3A, %dma_start3A, %dma_start3A_13] : memref<32x79x128xi32, #tpu.memory_space<hbm>> -> memref<1x79x128xi32, #tpu.memory_space<hbm>>
      %dma_start3A_15 = tpu.memref_squeeze %dma_start3A_14 : memref<1x79x128xi32, #tpu.memory_space<hbm>> -> memref<79x128xi32, #tpu.memory_space<hbm>>
      %dma_start3A_16 = arith.constant 0 : i32
      %dma_start3A_17 = arith.constant 0 : i32
      %dma_start3A_18 = tpu.memref_slice %arg3[%add3A, %dma_start3A_16, %dma_start3A_17] : memref<32x79x128xi32, #tpu.memory_space<hbm>> -> memref<1x79x128xi32, #tpu.memory_space<hbm>>
      %dma_start3A_19 = tpu.memref_squeeze %dma_start3A_18 : memref<1x79x128xi32, #tpu.memory_space<hbm>> -> memref<79x128xi32, #tpu.memory_space<hbm>>
      tpu.enqueue_dma source(%dma_start3A_19 : memref<79x128xi32, #tpu.memory_space<hbm>>) target(%arg7 : memref<79x128xi32, #tpu.memory_space<vmem>>) target_semaphore(%run_scoped3A : memref<!tpu.dma_semaphore, #tpu.memory_space<semaphore_mem>>)
      %dma_wait3A = arith.constant 0 : i32
      %dma_wait3A_20 = arith.constant 0 : i32
      %dma_wait3A_21 = tpu.memref_slice %arg3[%add3A, %dma_wait3A, %dma_wait3A_20] : memref<32x79x128xi32, #tpu.memory_space<hbm>> -> memref<1x79x128xi32, #tpu.memory_space<hbm>>
      %dma_wait3A_22 = tpu.memref_squeeze %dma_wait3A_21 : memref<1x79x128xi32, #tpu.memory_space<hbm>> -> memref<79x128xi32, #tpu.memory_space<hbm>>
      %dma_wait3A_23 = arith.constant 0 : i32
      %dma_wait3A_24 = arith.constant 0 : i32
      %dma_wait3A_25 = tpu.memref_slice %arg3[%add3A, %dma_wait3A_23, %dma_wait3A_24] : memref<32x79x128xi32, #tpu.memory_space<hbm>> -> memref<1x79x128xi32, #tpu.memory_space<hbm>>
      %dma_wait3A_26 = tpu.memref_squeeze %dma_wait3A_25 : memref<1x79x128xi32, #tpu.memory_space<hbm>> -> memref<79x128xi32, #tpu.memory_space<hbm>>
      tpu.wait_dma2 semaphore(%run_scoped3A : memref<!tpu.dma_semaphore, #tpu.memory_space<semaphore_mem>>) src(%dma_wait3A_26 : memref<79x128xi32, #tpu.memory_space<hbm>>) dst(%arg7 : memref<79x128xi32, #tpu.memory_space<vmem>>)
      tpu.yield
    }) : () -> ()
    "tpu.region"() ({
      %run_scoped3A = tpu.sem_alloc : memref<!tpu.dma_semaphore, #tpu.memory_space<semaphore_mem>>
      %dma_start3A = arith.constant 0 : i32
      %dma_start3A_13 = arith.constant 0 : i32
      %dma_start3A_14 = tpu.memref_slice %arg4[%add3A, %dma_start3A, %dma_start3A_13] : memref<32x79x128xi32, #tpu.memory_space<hbm>> -> memref<1x79x128xi32, #tpu.memory_space<hbm>>
      %dma_start3A_15 = tpu.memref_squeeze %dma_start3A_14 : memref<1x79x128xi32, #tpu.memory_space<hbm>> -> memref<79x128xi32, #tpu.memory_space<hbm>>
      %dma_start3A_16 = arith.constant 0 : i32
      %dma_start3A_17 = arith.constant 0 : i32
      %dma_start3A_18 = tpu.memref_slice %arg4[%add3A, %dma_start3A_16, %dma_start3A_17] : memref<32x79x128xi32, #tpu.memory_space<hbm>> -> memref<1x79x128xi32, #tpu.memory_space<hbm>>
      %dma_start3A_19 = tpu.memref_squeeze %dma_start3A_18 : memref<1x79x128xi32, #tpu.memory_space<hbm>> -> memref<79x128xi32, #tpu.memory_space<hbm>>
      tpu.enqueue_dma source(%dma_start3A_19 : memref<79x128xi32, #tpu.memory_space<hbm>>) target(%arg8 : memref<79x128xi32, #tpu.memory_space<vmem>>) target_semaphore(%run_scoped3A : memref<!tpu.dma_semaphore, #tpu.memory_space<semaphore_mem>>)
      %dma_wait3A = arith.constant 0 : i32
      %dma_wait3A_20 = arith.constant 0 : i32
      %dma_wait3A_21 = tpu.memref_slice %arg4[%add3A, %dma_wait3A, %dma_wait3A_20] : memref<32x79x128xi32, #tpu.memory_space<hbm>> -> memref<1x79x128xi32, #tpu.memory_space<hbm>>
      %dma_wait3A_22 = tpu.memref_squeeze %dma_wait3A_21 : memref<1x79x128xi32, #tpu.memory_space<hbm>> -> memref<79x128xi32, #tpu.memory_space<hbm>>
      %dma_wait3A_23 = arith.constant 0 : i32
      %dma_wait3A_24 = arith.constant 0 : i32
      %dma_wait3A_25 = tpu.memref_slice %arg4[%add3A, %dma_wait3A_23, %dma_wait3A_24] : memref<32x79x128xi32, #tpu.memory_space<hbm>> -> memref<1x79x128xi32, #tpu.memory_space<hbm>>
      %dma_wait3A_26 = tpu.memref_squeeze %dma_wait3A_25 : memref<1x79x128xi32, #tpu.memory_space<hbm>> -> memref<79x128xi32, #tpu.memory_space<hbm>>
      tpu.wait_dma2 semaphore(%run_scoped3A : memref<!tpu.dma_semaphore, #tpu.memory_space<semaphore_mem>>) src(%dma_wait3A_26 : memref<79x128xi32, #tpu.memory_space<hbm>>) dst(%arg8 : memref<79x128xi32, #tpu.memory_space<vmem>>)
      tpu.yield
    }) : () -> ()
    %mul3A_1 = arith.constant 640 : i32
    %mul3A_2 = arith.muli %arg1, %mul3A_1 : i32
    "tpu.region"() ({
      %run_scoped3A = tpu.sem_alloc : memref<!tpu.dma_semaphore, #tpu.memory_space<semaphore_mem>>
      %dma_start3A = arith.constant 0 : i32
      %dma_start3A_13 = tpu.memref_slice %arg10[%mul3A_2, %dma_start3A] : memref<10240x128xf32, #tpu.memory_space<vmem_shared>> -> memref<640x128xf32, #tpu.memory_space<vmem_shared>>
      tpu.enqueue_dma source(%arg5 : memref<640x128xf32, #tpu.memory_space<hbm>>) target(%dma_start3A_13 : memref<640x128xf32, #tpu.memory_space<vmem_shared>>) target_semaphore(%run_scoped3A : memref<!tpu.dma_semaphore, #tpu.memory_space<semaphore_mem>>)
      %dma_wait3A = arith.constant 0 : i32
      %dma_wait3A_14 = tpu.memref_slice %arg10[%mul3A_2, %dma_wait3A] : memref<10240x128xf32, #tpu.memory_space<vmem_shared>> -> memref<640x128xf32, #tpu.memory_space<vmem_shared>>
      tpu.wait_dma2 semaphore(%run_scoped3A : memref<!tpu.dma_semaphore, #tpu.memory_space<semaphore_mem>>) src(%arg5 : memref<640x128xf32, #tpu.memory_space<hbm>>) dst(%dma_wait3A_14 : memref<640x128xf32, #tpu.memory_space<vmem_shared>>)
      tpu.yield
    }) : () -> ()
    %barrier3A = arith.constant 0 : index
    tpu.barrier barrier_id(%barrier3A)
    %scan3A = arith.constant 0 : i32
    %scan3A_3 = arith.constant 0 : i32
    %scan3A_4 = arith.constant 79 : i32
    %scan3A_5 = arith.addi %scan3A_3, %scan3A_4 : i32
    %scan3A_6 = arith.constant 1 : i32
    scf.for %scan3A_13 = %scan3A_3 to %scan3A_5 step %scan3A_6  : i32 {
      %dma_start3A = arith.constant 0 : i32
      %dma_start3A_14 = tpu.memref_slice %arg7[%scan3A_13, %dma_start3A] : memref<79x128xi32, #tpu.memory_space<vmem>> -> memref<1x128xi32, #tpu.memory_space<vmem>>
      %dma_start3A_15 = tpu.memref_squeeze %dma_start3A_14 : memref<1x128xi32, #tpu.memory_space<vmem>> -> memref<128xi32, #tpu.memory_space<vmem>>
      %dma_start3A_16 = arith.constant 0 : i32
      %dma_start3A_17 = arith.constant 0 : i32
      %dma_start3A_18 = tpu.memref_slice %arg2[%dma_start3A_16, %dma_start3A_17] : memref<10000x128xf32, #tpu.memory_space<hbm>> -> memref<10000x128xf32, #tpu.memory_space<hbm>>
      tpu.enqueue_indirect_dma source(%dma_start3A_18 : memref<10000x128xf32, #tpu.memory_space<hbm>>) target(%arg9 : memref<128x128xf32, #tpu.memory_space<vmem>>) offsets(%dma_start3A_15 : memref<128xi32, #tpu.memory_space<vmem>>) semaphore(%arg11 : memref<!tpu.dma_semaphore, #tpu.memory_space<semaphore_mem>>)
      %dma_wait3A = arith.constant 0 : i32
      %dma_wait3A_19 = tpu.memref_slice %arg7[%scan3A_13, %dma_wait3A] : memref<79x128xi32, #tpu.memory_space<vmem>> -> memref<1x128xi32, #tpu.memory_space<vmem>>
      %dma_wait3A_20 = tpu.memref_squeeze %dma_wait3A_19 : memref<1x128xi32, #tpu.memory_space<vmem>> -> memref<128xi32, #tpu.memory_space<vmem>>
      %dma_wait3A_21 = arith.constant 0 : i32
      %dma_wait3A_22 = arith.constant 0 : i32
      %dma_wait3A_23 = tpu.memref_slice %arg2[%dma_wait3A_21, %dma_wait3A_22] : memref<10000x128xf32, #tpu.memory_space<hbm>> -> memref<10000x128xf32, #tpu.memory_space<hbm>>
      tpu.wait_indirect_dma semaphore(%arg11 : memref<!tpu.dma_semaphore, #tpu.memory_space<semaphore_mem>>) src(%dma_wait3A_23 : memref<10000x128xf32, #tpu.memory_space<hbm>>) dst(%arg9 : memref<128x128xf32, #tpu.memory_space<vmem>>)
      "tpu.region"() ({
        %run_scoped3A = tpu.sem_alloc : memref<!tpu.dma_semaphore, #tpu.memory_space<semaphore_mem>>
        %dma_start3A_24 = arith.constant 0 : i32
        %dma_start3A_25 = tpu.memref_slice %arg8[%scan3A_13, %dma_start3A_24] : memref<79x128xi32, #tpu.memory_space<vmem>> -> memref<1x128xi32, #tpu.memory_space<vmem>>
        %dma_start3A_26 = tpu.memref_squeeze %dma_start3A_25 : memref<1x128xi32, #tpu.memory_space<vmem>> -> memref<128xi32, #tpu.memory_space<vmem>>
        %dma_start3A_27 = arith.constant 0 : i32
        %dma_start3A_28 = arith.constant 0 : i32
        %dma_start3A_29 = tpu.memref_slice %arg10[%dma_start3A_27, %dma_start3A_28] : memref<10240x128xf32, #tpu.memory_space<vmem_shared>> -> memref<10240x128xf32, #tpu.memory_space<vmem_shared>>
        tpu.enqueue_indirect_dma source(%arg9 : memref<128x128xf32, #tpu.memory_space<vmem>>) target(%dma_start3A_29 : memref<10240x128xf32, #tpu.memory_space<vmem_shared>>) offsets(%dma_start3A_26 : memref<128xi32, #tpu.memory_space<vmem>>) semaphore(%run_scoped3A : memref<!tpu.dma_semaphore, #tpu.memory_space<semaphore_mem>>) {add = true}
        %dma_wait3A_30 = arith.constant 0 : i32
        %dma_wait3A_31 = tpu.memref_slice %arg8[%scan3A_13, %dma_wait3A_30] : memref<79x128xi32, #tpu.memory_space<vmem>> -> memref<1x128xi32, #tpu.memory_space<vmem>>
        %dma_wait3A_32 = tpu.memref_squeeze %dma_wait3A_31 : memref<1x128xi32, #tpu.memory_space<vmem>> -> memref<128xi32, #tpu.memory_space<vmem>>
        %dma_wait3A_33 = arith.constant 0 : i32
        %dma_wait3A_34 = arith.constant 0 : i32
        %dma_wait3A_35 = tpu.memref_slice %arg10[%dma_wait3A_33, %dma_wait3A_34] : memref<10240x128xf32, #tpu.memory_space<vmem_shared>> -> memref<10240x128xf32, #tpu.memory_space<vmem_shared>>
        tpu.wait_indirect_dma semaphore(%run_scoped3A : memref<!tpu.dma_semaphore, #tpu.memory_space<semaphore_mem>>) src(%arg9 : memref<128x128xf32, #tpu.memory_space<vmem>>) dst(%dma_wait3A_35 : memref<10240x128xf32, #tpu.memory_space<vmem_shared>>)
        tpu.yield
      }) : () -> ()
    }
    %scan3A_7 = arith.constant 79 : i32
    %barrier3A_8 = arith.constant 0 : index
    tpu.barrier barrier_id(%barrier3A_8)
    %mul3A_9 = arith.constant 640 : i32
    %mul3A_10 = arith.muli %arg1, %mul3A_9 : i32
    %mul3A_11 = arith.constant 640 : i32
    %mul3A_12 = arith.muli %arg1, %mul3A_11 : i32
    "tpu.region"() ({
      %run_scoped3A = tpu.sem_alloc : memref<!tpu.dma_semaphore, #tpu.memory_space<semaphore_mem>>
      %dma_start3A = arith.constant 0 : i32
      %dma_start3A_13 = arith.constant 0 : i32
      %dma_start3A_14 = tpu.memref_slice %arg6[%arg0, %dma_start3A, %dma_start3A_13] : memref<2x10240x128xf32, #tpu.memory_space<hbm>> -> memref<1x10240x128xf32, #tpu.memory_space<hbm>>
      %dma_start3A_15 = tpu.memref_squeeze %dma_start3A_14 : memref<1x10240x128xf32, #tpu.memory_space<hbm>> -> memref<10240x128xf32, #tpu.memory_space<hbm>>
      %dma_start3A_16 = arith.constant 0 : i32
      %dma_start3A_17 = tpu.memref_slice %dma_start3A_15[%mul3A_12, %dma_start3A_16] : memref<10240x128xf32, #tpu.memory_space<hbm>> -> memref<640x128xf32, #tpu.memory_space<hbm>>
      %dma_start3A_18 = arith.constant 0 : i32
      %dma_start3A_19 = tpu.memref_slice %arg10[%mul3A_10, %dma_start3A_18] : memref<10240x128xf32, #tpu.memory_space<vmem_shared>> -> memref<640x128xf32, #tpu.memory_space<vmem_shared>>
      tpu.enqueue_dma source(%dma_start3A_19 : memref<640x128xf32, #tpu.memory_space<vmem_shared>>) target(%dma_start3A_17 : memref<640x128xf32, #tpu.memory_space<hbm>>) target_semaphore(%run_scoped3A : memref<!tpu.dma_semaphore, #tpu.memory_space<semaphore_mem>>)
      %dma_wait3A = arith.constant 0 : i32
      %dma_wait3A_20 = arith.constant 0 : i32
      %dma_wait3A_21 = tpu.memref_slice %arg6[%arg0, %dma_wait3A, %dma_wait3A_20] : memref<2x10240x128xf32, #tpu.memory_space<hbm>> -> memref<1x10240x128xf32, #tpu.memory_space<hbm>>
      %dma_wait3A_22 = tpu.memref_squeeze %dma_wait3A_21 : memref<1x10240x128xf32, #tpu.memory_space<hbm>> -> memref<10240x128xf32, #tpu.memory_space<hbm>>
      %dma_wait3A_23 = arith.constant 0 : i32
      %dma_wait3A_24 = tpu.memref_slice %dma_wait3A_22[%mul3A_12, %dma_wait3A_23] : memref<10240x128xf32, #tpu.memory_space<hbm>> -> memref<640x128xf32, #tpu.memory_space<hbm>>
      %dma_wait3A_25 = arith.constant 0 : i32
      %dma_wait3A_26 = tpu.memref_slice %arg10[%mul3A_10, %dma_wait3A_25] : memref<10240x128xf32, #tpu.memory_space<vmem_shared>> -> memref<640x128xf32, #tpu.memory_space<vmem_shared>>
      tpu.wait_dma2 semaphore(%run_scoped3A : memref<!tpu.dma_semaphore, #tpu.memory_space<semaphore_mem>>) src(%dma_wait3A_26 : memref<640x128xf32, #tpu.memory_space<vmem_shared>>) dst(%dma_wait3A_24 : memref<640x128xf32, #tpu.memory_space<hbm>>)
      tpu.yield
    }) : () -> ()
    return
  }
}

module attributes {stable_mosaic.version = 14 : i64} {
  func.func @_first_body(%arg0: i32, %arg1: memref<2000x128xf32, #tpu.memory_space<vmem>>, %arg2: memref<2000x128xf32, #tpu.memory_space<vmem>>, %arg3: memref<2000x1xf32, #tpu.memory_space<vmem>>, %arg4: memref<128x640xf32, #tpu.memory_space<vmem>>, %arg5: memref<1x640xf32, #tpu.memory_space<vmem>>, %arg6: memref<640x512xf32, #tpu.memory_space<vmem>>, %arg7: memref<2000x512xf32, #tpu.memory_space<vmem>>) attributes {dimension_semantics = [#tpu.dimension_semantics<arbitrary>], iteration_bounds = array<i64: 5>, scalar_prefetch = 0 : i64, scratch_operands = 0 : i64, tpu.core_type = #tpu.core_type<tc>, window_params = [{transform_indices = @transform_0, window_bounds = array<i64: 2000, 128>}, {transform_indices = @transform_1, window_bounds = array<i64: 2000, 128>}, {transform_indices = @transform_2, window_bounds = array<i64: 2000, 1>}, {pipeline_mode = #tpu.pipeline_mode<synchronous>, transform_indices = @transform_3, window_bounds = array<i64: 128, 640>}, {pipeline_mode = #tpu.pipeline_mode<synchronous>, transform_indices = @transform_4, window_bounds = array<i64: 1, 640>}, {pipeline_mode = #tpu.pipeline_mode<synchronous>, transform_indices = @transform_5, window_bounds = array<i64: 640, 512>}, {transform_indices = @transform_6, window_bounds = array<i64: 2000, 512>}]} {
    %get3A = arith.constant 0 : index
    %get3A_0 = arith.constant 0 : index
    %get3A_1 = vector.load %arg3[%get3A, %get3A_0] : memref<2000x1xf32, #tpu.memory_space<vmem>>, vector<2000x1xf32>
    %get3A_2 = arith.constant 0 : index
    %get3A_3 = arith.constant 0 : index
    %get3A_4 = vector.load %arg1[%get3A_2, %get3A_3] : memref<2000x128xf32, #tpu.memory_space<vmem>>, vector<2000x128xf32>
    %get3A_5 = arith.constant 0 : index
    %get3A_6 = arith.constant 0 : index
    %get3A_7 = vector.load %arg2[%get3A_5, %get3A_6] : memref<2000x128xf32, #tpu.memory_space<vmem>>, vector<2000x128xf32>
    %add3A = arith.addf %get3A_4, %get3A_7 : vector<2000x128xf32>
    %mul3A = vector.broadcast %get3A_1 : vector<2000x1xf32> to vector<2000x128xf32>
    %mul3A_8 = arith.mulf %mul3A, %add3A : vector<2000x128xf32>
    %get3A_9 = arith.constant 0 : index
    %get3A_10 = arith.constant 0 : index
    %get3A_11 = vector.load %arg4[%get3A_9, %get3A_10] : memref<128x640xf32, #tpu.memory_space<vmem>>, vector<128x640xf32>
    %dot_general3A = arith.constant dense<0.000000e+00> : vector<2000x640xf32>
    %dot_general3A_12 = tpu.matmul %mul3A_8, %get3A_11, %dot_general3A {dimension_numbers = #tpu.dot_dimension_numbers<[1], [0], [0], [1], [0, 0, 1, 1], [], []>, precision = #tpu.contract_precision<fp32>, transpose_lhs_hint = false} : vector<2000x128xf32>, vector<128x640xf32>, vector<2000x640xf32> -> vector<2000x640xf32>
    %get3A_13 = arith.constant 0 : index
    %get3A_14 = arith.constant 0 : index
    %get3A_15 = vector.load %arg5[%get3A_13, %get3A_14] : memref<1x640xf32, #tpu.memory_space<vmem>>, vector<1x640xf32>
    %add3A_16 = vector.broadcast %get3A_15 : vector<1x640xf32> to vector<2000x640xf32>
    %add3A_17 = arith.addf %dot_general3A_12, %add3A_16 : vector<2000x640xf32>
    %max3A = arith.constant 0.000000e+00 : f32
    %max3A_18 = vector.broadcast %max3A : f32 to vector<2000x640xf32>
    %max3A_19 = arith.maximumf %add3A_17, %max3A_18 : vector<2000x640xf32>
    %get3A_20 = arith.constant 0 : index
    %get3A_21 = arith.constant 0 : index
    %get3A_22 = vector.load %arg3[%get3A_20, %get3A_21] : memref<2000x1xf32, #tpu.memory_space<vmem>>, vector<2000x1xf32>
    %get3A_23 = arith.constant 0 : index
    %get3A_24 = arith.constant 0 : index
    %get3A_25 = vector.load %arg6[%get3A_23, %get3A_24] : memref<640x512xf32, #tpu.memory_space<vmem>>, vector<640x512xf32>
    %dot_general3A_26 = arith.constant dense<0.000000e+00> : vector<2000x512xf32>
    %dot_general3A_27 = tpu.matmul %max3A_19, %get3A_25, %dot_general3A_26 {dimension_numbers = #tpu.dot_dimension_numbers<[1], [0], [0], [1], [0, 0, 1, 1], [], []>, precision = #tpu.contract_precision<fp32>, transpose_lhs_hint = false} : vector<2000x640xf32>, vector<640x512xf32>, vector<2000x512xf32> -> vector<2000x512xf32>
    %mul3A_28 = vector.broadcast %get3A_22 : vector<2000x1xf32> to vector<2000x512xf32>
    %mul3A_29 = arith.mulf %mul3A_28, %dot_general3A_27 : vector<2000x512xf32>
    %swap3A = arith.constant 0 : index
    %swap3A_30 = arith.constant 0 : index
    %swap3A_31 = vector.load %arg7[%swap3A, %swap3A_30] : memref<2000x512xf32, #tpu.memory_space<vmem>>, vector<2000x512xf32>
    tpu.vector_store %arg7[%swap3A, %swap3A_30], %mul3A_29 {strides = array<i32>} : memref<2000x512xf32, #tpu.memory_space<vmem>>, vector<2000x512xf32>,
    return
  }
  func.func @transform_0(%arg0: i32) -> (i32, i32) {
    %c0_i32 = arith.constant 0 : i32
    %c0_i32_0 = arith.constant 0 : i32
    return %arg0, %c0_i32 : i32, i32
  }
  func.func @transform_1(%arg0: i32) -> (i32, i32) {
    %c0_i32 = arith.constant 0 : i32
    %c0_i32_0 = arith.constant 0 : i32
    return %arg0, %c0_i32 : i32, i32
  }
  func.func @transform_2(%arg0: i32) -> (i32, i32) {
    %c0_i32 = arith.constant 0 : i32
    %c0_i32_0 = arith.constant 0 : i32
    return %arg0, %c0_i32 : i32, i32
  }
  func.func @transform_3(%arg0: i32) -> (i32, i32) {
    %c0_i32 = arith.constant 0 : i32
    %c0_i32_0 = arith.constant 0 : i32
    %c0_i32_1 = arith.constant 0 : i32
    return %c0_i32, %c0_i32_0 : i32, i32
  }
  func.func @transform_4(%arg0: i32) -> (i32, i32) {
    %c0_i32 = arith.constant 0 : i32
    %c0_i32_0 = arith.constant 0 : i32
    %c0_i32_1 = arith.constant 0 : i32
    return %c0_i32, %c0_i32_0 : i32, i32
  }
  func.func @transform_5(%arg0: i32) -> (i32, i32) {
    %c0_i32 = arith.constant 0 : i32
    %c0_i32_0 = arith.constant 0 : i32
    %c0_i32_1 = arith.constant 0 : i32
    return %c0_i32, %c0_i32_0 : i32, i32
  }
  func.func @transform_6(%arg0: i32) -> (i32, i32) {
    %c0_i32 = arith.constant 0 : i32
    %c0_i32_0 = arith.constant 0 : i32
    return %arg0, %c0_i32 : i32, i32
  }
}

module attributes {stable_mosaic.version = 14 : i64} {
  func.func @_mid_body(%arg0: i32, %arg1: memref<2000x512xf32, #tpu.memory_space<vmem>>, %arg2: memref<2000x512xf32, #tpu.memory_space<vmem>>, %arg3: memref<2000x1xf32, #tpu.memory_space<vmem>>, %arg4: memref<1x512xf32, #tpu.memory_space<vmem>>, %arg5: memref<512x384xf32, #tpu.memory_space<vmem>>, %arg6: memref<2000x384xf32, #tpu.memory_space<vmem>>) attributes {dimension_semantics = [#tpu.dimension_semantics<arbitrary>], iteration_bounds = array<i64: 5>, scalar_prefetch = 0 : i64, scratch_operands = 0 : i64, tpu.core_type = #tpu.core_type<tc>, window_params = [{transform_indices = @transform_0, window_bounds = array<i64: 2000, 512>}, {transform_indices = @transform_1, window_bounds = array<i64: 2000, 512>}, {transform_indices = @transform_2, window_bounds = array<i64: 2000, 1>}, {pipeline_mode = #tpu.pipeline_mode<synchronous>, transform_indices = @transform_3, window_bounds = array<i64: 1, 512>}, {pipeline_mode = #tpu.pipeline_mode<synchronous>, transform_indices = @transform_4, window_bounds = array<i64: 512, 384>}, {transform_indices = @transform_5, window_bounds = array<i64: 2000, 384>}]} {
    %get3A = arith.constant 0 : index
    %get3A_0 = arith.constant 0 : index
    %get3A_1 = vector.load %arg3[%get3A, %get3A_0] : memref<2000x1xf32, #tpu.memory_space<vmem>>, vector<2000x1xf32>
    %get3A_2 = arith.constant 0 : index
    %get3A_3 = arith.constant 0 : index
    %get3A_4 = vector.load %arg1[%get3A_2, %get3A_3] : memref<2000x512xf32, #tpu.memory_space<vmem>>, vector<2000x512xf32>
    %get3A_5 = arith.constant 0 : index
    %get3A_6 = arith.constant 0 : index
    %get3A_7 = vector.load %arg2[%get3A_5, %get3A_6] : memref<2000x512xf32, #tpu.memory_space<vmem>>, vector<2000x512xf32>
    %add3A = arith.addf %get3A_4, %get3A_7 : vector<2000x512xf32>
    %mul3A = vector.broadcast %get3A_1 : vector<2000x1xf32> to vector<2000x512xf32>
    %mul3A_8 = arith.mulf %mul3A, %add3A : vector<2000x512xf32>
    %get3A_9 = arith.constant 0 : index
    %get3A_10 = arith.constant 0 : index
    %get3A_11 = vector.load %arg4[%get3A_9, %get3A_10] : memref<1x512xf32, #tpu.memory_space<vmem>>, vector<1x512xf32>
    %add3A_12 = vector.broadcast %get3A_11 : vector<1x512xf32> to vector<2000x512xf32>
    %add3A_13 = arith.addf %mul3A_8, %add3A_12 : vector<2000x512xf32>
    %max3A = arith.constant 0.000000e+00 : f32
    %max3A_14 = vector.broadcast %max3A : f32 to vector<2000x512xf32>
    %max3A_15 = arith.maximumf %add3A_13, %max3A_14 : vector<2000x512xf32>
    %get3A_16 = arith.constant 0 : index
    %get3A_17 = arith.constant 0 : index
    %get3A_18 = vector.load %arg3[%get3A_16, %get3A_17] : memref<2000x1xf32, #tpu.memory_space<vmem>>, vector<2000x1xf32>
    %get3A_19 = arith.constant 0 : index
    %get3A_20 = arith.constant 0 : index
    %get3A_21 = vector.load %arg5[%get3A_19, %get3A_20] : memref<512x384xf32, #tpu.memory_space<vmem>>, vector<512x384xf32>
    %dot_general3A = arith.constant dense<0.000000e+00> : vector<2000x384xf32>
    %dot_general3A_22 = tpu.matmul %max3A_15, %get3A_21, %dot_general3A {dimension_numbers = #tpu.dot_dimension_numbers<[1], [0], [0], [1], [0, 0, 1, 1], [], []>, precision = #tpu.contract_precision<fp32>, transpose_lhs_hint = false} : vector<2000x512xf32>, vector<512x384xf32>, vector<2000x384xf32> -> vector<2000x384xf32>
    %mul3A_23 = vector.broadcast %get3A_18 : vector<2000x1xf32> to vector<2000x384xf32>
    %mul3A_24 = arith.mulf %mul3A_23, %dot_general3A_22 : vector<2000x384xf32>
    %swap3A = arith.constant 0 : index
    %swap3A_25 = arith.constant 0 : index
    %swap3A_26 = vector.load %arg6[%swap3A, %swap3A_25] : memref<2000x384xf32, #tpu.memory_space<vmem>>, vector<2000x384xf32>
    tpu.vector_store %arg6[%swap3A, %swap3A_25], %mul3A_24 {strides = array<i32>} : memref<2000x384xf32, #tpu.memory_space<vmem>>, vector<2000x384xf32>,
    return
  }
  func.func @transform_0(%arg0: i32) -> (i32, i32) {
    %c0_i32 = arith.constant 0 : i32
    %c0_i32_0 = arith.constant 0 : i32
    return %arg0, %c0_i32 : i32, i32
  }
  func.func @transform_1(%arg0: i32) -> (i32, i32) {
    %c0_i32 = arith.constant 0 : i32
    %c0_i32_0 = arith.constant 0 : i32
    return %arg0, %c0_i32 : i32, i32
  }
  func.func @transform_2(%arg0: i32) -> (i32, i32) {
    %c0_i32 = arith.constant 0 : i32
    %c0_i32_0 = arith.constant 0 : i32
    return %arg0, %c0_i32 : i32, i32
  }
  func.func @transform_3(%arg0: i32) -> (i32, i32) {
    %c0_i32 = arith.constant 0 : i32
    %c0_i32_0 = arith.constant 0 : i32
    %c0_i32_1 = arith.constant 0 : i32
    return %c0_i32, %c0_i32_0 : i32, i32
  }
  func.func @transform_4(%arg0: i32) -> (i32, i32) {
    %c0_i32 = arith.constant 0 : i32
    %c0_i32_0 = arith.constant 0 : i32
    %c0_i32_1 = arith.constant 0 : i32
    return %c0_i32, %c0_i32_0 : i32, i32
  }
  func.func @transform_5(%arg0: i32) -> (i32, i32) {
    %c0_i32 = arith.constant 0 : i32
    %c0_i32_0 = arith.constant 0 : i32
    return %arg0, %c0_i32 : i32, i32
  }
}

module attributes {stable_mosaic.version = 14 : i64} {
  func.func @_mid_body(%arg0: i32, %arg1: memref<2000x384xf32, #tpu.memory_space<vmem>>, %arg2: memref<2000x384xf32, #tpu.memory_space<vmem>>, %arg3: memref<2000x1xf32, #tpu.memory_space<vmem>>, %arg4: memref<1x384xf32, #tpu.memory_space<vmem>>, %arg5: memref<384x256xf32, #tpu.memory_space<vmem>>, %arg6: memref<2000x256xf32, #tpu.memory_space<vmem>>) attributes {dimension_semantics = [#tpu.dimension_semantics<arbitrary>], iteration_bounds = array<i64: 5>, scalar_prefetch = 0 : i64, scratch_operands = 0 : i64, tpu.core_type = #tpu.core_type<tc>, window_params = [{transform_indices = @transform_0, window_bounds = array<i64: 2000, 384>}, {transform_indices = @transform_1, window_bounds = array<i64: 2000, 384>}, {transform_indices = @transform_2, window_bounds = array<i64: 2000, 1>}, {pipeline_mode = #tpu.pipeline_mode<synchronous>, transform_indices = @transform_3, window_bounds = array<i64: 1, 384>}, {pipeline_mode = #tpu.pipeline_mode<synchronous>, transform_indices = @transform_4, window_bounds = array<i64: 384, 256>}, {transform_indices = @transform_5, window_bounds = array<i64: 2000, 256>}]} {
    %get3A = arith.constant 0 : index
    %get3A_0 = arith.constant 0 : index
    %get3A_1 = vector.load %arg3[%get3A, %get3A_0] : memref<2000x1xf32, #tpu.memory_space<vmem>>, vector<2000x1xf32>
    %get3A_2 = arith.constant 0 : index
    %get3A_3 = arith.constant 0 : index
    %get3A_4 = vector.load %arg1[%get3A_2, %get3A_3] : memref<2000x384xf32, #tpu.memory_space<vmem>>, vector<2000x384xf32>
    %get3A_5 = arith.constant 0 : index
    %get3A_6 = arith.constant 0 : index
    %get3A_7 = vector.load %arg2[%get3A_5, %get3A_6] : memref<2000x384xf32, #tpu.memory_space<vmem>>, vector<2000x384xf32>
    %add3A = arith.addf %get3A_4, %get3A_7 : vector<2000x384xf32>
    %mul3A = vector.broadcast %get3A_1 : vector<2000x1xf32> to vector<2000x384xf32>
    %mul3A_8 = arith.mulf %mul3A, %add3A : vector<2000x384xf32>
    %get3A_9 = arith.constant 0 : index
    %get3A_10 = arith.constant 0 : index
    %get3A_11 = vector.load %arg4[%get3A_9, %get3A_10] : memref<1x384xf32, #tpu.memory_space<vmem>>, vector<1x384xf32>
    %add3A_12 = vector.broadcast %get3A_11 : vector<1x384xf32> to vector<2000x384xf32>
    %add3A_13 = arith.addf %mul3A_8, %add3A_12 : vector<2000x384xf32>
    %max3A = arith.constant 0.000000e+00 : f32
    %max3A_14 = vector.broadcast %max3A : f32 to vector<2000x384xf32>
    %max3A_15 = arith.maximumf %add3A_13, %max3A_14 : vector<2000x384xf32>
    %get3A_16 = arith.constant 0 : index
    %get3A_17 = arith.constant 0 : index
    %get3A_18 = vector.load %arg3[%get3A_16, %get3A_17] : memref<2000x1xf32, #tpu.memory_space<vmem>>, vector<2000x1xf32>
    %get3A_19 = arith.constant 0 : index
    %get3A_20 = arith.constant 0 : index
    %get3A_21 = vector.load %arg5[%get3A_19, %get3A_20] : memref<384x256xf32, #tpu.memory_space<vmem>>, vector<384x256xf32>
    %dot_general3A = arith.constant dense<0.000000e+00> : vector<2000x256xf32>
    %dot_general3A_22 = tpu.matmul %max3A_15, %get3A_21, %dot_general3A {dimension_numbers = #tpu.dot_dimension_numbers<[1], [0], [0], [1], [0, 0, 1, 1], [], []>, precision = #tpu.contract_precision<fp32>, transpose_lhs_hint = false} : vector<2000x384xf32>, vector<384x256xf32>, vector<2000x256xf32> -> vector<2000x256xf32>
    %mul3A_23 = vector.broadcast %get3A_18 : vector<2000x1xf32> to vector<2000x256xf32>
    %mul3A_24 = arith.mulf %mul3A_23, %dot_general3A_22 : vector<2000x256xf32>
    %swap3A = arith.constant 0 : index
    %swap3A_25 = arith.constant 0 : index
    %swap3A_26 = vector.load %arg6[%swap3A, %swap3A_25] : memref<2000x256xf32, #tpu.memory_space<vmem>>, vector<2000x256xf32>
    tpu.vector_store %arg6[%swap3A, %swap3A_25], %mul3A_24 {strides = array<i32>} : memref<2000x256xf32, #tpu.memory_space<vmem>>, vector<2000x256xf32>,
    return
  }
  func.func @transform_0(%arg0: i32) -> (i32, i32) {
    %c0_i32 = arith.constant 0 : i32
    %c0_i32_0 = arith.constant 0 : i32
    return %arg0, %c0_i32 : i32, i32
  }
  func.func @transform_1(%arg0: i32) -> (i32, i32) {
    %c0_i32 = arith.constant 0 : i32
    %c0_i32_0 = arith.constant 0 : i32
    return %arg0, %c0_i32 : i32, i32
  }
  func.func @transform_2(%arg0: i32) -> (i32, i32) {
    %c0_i32 = arith.constant 0 : i32
    %c0_i32_0 = arith.constant 0 : i32
    return %arg0, %c0_i32 : i32, i32
  }
  func.func @transform_3(%arg0: i32) -> (i32, i32) {
    %c0_i32 = arith.constant 0 : i32
    %c0_i32_0 = arith.constant 0 : i32
    %c0_i32_1 = arith.constant 0 : i32
    return %c0_i32, %c0_i32_0 : i32, i32
  }
  func.func @transform_4(%arg0: i32) -> (i32, i32) {
    %c0_i32 = arith.constant 0 : i32
    %c0_i32_0 = arith.constant 0 : i32
    %c0_i32_1 = arith.constant 0 : i32
    return %c0_i32, %c0_i32_0 : i32, i32
  }
  func.func @transform_5(%arg0: i32) -> (i32, i32) {
    %c0_i32 = arith.constant 0 : i32
    %c0_i32_0 = arith.constant 0 : i32
    return %arg0, %c0_i32 : i32, i32
  }
}

module attributes {stable_mosaic.version = 14 : i64} {
  func.func @_mid_body(%arg0: i32, %arg1: memref<2000x256xf32, #tpu.memory_space<vmem>>, %arg2: memref<2000x256xf32, #tpu.memory_space<vmem>>, %arg3: memref<2000x1xf32, #tpu.memory_space<vmem>>, %arg4: memref<1x256xf32, #tpu.memory_space<vmem>>, %arg5: memref<256x128xf32, #tpu.memory_space<vmem>>, %arg6: memref<2000x128xf32, #tpu.memory_space<vmem>>) attributes {dimension_semantics = [#tpu.dimension_semantics<arbitrary>], iteration_bounds = array<i64: 5>, scalar_prefetch = 0 : i64, scratch_operands = 0 : i64, tpu.core_type = #tpu.core_type<tc>, window_params = [{transform_indices = @transform_0, window_bounds = array<i64: 2000, 256>}, {transform_indices = @transform_1, window_bounds = array<i64: 2000, 256>}, {transform_indices = @transform_2, window_bounds = array<i64: 2000, 1>}, {pipeline_mode = #tpu.pipeline_mode<synchronous>, transform_indices = @transform_3, window_bounds = array<i64: 1, 256>}, {pipeline_mode = #tpu.pipeline_mode<synchronous>, transform_indices = @transform_4, window_bounds = array<i64: 256, 128>}, {transform_indices = @transform_5, window_bounds = array<i64: 2000, 128>}]} {
    %get3A = arith.constant 0 : index
    %get3A_0 = arith.constant 0 : index
    %get3A_1 = vector.load %arg3[%get3A, %get3A_0] : memref<2000x1xf32, #tpu.memory_space<vmem>>, vector<2000x1xf32>
    %get3A_2 = arith.constant 0 : index
    %get3A_3 = arith.constant 0 : index
    %get3A_4 = vector.load %arg1[%get3A_2, %get3A_3] : memref<2000x256xf32, #tpu.memory_space<vmem>>, vector<2000x256xf32>
    %get3A_5 = arith.constant 0 : index
    %get3A_6 = arith.constant 0 : index
    %get3A_7 = vector.load %arg2[%get3A_5, %get3A_6] : memref<2000x256xf32, #tpu.memory_space<vmem>>, vector<2000x256xf32>
    %add3A = arith.addf %get3A_4, %get3A_7 : vector<2000x256xf32>
    %mul3A = vector.broadcast %get3A_1 : vector<2000x1xf32> to vector<2000x256xf32>
    %mul3A_8 = arith.mulf %mul3A, %add3A : vector<2000x256xf32>
    %get3A_9 = arith.constant 0 : index
    %get3A_10 = arith.constant 0 : index
    %get3A_11 = vector.load %arg4[%get3A_9, %get3A_10] : memref<1x256xf32, #tpu.memory_space<vmem>>, vector<1x256xf32>
    %add3A_12 = vector.broadcast %get3A_11 : vector<1x256xf32> to vector<2000x256xf32>
    %add3A_13 = arith.addf %mul3A_8, %add3A_12 : vector<2000x256xf32>
    %max3A = arith.constant 0.000000e+00 : f32
    %max3A_14 = vector.broadcast %max3A : f32 to vector<2000x256xf32>
    %max3A_15 = arith.maximumf %add3A_13, %max3A_14 : vector<2000x256xf32>
    %get3A_16 = arith.constant 0 : index
    %get3A_17 = arith.constant 0 : index
    %get3A_18 = vector.load %arg3[%get3A_16, %get3A_17] : memref<2000x1xf32, #tpu.memory_space<vmem>>, vector<2000x1xf32>
    %get3A_19 = arith.constant 0 : index
    %get3A_20 = arith.constant 0 : index
    %get3A_21 = vector.load %arg5[%get3A_19, %get3A_20] : memref<256x128xf32, #tpu.memory_space<vmem>>, vector<256x128xf32>
    %dot_general3A = arith.constant dense<0.000000e+00> : vector<2000x128xf32>
    %dot_general3A_22 = tpu.matmul %max3A_15, %get3A_21, %dot_general3A {dimension_numbers = #tpu.dot_dimension_numbers<[1], [0], [0], [1], [0, 0, 1, 1], [], []>, precision = #tpu.contract_precision<fp32>, transpose_lhs_hint = false} : vector<2000x256xf32>, vector<256x128xf32>, vector<2000x128xf32> -> vector<2000x128xf32>
    %mul3A_23 = vector.broadcast %get3A_18 : vector<2000x1xf32> to vector<2000x128xf32>
    %mul3A_24 = arith.mulf %mul3A_23, %dot_general3A_22 : vector<2000x128xf32>
    %swap3A = arith.constant 0 : index
    %swap3A_25 = arith.constant 0 : index
    %swap3A_26 = vector.load %arg6[%swap3A, %swap3A_25] : memref<2000x128xf32, #tpu.memory_space<vmem>>, vector<2000x128xf32>
    tpu.vector_store %arg6[%swap3A, %swap3A_25], %mul3A_24 {strides = array<i32>} : memref<2000x128xf32, #tpu.memory_space<vmem>>, vector<2000x128xf32>,
    return
  }
  func.func @transform_0(%arg0: i32) -> (i32, i32) {
    %c0_i32 = arith.constant 0 : i32
    %c0_i32_0 = arith.constant 0 : i32
    return %arg0, %c0_i32 : i32, i32
  }
  func.func @transform_1(%arg0: i32) -> (i32, i32) {
    %c0_i32 = arith.constant 0 : i32
    %c0_i32_0 = arith.constant 0 : i32
    return %arg0, %c0_i32 : i32, i32
  }
  func.func @transform_2(%arg0: i32) -> (i32, i32) {
    %c0_i32 = arith.constant 0 : i32
    %c0_i32_0 = arith.constant 0 : i32
    return %arg0, %c0_i32 : i32, i32
  }
  func.func @transform_3(%arg0: i32) -> (i32, i32) {
    %c0_i32 = arith.constant 0 : i32
    %c0_i32_0 = arith.constant 0 : i32
    %c0_i32_1 = arith.constant 0 : i32
    return %c0_i32, %c0_i32_0 : i32, i32
  }
  func.func @transform_4(%arg0: i32) -> (i32, i32) {
    %c0_i32 = arith.constant 0 : i32
    %c0_i32_0 = arith.constant 0 : i32
    %c0_i32_1 = arith.constant 0 : i32
    return %c0_i32, %c0_i32_0 : i32, i32
  }
  func.func @transform_5(%arg0: i32) -> (i32, i32) {
    %c0_i32 = arith.constant 0 : i32
    %c0_i32_0 = arith.constant 0 : i32
    return %arg0, %c0_i32 : i32, i32
  }
}

module attributes {stable_mosaic.version = 14 : i64} {
  func.func @_mid_body(%arg0: i32, %arg1: memref<2000x128xf32, #tpu.memory_space<vmem>>, %arg2: memref<2000x128xf32, #tpu.memory_space<vmem>>, %arg3: memref<2000x1xf32, #tpu.memory_space<vmem>>, %arg4: memref<1x128xf32, #tpu.memory_space<vmem>>, %arg5: memref<128x128xf32, #tpu.memory_space<vmem>>, %arg6: memref<2000x128xf32, #tpu.memory_space<vmem>>) attributes {dimension_semantics = [#tpu.dimension_semantics<arbitrary>], iteration_bounds = array<i64: 5>, scalar_prefetch = 0 : i64, scratch_operands = 0 : i64, tpu.core_type = #tpu.core_type<tc>, window_params = [{transform_indices = @transform_0, window_bounds = array<i64: 2000, 128>}, {transform_indices = @transform_1, window_bounds = array<i64: 2000, 128>}, {transform_indices = @transform_2, window_bounds = array<i64: 2000, 1>}, {pipeline_mode = #tpu.pipeline_mode<synchronous>, transform_indices = @transform_3, window_bounds = array<i64: 1, 128>}, {pipeline_mode = #tpu.pipeline_mode<synchronous>, transform_indices = @transform_4, window_bounds = array<i64: 128, 128>}, {transform_indices = @transform_5, window_bounds = array<i64: 2000, 128>}]} {
    %get3A = arith.constant 0 : index
    %get3A_0 = arith.constant 0 : index
    %get3A_1 = vector.load %arg3[%get3A, %get3A_0] : memref<2000x1xf32, #tpu.memory_space<vmem>>, vector<2000x1xf32>
    %get3A_2 = arith.constant 0 : index
    %get3A_3 = arith.constant 0 : index
    %get3A_4 = vector.load %arg1[%get3A_2, %get3A_3] : memref<2000x128xf32, #tpu.memory_space<vmem>>, vector<2000x128xf32>
    %get3A_5 = arith.constant 0 : index
    %get3A_6 = arith.constant 0 : index
    %get3A_7 = vector.load %arg2[%get3A_5, %get3A_6] : memref<2000x128xf32, #tpu.memory_space<vmem>>, vector<2000x128xf32>
    %add3A = arith.addf %get3A_4, %get3A_7 : vector<2000x128xf32>
    %mul3A = vector.broadcast %get3A_1 : vector<2000x1xf32> to vector<2000x128xf32>
    %mul3A_8 = arith.mulf %mul3A, %add3A : vector<2000x128xf32>
    %get3A_9 = arith.constant 0 : index
    %get3A_10 = arith.constant 0 : index
    %get3A_11 = vector.load %arg4[%get3A_9, %get3A_10] : memref<1x128xf32, #tpu.memory_space<vmem>>, vector<1x128xf32>
    %add3A_12 = vector.broadcast %get3A_11 : vector<1x128xf32> to vector<2000x128xf32>
    %add3A_13 = arith.addf %mul3A_8, %add3A_12 : vector<2000x128xf32>
    %max3A = arith.constant 0.000000e+00 : f32
    %max3A_14 = vector.broadcast %max3A : f32 to vector<2000x128xf32>
    %max3A_15 = arith.maximumf %add3A_13, %max3A_14 : vector<2000x128xf32>
    %get3A_16 = arith.constant 0 : index
    %get3A_17 = arith.constant 0 : index
    %get3A_18 = vector.load %arg3[%get3A_16, %get3A_17] : memref<2000x1xf32, #tpu.memory_space<vmem>>, vector<2000x1xf32>
    %get3A_19 = arith.constant 0 : index
    %get3A_20 = arith.constant 0 : index
    %get3A_21 = vector.load %arg5[%get3A_19, %get3A_20] : memref<128x128xf32, #tpu.memory_space<vmem>>, vector<128x128xf32>
    %dot_general3A = arith.constant dense<0.000000e+00> : vector<2000x128xf32>
    %dot_general3A_22 = tpu.matmul %max3A_15, %get3A_21, %dot_general3A {dimension_numbers = #tpu.dot_dimension_numbers<[1], [0], [0], [1], [0, 0, 1, 1], [], []>, precision = #tpu.contract_precision<fp32>, transpose_lhs_hint = false} : vector<2000x128xf32>, vector<128x128xf32>, vector<2000x128xf32> -> vector<2000x128xf32>
    %mul3A_23 = vector.broadcast %get3A_18 : vector<2000x1xf32> to vector<2000x128xf32>
    %mul3A_24 = arith.mulf %mul3A_23, %dot_general3A_22 : vector<2000x128xf32>
    %swap3A = arith.constant 0 : index
    %swap3A_25 = arith.constant 0 : index
    %swap3A_26 = vector.load %arg6[%swap3A, %swap3A_25] : memref<2000x128xf32, #tpu.memory_space<vmem>>, vector<2000x128xf32>
    tpu.vector_store %arg6[%swap3A, %swap3A_25], %mul3A_24 {strides = array<i32>} : memref<2000x128xf32, #tpu.memory_space<vmem>>, vector<2000x128xf32>,
    return
  }
  func.func @transform_0(%arg0: i32) -> (i32, i32) {
    %c0_i32 = arith.constant 0 : i32
    %c0_i32_0 = arith.constant 0 : i32
    return %arg0, %c0_i32 : i32, i32
  }
  func.func @transform_1(%arg0: i32) -> (i32, i32) {
    %c0_i32 = arith.constant 0 : i32
    %c0_i32_0 = arith.constant 0 : i32
    return %arg0, %c0_i32 : i32, i32
  }
  func.func @transform_2(%arg0: i32) -> (i32, i32) {
    %c0_i32 = arith.constant 0 : i32
    %c0_i32_0 = arith.constant 0 : i32
    return %arg0, %c0_i32 : i32, i32
  }
  func.func @transform_3(%arg0: i32) -> (i32, i32) {
    %c0_i32 = arith.constant 0 : i32
    %c0_i32_0 = arith.constant 0 : i32
    %c0_i32_1 = arith.constant 0 : i32
    return %c0_i32, %c0_i32_0 : i32, i32
  }
  func.func @transform_4(%arg0: i32) -> (i32, i32) {
    %c0_i32 = arith.constant 0 : i32
    %c0_i32_0 = arith.constant 0 : i32
    %c0_i32_1 = arith.constant 0 : i32
    return %c0_i32, %c0_i32_0 : i32, i32
  }
  func.func @transform_5(%arg0: i32) -> (i32, i32) {
    %c0_i32 = arith.constant 0 : i32
    %c0_i32_0 = arith.constant 0 : i32
    return %arg0, %c0_i32 : i32, i32
  }
}

module attributes {stable_mosaic.version = 14 : i64} {
  func.func @_last_body(%arg0: i32, %arg1: memref<2000x128xf32, #tpu.memory_space<vmem>>, %arg2: memref<2000x128xf32, #tpu.memory_space<vmem>>, %arg3: memref<2000x1xf32, #tpu.memory_space<vmem>>, %arg4: memref<1x128xf32, #tpu.memory_space<vmem>>, %arg5: memref<2000x128xf32, #tpu.memory_space<vmem>>) attributes {dimension_semantics = [#tpu.dimension_semantics<arbitrary>], iteration_bounds = array<i64: 5>, scalar_prefetch = 0 : i64, scratch_operands = 0 : i64, tpu.core_type = #tpu.core_type<tc>, window_params = [{transform_indices = @transform_0, window_bounds = array<i64: 2000, 128>}, {transform_indices = @transform_1, window_bounds = array<i64: 2000, 128>}, {transform_indices = @transform_2, window_bounds = array<i64: 2000, 1>}, {pipeline_mode = #tpu.pipeline_mode<synchronous>, transform_indices = @transform_3, window_bounds = array<i64: 1, 128>}, {transform_indices = @transform_4, window_bounds = array<i64: 2000, 128>}]} {
    %get3A = arith.constant 0 : index
    %get3A_0 = arith.constant 0 : index
    %get3A_1 = vector.load %arg3[%get3A, %get3A_0] : memref<2000x1xf32, #tpu.memory_space<vmem>>, vector<2000x1xf32>
    %get3A_2 = arith.constant 0 : index
    %get3A_3 = arith.constant 0 : index
    %get3A_4 = vector.load %arg1[%get3A_2, %get3A_3] : memref<2000x128xf32, #tpu.memory_space<vmem>>, vector<2000x128xf32>
    %get3A_5 = arith.constant 0 : index
    %get3A_6 = arith.constant 0 : index
    %get3A_7 = vector.load %arg2[%get3A_5, %get3A_6] : memref<2000x128xf32, #tpu.memory_space<vmem>>, vector<2000x128xf32>
    %add3A = arith.addf %get3A_4, %get3A_7 : vector<2000x128xf32>
    %mul3A = vector.broadcast %get3A_1 : vector<2000x1xf32> to vector<2000x128xf32>
    %mul3A_8 = arith.mulf %mul3A, %add3A : vector<2000x128xf32>
    %get3A_9 = arith.constant 0 : index
    %get3A_10 = arith.constant 0 : index
    %get3A_11 = vector.load %arg4[%get3A_9, %get3A_10] : memref<1x128xf32, #tpu.memory_space<vmem>>, vector<1x128xf32>
    %add3A_12 = vector.broadcast %get3A_11 : vector<1x128xf32> to vector<2000x128xf32>
    %add3A_13 = arith.addf %mul3A_8, %add3A_12 : vector<2000x128xf32>
    %iota3A = tpu.iota {dimensions = array<i32: 1>} : vector<2000x128xi32>
    %lt3A = arith.constant 10 : i32
    %lt3A_14 = vector.broadcast %lt3A : i32 to vector<2000x128xi32>
    %lt3A_15 = arith.cmpi slt, %iota3A, %lt3A_14 : vector<2000x128xi32>
    %jit3A = arith.constant 0xFF800000 : f32
    %broadcast_in_dim3A = vector.broadcast %jit3A : f32 to vector<2000x128xf32>
    %select_n3A = arith.select %lt3A_15, %add3A_13, %broadcast_in_dim3A : vector<2000x128xi1>, vector<2000x128xf32>
    %reduce_max3A = arith.constant dense<0xFF800000> : vector<2000xf32>
    %reduce_max3A_16 = vector.multi_reduction <maximumf>, %select_n3A, %reduce_max3A [1] : vector<2000x128xf32> to vector<2000xf32>
    %broadcast_in_dim3A_17 = vector.shape_cast %reduce_max3A_16 : vector<2000xf32> to vector<2000x1xf32>
    %sub3A = vector.broadcast %broadcast_in_dim3A_17 : vector<2000x1xf32> to vector<2000x128xf32>
    %sub3A_18 = arith.subf %select_n3A, %sub3A : vector<2000x128xf32>
    %exp3A = math.exp %sub3A_18 : vector<2000x128xf32>
    %jit3A_19 = arith.constant 0.000000e+00 : f32
    %broadcast_in_dim3A_20 = vector.broadcast %jit3A_19 : f32 to vector<2000x128xf32>
    %select_n3A_21 = arith.select %lt3A_15, %exp3A, %broadcast_in_dim3A_20 : vector<2000x128xi1>, vector<2000x128xf32>
    %reduce_sum3A = arith.constant dense<0.000000e+00> : vector<2000xf32>
    %reduce_sum3A_22 = vector.multi_reduction <add>, %select_n3A_21, %reduce_sum3A [1] : vector<2000x128xf32> to vector<2000xf32>
    %broadcast_in_dim3A_23 = vector.shape_cast %reduce_sum3A_22 : vector<2000xf32> to vector<2000x1xf32>
    %log3A = math.log %broadcast_in_dim3A_23 : vector<2000x1xf32>
    %sub3A_24 = vector.broadcast %broadcast_in_dim3A_17 : vector<2000x1xf32> to vector<2000x128xf32>
    %sub3A_25 = arith.subf %select_n3A, %sub3A_24 : vector<2000x128xf32>
    %sub3A_26 = vector.broadcast %log3A : vector<2000x1xf32> to vector<2000x128xf32>
    %sub3A_27 = arith.subf %sub3A_25, %sub3A_26 : vector<2000x128xf32>
    %swap3A = arith.constant 0 : index
    %swap3A_28 = arith.constant 0 : index
    %swap3A_29 = vector.load %arg5[%swap3A, %swap3A_28] : memref<2000x128xf32, #tpu.memory_space<vmem>>, vector<2000x128xf32>
    tpu.vector_store %arg5[%swap3A, %swap3A_28], %sub3A_27 {strides = array<i32>} : memref<2000x128xf32, #tpu.memory_space<vmem>>, vector<2000x128xf32>,
    return
  }
  func.func @transform_0(%arg0: i32) -> (i32, i32) {
    %c0_i32 = arith.constant 0 : i32
    %c0_i32_0 = arith.constant 0 : i32
    return %arg0, %c0_i32 : i32, i32
  }
  func.func @transform_1(%arg0: i32) -> (i32, i32) {
    %c0_i32 = arith.constant 0 : i32
    %c0_i32_0 = arith.constant 0 : i32
    return %arg0, %c0_i32 : i32, i32
  }
  func.func @transform_2(%arg0: i32) -> (i32, i32) {
    %c0_i32 = arith.constant 0 : i32
    %c0_i32_0 = arith.constant 0 : i32
    return %arg0, %c0_i32 : i32, i32
  }
  func.func @transform_3(%arg0: i32) -> (i32, i32) {
    %c0_i32 = arith.constant 0 : i32
    %c0_i32_0 = arith.constant 0 : i32
    %c0_i32_1 = arith.constant 0 : i32
    return %c0_i32, %c0_i32_0 : i32, i32
  }
  func.func @transform_4(%arg0: i32) -> (i32, i32) {
    %c0_i32 = arith.constant 0 : i32
    %c0_i32_0 = arith.constant 0 : i32
    return %arg0, %c0_i32 : i32, i32
  }
}

</mosaic_0001>

<sc_bundles>
// kernel: kernel.21.cloned.1.call-start
scs
__scs_entry_jumppad:
0x0: {  	(pc) =	sbr.rel $0x88, $3  }
0x1: {  	(tag) =	ssettag $0x0;
	lr =	simm.s32 $0x1  }
0x2: {  	[smem:$0x3F93] =	sst lr;
	_ =	strace $0xD0000000  }
0x3: {  	_ = 	snop  }
0x4: {  	_ = 	snop  }
0x5: {  	_ = 	snop  }
0x6: {  	_ = 	snop  }
0x7: {  	_ = 	snop  }
__scs_overlays_trampoline_lowered:
0x8: {  	[smem:$0x3FA2] =	sst s0  }
0x9: {  	[smem:$0x3FA3] =	sst s1  }
0xa: {  	[smem:$0x3FA4] =	sst s2  }
0xb: {  	[smem:$0x3FA5] =	sst s3  }
0xc: {  	[smem:$0x3FA6] =	sst s4  }
0xd: {  	[smem:$0x3FA7] =	sst s5  }
0xe: {  	[smem:$0x3FA8] =	sst s6  }
0xf: {  	[smem:$0x3FA9] =	sst s7  }
0x10: {  	[smem:$0x3FAA] =	sst s8  }
0x11: {  	[smem:$0x3FAB] =	sst s9;
	s0 =	simm.s32 @!p0 $0x0  }
0x12: {  	s1 =	sld [smem:$0x3F91];
	s0 =	simm.s32 @p0 $0x1  }
0x13: {  	[smem:$0x3FAC] =	sst s0;
	s0 =	simm.s32 @!p1 $0x0  }
0x14: {  	s2 =	sld [smem:$0x3F90];
	s0 =	simm.s32 @p1 $0x1  }
0x15: {  	[smem:$0x3FAD] =	sst s0;
	s0 =	simm.s32 @!p2 $0x0  }
0x16: {  	s3 =	sld [smem:$0x3FDB];
	s0 =	simm.s32 @p2 $0x1  }
0x17: {  	s4 =	simm.s32 $0x1BF5;
	[smem:$0x3FAF] =	sst s0  }
0x18: {  	s0 =	sld [smem:$0x3F92];
	_ =	swait.ge [sflag:s4], $0x0  }
0x19: {  	s7 =	sld [smem:$0x3F93]  }
0x1a: {  	s8 =	sadd.s32 $0xFFFFE003, lr  }
0x1b: {  	s9 =	sadd.s32 $0xFFFFFEF7, lr;
	s5 =	simm.s32 $0xFFFFFFFF;
	p2 =	slt.u32 s8, $0xFFFFF086  }
0x1c: {  	p1 =	slt.u32 s9, $0xF7A;
	s5 =	simm.s32 @!p2 $0x0  }
0x1d: {  	s5 =	simm.s32 @p1 $0x1;
	p0 =	seq.s32 s7, s2  }
0x1e: {  	s7 =	smul.u32 @!p0 $0xF7A, s2;
	p2 =	seq.s32 @!p0 s5, $0x0  }
0x1f: {  	s9 =	smul.u32 $0xF7A, s1;
	s8 =	simm.s32 @!p0 $0x1BF5;
	p2 =	por !p2, p0  }
0x20: {  	[sflag:s8] =	ssyncset.s32 @!p0 $0xFFFFF086;
	s6 =	sadd.s32 @!p0 s3, s7;
	s7 =	simm.s32 @!p0 $0x108  }
0x21: {  	s3 =	sadd.s32 s3, s9;
	s6 =	sadd.s32 @!p0 $0x88, s6;
	s7 =	simm.s32 @p2 $0x1082  }
0x22: {  	[simem:s7], [sflag:s8] =	dma.local @!p0 [hbm:s6], $0xF7A  }
0x23: {  	s9 =	sor.u32 $0xD0000000, s2;
	s6 =	simm.s32 $0x108;
	_ =	swait.ge @!p0 [sflag:s8], $0x0  }
0x24: {  	s3 =	sadd.s32 $0x88, s3;
	s6 =	simm.s32 @!p1 $0x1082;
	[sflag:s4] =	ssyncset.s32 $0xFFFFF086  }
0x25: {  	[simem:s6], [sflag:s4] =	dma.local [hbm:s3], $0xF7A  }
0x26: {  	[smem:$0x3F93] =	sst s1;
	(tag) =	ssettag s2;
	_ =	strace s9  }
0x27: {  	s1 =	sld [smem:$0x3FA3]  }
0x28: {  	s2 =	sld [smem:$0x3FA4]  }
0x29: {  	s4 =	sld [smem:$0x3FA6]  }
0x2a: {  	p0 =	seq.s32 s5, $0x0;
	s5 =	sld [smem:$0x3FA7]  }
0x2b: {  	s6 =	sld [smem:$0x3FA8]  }
0x2c: {  	s7 =	sld [smem:$0x3FA9]  }
0x2d: {  	s3 =	simm.s32 $0x108;
	s8 =	sld [smem:$0x3FAA]  }
0x2e: {  	s3 =	simm.s32 @!p0 $0x1082;
	s9 =	sld [smem:$0x3FAB]  }
0x2f: {  	lr =	sadd.s32 s0, s3;
	s0 =	sld [smem:$0x3FA2]  }
0x30: {  	s3 =	sld [smem:$0x3FA5]  }
0x31: {  	[smem:$0x3FAE] =	sst s10  }
0x32: {  	s10 =	sld [smem:$0x3FAC];
	_ =	sdelay $0x3  }
0x33: {  	p0 =	seq.s32 s10, $0x1;
	s10 =	sld [smem:$0x3FAE];
	_ =	sdelay $0x3  }
0x34: {  	[smem:$0x3FAE] =	sst s10  }
0x35: {  	s10 =	sld [smem:$0x3FAD];
	_ =	sdelay $0x3  }
0x36: {  	p1 =	seq.s32 s10, $0x1;
	s10 =	sld [smem:$0x3FAE];
	_ =	sdelay $0x3  }
0x37: {  	[smem:$0x3FAE] =	sst s10  }
0x38: {  	s10 =	sld [smem:$0x3FAF]  }
0x39: {  	_ = 	snop;
	(pc) =	sbr.ind lr, $3  }
0x3a: {  	_ = 	snop  }
0x3b: {  	_ = 	snop  }
0x3c: {  	p2 =	seq.s32 s10, $0x1;
	s10 =	sld [smem:$0x3FAE]  }
0x3d: {  	_ =	shalt  }
0x3e: {  	_ =	shalt  }
0x3f: {  	_ =	shalt  }
0x40: {  	_ =	shalt  }
0x41: {  	_ =	shalt  }
0x42: {  	_ =	shalt  }
0x43: {  	_ =	shalt  }
0x44: {  	_ =	shalt  }
0x45: {  	_ =	shalt  }
0x46: {  	_ =	shalt  }
0x47: {  	_ =	shalt  }
0x48: {  	_ =	shalt  }
0x49: {  	_ =	shalt  }
0x4a: {  	_ =	shalt  }
0x4b: {  	_ =	shalt  }
0x4c: {  	_ =	shalt  }
0x4d: {  	_ =	shalt  }
0x4e: {  	_ =	shalt  }
0x4f: {  	_ =	shalt  }
0x50: {  	_ =	shalt  }
0x51: {  	_ =	shalt  }
0x52: {  	_ =	shalt  }
0x53: {  	_ =	shalt  }
0x54: {  	_ =	shalt  }
0x55: {  	_ =	shalt  }
0x56: {  	_ =	shalt  }
0x57: {  	_ =	shalt  }
0x58: {  	_ =	shalt  }
0x59: {  	_ =	shalt  }
0x5a: {  	_ =	shalt  }
0x5b: {  	_ =	shalt  }
0x5c: {  	_ =	shalt  }
0x5d: {  	_ =	shalt  }
0x5e: {  	_ =	shalt  }
0x5f: {  	_ =	shalt  }
0x60: {  	_ =	shalt  }
0x61: {  	_ =	shalt  }
0x62: {  	_ =	shalt  }
0x63: {  	_ =	shalt  }
0x64: {  	_ =	shalt  }
0x65: {  	_ =	shalt  }
0x66: {  	_ =	shalt  }
0x67: {  	_ =	shalt  }
0x68: {  	_ =	shalt  }
0x69: {  	_ =	shalt  }
0x6a: {  	_ =	shalt  }
0x6b: {  	_ =	shalt  }
0x6c: {  	_ =	shalt  }
0x6d: {  	_ =	shalt  }
0x6e: {  	_ =	shalt  }
0x6f: {  	_ =	shalt  }
0x70: {  	_ =	shalt  }
0x71: {  	_ =	shalt  }
0x72: {  	_ =	shalt  }
0x73: {  	_ =	shalt  }
0x74: {  	_ =	shalt  }
0x75: {  	_ =	shalt  }
0x76: {  	_ =	shalt  }
0x77: {  	_ =	shalt  }
0x78: {  	_ =	shalt  }
0x79: {  	_ =	shalt  }
0x7a: {  	_ =	shalt  }
0x7b: {  	_ =	shalt  }
0x7c: {  	_ =	shalt  }
0x7d: {  	_ =	shalt  }
0x7e: {  	_ =	shalt  }
0x7f: {  	_ =	shalt  }
0x80: {  	_ =	shalt  }
0x81: {  	_ =	shalt  }
0x82: {  	_ =	shalt  }
0x83: {  	_ =	shalt  }
0x84: {  	_ =	shalt  }
0x85: {  	_ =	shalt  }
0x86: {  	_ =	shalt  }
0x87: {  	_ =	shalt  }
.Lfunc_end0:
.L_simem_size_0:
called_computation_lowered:
.L_overlay_start_0:
0x88: {  	s2 =	sld [smem:$0x3FD9]  }
0x89: {  	s3 =	sld [smem:$0x3FFE];
	_ =	sdelay $0x1  }
0x8a: {  	s1 =	srdreg.scid  }
0x8b: {  	s0 =	sand.u32 $0x1, s1  }
0x8c: {  	s17 =	sshll.u32 s0, $0xA;
	s2 =	sadd.s32 s3, s2  }
0x8d: {  	s2 =	sadd.s32 s2, s17  }
0x8e: {  	[smem:$0x3FBA] =	sst s2  }
0x8f: {  	_ = 	snop  }
0x90: {  	s2 =	sld [smem:$0x3FD0];
	(tm) =	ssettm $0x1  }
0x91: {  	s18 =	sld [smem:$0x3FFB];
	_ =	sdelay $0x3  }
0x92: {  	_ =	strace s18  }
0x93: {  	s3 =	sld [smem:$0x3FFC];
	_ =	sdelay $0x3  }
0x94: {  	_ =	strace s3  }
0x95: {  	s3 =	sld [smem:$0x3FFD];
	_ =	sdelay $0x3  }
0x96: {  	_ =	strace s3  }
0x97: {  	_ =	strace $0x8FFFFFFF  }
0x98: {  	s19 =	sld [smem:$0x3FDB];
	_ =	sdelay $0x1  }
0x99: {  	s4 =	simm.s32 $_scs_section_size  }
0x9a: {  	s5 =	simm.s32 $_size__tile_overlayer_lowered;
	s6 =	simm.s32 $_tile_overlayer_lowered  }
0x9b: {  	s22 =	simm.s32 $0x1BFF;
	s21 =	sshll.u32 s6, $0x1;
	s3 =	sadd.s32 s4, s19  }
0x9c: {  	s7 =	simm.s32 $0x0;
	s20 =	sshll.u32 s5, $0x1;
	s5 =	sadd.s32 s21, s3  }
0x9d: {  	[timem:s7], [sflag:s22] =	dma.local [hbm:s5], s20  }
0x9e: {  	_ =	swait.ge [sflag:s22], s20  }
0x9f: {  	s4 =	ssub.s32 $0x0, s20;
	[sflag:s22] =	ssyncset.done $0x0  }
0xa0: {  	[sflag:s22] =	ssyncadd.s32 s4;
	_ =	sdelay $0x1  }
0xa1: {  	s23 =	simm.s32 $0x1B8B  }
0xa2: {  	_ =	swait.ge [sflag:s23], $0x1  }
0xa3: {  	[sflag:s23] =	ssyncset.done $0x0  }
0xa4: {  	s25 =	simm.s32 $0x1B8E;
	s24 =	sld [smem:$0x3FFE];
	[sflag:s23] =	ssyncadd.s32 $0xFFFFFFFF  }
0xa5: {  	s26 =	simm.s32 $execute0_lowered;
	[smem:$0x3FD2] =	sst s25  }
0xa6: {  	s5 =	sshll.u32 s26, $0x1;
	_ =	strace $0x80000046;
	[dreg:$0x1] =	wrdreg $0xFFFFFFFF  }
0xa7: {  	s28 =	simm.s32 $_size_execute0_lowered;
	s3 =	sadd.s32 s3, s5;
	[dreg:$0x0] =	wrdreg $0x0  }
0xa8: {  	s5 =	sshll.u32 s28, $0x1;
	[dreg:$0x2] =	wrdreg s3  }
0xa9: {  	[dreg:$0x3] =	wrdreg s5  }
0xaa: {  	[dreg:$0x4] =	wrdreg $0xC0  }
0xab: {  	_ =	task [dreg:s7], $0x5FFFF  }
0xac: {  	[dreg:$0x1] =	wrdreg $0xFFFFFFFF  }
0xad: {  	[dreg:$0x0] =	wrdreg $0x60  }
0xae: {  	[dreg:$0x2] =	wrdreg s24  }
0xaf: {  	[dreg:$0x3] =	wrdreg s2  }
0xb0: {  	[dreg:$0x4] =	wrdreg $0x90000  }
0xb1: {  	[dreg:$0x5] =	wrdreg $0x9  }
0xb2: {  	_ =	task.clear_ibuf [dreg:s7], $0x6FFFF;
	_ =	strace $0x90000046  }
0xb3: {  	s29 =	simm.s32 $0x9;
	_ =	strace $0x80000048  }
0xb4: {  	_ =	swait.ge [sflag:s29], $0x1  }
0xb5: {  	[sflag:s29] =	ssyncadd.s32 $0xFFFFFFFF  }
0xb6: {  	_ =	strace $0x90000048  }
0xb7: {  	_ =	sfence  }
0xb8: {  	s30 =	sld [smem:$0x0];
	_ =	sdelay $0x2  }
0xb9: {  	s31 =	sshll.u32 s1, $0xD;
	s1 =	sshrl.u32 s1, $0x2  }
0xba: {  	s3 =	sand.u32 $0x4000, s31;
	s1 =	sadd.s32 s1, s30  }
0xbb: {  	s0 =	sor.u32 s3, s0;
	s1 =	sshll.u32 s1, $0x11  }
0xbc: {  	s0 =	sor.u32 s1, s0  }
0xbd: {  	s0 =	sadd.s32 $0x8F2B, s0  }
0xbe: {  	[sflag:s0] =	ssyncadd.remote.s32 $0x1  }
0xbf: {  	_ =	sfence.sel $0xFFFF  }
0xc0: {  	[dreg:$0x0] =	wrdreg $0xFFFFFFFF;
	(pc) =	sbr.abs _section_cstart, $3  }
0xc1: {  	[dreg:$0x1] =	wrdreg $0xFFFFFFFF  }
0xc2: {  	_ =	task.clear_ibuf [dreg:s7], $0x2FFFF;
	_ =	strace $0x9FFFFFFF  }
0xc3: {  	(tm) =	ssettm $0x7FFFFFFF  }
tec
execute0_lowered:
.L_overlay_start_1:
0x0: {  	(tag) =	ssettag $0x1  }
0x1: {  	s6 =	rddreg [dreg:$0x0]  }
0x2: {  	s2 =	rddreg [dreg:$0x1];
	s1 =	srdreg.scid  }
0x3: {  	s0 =	stileid.u32;
	s3 =	rddreg [dreg:$0x2]  }
0x4: {  	s4 =	simm.s32 $0x0;
	s13 =	simm.s32 $0x80;
	s14 =	simm.s32 $0x5000  }
0x5: {  	s15 =	simm.s32 $0x1;
	s7 =	sand.u32 $0x1, s1;
	s1 =	rddreg [dreg:$0x3]  }
0x6: {  	s5 =	sshll.u32 s0, $0x1;
	[smem:$0x7FF] =	sst s4;
	s10 =	smul.u32 $0x50000, s0  }
0x7: {  	s17 =	smul.u32 $0x2800, s0;
	s31 =	sshll.u32 s0, $0x6;
	s5 =	sor.u32 s7, s5  }
0x8: {  	_ =	strace $0x80000047;
	s9 =	smul.u32 $0x28000, s7;
	s7 =	ssub.s32 $0x2, s7  }
0x9: {  	s8 =	smul.u32 $0x500, s5;
	s5 =	sadd.s32 $0x1B200, s6;
	s30 =	sshrl.u32 s7, $0x1  }
0xa: {  	s10 =	sshrl.u32 s10, $0x2;
	s9 =	sadd.s32 s9, s6;
	s11 =	ssub.s32 s7, s30  }
0xb: {  	s12 =	sadd.s32 s10, s3;
	s10 =	simm.s32 $0x2800;
	s8 =	sadd.s32 s8, s6  }
0xc: {  	s16 =	sadd.s32 $0x42400, s9;
	s9 =	simm.s32 $0x2;
	s12 =	sshrl.u32 s12, $0x3  }
0xd: {  	s6 =	sadd.s32 $0x11200, s8;
	s7 =	sadd.s32 $0x7200, s8;
	s8 =	smax.u32 s11, $0x1  }
0xe: {  	s11 =	sor.u32 $0x1C02, s31;
	s16 =	sadd.s32 s17, s16;
	s17 =	simm.s32 $0x0  }
.LBB2_1:
0xf: {  	[tilespmem:s4], [sflag:$0x2] =	stream.linear.gather [hbm4b:s6+s4], $0x2780, $0x38;
	[tilespmem:$0x1D000] =	vst v63  }
0x10: {  	_ =	swait.ge [sflag:s9], $0x2780  }
0x11: {  	[sflag:s9] =	ssyncset.done $0x0  }
0x12: {  	[sflag:s9] =	ssyncadd.s32 $0xFFFFD880  }
0x13: {  	[tilespmem:s10], [sflag:$0x2] =	stream.linear.gather [hbm4b:s7+s4], $0x2780, $0x38;
	[tilespmem:$0x1D000] =	vst v63  }
0x14: {  	_ =	swait.ge [sflag:s9], $0x2780  }
0x15: {  	[sflag:s9] =	ssyncset.done $0x0  }
0x16: {  	[sflag:s9] =	ssyncadd.s32 $0xFFFFD880  }
0x17: {  	[spmem:s12], [sflag:s11] =	dma.local [hbm:s2], $0x2800  }
0x18: {  	_ =	swait.ge [sflag:s9], $0x2800  }
0x19: {  	[sflag:s9] =	ssyncset.done $0x0  }
0x1a: {  	[sflag:s9] =	ssyncadd.s32 $0xFFFFD800  }
0x1b: {  	s18 =	simm.s32 $0x0;
	[bflag:$0x0] =	sbarrier.arrive $0xFFFF  }
0x1c: {  	[tilespmem:s14], [sflag:$0x1] =	stream.indirect.gather [hbm4b:s5+s13], $0x80, s18, s13, $0xb8;
	[tilespmem:$0x1D000] =	vst v63  }
0x1d: {  	_ =	swait.ge [sflag:s15], $0x4000  }
0x1e: {  	[sflag:s15] =	ssyncset.done $0x0  }
0x1f: {  	s31 =	simm.s32 $0x2800;
	[sflag:s15] =	ssyncadd.s32 $0xFFFFC000  }
0x20: {  	[spmem:s3] =	stream.indirect.scatter.add.f32 [tilespmem:s14], [sflag:$0x2], $0x80, s31, s13, $0xb8;
	[tilespmem:$0x1D000] =	vst v63  }
0x21: {  	_ =	swait.ge [sflag:s9], $0x4000  }
0x22: {  	s19 =	simm.s32 $0x400;
	s18 =	simm.s32 $0x200;
	[sflag:s9] =	ssyncset.done $0x0  }
.LBB2_2:
0x23: {  	s20 =	sshra.s32 s18, $0x2  }
0x24: {  	[sflag:s9] =	ssyncadd.s32 $0xFFFFC000;
	s18 =	smov.u32 s19;
	s21 =	sadd.s32 $0x200, s19  }
0x25: {  	[tilespmem:s14], [sflag:$0x1] =	stream.indirect.gather [hbm4b:s5+s13], $0x80, s20, s13, $0xb8;
	[tilespmem:$0x1D000] =	vst v63  }
0x26: {  	p0 =	sne.s32 s19, $0x9C00;
	_ =	swait.ge [sflag:s15], $0x4000  }
.Ltmp0:
0x27: {  	[sflag:s15] =	ssyncset.done $0x0;
	(pc) =	sbr.rel @p0 .LBB2_2-.Ltmp0, $4  }
0x28: {  	s19 =	sadd.s32 $0x2800, s20;
	[sflag:s15] =	ssyncadd.s32 $0xFFFFC000  }
0x29: {  	[spmem:s3] =	stream.indirect.scatter.add.f32 [tilespmem:s14], [sflag:$0x2], $0x80, s19, s13, $0xb8;
	[tilespmem:$0x1D000] =	vst v63  }
0x2a: {  	_ =	swait.ge [sflag:s9], $0x4000  }
0x2b: {  	s19 =	smov.u32 s21;
	[sflag:s9] =	ssyncset.done $0x0  }
0x2c: {  	s18 =	sshra.s32 s18, $0x2;
	[sflag:s9] =	ssyncadd.s32 $0xFFFFC000  }
0x2d: {  	[tilespmem:s14], [sflag:$0x1] =	stream.indirect.gather [hbm4b:s5+s13], $0x80, s18, s13, $0xb8;
	[tilespmem:$0x1D000] =	vst v63  }
0x2e: {  	_ =	swait.ge [sflag:s15], $0x4000  }
0x2f: {  	[sflag:s15] =	ssyncset.done $0x0  }
0x30: {  	s18 =	sadd.s32 $0x2800, s18;
	[sflag:s15] =	ssyncadd.s32 $0xFFFFC000  }
0x31: {  	[spmem:s3] =	stream.indirect.scatter.add.f32 [tilespmem:s14], [sflag:$0x2], $0x80, s18, s13, $0xb8;
	[tilespmem:$0x1D000] =	vst v63  }
0x32: {  	_ =	swait.ge [sflag:s9], $0x4000  }
0x33: {  	s17 =	sadd.s32 $0x1, s17;
	[sflag:s9] =	ssyncset.done $0x0  }
0x34: {  	p0 =	sne.s32 s17, s8;
	[sflag:s9] =	ssyncadd.s32 $0xFFFFC000  }
.Ltmp1:
0x35: {  	[bflag:$0x0] =	sbarrier.arrive $0xFFFF;
	(pc) =	sbr.rel @p0 .LBB2_1-.Ltmp1, $4  }
0x36: {  	[hbm:s16], [sflag:s11] =	dma.local [spmem:s12], $0x2800  }
0x37: {  	_ =	swait.ge [sflag:s9], $0x2800  }
0x38: {  	[sflag:s9] =	ssyncset.done $0x0  }
0x39: {  	[sflag:s9] =	ssyncadd.s32 $0xFFFFD800  }
0x3a: {  	_ =	sfence.sel $0x180000  }
0x3b: {  	[bflag:$0x0] =	sbarrier.arrive $0xFFFF  }
0x3c: {  	p0 =	sne.s32 s0, $0x0;
	_ =	strace $0x90000047  }
0x3d: {  	s0 =	sadd.s32 @!p0 $0x100000, s1;
	[bflag:$0x2] =	sbarrier.arrive $0xFFFF  }
0x3e: {  	[sflag:s0] =	ssyncadd.tile.s32 @!p0 $0x1;
	_ =	shalt  }
.Lfunc_end2:
_tile_overlayer_lowered:
.L_overlay_start_2:
0x3f: {  	(tag) =	ssettag $0x2  }
0x40: {  	s0 =	rddreg [dreg:$0x0];
	s2 =	stileid.u32  }
0x41: {  	s1 =	rddreg [dreg:$0x1];
	p0 =	sne.s32 s2, $0x0  }
0x42: {  	s3 =	rddreg [dreg:$0x2];
	[bflag:$0x3] =	sbarrier.arrive $0xFFFF;
	s2 =	simm.s32 @!p0 $0x1C02  }
0x43: {  	[timem:s3], [sflag:s2] =	dma.local @!p0 [hbm:s0], s1  }
0x44: {  	s0 =	simm.s32 @!p0 $0x2  }
0x45: {  	_ =	swait.ge @!p0 [sflag:s0], s1  }
0x46: {  	s1 =	ssub.s32 @!p0 $0x0, s1;
	[sflag:s0] =	ssyncset.done @!p0 $0x0  }
0x47: {  	[sflag:s0] =	ssyncadd.s32 @!p0 s1  }
0x48: {  	[bflag:$0x3] =	sbarrier.arrive $0xFFFF  }
0x49: {  	_ =	shalt  }

// kernel: kernel.24.cloned.1.call-start
scs
__scs_entry_jumppad:
0x0: {  	(pc) =	sbr.rel $0x88, $3  }
0x1: {  	(tag) =	ssettag $0x0;
	lr =	simm.s32 $0x1  }
0x2: {  	[smem:$0x3F93] =	sst lr;
	_ =	strace $0xD0000000  }
0x3: {  	_ = 	snop  }
0x4: {  	_ = 	snop  }
0x5: {  	_ = 	snop  }
0x6: {  	_ = 	snop  }
0x7: {  	_ = 	snop  }
__scs_overlays_trampoline_lowered:
0x8: {  	[smem:$0x3FA2] =	sst s0  }
0x9: {  	[smem:$0x3FA3] =	sst s1  }
0xa: {  	[smem:$0x3FA4] =	sst s2  }
0xb: {  	[smem:$0x3FA5] =	sst s3  }
0xc: {  	[smem:$0x3FA6] =	sst s4  }
0xd: {  	[smem:$0x3FA7] =	sst s5  }
0xe: {  	[smem:$0x3FA8] =	sst s6  }
0xf: {  	[smem:$0x3FA9] =	sst s7  }
0x10: {  	[smem:$0x3FAA] =	sst s8  }
0x11: {  	[smem:$0x3FAB] =	sst s9;
	s0 =	simm.s32 @!p0 $0x0  }
0x12: {  	s1 =	sld [smem:$0x3F91];
	s0 =	simm.s32 @p0 $0x1  }
0x13: {  	[smem:$0x3FAC] =	sst s0;
	s0 =	simm.s32 @!p1 $0x0  }
0x14: {  	s2 =	sld [smem:$0x3F90];
	s0 =	simm.s32 @p1 $0x1  }
0x15: {  	[smem:$0x3FAD] =	sst s0;
	s0 =	simm.s32 @!p2 $0x0  }
0x16: {  	s3 =	sld [smem:$0x3FDB];
	s0 =	simm.s32 @p2 $0x1  }
0x17: {  	s4 =	simm.s32 $0x1BF5;
	[smem:$0x3FAF] =	sst s0  }
0x18: {  	s0 =	sld [smem:$0x3F92];
	_ =	swait.ge [sflag:s4], $0x0  }
0x19: {  	s7 =	sld [smem:$0x3F93]  }
0x1a: {  	s8 =	sadd.s32 $0xFFFFE003, lr  }
0x1b: {  	s9 =	sadd.s32 $0xFFFFFEF7, lr;
	s5 =	simm.s32 $0xFFFFFFFF;
	p2 =	slt.u32 s8, $0xFFFFF086  }
0x1c: {  	p1 =	slt.u32 s9, $0xF7A;
	s5 =	simm.s32 @!p2 $0x0  }
0x1d: {  	s5 =	simm.s32 @p1 $0x1;
	p0 =	seq.s32 s7, s2  }
0x1e: {  	s7 =	smul.u32 @!p0 $0xF7A, s2;
	p2 =	seq.s32 @!p0 s5, $0x0  }
0x1f: {  	s9 =	smul.u32 $0xF7A, s1;
	s8 =	simm.s32 @!p0 $0x1BF5;
	p2 =	por !p2, p0  }
0x20: {  	[sflag:s8] =	ssyncset.s32 @!p0 $0xFFFFF086;
	s6 =	sadd.s32 @!p0 s3, s7;
	s7 =	simm.s32 @!p0 $0x108  }
0x21: {  	s3 =	sadd.s32 s3, s9;
	s6 =	sadd.s32 @!p0 $0x88, s6;
	s7 =	simm.s32 @p2 $0x1082  }
0x22: {  	[simem:s7], [sflag:s8] =	dma.local @!p0 [hbm:s6], $0xF7A  }
0x23: {  	s9 =	sor.u32 $0xD0000000, s2;
	s6 =	simm.s32 $0x108;
	_ =	swait.ge @!p0 [sflag:s8], $0x0  }
0x24: {  	s3 =	sadd.s32 $0x88, s3;
	s6 =	simm.s32 @!p1 $0x1082;
	[sflag:s4] =	ssyncset.s32 $0xFFFFF086  }
0x25: {  	[simem:s6], [sflag:s4] =	dma.local [hbm:s3], $0xF7A  }
0x26: {  	[smem:$0x3F93] =	sst s1;
	(tag) =	ssettag s2;
	_ =	strace s9  }
0x27: {  	s1 =	sld [smem:$0x3FA3]  }
0x28: {  	s2 =	sld [smem:$0x3FA4]  }
0x29: {  	s4 =	sld [smem:$0x3FA6]  }
0x2a: {  	p0 =	seq.s32 s5, $0x0;
	s5 =	sld [smem:$0x3FA7]  }
0x2b: {  	s6 =	sld [smem:$0x3FA8]  }
0x2c: {  	s7 =	sld [smem:$0x3FA9]  }
0x2d: {  	s3 =	simm.s32 $0x108;
	s8 =	sld [smem:$0x3FAA]  }
0x2e: {  	s3 =	simm.s32 @!p0 $0x1082;
	s9 =	sld [smem:$0x3FAB]  }
0x2f: {  	lr =	sadd.s32 s0, s3;
	s0 =	sld [smem:$0x3FA2]  }
0x30: {  	s3 =	sld [smem:$0x3FA5]  }
0x31: {  	[smem:$0x3FAE] =	sst s10  }
0x32: {  	s10 =	sld [smem:$0x3FAC];
	_ =	sdelay $0x3  }
0x33: {  	p0 =	seq.s32 s10, $0x1;
	s10 =	sld [smem:$0x3FAE];
	_ =	sdelay $0x3  }
0x34: {  	[smem:$0x3FAE] =	sst s10  }
0x35: {  	s10 =	sld [smem:$0x3FAD];
	_ =	sdelay $0x3  }
0x36: {  	p1 =	seq.s32 s10, $0x1;
	s10 =	sld [smem:$0x3FAE];
	_ =	sdelay $0x3  }
0x37: {  	[smem:$0x3FAE] =	sst s10  }
0x38: {  	s10 =	sld [smem:$0x3FAF]  }
0x39: {  	_ = 	snop;
	(pc) =	sbr.ind lr, $3  }
0x3a: {  	_ = 	snop  }
0x3b: {  	_ = 	snop  }
0x3c: {  	p2 =	seq.s32 s10, $0x1;
	s10 =	sld [smem:$0x3FAE]  }
0x3d: {  	_ =	shalt  }
0x3e: {  	_ =	shalt  }
0x3f: {  	_ =	shalt  }
0x40: {  	_ =	shalt  }
0x41: {  	_ =	shalt  }
0x42: {  	_ =	shalt  }
0x43: {  	_ =	shalt  }
0x44: {  	_ =	shalt  }
0x45: {  	_ =	shalt  }
0x46: {  	_ =	shalt  }
0x47: {  	_ =	shalt  }
0x48: {  	_ =	shalt  }
0x49: {  	_ =	shalt  }
0x4a: {  	_ =	shalt  }
0x4b: {  	_ =	shalt  }
0x4c: {  	_ =	shalt  }
0x4d: {  	_ =	shalt  }
0x4e: {  	_ =	shalt  }
0x4f: {  	_ =	shalt  }
0x50: {  	_ =	shalt  }
0x51: {  	_ =	shalt  }
0x52: {  	_ =	shalt  }
0x53: {  	_ =	shalt  }
0x54: {  	_ =	shalt  }
0x55: {  	_ =	shalt  }
0x56: {  	_ =	shalt  }
0x57: {  	_ =	shalt  }
0x58: {  	_ =	shalt  }
0x59: {  	_ =	shalt  }
0x5a: {  	_ =	shalt  }
0x5b: {  	_ =	shalt  }
0x5c: {  	_ =	shalt  }
0x5d: {  	_ =	shalt  }
0x5e: {  	_ =	shalt  }
0x5f: {  	_ =	shalt  }
0x60: {  	_ =	shalt  }
0x61: {  	_ =	shalt  }
0x62: {  	_ =	shalt  }
0x63: {  	_ =	shalt  }
0x64: {  	_ =	shalt  }
0x65: {  	_ =	shalt  }
0x66: {  	_ =	shalt  }
0x67: {  	_ =	shalt  }
0x68: {  	_ =	shalt  }
0x69: {  	_ =	shalt  }
0x6a: {  	_ =	shalt  }
0x6b: {  	_ =	shalt  }
0x6c: {  	_ =	shalt  }
0x6d: {  	_ =	shalt  }
0x6e: {  	_ =	shalt  }
0x6f: {  	_ =	shalt  }
0x70: {  	_ =	shalt  }
0x71: {  	_ =	shalt  }
0x72: {  	_ =	shalt  }
0x73: {  	_ =	shalt  }
0x74: {  	_ =	shalt  }
0x75: {  	_ =	shalt  }
0x76: {  	_ =	shalt  }
0x77: {  	_ =	shalt  }
0x78: {  	_ =	shalt  }
0x79: {  	_ =	shalt  }
0x7a: {  	_ =	shalt  }
0x7b: {  	_ =	shalt  }
0x7c: {  	_ =	shalt  }
0x7d: {  	_ =	shalt  }
0x7e: {  	_ =	shalt  }
0x7f: {  	_ =	shalt  }
0x80: {  	_ =	shalt  }
0x81: {  	_ =	shalt  }
0x82: {  	_ =	shalt  }
0x83: {  	_ =	shalt  }
0x84: {  	_ =	shalt  }
0x85: {  	_ =	shalt  }
0x86: {  	_ =	shalt  }
0x87: {  	_ =	shalt  }
.Lfunc_end0:
.L_simem_size_0:
called_computation.1_lowered:
.L_overlay_start_0:
0x88: {  	s2 =	sld [smem:$0x3FD9]  }
0x89: {  	s3 =	sld [smem:$0x3FFE];
	_ =	sdelay $0x1  }
0x8a: {  	s1 =	srdreg.scid  }
0x8b: {  	s0 =	sand.u32 $0x1, s1  }
0x8c: {  	s17 =	sshll.u32 s0, $0xA;
	s2 =	sadd.s32 s3, s2  }
0x8d: {  	s2 =	sadd.s32 s2, s17  }
0x8e: {  	[smem:$0x3FBA] =	sst s2  }
0x8f: {  	_ = 	snop  }
0x90: {  	s2 =	sld [smem:$0x3FD0];
	(tm) =	ssettm $0x1  }
0x91: {  	s18 =	sld [smem:$0x3FFB];
	_ =	sdelay $0x3  }
0x92: {  	_ =	strace s18  }
0x93: {  	s3 =	sld [smem:$0x3FFC];
	_ =	sdelay $0x3  }
0x94: {  	_ =	strace s3  }
0x95: {  	s3 =	sld [smem:$0x3FFD];
	_ =	sdelay $0x3  }
0x96: {  	_ =	strace s3  }
0x97: {  	_ =	strace $0x8FFFFFFF  }
0x98: {  	s19 =	sld [smem:$0x3FDB];
	_ =	sdelay $0x1  }
0x99: {  	s4 =	simm.s32 $_scs_section_size  }
0x9a: {  	s5 =	simm.s32 $_size__tile_overlayer_lowered;
	s6 =	simm.s32 $_tile_overlayer_lowered  }
0x9b: {  	s22 =	simm.s32 $0x1BFF;
	s21 =	sshll.u32 s6, $0x1;
	s3 =	sadd.s32 s4, s19  }
0x9c: {  	s7 =	simm.s32 $0x0;
	s20 =	sshll.u32 s5, $0x1;
	s5 =	sadd.s32 s21, s3  }
0x9d: {  	[timem:s7], [sflag:s22] =	dma.local [hbm:s5], s20  }
0x9e: {  	_ =	swait.ge [sflag:s22], s20  }
0x9f: {  	s4 =	ssub.s32 $0x0, s20;
	[sflag:s22] =	ssyncset.done $0x0  }
0xa0: {  	[sflag:s22] =	ssyncadd.s32 s4;
	_ =	sdelay $0x1  }
0xa1: {  	s23 =	simm.s32 $0x1B8B  }
0xa2: {  	_ =	swait.ge [sflag:s23], $0x1  }
0xa3: {  	[sflag:s23] =	ssyncset.done $0x0  }
0xa4: {  	s25 =	simm.s32 $0x1B8E;
	s24 =	sld [smem:$0x3FFE];
	[sflag:s23] =	ssyncadd.s32 $0xFFFFFFFF  }
0xa5: {  	s26 =	simm.s32 $execute0_lowered;
	[smem:$0x3FD2] =	sst s25  }
0xa6: {  	s5 =	sshll.u32 s26, $0x1;
	_ =	strace $0x80000049;
	[dreg:$0x1] =	wrdreg $0xFFFFFFFF  }
0xa7: {  	s28 =	simm.s32 $_size_execute0_lowered;
	s3 =	sadd.s32 s3, s5;
	[dreg:$0x0] =	wrdreg $0x0  }
0xa8: {  	s5 =	sshll.u32 s28, $0x1;
	[dreg:$0x2] =	wrdreg s3  }
0xa9: {  	[dreg:$0x3] =	wrdreg s5  }
0xaa: {  	[dreg:$0x4] =	wrdreg $0xC0  }
0xab: {  	_ =	task [dreg:s7], $0x5FFFF  }
0xac: {  	[dreg:$0x1] =	wrdreg $0xFFFFFFFF  }
0xad: {  	[dreg:$0x0] =	wrdreg $0x60  }
0xae: {  	[dreg:$0x2] =	wrdreg s24  }
0xaf: {  	[dreg:$0x3] =	wrdreg s2  }
0xb0: {  	[dreg:$0x4] =	wrdreg $0x90000  }
0xb1: {  	[dreg:$0x5] =	wrdreg $0x9  }
0xb2: {  	_ =	task.clear_ibuf [dreg:s7], $0x6FFFF;
	_ =	strace $0x90000049  }
0xb3: {  	s29 =	simm.s32 $0x9;
	_ =	strace $0x8000004B  }
0xb4: {  	_ =	swait.ge [sflag:s29], $0x1  }
0xb5: {  	[sflag:s29] =	ssyncadd.s32 $0xFFFFFFFF  }
0xb6: {  	_ =	strace $0x9000004B  }
0xb7: {  	_ =	sfence  }
0xb8: {  	s30 =	sld [smem:$0x0];
	_ =	sdelay $0x2  }
0xb9: {  	s31 =	sshll.u32 s1, $0xD;
	s1 =	sshrl.u32 s1, $0x2  }
0xba: {  	s3 =	sand.u32 $0x4000, s31;
	s1 =	sadd.s32 s1, s30  }
0xbb: {  	s0 =	sor.u32 s3, s0;
	s1 =	sshll.u32 s1, $0x11  }
0xbc: {  	s0 =	sor.u32 s1, s0  }
0xbd: {  	s0 =	sadd.s32 $0x8F2B, s0  }
0xbe: {  	[sflag:s0] =	ssyncadd.remote.s32 $0x1  }
0xbf: {  	_ =	sfence.sel $0xFFFF  }
0xc0: {  	[dreg:$0x0] =	wrdreg $0xFFFFFFFF;
	(pc) =	sbr.abs _section_cstart, $3  }
0xc1: {  	[dreg:$0x1] =	wrdreg $0xFFFFFFFF  }
0xc2: {  	_ =	task.clear_ibuf [dreg:s7], $0x2FFFF;
	_ =	strace $0x9FFFFFFF  }
0xc3: {  	(tm) =	ssettm $0x7FFFFFFF  }
tec
execute0_lowered:
.L_overlay_start_1:
0x0: {  	(tag) =	ssettag $0x1  }
0x1: {  	s6 =	rddreg [dreg:$0x0]  }
0x2: {  	s2 =	rddreg [dreg:$0x1];
	s1 =	srdreg.scid  }
0x3: {  	s0 =	stileid.u32;
	s3 =	rddreg [dreg:$0x2]  }
0x4: {  	s4 =	simm.s32 $0x0;
	s13 =	simm.s32 $0x80;
	s14 =	simm.s32 $0x5000  }
0x5: {  	s15 =	simm.s32 $0x1;
	s7 =	sand.u32 $0x1, s1;
	s1 =	rddreg [dreg:$0x3]  }
0x6: {  	s5 =	sshll.u32 s0, $0x1;
	[smem:$0x7FF] =	sst s4;
	s10 =	smul.u32 $0x50000, s0  }
0x7: {  	s17 =	smul.u32 $0x2800, s0;
	s31 =	sshll.u32 s0, $0x6;
	s5 =	sor.u32 s7, s5  }
0x8: {  	_ =	strace $0x8000004A;
	s9 =	smul.u32 $0x28000, s7;
	s7 =	ssub.s32 $0x2, s7  }
0x9: {  	s8 =	smul.u32 $0x500, s5;
	s5 =	sadd.s32 $0x1B200, s6;
	s30 =	sshrl.u32 s7, $0x1  }
0xa: {  	s10 =	sshrl.u32 s10, $0x2;
	s9 =	sadd.s32 s9, s6;
	s11 =	ssub.s32 s7, s30  }
0xb: {  	s12 =	sadd.s32 s10, s3;
	s10 =	simm.s32 $0x2800;
	s8 =	sadd.s32 s8, s6  }
0xc: {  	s16 =	sadd.s32 $0x42400, s9;
	s9 =	simm.s32 $0x2;
	s12 =	sshrl.u32 s12, $0x3  }
0xd: {  	s6 =	sadd.s32 $0x11200, s8;
	s7 =	sadd.s32 $0x7200, s8;
	s8 =	smax.u32 s11, $0x1  }
0xe: {  	s11 =	sor.u32 $0x1C02, s31;
	s16 =	sadd.s32 s17, s16;
	s17 =	simm.s32 $0x0  }
.LBB2_1:
0xf: {  	[tilespmem:s4], [sflag:$0x2] =	stream.linear.gather [hbm4b:s6+s4], $0x2780, $0x38;
	[tilespmem:$0x1D000] =	vst v63  }
0x10: {  	_ =	swait.ge [sflag:s9], $0x2780  }
0x11: {  	[sflag:s9] =	ssyncset.done $0x0  }
0x12: {  	[sflag:s9] =	ssyncadd.s32 $0xFFFFD880  }
0x13: {  	[tilespmem:s10], [sflag:$0x2] =	stream.linear.gather [hbm4b:s7+s4], $0x2780, $0x38;
	[tilespmem:$0x1D000] =	vst v63  }
0x14: {  	_ =	swait.ge [sflag:s9], $0x2780  }
0x15: {  	[sflag:s9] =	ssyncset.done $0x0  }
0x16: {  	[sflag:s9] =	ssyncadd.s32 $0xFFFFD880  }
0x17: {  	[spmem:s12], [sflag:s11] =	dma.local [hbm:s2], $0x2800  }
0x18: {  	_ =	swait.ge [sflag:s9], $0x2800  }
0x19: {  	[sflag:s9] =	ssyncset.done $0x0  }
0x1a: {  	[sflag:s9] =	ssyncadd.s32 $0xFFFFD800  }
0x1b: {  	s18 =	simm.s32 $0x0;
	[bflag:$0x0] =	sbarrier.arrive $0xFFFF  }
0x1c: {  	[tilespmem:s14], [sflag:$0x1] =	stream.indirect.gather [hbm4b:s5+s13], $0x80, s18, s13, $0xb8;
	[tilespmem:$0x1D000] =	vst v63  }
0x1d: {  	_ =	swait.ge [sflag:s15], $0x4000  }
0x1e: {  	[sflag:s15] =	ssyncset.done $0x0  }
0x1f: {  	s31 =	simm.s32 $0x2800;
	[sflag:s15] =	ssyncadd.s32 $0xFFFFC000  }
0x20: {  	[spmem:s3] =	stream.indirect.scatter.add.f32 [tilespmem:s14], [sflag:$0x2], $0x80, s31, s13, $0xb8;
	[tilespmem:$0x1D000] =	vst v63  }
0x21: {  	_ =	swait.ge [sflag:s9], $0x4000  }
0x22: {  	s19 =	simm.s32 $0x400;
	s18 =	simm.s32 $0x200;
	[sflag:s9] =	ssyncset.done $0x0  }
.LBB2_2:
0x23: {  	s20 =	sshra.s32 s18, $0x2  }
0x24: {  	[sflag:s9] =	ssyncadd.s32 $0xFFFFC000;
	s18 =	smov.u32 s19;
	s21 =	sadd.s32 $0x200, s19  }
0x25: {  	[tilespmem:s14], [sflag:$0x1] =	stream.indirect.gather [hbm4b:s5+s13], $0x80, s20, s13, $0xb8;
	[tilespmem:$0x1D000] =	vst v63  }
0x26: {  	p0 =	sne.s32 s19, $0x9C00;
	_ =	swait.ge [sflag:s15], $0x4000  }
.Ltmp0:
0x27: {  	[sflag:s15] =	ssyncset.done $0x0;
	(pc) =	sbr.rel @p0 .LBB2_2-.Ltmp0, $4  }
0x28: {  	s19 =	sadd.s32 $0x2800, s20;
	[sflag:s15] =	ssyncadd.s32 $0xFFFFC000  }
0x29: {  	[spmem:s3] =	stream.indirect.scatter.add.f32 [tilespmem:s14], [sflag:$0x2], $0x80, s19, s13, $0xb8;
	[tilespmem:$0x1D000] =	vst v63  }
0x2a: {  	_ =	swait.ge [sflag:s9], $0x4000  }
0x2b: {  	s19 =	smov.u32 s21;
	[sflag:s9] =	ssyncset.done $0x0  }
0x2c: {  	s18 =	sshra.s32 s18, $0x2;
	[sflag:s9] =	ssyncadd.s32 $0xFFFFC000  }
0x2d: {  	[tilespmem:s14], [sflag:$0x1] =	stream.indirect.gather [hbm4b:s5+s13], $0x80, s18, s13, $0xb8;
	[tilespmem:$0x1D000] =	vst v63  }
0x2e: {  	_ =	swait.ge [sflag:s15], $0x4000  }
0x2f: {  	[sflag:s15] =	ssyncset.done $0x0  }
0x30: {  	s18 =	sadd.s32 $0x2800, s18;
	[sflag:s15] =	ssyncadd.s32 $0xFFFFC000  }
0x31: {  	[spmem:s3] =	stream.indirect.scatter.add.f32 [tilespmem:s14], [sflag:$0x2], $0x80, s18, s13, $0xb8;
	[tilespmem:$0x1D000] =	vst v63  }
0x32: {  	_ =	swait.ge [sflag:s9], $0x4000  }
0x33: {  	s17 =	sadd.s32 $0x1, s17;
	[sflag:s9] =	ssyncset.done $0x0  }
0x34: {  	p0 =	sne.s32 s17, s8;
	[sflag:s9] =	ssyncadd.s32 $0xFFFFC000  }
.Ltmp1:
0x35: {  	[bflag:$0x0] =	sbarrier.arrive $0xFFFF;
	(pc) =	sbr.rel @p0 .LBB2_1-.Ltmp1, $4  }
0x36: {  	[hbm:s16], [sflag:s11] =	dma.local [spmem:s12], $0x2800  }
0x37: {  	_ =	swait.ge [sflag:s9], $0x2800  }
0x38: {  	[sflag:s9] =	ssyncset.done $0x0  }
0x39: {  	[sflag:s9] =	ssyncadd.s32 $0xFFFFD800  }
0x3a: {  	_ =	sfence.sel $0x180000  }
0x3b: {  	[bflag:$0x0] =	sbarrier.arrive $0xFFFF  }
0x3c: {  	p0 =	sne.s32 s0, $0x0;
	_ =	strace $0x9000004A  }
0x3d: {  	s0 =	sadd.s32 @!p0 $0x100000, s1;
	[bflag:$0x2] =	sbarrier.arrive $0xFFFF  }
0x3e: {  	[sflag:s0] =	ssyncadd.tile.s32 @!p0 $0x1;
	_ =	shalt  }
.Lfunc_end2:
_tile_overlayer_lowered:
.L_overlay_start_2:
0x3f: {  	(tag) =	ssettag $0x2  }
0x40: {  	s0 =	rddreg [dreg:$0x0];
	s2 =	stileid.u32  }
0x41: {  	s1 =	rddreg [dreg:$0x1];
	p0 =	sne.s32 s2, $0x0  }
0x42: {  	s3 =	rddreg [dreg:$0x2];
	[bflag:$0x3] =	sbarrier.arrive $0xFFFF;
	s2 =	simm.s32 @!p0 $0x1C02  }
0x43: {  	[timem:s3], [sflag:s2] =	dma.local @!p0 [hbm:s0], s1  }
0x44: {  	s0 =	simm.s32 @!p0 $0x2  }
0x45: {  	_ =	swait.ge @!p0 [sflag:s0], s1  }
0x46: {  	s1 =	ssub.s32 @!p0 $0x0, s1;
	[sflag:s0] =	ssyncset.done @!p0 $0x0  }
0x47: {  	[sflag:s0] =	ssyncadd.s32 @!p0 s1  }
0x48: {  	[bflag:$0x3] =	sbarrier.arrive $0xFFFF  }
0x49: {  	_ =	shalt  }

// kernel: kernel.27.cloned.1.call-start
scs
__scs_entry_jumppad:
0x0: {  	(pc) =	sbr.rel $0x88, $3  }
0x1: {  	(tag) =	ssettag $0x0;
	lr =	simm.s32 $0x1  }
0x2: {  	[smem:$0x3F93] =	sst lr;
	_ =	strace $0xD0000000  }
0x3: {  	_ = 	snop  }
0x4: {  	_ = 	snop  }
0x5: {  	_ = 	snop  }
0x6: {  	_ = 	snop  }
0x7: {  	_ = 	snop  }
__scs_overlays_trampoline_lowered:
0x8: {  	[smem:$0x3FA2] =	sst s0  }
0x9: {  	[smem:$0x3FA3] =	sst s1  }
0xa: {  	[smem:$0x3FA4] =	sst s2  }
0xb: {  	[smem:$0x3FA5] =	sst s3  }
0xc: {  	[smem:$0x3FA6] =	sst s4  }
0xd: {  	[smem:$0x3FA7] =	sst s5  }
0xe: {  	[smem:$0x3FA8] =	sst s6  }
0xf: {  	[smem:$0x3FA9] =	sst s7  }
0x10: {  	[smem:$0x3FAA] =	sst s8  }
0x11: {  	[smem:$0x3FAB] =	sst s9;
	s0 =	simm.s32 @!p0 $0x0  }
0x12: {  	s1 =	sld [smem:$0x3F91];
	s0 =	simm.s32 @p0 $0x1  }
0x13: {  	[smem:$0x3FAC] =	sst s0;
	s0 =	simm.s32 @!p1 $0x0  }
0x14: {  	s2 =	sld [smem:$0x3F90];
	s0 =	simm.s32 @p1 $0x1  }
0x15: {  	[smem:$0x3FAD] =	sst s0;
	s0 =	simm.s32 @!p2 $0x0  }
0x16: {  	s3 =	sld [smem:$0x3FDB];
	s0 =	simm.s32 @p2 $0x1  }
0x17: {  	s4 =	simm.s32 $0x1BF5;
	[smem:$0x3FAF] =	sst s0  }
0x18: {  	s0 =	sld [smem:$0x3F92];
	_ =	swait.ge [sflag:s4], $0x0  }
0x19: {  	s7 =	sld [smem:$0x3F93]  }
0x1a: {  	s8 =	sadd.s32 $0xFFFFE003, lr  }
0x1b: {  	s9 =	sadd.s32 $0xFFFFFEF7, lr;
	s5 =	simm.s32 $0xFFFFFFFF;
	p2 =	slt.u32 s8, $0xFFFFF086  }
0x1c: {  	p1 =	slt.u32 s9, $0xF7A;
	s5 =	simm.s32 @!p2 $0x0  }
0x1d: {  	s5 =	simm.s32 @p1 $0x1;
	p0 =	seq.s32 s7, s2  }
0x1e: {  	s7 =	smul.u32 @!p0 $0xF7A, s2;
	p2 =	seq.s32 @!p0 s5, $0x0  }
0x1f: {  	s9 =	smul.u32 $0xF7A, s1;
	s8 =	simm.s32 @!p0 $0x1BF5;
	p2 =	por !p2, p0  }
0x20: {  	[sflag:s8] =	ssyncset.s32 @!p0 $0xFFFFF086;
	s6 =	sadd.s32 @!p0 s3, s7;
	s7 =	simm.s32 @!p0 $0x108  }
0x21: {  	s3 =	sadd.s32 s3, s9;
	s6 =	sadd.s32 @!p0 $0x88, s6;
	s7 =	simm.s32 @p2 $0x1082  }
0x22: {  	[simem:s7], [sflag:s8] =	dma.local @!p0 [hbm:s6], $0xF7A  }
0x23: {  	s9 =	sor.u32 $0xD0000000, s2;
	s6 =	simm.s32 $0x108;
	_ =	swait.ge @!p0 [sflag:s8], $0x0  }
0x24: {  	s3 =	sadd.s32 $0x88, s3;
	s6 =	simm.s32 @!p1 $0x1082;
	[sflag:s4] =	ssyncset.s32 $0xFFFFF086  }
0x25: {  	[simem:s6], [sflag:s4] =	dma.local [hbm:s3], $0xF7A  }
0x26: {  	[smem:$0x3F93] =	sst s1;
	(tag) =	ssettag s2;
	_ =	strace s9  }
0x27: {  	s1 =	sld [smem:$0x3FA3]  }
0x28: {  	s2 =	sld [smem:$0x3FA4]  }
0x29: {  	s4 =	sld [smem:$0x3FA6]  }
0x2a: {  	p0 =	seq.s32 s5, $0x0;
	s5 =	sld [smem:$0x3FA7]  }
0x2b: {  	s6 =	sld [smem:$0x3FA8]  }
0x2c: {  	s7 =	sld [smem:$0x3FA9]  }
0x2d: {  	s3 =	simm.s32 $0x108;
	s8 =	sld [smem:$0x3FAA]  }
0x2e: {  	s3 =	simm.s32 @!p0 $0x1082;
	s9 =	sld [smem:$0x3FAB]  }
0x2f: {  	lr =	sadd.s32 s0, s3;
	s0 =	sld [smem:$0x3FA2]  }
0x30: {  	s3 =	sld [smem:$0x3FA5]  }
0x31: {  	[smem:$0x3FAE] =	sst s10  }
0x32: {  	s10 =	sld [smem:$0x3FAC];
	_ =	sdelay $0x3  }
0x33: {  	p0 =	seq.s32 s10, $0x1;
	s10 =	sld [smem:$0x3FAE];
	_ =	sdelay $0x3  }
0x34: {  	[smem:$0x3FAE] =	sst s10  }
0x35: {  	s10 =	sld [smem:$0x3FAD];
	_ =	sdelay $0x3  }
0x36: {  	p1 =	seq.s32 s10, $0x1;
	s10 =	sld [smem:$0x3FAE];
	_ =	sdelay $0x3  }
0x37: {  	[smem:$0x3FAE] =	sst s10  }
0x38: {  	s10 =	sld [smem:$0x3FAF]  }
0x39: {  	_ = 	snop;
	(pc) =	sbr.ind lr, $3  }
0x3a: {  	_ = 	snop  }
0x3b: {  	_ = 	snop  }
0x3c: {  	p2 =	seq.s32 s10, $0x1;
	s10 =	sld [smem:$0x3FAE]  }
0x3d: {  	_ =	shalt  }
0x3e: {  	_ =	shalt  }
0x3f: {  	_ =	shalt  }
0x40: {  	_ =	shalt  }
0x41: {  	_ =	shalt  }
0x42: {  	_ =	shalt  }
0x43: {  	_ =	shalt  }
0x44: {  	_ =	shalt  }
0x45: {  	_ =	shalt  }
0x46: {  	_ =	shalt  }
0x47: {  	_ =	shalt  }
0x48: {  	_ =	shalt  }
0x49: {  	_ =	shalt  }
0x4a: {  	_ =	shalt  }
0x4b: {  	_ =	shalt  }
0x4c: {  	_ =	shalt  }
0x4d: {  	_ =	shalt  }
0x4e: {  	_ =	shalt  }
0x4f: {  	_ =	shalt  }
0x50: {  	_ =	shalt  }
0x51: {  	_ =	shalt  }
0x52: {  	_ =	shalt  }
0x53: {  	_ =	shalt  }
0x54: {  	_ =	shalt  }
0x55: {  	_ =	shalt  }
0x56: {  	_ =	shalt  }
0x57: {  	_ =	shalt  }
0x58: {  	_ =	shalt  }
0x59: {  	_ =	shalt  }
0x5a: {  	_ =	shalt  }
0x5b: {  	_ =	shalt  }
0x5c: {  	_ =	shalt  }
0x5d: {  	_ =	shalt  }
0x5e: {  	_ =	shalt  }
0x5f: {  	_ =	shalt  }
0x60: {  	_ =	shalt  }
0x61: {  	_ =	shalt  }
0x62: {  	_ =	shalt  }
0x63: {  	_ =	shalt  }
0x64: {  	_ =	shalt  }
0x65: {  	_ =	shalt  }
0x66: {  	_ =	shalt  }
0x67: {  	_ =	shalt  }
0x68: {  	_ =	shalt  }
0x69: {  	_ =	shalt  }
0x6a: {  	_ =	shalt  }
0x6b: {  	_ =	shalt  }
0x6c: {  	_ =	shalt  }
0x6d: {  	_ =	shalt  }
0x6e: {  	_ =	shalt  }
0x6f: {  	_ =	shalt  }
0x70: {  	_ =	shalt  }
0x71: {  	_ =	shalt  }
0x72: {  	_ =	shalt  }
0x73: {  	_ =	shalt  }
0x74: {  	_ =	shalt  }
0x75: {  	_ =	shalt  }
0x76: {  	_ =	shalt  }
0x77: {  	_ =	shalt  }
0x78: {  	_ =	shalt  }
0x79: {  	_ =	shalt  }
0x7a: {  	_ =	shalt  }
0x7b: {  	_ =	shalt  }
0x7c: {  	_ =	shalt  }
0x7d: {  	_ =	shalt  }
0x7e: {  	_ =	shalt  }
0x7f: {  	_ =	shalt  }
0x80: {  	_ =	shalt  }
0x81: {  	_ =	shalt  }
0x82: {  	_ =	shalt  }
0x83: {  	_ =	shalt  }
0x84: {  	_ =	shalt  }
0x85: {  	_ =	shalt  }
0x86: {  	_ =	shalt  }
0x87: {  	_ =	shalt  }
.Lfunc_end0:
.L_simem_size_0:
called_computation.2_lowered:
.L_overlay_start_0:
0x88: {  	s2 =	sld [smem:$0x3FD9]  }
0x89: {  	s3 =	sld [smem:$0x3FFE];
	_ =	sdelay $0x1  }
0x8a: {  	s1 =	srdreg.scid  }
0x8b: {  	s0 =	sand.u32 $0x1, s1  }
0x8c: {  	s17 =	sshll.u32 s0, $0xA;
	s2 =	sadd.s32 s3, s2  }
0x8d: {  	s2 =	sadd.s32 s2, s17  }
0x8e: {  	[smem:$0x3FBA] =	sst s2  }
0x8f: {  	_ = 	snop  }
0x90: {  	s2 =	sld [smem:$0x3FD0];
	(tm) =	ssettm $0x1  }
0x91: {  	s18 =	sld [smem:$0x3FFB];
	_ =	sdelay $0x3  }
0x92: {  	_ =	strace s18  }
0x93: {  	s3 =	sld [smem:$0x3FFC];
	_ =	sdelay $0x3  }
0x94: {  	_ =	strace s3  }
0x95: {  	s3 =	sld [smem:$0x3FFD];
	_ =	sdelay $0x3  }
0x96: {  	_ =	strace s3  }
0x97: {  	_ =	strace $0x8FFFFFFF  }
0x98: {  	s19 =	sld [smem:$0x3FDB];
	_ =	sdelay $0x1  }
0x99: {  	s4 =	simm.s32 $_scs_section_size  }
0x9a: {  	s5 =	simm.s32 $_size__tile_overlayer_lowered;
	s6 =	simm.s32 $_tile_overlayer_lowered  }
0x9b: {  	s22 =	simm.s32 $0x1BFF;
	s21 =	sshll.u32 s6, $0x1;
	s3 =	sadd.s32 s4, s19  }
0x9c: {  	s7 =	simm.s32 $0x0;
	s20 =	sshll.u32 s5, $0x1;
	s5 =	sadd.s32 s21, s3  }
0x9d: {  	[timem:s7], [sflag:s22] =	dma.local [hbm:s5], s20  }
0x9e: {  	_ =	swait.ge [sflag:s22], s20  }
0x9f: {  	s4 =	ssub.s32 $0x0, s20;
	[sflag:s22] =	ssyncset.done $0x0  }
0xa0: {  	[sflag:s22] =	ssyncadd.s32 s4;
	_ =	sdelay $0x1  }
0xa1: {  	s23 =	simm.s32 $0x1B8B  }
0xa2: {  	_ =	swait.ge [sflag:s23], $0x1  }
0xa3: {  	[sflag:s23] =	ssyncset.done $0x0  }
0xa4: {  	s25 =	simm.s32 $0x1B8E;
	s24 =	sld [smem:$0x3FFE];
	[sflag:s23] =	ssyncadd.s32 $0xFFFFFFFF  }
0xa5: {  	s26 =	simm.s32 $execute0_lowered;
	[smem:$0x3FD2] =	sst s25  }
0xa6: {  	s5 =	sshll.u32 s26, $0x1;
	_ =	strace $0x8000004C;
	[dreg:$0x1] =	wrdreg $0xFFFFFFFF  }
0xa7: {  	s28 =	simm.s32 $_size_execute0_lowered;
	s3 =	sadd.s32 s3, s5;
	[dreg:$0x0] =	wrdreg $0x0  }
0xa8: {  	s5 =	sshll.u32 s28, $0x1;
	[dreg:$0x2] =	wrdreg s3  }
0xa9: {  	[dreg:$0x3] =	wrdreg s5  }
0xaa: {  	[dreg:$0x4] =	wrdreg $0xC0  }
0xab: {  	_ =	task [dreg:s7], $0x5FFFF  }
0xac: {  	[dreg:$0x1] =	wrdreg $0xFFFFFFFF  }
0xad: {  	[dreg:$0x0] =	wrdreg $0x60  }
0xae: {  	[dreg:$0x2] =	wrdreg s24  }
0xaf: {  	[dreg:$0x3] =	wrdreg s2  }
0xb0: {  	[dreg:$0x4] =	wrdreg $0x90000  }
0xb1: {  	[dreg:$0x5] =	wrdreg $0x9  }
0xb2: {  	_ =	task.clear_ibuf [dreg:s7], $0x6FFFF;
	_ =	strace $0x9000004C  }
0xb3: {  	s29 =	simm.s32 $0x9;
	_ =	strace $0x8000004E  }
0xb4: {  	_ =	swait.ge [sflag:s29], $0x1  }
0xb5: {  	[sflag:s29] =	ssyncadd.s32 $0xFFFFFFFF  }
0xb6: {  	_ =	strace $0x9000004E  }
0xb7: {  	_ =	sfence  }
0xb8: {  	s30 =	sld [smem:$0x0];
	_ =	sdelay $0x2  }
0xb9: {  	s31 =	sshll.u32 s1, $0xD;
	s1 =	sshrl.u32 s1, $0x2  }
0xba: {  	s3 =	sand.u32 $0x4000, s31;
	s1 =	sadd.s32 s1, s30  }
0xbb: {  	s0 =	sor.u32 s3, s0;
	s1 =	sshll.u32 s1, $0x11  }
0xbc: {  	s0 =	sor.u32 s1, s0  }
0xbd: {  	s0 =	sadd.s32 $0x8F2B, s0  }
0xbe: {  	[sflag:s0] =	ssyncadd.remote.s32 $0x1  }
0xbf: {  	_ =	sfence.sel $0xFFFF  }
0xc0: {  	[dreg:$0x0] =	wrdreg $0xFFFFFFFF;
	(pc) =	sbr.abs _section_cstart, $3  }
0xc1: {  	[dreg:$0x1] =	wrdreg $0xFFFFFFFF  }
0xc2: {  	_ =	task.clear_ibuf [dreg:s7], $0x2FFFF;
	_ =	strace $0x9FFFFFFF  }
0xc3: {  	(tm) =	ssettm $0x7FFFFFFF  }
tec
execute0_lowered:
.L_overlay_start_1:
0x0: {  	(tag) =	ssettag $0x1  }
0x1: {  	s6 =	rddreg [dreg:$0x0]  }
0x2: {  	s2 =	rddreg [dreg:$0x1];
	s1 =	srdreg.scid  }
0x3: {  	s0 =	stileid.u32;
	s3 =	rddreg [dreg:$0x2]  }
0x4: {  	s4 =	simm.s32 $0x0;
	s13 =	simm.s32 $0x80;
	s14 =	simm.s32 $0x5000  }
0x5: {  	s15 =	simm.s32 $0x1;
	s7 =	sand.u32 $0x1, s1;
	s1 =	rddreg [dreg:$0x3]  }
0x6: {  	s5 =	sshll.u32 s0, $0x1;
	[smem:$0x7FF] =	sst s4;
	s10 =	smul.u32 $0x50000, s0  }
0x7: {  	s17 =	smul.u32 $0x2800, s0;
	s31 =	sshll.u32 s0, $0x6;
	s5 =	sor.u32 s7, s5  }
0x8: {  	_ =	strace $0x8000004D;
	s9 =	smul.u32 $0x28000, s7;
	s7 =	ssub.s32 $0x2, s7  }
0x9: {  	s8 =	smul.u32 $0x500, s5;
	s5 =	sadd.s32 $0xB7600, s6;
	s30 =	sshrl.u32 s7, $0x1  }
0xa: {  	s10 =	sshrl.u32 s10, $0x2;
	s9 =	sadd.s32 s9, s6;
	s11 =	ssub.s32 s7, s30  }
0xb: {  	s12 =	sadd.s32 s10, s3;
	s10 =	simm.s32 $0x2800;
	s8 =	sadd.s32 s8, s6  }
0xc: {  	s16 =	sadd.s32 $0x153E00, s9;
	s9 =	simm.s32 $0x2;
	s12 =	sshrl.u32 s12, $0x3  }
0xd: {  	s6 =	sadd.s32 $0x11200, s8;
	s7 =	sadd.s32 $0x7200, s8;
	s8 =	smax.u32 s11, $0x1  }
0xe: {  	s11 =	sor.u32 $0x1C02, s31;
	s16 =	sadd.s32 s17, s16;
	s17 =	simm.s32 $0x0  }
.LBB2_1:
0xf: {  	[tilespmem:s4], [sflag:$0x2] =	stream.linear.gather [hbm4b:s6+s4], $0x2780, $0x38;
	[tilespmem:$0x1D000] =	vst v63  }
0x10: {  	_ =	swait.ge [sflag:s9], $0x2780  }
0x11: {  	[sflag:s9] =	ssyncset.done $0x0  }
0x12: {  	[sflag:s9] =	ssyncadd.s32 $0xFFFFD880  }
0x13: {  	[tilespmem:s10], [sflag:$0x2] =	stream.linear.gather [hbm4b:s7+s4], $0x2780, $0x38;
	[tilespmem:$0x1D000] =	vst v63  }
0x14: {  	_ =	swait.ge [sflag:s9], $0x2780  }
0x15: {  	[sflag:s9] =	ssyncset.done $0x0  }
0x16: {  	[sflag:s9] =	ssyncadd.s32 $0xFFFFD880  }
0x17: {  	[spmem:s12], [sflag:s11] =	dma.local [hbm:s2], $0x2800  }
0x18: {  	_ =	swait.ge [sflag:s9], $0x2800  }
0x19: {  	[sflag:s9] =	ssyncset.done $0x0  }
0x1a: {  	[sflag:s9] =	ssyncadd.s32 $0xFFFFD800  }
0x1b: {  	s18 =	simm.s32 $0x0;
	[bflag:$0x0] =	sbarrier.arrive $0xFFFF  }
0x1c: {  	[tilespmem:s14], [sflag:$0x1] =	stream.indirect.gather [hbm4b:s5+s13], $0x80, s18, s13, $0xb8;
	[tilespmem:$0x1D000] =	vst v63  }
0x1d: {  	_ =	swait.ge [sflag:s15], $0x4000  }
0x1e: {  	[sflag:s15] =	ssyncset.done $0x0  }
0x1f: {  	s31 =	simm.s32 $0x2800;
	[sflag:s15] =	ssyncadd.s32 $0xFFFFC000  }
0x20: {  	[spmem:s3] =	stream.indirect.scatter.add.f32 [tilespmem:s14], [sflag:$0x2], $0x80, s31, s13, $0xb8;
	[tilespmem:$0x1D000] =	vst v63  }
0x21: {  	_ =	swait.ge [sflag:s9], $0x4000  }
0x22: {  	s19 =	simm.s32 $0x400;
	s18 =	simm.s32 $0x200;
	[sflag:s9] =	ssyncset.done $0x0  }
.LBB2_2:
0x23: {  	s20 =	sshra.s32 s18, $0x2  }
0x24: {  	[sflag:s9] =	ssyncadd.s32 $0xFFFFC000;
	s18 =	smov.u32 s19;
	s21 =	sadd.s32 $0x200, s19  }
0x25: {  	[tilespmem:s14], [sflag:$0x1] =	stream.indirect.gather [hbm4b:s5+s13], $0x80, s20, s13, $0xb8;
	[tilespmem:$0x1D000] =	vst v63  }
0x26: {  	p0 =	sne.s32 s19, $0x9C00;
	_ =	swait.ge [sflag:s15], $0x4000  }
.Ltmp0:
0x27: {  	[sflag:s15] =	ssyncset.done $0x0;
	(pc) =	sbr.rel @p0 .LBB2_2-.Ltmp0, $4  }
0x28: {  	s19 =	sadd.s32 $0x2800, s20;
	[sflag:s15] =	ssyncadd.s32 $0xFFFFC000  }
0x29: {  	[spmem:s3] =	stream.indirect.scatter.add.f32 [tilespmem:s14], [sflag:$0x2], $0x80, s19, s13, $0xb8;
	[tilespmem:$0x1D000] =	vst v63  }
0x2a: {  	_ =	swait.ge [sflag:s9], $0x4000  }
0x2b: {  	s19 =	smov.u32 s21;
	[sflag:s9] =	ssyncset.done $0x0  }
0x2c: {  	s18 =	sshra.s32 s18, $0x2;
	[sflag:s9] =	ssyncadd.s32 $0xFFFFC000  }
0x2d: {  	[tilespmem:s14], [sflag:$0x1] =	stream.indirect.gather [hbm4b:s5+s13], $0x80, s18, s13, $0xb8;
	[tilespmem:$0x1D000] =	vst v63  }
0x2e: {  	_ =	swait.ge [sflag:s15], $0x4000  }
0x2f: {  	[sflag:s15] =	ssyncset.done $0x0  }
0x30: {  	s18 =	sadd.s32 $0x2800, s18;
	[sflag:s15] =	ssyncadd.s32 $0xFFFFC000  }
0x31: {  	[spmem:s3] =	stream.indirect.scatter.add.f32 [tilespmem:s14], [sflag:$0x2], $0x80, s18, s13, $0xb8;
	[tilespmem:$0x1D000] =	vst v63  }
0x32: {  	_ =	swait.ge [sflag:s9], $0x4000  }
0x33: {  	s17 =	sadd.s32 $0x1, s17;
	[sflag:s9] =	ssyncset.done $0x0  }
0x34: {  	p0 =	sne.s32 s17, s8;
	[sflag:s9] =	ssyncadd.s32 $0xFFFFC000  }
.Ltmp1:
0x35: {  	[bflag:$0x0] =	sbarrier.arrive $0xFFFF;
	(pc) =	sbr.rel @p0 .LBB2_1-.Ltmp1, $4  }
0x36: {  	[hbm:s16], [sflag:s11] =	dma.local [spmem:s12], $0x2800  }
0x37: {  	_ =	swait.ge [sflag:s9], $0x2800  }
0x38: {  	[sflag:s9] =	ssyncset.done $0x0  }
0x39: {  	[sflag:s9] =	ssyncadd.s32 $0xFFFFD800  }
0x3a: {  	_ =	sfence.sel $0x180000  }
0x3b: {  	[bflag:$0x0] =	sbarrier.arrive $0xFFFF  }
0x3c: {  	p0 =	sne.s32 s0, $0x0;
	_ =	strace $0x9000004D  }
0x3d: {  	s0 =	sadd.s32 @!p0 $0x100000, s1;
	[bflag:$0x2] =	sbarrier.arrive $0xFFFF  }
0x3e: {  	[sflag:s0] =	ssyncadd.tile.s32 @!p0 $0x1;
	_ =	shalt  }
.Lfunc_end2:
_tile_overlayer_lowered:
.L_overlay_start_2:
0x3f: {  	(tag) =	ssettag $0x2  }
0x40: {  	s0 =	rddreg [dreg:$0x0];
	s2 =	stileid.u32  }
0x41: {  	s1 =	rddreg [dreg:$0x1];
	p0 =	sne.s32 s2, $0x0  }
0x42: {  	s3 =	rddreg [dreg:$0x2];
	[bflag:$0x3] =	sbarrier.arrive $0xFFFF;
	s2 =	simm.s32 @!p0 $0x1C02  }
0x43: {  	[timem:s3], [sflag:s2] =	dma.local @!p0 [hbm:s0], s1  }
0x44: {  	s0 =	simm.s32 @!p0 $0x2  }
0x45: {  	_ =	swait.ge @!p0 [sflag:s0], s1  }
0x46: {  	s1 =	ssub.s32 @!p0 $0x0, s1;
	[sflag:s0] =	ssyncset.done @!p0 $0x0  }
0x47: {  	[sflag:s0] =	ssyncadd.s32 @!p0 s1  }
0x48: {  	[bflag:$0x3] =	sbarrier.arrive $0xFFFF  }
0x49: {  	_ =	shalt  }

// kernel: kernel.30.cloned.1.call-start
scs
__scs_entry_jumppad:
0x0: {  	(pc) =	sbr.rel $0x88, $3  }
0x1: {  	(tag) =	ssettag $0x0;
	lr =	simm.s32 $0x1  }
0x2: {  	[smem:$0x3F93] =	sst lr;
	_ =	strace $0xD0000000  }
0x3: {  	_ = 	snop  }
0x4: {  	_ = 	snop  }
0x5: {  	_ = 	snop  }
0x6: {  	_ = 	snop  }
0x7: {  	_ = 	snop  }
__scs_overlays_trampoline_lowered:
0x8: {  	[smem:$0x3FA2] =	sst s0  }
0x9: {  	[smem:$0x3FA3] =	sst s1  }
0xa: {  	[smem:$0x3FA4] =	sst s2  }
0xb: {  	[smem:$0x3FA5] =	sst s3  }
0xc: {  	[smem:$0x3FA6] =	sst s4  }
0xd: {  	[smem:$0x3FA7] =	sst s5  }
0xe: {  	[smem:$0x3FA8] =	sst s6  }
0xf: {  	[smem:$0x3FA9] =	sst s7  }
0x10: {  	[smem:$0x3FAA] =	sst s8  }
0x11: {  	[smem:$0x3FAB] =	sst s9;
	s0 =	simm.s32 @!p0 $0x0  }
0x12: {  	s1 =	sld [smem:$0x3F91];
	s0 =	simm.s32 @p0 $0x1  }
0x13: {  	[smem:$0x3FAC] =	sst s0;
	s0 =	simm.s32 @!p1 $0x0  }
0x14: {  	s2 =	sld [smem:$0x3F90];
	s0 =	simm.s32 @p1 $0x1  }
0x15: {  	[smem:$0x3FAD] =	sst s0;
	s0 =	simm.s32 @!p2 $0x0  }
0x16: {  	s3 =	sld [smem:$0x3FDB];
	s0 =	simm.s32 @p2 $0x1  }
0x17: {  	s4 =	simm.s32 $0x1BF5;
	[smem:$0x3FAF] =	sst s0  }
0x18: {  	s0 =	sld [smem:$0x3F92];
	_ =	swait.ge [sflag:s4], $0x0  }
0x19: {  	s7 =	sld [smem:$0x3F93]  }
0x1a: {  	s8 =	sadd.s32 $0xFFFFE003, lr  }
0x1b: {  	s9 =	sadd.s32 $0xFFFFFEF7, lr;
	s5 =	simm.s32 $0xFFFFFFFF;
	p2 =	slt.u32 s8, $0xFFFFF086  }
0x1c: {  	p1 =	slt.u32 s9, $0xF7A;
	s5 =	simm.s32 @!p2 $0x0  }
0x1d: {  	s5 =	simm.s32 @p1 $0x1;
	p0 =	seq.s32 s7, s2  }
0x1e: {  	s7 =	smul.u32 @!p0 $0xF7A, s2;
	p2 =	seq.s32 @!p0 s5, $0x0  }
0x1f: {  	s9 =	smul.u32 $0xF7A, s1;
	s8 =	simm.s32 @!p0 $0x1BF5;
	p2 =	por !p2, p0  }
0x20: {  	[sflag:s8] =	ssyncset.s32 @!p0 $0xFFFFF086;
	s6 =	sadd.s32 @!p0 s3, s7;
	s7 =	simm.s32 @!p0 $0x108  }
0x21: {  	s3 =	sadd.s32 s3, s9;
	s6 =	sadd.s32 @!p0 $0x88, s6;
	s7 =	simm.s32 @p2 $0x1082  }
0x22: {  	[simem:s7], [sflag:s8] =	dma.local @!p0 [hbm:s6], $0xF7A  }
0x23: {  	s9 =	sor.u32 $0xD0000000, s2;
	s6 =	simm.s32 $0x108;
	_ =	swait.ge @!p0 [sflag:s8], $0x0  }
0x24: {  	s3 =	sadd.s32 $0x88, s3;
	s6 =	simm.s32 @!p1 $0x1082;
	[sflag:s4] =	ssyncset.s32 $0xFFFFF086  }
0x25: {  	[simem:s6], [sflag:s4] =	dma.local [hbm:s3], $0xF7A  }
0x26: {  	[smem:$0x3F93] =	sst s1;
	(tag) =	ssettag s2;
	_ =	strace s9  }
0x27: {  	s1 =	sld [smem:$0x3FA3]  }
0x28: {  	s2 =	sld [smem:$0x3FA4]  }
0x29: {  	s4 =	sld [smem:$0x3FA6]  }
0x2a: {  	p0 =	seq.s32 s5, $0x0;
	s5 =	sld [smem:$0x3FA7]  }
0x2b: {  	s6 =	sld [smem:$0x3FA8]  }
0x2c: {  	s7 =	sld [smem:$0x3FA9]  }
0x2d: {  	s3 =	simm.s32 $0x108;
	s8 =	sld [smem:$0x3FAA]  }
0x2e: {  	s3 =	simm.s32 @!p0 $0x1082;
	s9 =	sld [smem:$0x3FAB]  }
0x2f: {  	lr =	sadd.s32 s0, s3;
	s0 =	sld [smem:$0x3FA2]  }
0x30: {  	s3 =	sld [smem:$0x3FA5]  }
0x31: {  	[smem:$0x3FAE] =	sst s10  }
0x32: {  	s10 =	sld [smem:$0x3FAC];
	_ =	sdelay $0x3  }
0x33: {  	p0 =	seq.s32 s10, $0x1;
	s10 =	sld [smem:$0x3FAE];
	_ =	sdelay $0x3  }
0x34: {  	[smem:$0x3FAE] =	sst s10  }
0x35: {  	s10 =	sld [smem:$0x3FAD];
	_ =	sdelay $0x3  }
0x36: {  	p1 =	seq.s32 s10, $0x1;
	s10 =	sld [smem:$0x3FAE];
	_ =	sdelay $0x3  }
0x37: {  	[smem:$0x3FAE] =	sst s10  }
0x38: {  	s10 =	sld [smem:$0x3FAF]  }
0x39: {  	_ = 	snop;
	(pc) =	sbr.ind lr, $3  }
0x3a: {  	_ = 	snop  }
0x3b: {  	_ = 	snop  }
0x3c: {  	p2 =	seq.s32 s10, $0x1;
	s10 =	sld [smem:$0x3FAE]  }
0x3d: {  	_ =	shalt  }
0x3e: {  	_ =	shalt  }
0x3f: {  	_ =	shalt  }
0x40: {  	_ =	shalt  }
0x41: {  	_ =	shalt  }
0x42: {  	_ =	shalt  }
0x43: {  	_ =	shalt  }
0x44: {  	_ =	shalt  }
0x45: {  	_ =	shalt  }
0x46: {  	_ =	shalt  }
0x47: {  	_ =	shalt  }
0x48: {  	_ =	shalt  }
0x49: {  	_ =	shalt  }
0x4a: {  	_ =	shalt  }
0x4b: {  	_ =	shalt  }
0x4c: {  	_ =	shalt  }
0x4d: {  	_ =	shalt  }
0x4e: {  	_ =	shalt  }
0x4f: {  	_ =	shalt  }
0x50: {  	_ =	shalt  }
0x51: {  	_ =	shalt  }
0x52: {  	_ =	shalt  }
0x53: {  	_ =	shalt  }
0x54: {  	_ =	shalt  }
0x55: {  	_ =	shalt  }
0x56: {  	_ =	shalt  }
0x57: {  	_ =	shalt  }
0x58: {  	_ =	shalt  }
0x59: {  	_ =	shalt  }
0x5a: {  	_ =	shalt  }
0x5b: {  	_ =	shalt  }
0x5c: {  	_ =	shalt  }
0x5d: {  	_ =	shalt  }
0x5e: {  	_ =	shalt  }
0x5f: {  	_ =	shalt  }
0x60: {  	_ =	shalt  }
0x61: {  	_ =	shalt  }
0x62: {  	_ =	shalt  }
0x63: {  	_ =	shalt  }
0x64: {  	_ =	shalt  }
0x65: {  	_ =	shalt  }
0x66: {  	_ =	shalt  }
0x67: {  	_ =	shalt  }
0x68: {  	_ =	shalt  }
0x69: {  	_ =	shalt  }
0x6a: {  	_ =	shalt  }
0x6b: {  	_ =	shalt  }
0x6c: {  	_ =	shalt  }
0x6d: {  	_ =	shalt  }
0x6e: {  	_ =	shalt  }
0x6f: {  	_ =	shalt  }
0x70: {  	_ =	shalt  }
0x71: {  	_ =	shalt  }
0x72: {  	_ =	shalt  }
0x73: {  	_ =	shalt  }
0x74: {  	_ =	shalt  }
0x75: {  	_ =	shalt  }
0x76: {  	_ =	shalt  }
0x77: {  	_ =	shalt  }
0x78: {  	_ =	shalt  }
0x79: {  	_ =	shalt  }
0x7a: {  	_ =	shalt  }
0x7b: {  	_ =	shalt  }
0x7c: {  	_ =	shalt  }
0x7d: {  	_ =	shalt  }
0x7e: {  	_ =	shalt  }
0x7f: {  	_ =	shalt  }
0x80: {  	_ =	shalt  }
0x81: {  	_ =	shalt  }
0x82: {  	_ =	shalt  }
0x83: {  	_ =	shalt  }
0x84: {  	_ =	shalt  }
0x85: {  	_ =	shalt  }
0x86: {  	_ =	shalt  }
0x87: {  	_ =	shalt  }
.Lfunc_end0:
.L_simem_size_0:
called_computation.3_lowered:
.L_overlay_start_0:
0x88: {  	s2 =	sld [smem:$0x3FD9]  }
0x89: {  	s3 =	sld [smem:$0x3FFE];
	_ =	sdelay $0x1  }
0x8a: {  	s1 =	srdreg.scid  }
0x8b: {  	s0 =	sand.u32 $0x1, s1  }
0x8c: {  	s17 =	sshll.u32 s0, $0xA;
	s2 =	sadd.s32 s3, s2  }
0x8d: {  	s2 =	sadd.s32 s2, s17  }
0x8e: {  	[smem:$0x3FBA] =	sst s2  }
0x8f: {  	_ = 	snop  }
0x90: {  	s18 =	sld [smem:$0x3FD0];
	(tm) =	ssettm $0x1  }
0x91: {  	s19 =	sld [smem:$0x3FFB];
	_ =	sdelay $0x3  }
0x92: {  	_ =	strace s19  }
0x93: {  	s2 =	sld [smem:$0x3FFC];
	_ =	sdelay $0x3  }
0x94: {  	_ =	strace s2  }
0x95: {  	s2 =	sld [smem:$0x3FFD];
	_ =	sdelay $0x3  }
0x96: {  	_ =	strace s2  }
0x97: {  	_ =	strace $0x8FFFFFFF  }
0x98: {  	s20 =	sld [smem:$0x3FDB];
	_ =	sdelay $0x1  }
0x99: {  	s4 =	simm.s32 $_scs_section_size  }
0x9a: {  	s5 =	simm.s32 $_size__tile_overlayer_lowered;
	s6 =	simm.s32 $_tile_overlayer_lowered  }
0x9b: {  	s7 =	simm.s32 $0x1BFF;
	s21 =	sshll.u32 s6, $0x1;
	s4 =	sadd.s32 s4, s20  }
0x9c: {  	s22 =	simm.s32 $0x0;
	s5 =	sshll.u32 s5, $0x1;
	s6 =	sadd.s32 s21, s4  }
0x9d: {  	[timem:s22], [sflag:s7] =	dma.local [hbm:s6], s5  }
0x9e: {  	_ =	swait.ge [sflag:s7], s5  }
0x9f: {  	s5 =	ssub.s32 $0x0, s5;
	[sflag:s7] =	ssyncset.done $0x0  }
0xa0: {  	[sflag:s7] =	ssyncadd.s32 s5;
	_ =	sdelay $0x1  }
0xa1: {  	s23 =	simm.s32 $0x1B8B  }
0xa2: {  	_ =	swait.ge [sflag:s23], $0x1  }
0xa3: {  	[sflag:s23] =	ssyncset.done $0x0  }
0xa4: {  	[sflag:s23] =	ssyncadd.s32 $0xFFFFFFFF  }
0xa5: {  	s5 =	sld [smem:$0x0]  }
0xa6: {  	s6 =	sand.u32 $0xFFFFFFFE, s1  }
0xa7: {  	p0 =	sne.s32 s1, s6  }
0xa8: {  	s6 =	sshll.u32 @p0 s6, $0xE  }
0xa9: {  	s6 =	sadd.s32 @p0 $0x11B8D, s6;
	s7 =	sshll.u32 @p0 s5, $0x11  }
0xaa: {  	s6 =	sor.u32 @p0 s7, s6  }
0xab: {  	[sflag:s6] =	ssyncadd.remote.s32 @p0 $0x1;
	_ =	sdelay $0x1  }
0xac: {  	s6 =	simm.s32 @p0 $0x1B8D  }
0xad: {  	_ =	swait.eq @p0 [sflag:s6], $0x1  }
0xae: {  	[sflag:s6] =	ssyncadd.s32 @p0 $0xFFFFFFFF  }
0xaf: {  	s7 =	sshll.u32 @!p0 s1, $0xE  }
0xb0: {  	s7 =	sor.u32 @!p0 $0x4000, s7;
	s6 =	simm.s32 @!p0 $0x1B8D  }
0xb1: {  	s5 =	sshll.u32 @!p0 s5, $0x11;
	s7 =	sadd.s32 @!p0 $0x11B8D, s7;
	_ =	swait.eq @!p0 [sflag:s6], $0x1  }
0xb2: {  	s5 =	sor.u32 @!p0 s5, s7;
	[sflag:s6] =	ssyncadd.s32 @!p0 $0xFFFFFFFF  }
0xb3: {  	s25 =	simm.s32 $0x1B8E;
	s24 =	sld [smem:$0x3FFE];
	[sflag:s5] =	ssyncadd.remote.s32 @!p0 $0x1  }
0xb4: {  	s26 =	simm.s32 $execute0_lowered;
	[smem:$0x3FD2] =	sst s25  }
0xb5: {  	s6 =	sshll.u32 s26, $0x1;
	_ =	strace $0x8000004F;
	[dreg:$0x1] =	wrdreg $0xFFFFFFFF  }
0xb6: {  	s28 =	simm.s32 $_size_execute0_lowered;
	s4 =	sadd.s32 s4, s6;
	[dreg:$0x0] =	wrdreg $0x0  }
0xb7: {  	s6 =	sshll.u32 s28, $0x1;
	[dreg:$0x2] =	wrdreg s4  }
0xb8: {  	[dreg:$0x3] =	wrdreg s6  }
0xb9: {  	[dreg:$0x4] =	wrdreg $0xC0  }
0xba: {  	_ =	task [dreg:s22], $0x5FFFF  }
0xbb: {  	[dreg:$0x1] =	wrdreg $0xFFFFFFFF  }
0xbc: {  	[dreg:$0x0] =	wrdreg $0x60  }
0xbd: {  	[dreg:$0x2] =	wrdreg s24  }
0xbe: {  	[dreg:$0x3] =	wrdreg s18  }
0xbf: {  	[dreg:$0x4] =	wrdreg $0x90000  }
0xc0: {  	[dreg:$0x5] =	wrdreg $0xA  }
0xc1: {  	_ =	task.clear_ibuf [dreg:s22], $0x6FFFF;
	_ =	strace $0x9000004F  }
0xc2: {  	s29 =	simm.s32 $0xA;
	_ =	strace $0x80000051  }
0xc3: {  	_ =	swait.ge [sflag:s29], $0x1  }
0xc4: {  	[sflag:s29] =	ssyncadd.s32 $0xFFFFFFFF  }
0xc5: {  	_ =	strace $0x90000051  }
0xc6: {  	_ =	sfence  }
0xc7: {  	s30 =	sld [smem:$0x0];
	_ =	sdelay $0x2  }
0xc8: {  	s31 =	sshll.u32 s1, $0xD;
	s1 =	sshrl.u32 s1, $0x2  }
0xc9: {  	s4 =	sand.u32 $0x4000, s31;
	s1 =	sadd.s32 s1, s30  }
0xca: {  	s0 =	sor.u32 s4, s0;
	s1 =	sshll.u32 s1, $0x11  }
0xcb: {  	s0 =	sor.u32 s1, s0  }
0xcc: {  	s0 =	sadd.s32 $0x8F2B, s0  }
0xcd: {  	[sflag:s0] =	ssyncadd.remote.s32 $0x1  }
0xce: {  	_ =	sfence.sel $0xFFFF  }
0xcf: {  	[dreg:$0x0] =	wrdreg $0xFFFFFFFF;
	(pc) =	sbr.abs _section_cstart, $3  }
0xd0: {  	[dreg:$0x1] =	wrdreg $0xFFFFFFFF  }
0xd1: {  	_ =	task.clear_ibuf [dreg:s22], $0x2FFFF;
	_ =	strace $0x9FFFFFFF  }
0xd2: {  	(tm) =	ssettm $0x7FFFFFFF  }
0xd3: {  	_ =	shalt  }
tec
execute0_lowered:
.L_overlay_start_1:
0x0: {  	(tag) =	ssettag $0x1  }
0x1: {  	s6 =	rddreg [dreg:$0x0]  }
0x2: {  	s2 =	rddreg [dreg:$0x1];
	s1 =	srdreg.scid  }
0x3: {  	s0 =	stileid.u32;
	s3 =	rddreg [dreg:$0x2]  }
0x4: {  	s4 =	simm.s32 $0x0;
	s13 =	simm.s32 $0x80;
	s14 =	simm.s32 $0x5000  }
0x5: {  	s15 =	simm.s32 $0x1;
	s7 =	sand.u32 $0x1, s1;
	s1 =	rddreg [dreg:$0x3]  }
0x6: {  	s5 =	sshll.u32 s0, $0x1;
	[smem:$0x7FF] =	sst s4;
	s10 =	smul.u32 $0x50000, s0  }
0x7: {  	s17 =	smul.u32 $0x2800, s0;
	s31 =	sshll.u32 s0, $0x6;
	s5 =	sor.u32 s7, s5  }
0x8: {  	_ =	strace $0x80000050;
	s9 =	smul.u32 $0x28000, s7;
	s7 =	ssub.s32 $0x2, s7  }
0x9: {  	s8 =	smul.u32 $0x500, s5;
	s5 =	sadd.s32 $0xDE800, s6;
	s30 =	sshrl.u32 s7, $0x1  }
0xa: {  	s10 =	sshrl.u32 s10, $0x2;
	s9 =	sadd.s32 s9, s6;
	s11 =	ssub.s32 s7, s30  }
0xb: {  	s12 =	sadd.s32 s10, s3;
	s10 =	simm.s32 $0x2800;
	s8 =	sadd.s32 s8, s6  }
0xc: {  	s16 =	sadd.s32 $0x1A3E00, s9;
	s9 =	simm.s32 $0x2;
	s12 =	sshrl.u32 s12, $0x3  }
0xd: {  	s6 =	sadd.s32 $0x11200, s8;
	s7 =	sadd.s32 $0x7200, s8;
	s8 =	smax.u32 s11, $0x1  }
0xe: {  	s11 =	sor.u32 $0x1C02, s31;
	s16 =	sadd.s32 s17, s16;
	s17 =	simm.s32 $0x0  }
.LBB2_1:
0xf: {  	[tilespmem:s4], [sflag:$0x2] =	stream.linear.gather [hbm4b:s6+s4], $0x2780, $0x38;
	[tilespmem:$0x1D000] =	vst v63  }
0x10: {  	_ =	swait.ge [sflag:s9], $0x2780  }
0x11: {  	[sflag:s9] =	ssyncset.done $0x0  }
0x12: {  	[sflag:s9] =	ssyncadd.s32 $0xFFFFD880  }
0x13: {  	[tilespmem:s10], [sflag:$0x2] =	stream.linear.gather [hbm4b:s7+s4], $0x2780, $0x38;
	[tilespmem:$0x1D000] =	vst v63  }
0x14: {  	_ =	swait.ge [sflag:s9], $0x2780  }
0x15: {  	[sflag:s9] =	ssyncset.done $0x0  }
0x16: {  	[sflag:s9] =	ssyncadd.s32 $0xFFFFD880  }
0x17: {  	[spmem:s12], [sflag:s11] =	dma.local [hbm:s2], $0x2800  }
0x18: {  	_ =	swait.ge [sflag:s9], $0x2800  }
0x19: {  	[sflag:s9] =	ssyncset.done $0x0  }
0x1a: {  	[sflag:s9] =	ssyncadd.s32 $0xFFFFD800  }
0x1b: {  	s18 =	simm.s32 $0x0;
	[bflag:$0x0] =	sbarrier.arrive $0xFFFF  }
0x1c: {  	[tilespmem:s14], [sflag:$0x1] =	stream.indirect.gather [hbm4b:s5+s13], $0x80, s18, s13, $0xb8;
	[tilespmem:$0x1D000] =	vst v63  }
0x1d: {  	_ =	swait.ge [sflag:s15], $0x4000  }
0x1e: {  	[sflag:s15] =	ssyncset.done $0x0  }
0x1f: {  	s31 =	simm.s32 $0x2800;
	[sflag:s15] =	ssyncadd.s32 $0xFFFFC000  }
0x20: {  	[spmem:s3] =	stream.indirect.scatter.add.f32 [tilespmem:s14], [sflag:$0x2], $0x80, s31, s13, $0xb8;
	[tilespmem:$0x1D000] =	vst v63  }
0x21: {  	_ =	swait.ge [sflag:s9], $0x4000  }
0x22: {  	s19 =	simm.s32 $0x400;
	s18 =	simm.s32 $0x200;
	[sflag:s9] =	ssyncset.done $0x0  }
.LBB2_2:
0x23: {  	s20 =	sshra.s32 s18, $0x2  }
0x24: {  	[sflag:s9] =	ssyncadd.s32 $0xFFFFC000;
	s18 =	smov.u32 s19;
	s21 =	sadd.s32 $0x200, s19  }
0x25: {  	[tilespmem:s14], [sflag:$0x1] =	stream.indirect.gather [hbm4b:s5+s13], $0x80, s20, s13, $0xb8;
	[tilespmem:$0x1D000] =	vst v63  }
0x26: {  	p0 =	sne.s32 s19, $0x9C00;
	_ =	swait.ge [sflag:s15], $0x4000  }
.Ltmp0:
0x27: {  	[sflag:s15] =	ssyncset.done $0x0;
	(pc) =	sbr.rel @p0 .LBB2_2-.Ltmp0, $4  }
0x28: {  	s19 =	sadd.s32 $0x2800, s20;
	[sflag:s15] =	ssyncadd.s32 $0xFFFFC000  }
0x29: {  	[spmem:s3] =	stream.indirect.scatter.add.f32 [tilespmem:s14], [sflag:$0x2], $0x80, s19, s13, $0xb8;
	[tilespmem:$0x1D000] =	vst v63  }
0x2a: {  	_ =	swait.ge [sflag:s9], $0x4000  }
0x2b: {  	s19 =	smov.u32 s21;
	[sflag:s9] =	ssyncset.done $0x0  }
0x2c: {  	s18 =	sshra.s32 s18, $0x2;
	[sflag:s9] =	ssyncadd.s32 $0xFFFFC000  }
0x2d: {  	[tilespmem:s14], [sflag:$0x1] =	stream.indirect.gather [hbm4b:s5+s13], $0x80, s18, s13, $0xb8;
	[tilespmem:$0x1D000] =	vst v63  }
0x2e: {  	_ =	swait.ge [sflag:s15], $0x4000  }
0x2f: {  	[sflag:s15] =	ssyncset.done $0x0  }
0x30: {  	s18 =	sadd.s32 $0x2800, s18;
	[sflag:s15] =	ssyncadd.s32 $0xFFFFC000  }
0x31: {  	[spmem:s3] =	stream.indirect.scatter.add.f32 [tilespmem:s14], [sflag:$0x2], $0x80, s18, s13, $0xb8;
	[tilespmem:$0x1D000] =	vst v63  }
0x32: {  	_ =	swait.ge [sflag:s9], $0x4000  }
0x33: {  	s17 =	sadd.s32 $0x1, s17;
	[sflag:s9] =	ssyncset.done $0x0  }
0x34: {  	p0 =	sne.s32 s17, s8;
	[sflag:s9] =	ssyncadd.s32 $0xFFFFC000  }
.Ltmp1:
0x35: {  	[bflag:$0x0] =	sbarrier.arrive $0xFFFF;
	(pc) =	sbr.rel @p0 .LBB2_1-.Ltmp1, $4  }
0x36: {  	[hbm:s16], [sflag:s11] =	dma.local [spmem:s12], $0x2800  }
0x37: {  	_ =	swait.ge [sflag:s9], $0x2800  }
0x38: {  	[sflag:s9] =	ssyncset.done $0x0  }
0x39: {  	[sflag:s9] =	ssyncadd.s32 $0xFFFFD800  }
0x3a: {  	_ =	sfence.sel $0x180000  }
0x3b: {  	[bflag:$0x0] =	sbarrier.arrive $0xFFFF  }
0x3c: {  	p0 =	sne.s32 s0, $0x0;
	_ =	strace $0x90000050  }
0x3d: {  	s0 =	sadd.s32 @!p0 $0x100000, s1;
	[bflag:$0x2] =	sbarrier.arrive $0xFFFF  }
0x3e: {  	[sflag:s0] =	ssyncadd.tile.s32 @!p0 $0x1;
	_ =	shalt  }
.Lfunc_end2:
_tile_overlayer_lowered:
.L_overlay_start_2:
0x3f: {  	(tag) =	ssettag $0x2  }
0x40: {  	s0 =	rddreg [dreg:$0x0];
	s2 =	stileid.u32  }
0x41: {  	s1 =	rddreg [dreg:$0x1];
	p0 =	sne.s32 s2, $0x0  }
0x42: {  	s3 =	rddreg [dreg:$0x2];
	[bflag:$0x3] =	sbarrier.arrive $0xFFFF;
	s2 =	simm.s32 @!p0 $0x1C02  }
0x43: {  	[timem:s3], [sflag:s2] =	dma.local @!p0 [hbm:s0], s1  }
0x44: {  	s0 =	simm.s32 @!p0 $0x2  }
0x45: {  	_ =	swait.ge @!p0 [sflag:s0], s1  }
0x46: {  	s1 =	ssub.s32 @!p0 $0x0, s1;
	[sflag:s0] =	ssyncset.done @!p0 $0x0  }
0x47: {  	[sflag:s0] =	ssyncadd.s32 @!p0 s1  }
0x48: {  	[bflag:$0x3] =	sbarrier.arrive $0xFFFF  }
0x49: {  	_ =	shalt  }

// kernel: kernel.33.cloned.1.call-start
scs
__scs_entry_jumppad:
0x0: {  	(pc) =	sbr.rel $0x88, $3  }
0x1: {  	(tag) =	ssettag $0x0;
	lr =	simm.s32 $0x1  }
0x2: {  	[smem:$0x3F93] =	sst lr;
	_ =	strace $0xD0000000  }
0x3: {  	_ = 	snop  }
0x4: {  	_ = 	snop  }
0x5: {  	_ = 	snop  }
0x6: {  	_ = 	snop  }
0x7: {  	_ = 	snop  }
__scs_overlays_trampoline_lowered:
0x8: {  	[smem:$0x3FA2] =	sst s0  }
0x9: {  	[smem:$0x3FA3] =	sst s1  }
0xa: {  	[smem:$0x3FA4] =	sst s2  }
0xb: {  	[smem:$0x3FA5] =	sst s3  }
0xc: {  	[smem:$0x3FA6] =	sst s4  }
0xd: {  	[smem:$0x3FA7] =	sst s5  }
0xe: {  	[smem:$0x3FA8] =	sst s6  }
0xf: {  	[smem:$0x3FA9] =	sst s7  }
0x10: {  	[smem:$0x3FAA] =	sst s8  }
0x11: {  	[smem:$0x3FAB] =	sst s9;
	s0 =	simm.s32 @!p0 $0x0  }
0x12: {  	s1 =	sld [smem:$0x3F91];
	s0 =	simm.s32 @p0 $0x1  }
0x13: {  	[smem:$0x3FAC] =	sst s0;
	s0 =	simm.s32 @!p1 $0x0  }
0x14: {  	s2 =	sld [smem:$0x3F90];
	s0 =	simm.s32 @p1 $0x1  }
0x15: {  	[smem:$0x3FAD] =	sst s0;
	s0 =	simm.s32 @!p2 $0x0  }
0x16: {  	s3 =	sld [smem:$0x3FDB];
	s0 =	simm.s32 @p2 $0x1  }
0x17: {  	s4 =	simm.s32 $0x1BF5;
	[smem:$0x3FAF] =	sst s0  }
0x18: {  	s0 =	sld [smem:$0x3F92];
	_ =	swait.ge [sflag:s4], $0x0  }
0x19: {  	s7 =	sld [smem:$0x3F93]  }
0x1a: {  	s8 =	sadd.s32 $0xFFFFE003, lr  }
0x1b: {  	s9 =	sadd.s32 $0xFFFFFEF7, lr;
	s5 =	simm.s32 $0xFFFFFFFF;
	p2 =	slt.u32 s8, $0xFFFFF086  }
0x1c: {  	p1 =	slt.u32 s9, $0xF7A;
	s5 =	simm.s32 @!p2 $0x0  }
0x1d: {  	s5 =	simm.s32 @p1 $0x1;
	p0 =	seq.s32 s7, s2  }
0x1e: {  	s7 =	smul.u32 @!p0 $0xF7A, s2;
	p2 =	seq.s32 @!p0 s5, $0x0  }
0x1f: {  	s9 =	smul.u32 $0xF7A, s1;
	s8 =	simm.s32 @!p0 $0x1BF5;
	p2 =	por !p2, p0  }
0x20: {  	[sflag:s8] =	ssyncset.s32 @!p0 $0xFFFFF086;
	s6 =	sadd.s32 @!p0 s3, s7;
	s7 =	simm.s32 @!p0 $0x108  }
0x21: {  	s3 =	sadd.s32 s3, s9;
	s6 =	sadd.s32 @!p0 $0x88, s6;
	s7 =	simm.s32 @p2 $0x1082  }
0x22: {  	[simem:s7], [sflag:s8] =	dma.local @!p0 [hbm:s6], $0xF7A  }
0x23: {  	s9 =	sor.u32 $0xD0000000, s2;
	s6 =	simm.s32 $0x108;
	_ =	swait.ge @!p0 [sflag:s8], $0x0  }
0x24: {  	s3 =	sadd.s32 $0x88, s3;
	s6 =	simm.s32 @!p1 $0x1082;
	[sflag:s4] =	ssyncset.s32 $0xFFFFF086  }
0x25: {  	[simem:s6], [sflag:s4] =	dma.local [hbm:s3], $0xF7A  }
0x26: {  	[smem:$0x3F93] =	sst s1;
	(tag) =	ssettag s2;
	_ =	strace s9  }
0x27: {  	s1 =	sld [smem:$0x3FA3]  }
0x28: {  	s2 =	sld [smem:$0x3FA4]  }
0x29: {  	s4 =	sld [smem:$0x3FA6]  }
0x2a: {  	p0 =	seq.s32 s5, $0x0;
	s5 =	sld [smem:$0x3FA7]  }
0x2b: {  	s6 =	sld [smem:$0x3FA8]  }
0x2c: {  	s7 =	sld [smem:$0x3FA9]  }
0x2d: {  	s3 =	simm.s32 $0x108;
	s8 =	sld [smem:$0x3FAA]  }
0x2e: {  	s3 =	simm.s32 @!p0 $0x1082;
	s9 =	sld [smem:$0x3FAB]  }
0x2f: {  	lr =	sadd.s32 s0, s3;
	s0 =	sld [smem:$0x3FA2]  }
0x30: {  	s3 =	sld [smem:$0x3FA5]  }
0x31: {  	[smem:$0x3FAE] =	sst s10  }
0x32: {  	s10 =	sld [smem:$0x3FAC];
	_ =	sdelay $0x3  }
0x33: {  	p0 =	seq.s32 s10, $0x1;
	s10 =	sld [smem:$0x3FAE];
	_ =	sdelay $0x3  }
0x34: {  	[smem:$0x3FAE] =	sst s10  }
0x35: {  	s10 =	sld [smem:$0x3FAD];
	_ =	sdelay $0x3  }
0x36: {  	p1 =	seq.s32 s10, $0x1;
	s10 =	sld [smem:$0x3FAE];
	_ =	sdelay $0x3  }
0x37: {  	[smem:$0x3FAE] =	sst s10  }
0x38: {  	s10 =	sld [smem:$0x3FAF]  }
0x39: {  	_ = 	snop;
	(pc) =	sbr.ind lr, $3  }
0x3a: {  	_ = 	snop  }
0x3b: {  	_ = 	snop  }
0x3c: {  	p2 =	seq.s32 s10, $0x1;
	s10 =	sld [smem:$0x3FAE]  }
0x3d: {  	_ =	shalt  }
0x3e: {  	_ =	shalt  }
0x3f: {  	_ =	shalt  }
0x40: {  	_ =	shalt  }
0x41: {  	_ =	shalt  }
0x42: {  	_ =	shalt  }
0x43: {  	_ =	shalt  }
0x44: {  	_ =	shalt  }
0x45: {  	_ =	shalt  }
0x46: {  	_ =	shalt  }
0x47: {  	_ =	shalt  }
0x48: {  	_ =	shalt  }
0x49: {  	_ =	shalt  }
0x4a: {  	_ =	shalt  }
0x4b: {  	_ =	shalt  }
0x4c: {  	_ =	shalt  }
0x4d: {  	_ =	shalt  }
0x4e: {  	_ =	shalt  }
0x4f: {  	_ =	shalt  }
0x50: {  	_ =	shalt  }
0x51: {  	_ =	shalt  }
0x52: {  	_ =	shalt  }
0x53: {  	_ =	shalt  }
0x54: {  	_ =	shalt  }
0x55: {  	_ =	shalt  }
0x56: {  	_ =	shalt  }
0x57: {  	_ =	shalt  }
0x58: {  	_ =	shalt  }
0x59: {  	_ =	shalt  }
0x5a: {  	_ =	shalt  }
0x5b: {  	_ =	shalt  }
0x5c: {  	_ =	shalt  }
0x5d: {  	_ =	shalt  }
0x5e: {  	_ =	shalt  }
0x5f: {  	_ =	shalt  }
0x60: {  	_ =	shalt  }
0x61: {  	_ =	shalt  }
0x62: {  	_ =	shalt  }
0x63: {  	_ =	shalt  }
0x64: {  	_ =	shalt  }
0x65: {  	_ =	shalt  }
0x66: {  	_ =	shalt  }
0x67: {  	_ =	shalt  }
0x68: {  	_ =	shalt  }
0x69: {  	_ =	shalt  }
0x6a: {  	_ =	shalt  }
0x6b: {  	_ =	shalt  }
0x6c: {  	_ =	shalt  }
0x6d: {  	_ =	shalt  }
0x6e: {  	_ =	shalt  }
0x6f: {  	_ =	shalt  }
0x70: {  	_ =	shalt  }
0x71: {  	_ =	shalt  }
0x72: {  	_ =	shalt  }
0x73: {  	_ =	shalt  }
0x74: {  	_ =	shalt  }
0x75: {  	_ =	shalt  }
0x76: {  	_ =	shalt  }
0x77: {  	_ =	shalt  }
0x78: {  	_ =	shalt  }
0x79: {  	_ =	shalt  }
0x7a: {  	_ =	shalt  }
0x7b: {  	_ =	shalt  }
0x7c: {  	_ =	shalt  }
0x7d: {  	_ =	shalt  }
0x7e: {  	_ =	shalt  }
0x7f: {  	_ =	shalt  }
0x80: {  	_ =	shalt  }
0x81: {  	_ =	shalt  }
0x82: {  	_ =	shalt  }
0x83: {  	_ =	shalt  }
0x84: {  	_ =	shalt  }
0x85: {  	_ =	shalt  }
0x86: {  	_ =	shalt  }
0x87: {  	_ =	shalt  }
.Lfunc_end0:
.L_simem_size_0:
called_computation.4_lowered:
.L_overlay_start_0:
0x88: {  	s2 =	sld [smem:$0x3FD9]  }
0x89: {  	s3 =	sld [smem:$0x3FFE];
	_ =	sdelay $0x1  }
0x8a: {  	s1 =	srdreg.scid  }
0x8b: {  	s0 =	sand.u32 $0x1, s1  }
0x8c: {  	s17 =	sshll.u32 s0, $0xA;
	s2 =	sadd.s32 s3, s2  }
0x8d: {  	s2 =	sadd.s32 s2, s17  }
0x8e: {  	[smem:$0x3FBA] =	sst s2  }
0x8f: {  	_ = 	snop  }
0x90: {  	s18 =	sld [smem:$0x3FD0];
	(tm) =	ssettm $0x1  }
0x91: {  	s19 =	sld [smem:$0x3FFB];
	_ =	sdelay $0x3  }
0x92: {  	_ =	strace s19  }
0x93: {  	s2 =	sld [smem:$0x3FFC];
	_ =	sdelay $0x3  }
0x94: {  	_ =	strace s2  }
0x95: {  	s2 =	sld [smem:$0x3FFD];
	_ =	sdelay $0x3  }
0x96: {  	_ =	strace s2  }
0x97: {  	_ =	strace $0x8FFFFFFF  }
0x98: {  	s20 =	sld [smem:$0x3FDB];
	_ =	sdelay $0x1  }
0x99: {  	s4 =	simm.s32 $_scs_section_size  }
0x9a: {  	s5 =	simm.s32 $_size__tile_overlayer_lowered;
	s6 =	simm.s32 $_tile_overlayer_lowered  }
0x9b: {  	s7 =	simm.s32 $0x1BFF;
	s21 =	sshll.u32 s6, $0x1;
	s4 =	sadd.s32 s4, s20  }
0x9c: {  	s22 =	simm.s32 $0x0;
	s5 =	sshll.u32 s5, $0x1;
	s6 =	sadd.s32 s21, s4  }
0x9d: {  	[timem:s22], [sflag:s7] =	dma.local [hbm:s6], s5  }
0x9e: {  	_ =	swait.ge [sflag:s7], s5  }
0x9f: {  	s5 =	ssub.s32 $0x0, s5;
	[sflag:s7] =	ssyncset.done $0x0  }
0xa0: {  	[sflag:s7] =	ssyncadd.s32 s5;
	_ =	sdelay $0x1  }
0xa1: {  	s23 =	simm.s32 $0x1B8B  }
0xa2: {  	_ =	swait.ge [sflag:s23], $0x1  }
0xa3: {  	[sflag:s23] =	ssyncset.done $0x0  }
0xa4: {  	[sflag:s23] =	ssyncadd.s32 $0xFFFFFFFF  }
0xa5: {  	s5 =	sld [smem:$0x0]  }
0xa6: {  	s6 =	sand.u32 $0xFFFFFFFE, s1  }
0xa7: {  	p0 =	sne.s32 s1, s6  }
0xa8: {  	s6 =	sshll.u32 @p0 s6, $0xE  }
0xa9: {  	s6 =	sadd.s32 @p0 $0x11B8D, s6;
	s7 =	sshll.u32 @p0 s5, $0x11  }
0xaa: {  	s6 =	sor.u32 @p0 s7, s6  }
0xab: {  	[sflag:s6] =	ssyncadd.remote.s32 @p0 $0x1;
	_ =	sdelay $0x1  }
0xac: {  	s6 =	simm.s32 @p0 $0x1B8D  }
0xad: {  	_ =	swait.eq @p0 [sflag:s6], $0x1  }
0xae: {  	[sflag:s6] =	ssyncadd.s32 @p0 $0xFFFFFFFF  }
0xaf: {  	s7 =	sshll.u32 @!p0 s1, $0xE  }
0xb0: {  	s7 =	sor.u32 @!p0 $0x4000, s7;
	s6 =	simm.s32 @!p0 $0x1B8D  }
0xb1: {  	s5 =	sshll.u32 @!p0 s5, $0x11;
	s7 =	sadd.s32 @!p0 $0x11B8D, s7;
	_ =	swait.eq @!p0 [sflag:s6], $0x1  }
0xb2: {  	s5 =	sor.u32 @!p0 s5, s7;
	[sflag:s6] =	ssyncadd.s32 @!p0 $0xFFFFFFFF  }
0xb3: {  	s25 =	simm.s32 $0x1B8E;
	s24 =	sld [smem:$0x3FFE];
	[sflag:s5] =	ssyncadd.remote.s32 @!p0 $0x1  }
0xb4: {  	s26 =	simm.s32 $execute0_lowered;
	[smem:$0x3FD2] =	sst s25  }
0xb5: {  	s6 =	sshll.u32 s26, $0x1;
	_ =	strace $0x80000052;
	[dreg:$0x1] =	wrdreg $0xFFFFFFFF  }
0xb6: {  	s28 =	simm.s32 $_size_execute0_lowered;
	s4 =	sadd.s32 s4, s6;
	[dreg:$0x0] =	wrdreg $0x0  }
0xb7: {  	s6 =	sshll.u32 s28, $0x1;
	[dreg:$0x2] =	wrdreg s4  }
0xb8: {  	[dreg:$0x3] =	wrdreg s6  }
0xb9: {  	[dreg:$0x4] =	wrdreg $0xC0  }
0xba: {  	_ =	task [dreg:s22], $0x5FFFF  }
0xbb: {  	[dreg:$0x1] =	wrdreg $0xFFFFFFFF  }
0xbc: {  	[dreg:$0x0] =	wrdreg $0x60  }
0xbd: {  	[dreg:$0x2] =	wrdreg s24  }
0xbe: {  	[dreg:$0x3] =	wrdreg s18  }
0xbf: {  	[dreg:$0x4] =	wrdreg $0x90000  }
0xc0: {  	[dreg:$0x5] =	wrdreg $0xB  }
0xc1: {  	_ =	task.clear_ibuf [dreg:s22], $0x6FFFF;
	_ =	strace $0x90000052  }
0xc2: {  	s29 =	simm.s32 $0xB;
	_ =	strace $0x80000054  }
0xc3: {  	_ =	swait.ge [sflag:s29], $0x1  }
0xc4: {  	[sflag:s29] =	ssyncadd.s32 $0xFFFFFFFF  }
0xc5: {  	_ =	strace $0x90000054  }
0xc6: {  	_ =	sfence  }
0xc7: {  	s30 =	sld [smem:$0x0];
	_ =	sdelay $0x2  }
0xc8: {  	s31 =	sshll.u32 s1, $0xD;
	s1 =	sshrl.u32 s1, $0x2  }
0xc9: {  	s4 =	sand.u32 $0x4000, s31;
	s1 =	sadd.s32 s1, s30  }
0xca: {  	s0 =	sor.u32 s4, s0;
	s1 =	sshll.u32 s1, $0x11  }
0xcb: {  	s0 =	sor.u32 s1, s0  }
0xcc: {  	s0 =	sadd.s32 $0x8F2B, s0  }
0xcd: {  	[sflag:s0] =	ssyncadd.remote.s32 $0x1  }
0xce: {  	_ =	sfence.sel $0xFFFF  }
0xcf: {  	[dreg:$0x0] =	wrdreg $0xFFFFFFFF;
	(pc) =	sbr.abs _section_cstart, $3  }
0xd0: {  	[dreg:$0x1] =	wrdreg $0xFFFFFFFF  }
0xd1: {  	_ =	task.clear_ibuf [dreg:s22], $0x2FFFF;
	_ =	strace $0x9FFFFFFF  }
0xd2: {  	(tm) =	ssettm $0x7FFFFFFF  }
0xd3: {  	_ =	shalt  }
tec
execute0_lowered:
.L_overlay_start_1:
0x0: {  	(tag) =	ssettag $0x1  }
0x1: {  	s6 =	rddreg [dreg:$0x0]  }
0x2: {  	s2 =	rddreg [dreg:$0x1];
	s1 =	srdreg.scid  }
0x3: {  	s0 =	stileid.u32;
	s3 =	rddreg [dreg:$0x2]  }
0x4: {  	s4 =	simm.s32 $0x0;
	s13 =	simm.s32 $0x80;
	s14 =	simm.s32 $0x5000  }
0x5: {  	s15 =	simm.s32 $0x1;
	s7 =	sand.u32 $0x1, s1;
	s1 =	rddreg [dreg:$0x3]  }
0x6: {  	s5 =	sshll.u32 s0, $0x1;
	[smem:$0x7FF] =	sst s4;
	s10 =	smul.u32 $0x50000, s0  }
0x7: {  	s17 =	smul.u32 $0x2800, s0;
	s31 =	sshll.u32 s0, $0x6;
	s5 =	sor.u32 s7, s5  }
0x8: {  	_ =	strace $0x80000053;
	s9 =	smul.u32 $0x28000, s7;
	s7 =	ssub.s32 $0x2, s7  }
0x9: {  	s8 =	smul.u32 $0x500, s5;
	s5 =	sadd.s32 $0x105A00, s6;
	s30 =	sshrl.u32 s7, $0x1  }
0xa: {  	s10 =	sshrl.u32 s10, $0x2;
	s9 =	sadd.s32 s9, s6;
	s11 =	ssub.s32 s7, s30  }
0xb: {  	s12 =	sadd.s32 s10, s3;
	s10 =	simm.s32 $0x2800;
	s8 =	sadd.s32 s8, s6  }
0xc: {  	s16 =	sadd.s32 $0x1F3E00, s9;
	s9 =	simm.s32 $0x2;
	s12 =	sshrl.u32 s12, $0x3  }
0xd: {  	s6 =	sadd.s32 $0x11200, s8;
	s7 =	sadd.s32 $0x7200, s8;
	s8 =	smax.u32 s11, $0x1  }
0xe: {  	s11 =	sor.u32 $0x1C02, s31;
	s16 =	sadd.s32 s17, s16;
	s17 =	simm.s32 $0x0  }
.LBB2_1:
0xf: {  	[tilespmem:s4], [sflag:$0x2] =	stream.linear.gather [hbm4b:s6+s4], $0x2780, $0x38;
	[tilespmem:$0x1D000] =	vst v63  }
0x10: {  	_ =	swait.ge [sflag:s9], $0x2780  }
0x11: {  	[sflag:s9] =	ssyncset.done $0x0  }
0x12: {  	[sflag:s9] =	ssyncadd.s32 $0xFFFFD880  }
0x13: {  	[tilespmem:s10], [sflag:$0x2] =	stream.linear.gather [hbm4b:s7+s4], $0x2780, $0x38;
	[tilespmem:$0x1D000] =	vst v63  }
0x14: {  	_ =	swait.ge [sflag:s9], $0x2780  }
0x15: {  	[sflag:s9] =	ssyncset.done $0x0  }
0x16: {  	[sflag:s9] =	ssyncadd.s32 $0xFFFFD880  }
0x17: {  	[spmem:s12], [sflag:s11] =	dma.local [hbm:s2], $0x2800  }
0x18: {  	_ =	swait.ge [sflag:s9], $0x2800  }
0x19: {  	[sflag:s9] =	ssyncset.done $0x0  }
0x1a: {  	[sflag:s9] =	ssyncadd.s32 $0xFFFFD800  }
0x1b: {  	s18 =	simm.s32 $0x0;
	[bflag:$0x0] =	sbarrier.arrive $0xFFFF  }
0x1c: {  	[tilespmem:s14], [sflag:$0x1] =	stream.indirect.gather [hbm4b:s5+s13], $0x80, s18, s13, $0xb8;
	[tilespmem:$0x1D000] =	vst v63  }
0x1d: {  	_ =	swait.ge [sflag:s15], $0x4000  }
0x1e: {  	[sflag:s15] =	ssyncset.done $0x0  }
0x1f: {  	s31 =	simm.s32 $0x2800;
	[sflag:s15] =	ssyncadd.s32 $0xFFFFC000  }
0x20: {  	[spmem:s3] =	stream.indirect.scatter.add.f32 [tilespmem:s14], [sflag:$0x2], $0x80, s31, s13, $0xb8;
	[tilespmem:$0x1D000] =	vst v63  }
0x21: {  	_ =	swait.ge [sflag:s9], $0x4000  }
0x22: {  	s19 =	simm.s32 $0x400;
	s18 =	simm.s32 $0x200;
	[sflag:s9] =	ssyncset.done $0x0  }
.LBB2_2:
0x23: {  	s20 =	sshra.s32 s18, $0x2  }
0x24: {  	[sflag:s9] =	ssyncadd.s32 $0xFFFFC000;
	s18 =	smov.u32 s19;
	s21 =	sadd.s32 $0x200, s19  }
0x25: {  	[tilespmem:s14], [sflag:$0x1] =	stream.indirect.gather [hbm4b:s5+s13], $0x80, s20, s13, $0xb8;
	[tilespmem:$0x1D000] =	vst v63  }
0x26: {  	p0 =	sne.s32 s19, $0x9C00;
	_ =	swait.ge [sflag:s15], $0x4000  }
.Ltmp0:
0x27: {  	[sflag:s15] =	ssyncset.done $0x0;
	(pc) =	sbr.rel @p0 .LBB2_2-.Ltmp0, $4  }
0x28: {  	s19 =	sadd.s32 $0x2800, s20;
	[sflag:s15] =	ssyncadd.s32 $0xFFFFC000  }
0x29: {  	[spmem:s3] =	stream.indirect.scatter.add.f32 [tilespmem:s14], [sflag:$0x2], $0x80, s19, s13, $0xb8;
	[tilespmem:$0x1D000] =	vst v63  }
0x2a: {  	_ =	swait.ge [sflag:s9], $0x4000  }
0x2b: {  	s19 =	smov.u32 s21;
	[sflag:s9] =	ssyncset.done $0x0  }
0x2c: {  	s18 =	sshra.s32 s18, $0x2;
	[sflag:s9] =	ssyncadd.s32 $0xFFFFC000  }
0x2d: {  	[tilespmem:s14], [sflag:$0x1] =	stream.indirect.gather [hbm4b:s5+s13], $0x80, s18, s13, $0xb8;
	[tilespmem:$0x1D000] =	vst v63  }
0x2e: {  	_ =	swait.ge [sflag:s15], $0x4000  }
0x2f: {  	[sflag:s15] =	ssyncset.done $0x0  }
0x30: {  	s18 =	sadd.s32 $0x2800, s18;
	[sflag:s15] =	ssyncadd.s32 $0xFFFFC000  }
0x31: {  	[spmem:s3] =	stream.indirect.scatter.add.f32 [tilespmem:s14], [sflag:$0x2], $0x80, s18, s13, $0xb8;
	[tilespmem:$0x1D000] =	vst v63  }
0x32: {  	_ =	swait.ge [sflag:s9], $0x4000  }
0x33: {  	s17 =	sadd.s32 $0x1, s17;
	[sflag:s9] =	ssyncset.done $0x0  }
0x34: {  	p0 =	sne.s32 s17, s8;
	[sflag:s9] =	ssyncadd.s32 $0xFFFFC000  }
.Ltmp1:
0x35: {  	[bflag:$0x0] =	sbarrier.arrive $0xFFFF;
	(pc) =	sbr.rel @p0 .LBB2_1-.Ltmp1, $4  }
0x36: {  	[hbm:s16], [sflag:s11] =	dma.local [spmem:s12], $0x2800  }
0x37: {  	_ =	swait.ge [sflag:s9], $0x2800  }
0x38: {  	[sflag:s9] =	ssyncset.done $0x0  }
0x39: {  	[sflag:s9] =	ssyncadd.s32 $0xFFFFD800  }
0x3a: {  	_ =	sfence.sel $0x180000  }
0x3b: {  	[bflag:$0x0] =	sbarrier.arrive $0xFFFF  }
0x3c: {  	p0 =	sne.s32 s0, $0x0;
	_ =	strace $0x90000053  }
0x3d: {  	s0 =	sadd.s32 @!p0 $0x100000, s1;
	[bflag:$0x2] =	sbarrier.arrive $0xFFFF  }
0x3e: {  	[sflag:s0] =	ssyncadd.tile.s32 @!p0 $0x1;
	_ =	shalt  }
.Lfunc_end2:
_tile_overlayer_lowered:
.L_overlay_start_2:
0x3f: {  	(tag) =	ssettag $0x2  }
0x40: {  	s0 =	rddreg [dreg:$0x0];
	s2 =	stileid.u32  }
0x41: {  	s1 =	rddreg [dreg:$0x1];
	p0 =	sne.s32 s2, $0x0  }
0x42: {  	s3 =	rddreg [dreg:$0x2];
	[bflag:$0x3] =	sbarrier.arrive $0xFFFF;
	s2 =	simm.s32 @!p0 $0x1C02  }
0x43: {  	[timem:s3], [sflag:s2] =	dma.local @!p0 [hbm:s0], s1  }
0x44: {  	s0 =	simm.s32 @!p0 $0x2  }
0x45: {  	_ =	swait.ge @!p0 [sflag:s0], s1  }
0x46: {  	s1 =	ssub.s32 @!p0 $0x0, s1;
	[sflag:s0] =	ssyncset.done @!p0 $0x0  }
0x47: {  	[sflag:s0] =	ssyncadd.s32 @!p0 s1  }
0x48: {  	[bflag:$0x3] =	sbarrier.arrive $0xFFFF  }
0x49: {  	_ =	shalt  }

// kernel: kernel.36.cloned.1.call-start
scs
__scs_entry_jumppad:
0x0: {  	(pc) =	sbr.rel $0x88, $3  }
0x1: {  	(tag) =	ssettag $0x0;
	lr =	simm.s32 $0x1  }
0x2: {  	[smem:$0x3F93] =	sst lr;
	_ =	strace $0xD0000000  }
0x3: {  	_ = 	snop  }
0x4: {  	_ = 	snop  }
0x5: {  	_ = 	snop  }
0x6: {  	_ = 	snop  }
0x7: {  	_ = 	snop  }
__scs_overlays_trampoline_lowered:
0x8: {  	[smem:$0x3FA2] =	sst s0  }
0x9: {  	[smem:$0x3FA3] =	sst s1  }
0xa: {  	[smem:$0x3FA4] =	sst s2  }
0xb: {  	[smem:$0x3FA5] =	sst s3  }
0xc: {  	[smem:$0x3FA6] =	sst s4  }
0xd: {  	[smem:$0x3FA7] =	sst s5  }
0xe: {  	[smem:$0x3FA8] =	sst s6  }
0xf: {  	[smem:$0x3FA9] =	sst s7  }
0x10: {  	[smem:$0x3FAA] =	sst s8  }
0x11: {  	[smem:$0x3FAB] =	sst s9;
	s0 =	simm.s32 @!p0 $0x0  }
0x12: {  	s1 =	sld [smem:$0x3F91];
	s0 =	simm.s32 @p0 $0x1  }
0x13: {  	[smem:$0x3FAC] =	sst s0;
	s0 =	simm.s32 @!p1 $0x0  }
0x14: {  	s2 =	sld [smem:$0x3F90];
	s0 =	simm.s32 @p1 $0x1  }
0x15: {  	[smem:$0x3FAD] =	sst s0;
	s0 =	simm.s32 @!p2 $0x0  }
0x16: {  	s3 =	sld [smem:$0x3FDB];
	s0 =	simm.s32 @p2 $0x1  }
0x17: {  	s4 =	simm.s32 $0x1BF5;
	[smem:$0x3FAF] =	sst s0  }
0x18: {  	s0 =	sld [smem:$0x3F92];
	_ =	swait.ge [sflag:s4], $0x0  }
0x19: {  	s7 =	sld [smem:$0x3F93]  }
0x1a: {  	s8 =	sadd.s32 $0xFFFFE003, lr  }
0x1b: {  	s9 =	sadd.s32 $0xFFFFFEF7, lr;
	s5 =	simm.s32 $0xFFFFFFFF;
	p2 =	slt.u32 s8, $0xFFFFF086  }
0x1c: {  	p1 =	slt.u32 s9, $0xF7A;
	s5 =	simm.s32 @!p2 $0x0  }
0x1d: {  	s5 =	simm.s32 @p1 $0x1;
	p0 =	seq.s32 s7, s2  }
0x1e: {  	s7 =	smul.u32 @!p0 $0xF7A, s2;
	p2 =	seq.s32 @!p0 s5, $0x0  }
0x1f: {  	s9 =	smul.u32 $0xF7A, s1;
	s8 =	simm.s32 @!p0 $0x1BF5;
	p2 =	por !p2, p0  }
0x20: {  	[sflag:s8] =	ssyncset.s32 @!p0 $0xFFFFF086;
	s6 =	sadd.s32 @!p0 s3, s7;
	s7 =	simm.s32 @!p0 $0x108  }
0x21: {  	s3 =	sadd.s32 s3, s9;
	s6 =	sadd.s32 @!p0 $0x88, s6;
	s7 =	simm.s32 @p2 $0x1082  }
0x22: {  	[simem:s7], [sflag:s8] =	dma.local @!p0 [hbm:s6], $0xF7A  }
0x23: {  	s9 =	sor.u32 $0xD0000000, s2;
	s6 =	simm.s32 $0x108;
	_ =	swait.ge @!p0 [sflag:s8], $0x0  }
0x24: {  	s3 =	sadd.s32 $0x88, s3;
	s6 =	simm.s32 @!p1 $0x1082;
	[sflag:s4] =	ssyncset.s32 $0xFFFFF086  }
0x25: {  	[simem:s6], [sflag:s4] =	dma.local [hbm:s3], $0xF7A  }
0x26: {  	[smem:$0x3F93] =	sst s1;
	(tag) =	ssettag s2;
	_ =	strace s9  }
0x27: {  	s1 =	sld [smem:$0x3FA3]  }
0x28: {  	s2 =	sld [smem:$0x3FA4]  }
0x29: {  	s4 =	sld [smem:$0x3FA6]  }
0x2a: {  	p0 =	seq.s32 s5, $0x0;
	s5 =	sld [smem:$0x3FA7]  }
0x2b: {  	s6 =	sld [smem:$0x3FA8]  }
0x2c: {  	s7 =	sld [smem:$0x3FA9]  }
0x2d: {  	s3 =	simm.s32 $0x108;
	s8 =	sld [smem:$0x3FAA]  }
0x2e: {  	s3 =	simm.s32 @!p0 $0x1082;
	s9 =	sld [smem:$0x3FAB]  }
0x2f: {  	lr =	sadd.s32 s0, s3;
	s0 =	sld [smem:$0x3FA2]  }
0x30: {  	s3 =	sld [smem:$0x3FA5]  }
0x31: {  	[smem:$0x3FAE] =	sst s10  }
0x32: {  	s10 =	sld [smem:$0x3FAC];
	_ =	sdelay $0x3  }
0x33: {  	p0 =	seq.s32 s10, $0x1;
	s10 =	sld [smem:$0x3FAE];
	_ =	sdelay $0x3  }
0x34: {  	[smem:$0x3FAE] =	sst s10  }
0x35: {  	s10 =	sld [smem:$0x3FAD];
	_ =	sdelay $0x3  }
0x36: {  	p1 =	seq.s32 s10, $0x1;
	s10 =	sld [smem:$0x3FAE];
	_ =	sdelay $0x3  }
0x37: {  	[smem:$0x3FAE] =	sst s10  }
0x38: {  	s10 =	sld [smem:$0x3FAF]  }
0x39: {  	_ = 	snop;
	(pc) =	sbr.ind lr, $3  }
0x3a: {  	_ = 	snop  }
0x3b: {  	_ = 	snop  }
0x3c: {  	p2 =	seq.s32 s10, $0x1;
	s10 =	sld [smem:$0x3FAE]  }
0x3d: {  	_ =	shalt  }
0x3e: {  	_ =	shalt  }
0x3f: {  	_ =	shalt  }
0x40: {  	_ =	shalt  }
0x41: {  	_ =	shalt  }
0x42: {  	_ =	shalt  }
0x43: {  	_ =	shalt  }
0x44: {  	_ =	shalt  }
0x45: {  	_ =	shalt  }
0x46: {  	_ =	shalt  }
0x47: {  	_ =	shalt  }
0x48: {  	_ =	shalt  }
0x49: {  	_ =	shalt  }
0x4a: {  	_ =	shalt  }
0x4b: {  	_ =	shalt  }
0x4c: {  	_ =	shalt  }
0x4d: {  	_ =	shalt  }
0x4e: {  	_ =	shalt  }
0x4f: {  	_ =	shalt  }
0x50: {  	_ =	shalt  }
0x51: {  	_ =	shalt  }
0x52: {  	_ =	shalt  }
0x53: {  	_ =	shalt  }
0x54: {  	_ =	shalt  }
0x55: {  	_ =	shalt  }
0x56: {  	_ =	shalt  }
0x57: {  	_ =	shalt  }
0x58: {  	_ =	shalt  }
0x59: {  	_ =	shalt  }
0x5a: {  	_ =	shalt  }
0x5b: {  	_ =	shalt  }
0x5c: {  	_ =	shalt  }
0x5d: {  	_ =	shalt  }
0x5e: {  	_ =	shalt  }
0x5f: {  	_ =	shalt  }
0x60: {  	_ =	shalt  }
0x61: {  	_ =	shalt  }
0x62: {  	_ =	shalt  }
0x63: {  	_ =	shalt  }
0x64: {  	_ =	shalt  }
0x65: {  	_ =	shalt  }
0x66: {  	_ =	shalt  }
0x67: {  	_ =	shalt  }
0x68: {  	_ =	shalt  }
0x69: {  	_ =	shalt  }
0x6a: {  	_ =	shalt  }
0x6b: {  	_ =	shalt  }
0x6c: {  	_ =	shalt  }
0x6d: {  	_ =	shalt  }
0x6e: {  	_ =	shalt  }
0x6f: {  	_ =	shalt  }
0x70: {  	_ =	shalt  }
0x71: {  	_ =	shalt  }
0x72: {  	_ =	shalt  }
0x73: {  	_ =	shalt  }
0x74: {  	_ =	shalt  }
0x75: {  	_ =	shalt  }
0x76: {  	_ =	shalt  }
0x77: {  	_ =	shalt  }
0x78: {  	_ =	shalt  }
0x79: {  	_ =	shalt  }
0x7a: {  	_ =	shalt  }
0x7b: {  	_ =	shalt  }
0x7c: {  	_ =	shalt  }
0x7d: {  	_ =	shalt  }
0x7e: {  	_ =	shalt  }
0x7f: {  	_ =	shalt  }
0x80: {  	_ =	shalt  }
0x81: {  	_ =	shalt  }
0x82: {  	_ =	shalt  }
0x83: {  	_ =	shalt  }
0x84: {  	_ =	shalt  }
0x85: {  	_ =	shalt  }
0x86: {  	_ =	shalt  }
0x87: {  	_ =	shalt  }
.Lfunc_end0:
.L_simem_size_0:
called_computation.5_lowered:
.L_overlay_start_0:
0x88: {  	s2 =	sld [smem:$0x3FD9]  }
0x89: {  	s3 =	sld [smem:$0x3FFE];
	_ =	sdelay $0x1  }
0x8a: {  	s1 =	srdreg.scid  }
0x8b: {  	s0 =	sand.u32 $0x1, s1  }
0x8c: {  	s17 =	sshll.u32 s0, $0xA;
	s2 =	sadd.s32 s3, s2  }
0x8d: {  	s2 =	sadd.s32 s2, s17  }
0x8e: {  	[smem:$0x3FBA] =	sst s2  }
0x8f: {  	_ = 	snop  }
0x90: {  	s18 =	sld [smem:$0x3FD0];
	(tm) =	ssettm $0x1  }
0x91: {  	s19 =	sld [smem:$0x3FFB];
	_ =	sdelay $0x3  }
0x92: {  	_ =	strace s19  }
0x93: {  	s2 =	sld [smem:$0x3FFC];
	_ =	sdelay $0x3  }
0x94: {  	_ =	strace s2  }
0x95: {  	s2 =	sld [smem:$0x3FFD];
	_ =	sdelay $0x3  }
0x96: {  	_ =	strace s2  }
0x97: {  	_ =	strace $0x8FFFFFFF  }
0x98: {  	s20 =	sld [smem:$0x3FDB];
	_ =	sdelay $0x1  }
0x99: {  	s4 =	simm.s32 $_scs_section_size  }
0x9a: {  	s5 =	simm.s32 $_size__tile_overlayer_lowered;
	s6 =	simm.s32 $_tile_overlayer_lowered  }
0x9b: {  	s7 =	simm.s32 $0x1BFF;
	s21 =	sshll.u32 s6, $0x1;
	s4 =	sadd.s32 s4, s20  }
0x9c: {  	s22 =	simm.s32 $0x0;
	s5 =	sshll.u32 s5, $0x1;
	s6 =	sadd.s32 s21, s4  }
0x9d: {  	[timem:s22], [sflag:s7] =	dma.local [hbm:s6], s5  }
0x9e: {  	_ =	swait.ge [sflag:s7], s5  }
0x9f: {  	s5 =	ssub.s32 $0x0, s5;
	[sflag:s7] =	ssyncset.done $0x0  }
0xa0: {  	[sflag:s7] =	ssyncadd.s32 s5;
	_ =	sdelay $0x1  }
0xa1: {  	s23 =	simm.s32 $0x1B8B  }
0xa2: {  	_ =	swait.ge [sflag:s23], $0x1  }
0xa3: {  	[sflag:s23] =	ssyncset.done $0x0  }
0xa4: {  	[sflag:s23] =	ssyncadd.s32 $0xFFFFFFFF  }
0xa5: {  	s5 =	sld [smem:$0x0]  }
0xa6: {  	s6 =	sand.u32 $0xFFFFFFFE, s1  }
0xa7: {  	p0 =	sne.s32 s1, s6  }
0xa8: {  	s6 =	sshll.u32 @p0 s6, $0xE  }
0xa9: {  	s6 =	sadd.s32 @p0 $0x11B8D, s6;
	s7 =	sshll.u32 @p0 s5, $0x11  }
0xaa: {  	s6 =	sor.u32 @p0 s7, s6  }
0xab: {  	[sflag:s6] =	ssyncadd.remote.s32 @p0 $0x1;
	_ =	sdelay $0x1  }
0xac: {  	s6 =	simm.s32 @p0 $0x1B8D  }
0xad: {  	_ =	swait.eq @p0 [sflag:s6], $0x1  }
0xae: {  	[sflag:s6] =	ssyncadd.s32 @p0 $0xFFFFFFFF  }
0xaf: {  	s7 =	sshll.u32 @!p0 s1, $0xE  }
0xb0: {  	s7 =	sor.u32 @!p0 $0x4000, s7;
	s6 =	simm.s32 @!p0 $0x1B8D  }
0xb1: {  	s5 =	sshll.u32 @!p0 s5, $0x11;
	s7 =	sadd.s32 @!p0 $0x11B8D, s7;
	_ =	swait.eq @!p0 [sflag:s6], $0x1  }
0xb2: {  	s5 =	sor.u32 @!p0 s5, s7;
	[sflag:s6] =	ssyncadd.s32 @!p0 $0xFFFFFFFF  }
0xb3: {  	s25 =	simm.s32 $0x1B8E;
	s24 =	sld [smem:$0x3FFE];
	[sflag:s5] =	ssyncadd.remote.s32 @!p0 $0x1  }
0xb4: {  	s26 =	simm.s32 $execute0_lowered;
	[smem:$0x3FD2] =	sst s25  }
0xb5: {  	s6 =	sshll.u32 s26, $0x1;
	_ =	strace $0x80000055;
	[dreg:$0x1] =	wrdreg $0xFFFFFFFF  }
0xb6: {  	s28 =	simm.s32 $_size_execute0_lowered;
	s4 =	sadd.s32 s4, s6;
	[dreg:$0x0] =	wrdreg $0x0  }
0xb7: {  	s6 =	sshll.u32 s28, $0x1;
	[dreg:$0x2] =	wrdreg s4  }
0xb8: {  	[dreg:$0x3] =	wrdreg s6  }
0xb9: {  	[dreg:$0x4] =	wrdreg $0xC0  }
0xba: {  	_ =	task [dreg:s22], $0x5FFFF  }
0xbb: {  	[dreg:$0x1] =	wrdreg $0xFFFFFFFF  }
0xbc: {  	[dreg:$0x0] =	wrdreg $0x60  }
0xbd: {  	[dreg:$0x2] =	wrdreg s24  }
0xbe: {  	[dreg:$0x3] =	wrdreg s18  }
0xbf: {  	[dreg:$0x4] =	wrdreg $0x90000  }
0xc0: {  	[dreg:$0x5] =	wrdreg $0xC  }
0xc1: {  	_ =	task.clear_ibuf [dreg:s22], $0x6FFFF;
	_ =	strace $0x90000055  }
0xc2: {  	s29 =	simm.s32 $0xC;
	_ =	strace $0x80000057  }
0xc3: {  	_ =	swait.ge [sflag:s29], $0x1  }
0xc4: {  	[sflag:s29] =	ssyncadd.s32 $0xFFFFFFFF  }
0xc5: {  	_ =	strace $0x90000057  }
0xc6: {  	_ =	sfence  }
0xc7: {  	s30 =	sld [smem:$0x0];
	_ =	sdelay $0x2  }
0xc8: {  	s31 =	sshll.u32 s1, $0xD;
	s1 =	sshrl.u32 s1, $0x2  }
0xc9: {  	s4 =	sand.u32 $0x4000, s31;
	s1 =	sadd.s32 s1, s30  }
0xca: {  	s0 =	sor.u32 s4, s0;
	s1 =	sshll.u32 s1, $0x11  }
0xcb: {  	s0 =	sor.u32 s1, s0  }
0xcc: {  	s0 =	sadd.s32 $0x8F2B, s0  }
0xcd: {  	[sflag:s0] =	ssyncadd.remote.s32 $0x1  }
0xce: {  	_ =	sfence.sel $0xFFFF  }
0xcf: {  	[dreg:$0x0] =	wrdreg $0xFFFFFFFF;
	(pc) =	sbr.abs _section_cstart, $3  }
0xd0: {  	[dreg:$0x1] =	wrdreg $0xFFFFFFFF  }
0xd1: {  	_ =	task.clear_ibuf [dreg:s22], $0x2FFFF;
	_ =	strace $0x9FFFFFFF  }
0xd2: {  	(tm) =	ssettm $0x7FFFFFFF  }
0xd3: {  	_ =	shalt  }
tec
execute0_lowered:
.L_overlay_start_1:
0x0: {  	(tag) =	ssettag $0x1  }
0x1: {  	s6 =	rddreg [dreg:$0x0]  }
0x2: {  	s2 =	rddreg [dreg:$0x1];
	s1 =	srdreg.scid  }
0x3: {  	s0 =	stileid.u32;
	s3 =	rddreg [dreg:$0x2]  }
0x4: {  	s4 =	simm.s32 $0x0;
	s13 =	simm.s32 $0x80;
	s14 =	simm.s32 $0x5000  }
0x5: {  	s15 =	simm.s32 $0x1;
	s7 =	sand.u32 $0x1, s1;
	s1 =	rddreg [dreg:$0x3]  }
0x6: {  	s5 =	sshll.u32 s0, $0x1;
	[smem:$0x7FF] =	sst s4;
	s10 =	smul.u32 $0x50000, s0  }
0x7: {  	s17 =	smul.u32 $0x2800, s0;
	s31 =	sshll.u32 s0, $0x6;
	s5 =	sor.u32 s7, s5  }
0x8: {  	_ =	strace $0x80000056;
	s9 =	smul.u32 $0x28000, s7;
	s7 =	ssub.s32 $0x2, s7  }
0x9: {  	s8 =	smul.u32 $0x500, s5;
	s5 =	sadd.s32 $0x12CC00, s6;
	s30 =	sshrl.u32 s7, $0x1  }
0xa: {  	s10 =	sshrl.u32 s10, $0x2;
	s9 =	sadd.s32 s9, s6;
	s11 =	ssub.s32 s7, s30  }
0xb: {  	s12 =	sadd.s32 s10, s3;
	s10 =	simm.s32 $0x2800;
	s8 =	sadd.s32 s8, s6  }
0xc: {  	s16 =	sadd.s32 $0x243E00, s9;
	s9 =	simm.s32 $0x2;
	s12 =	sshrl.u32 s12, $0x3  }
0xd: {  	s6 =	sadd.s32 $0x11200, s8;
	s7 =	sadd.s32 $0x7200, s8;
	s8 =	smax.u32 s11, $0x1  }
0xe: {  	s11 =	sor.u32 $0x1C02, s31;
	s16 =	sadd.s32 s17, s16;
	s17 =	simm.s32 $0x0  }
.LBB2_1:
0xf: {  	[tilespmem:s4], [sflag:$0x2] =	stream.linear.gather [hbm4b:s6+s4], $0x2780, $0x38;
	[tilespmem:$0x1D000] =	vst v63  }
0x10: {  	_ =	swait.ge [sflag:s9], $0x2780  }
0x11: {  	[sflag:s9] =	ssyncset.done $0x0  }
0x12: {  	[sflag:s9] =	ssyncadd.s32 $0xFFFFD880  }
0x13: {  	[tilespmem:s10], [sflag:$0x2] =	stream.linear.gather [hbm4b:s7+s4], $0x2780, $0x38;
	[tilespmem:$0x1D000] =	vst v63  }
0x14: {  	_ =	swait.ge [sflag:s9], $0x2780  }
0x15: {  	[sflag:s9] =	ssyncset.done $0x0  }
0x16: {  	[sflag:s9] =	ssyncadd.s32 $0xFFFFD880  }
0x17: {  	[spmem:s12], [sflag:s11] =	dma.local [hbm:s2], $0x2800  }
0x18: {  	_ =	swait.ge [sflag:s9], $0x2800  }
0x19: {  	[sflag:s9] =	ssyncset.done $0x0  }
0x1a: {  	[sflag:s9] =	ssyncadd.s32 $0xFFFFD800  }
0x1b: {  	s18 =	simm.s32 $0x0;
	[bflag:$0x0] =	sbarrier.arrive $0xFFFF  }
0x1c: {  	[tilespmem:s14], [sflag:$0x1] =	stream.indirect.gather [hbm4b:s5+s13], $0x80, s18, s13, $0xb8;
	[tilespmem:$0x1D000] =	vst v63  }
0x1d: {  	_ =	swait.ge [sflag:s15], $0x4000  }
0x1e: {  	[sflag:s15] =	ssyncset.done $0x0  }
0x1f: {  	s31 =	simm.s32 $0x2800;
	[sflag:s15] =	ssyncadd.s32 $0xFFFFC000  }
0x20: {  	[spmem:s3] =	stream.indirect.scatter.add.f32 [tilespmem:s14], [sflag:$0x2], $0x80, s31, s13, $0xb8;
	[tilespmem:$0x1D000] =	vst v63  }
0x21: {  	_ =	swait.ge [sflag:s9], $0x4000  }
0x22: {  	s19 =	simm.s32 $0x400;
	s18 =	simm.s32 $0x200;
	[sflag:s9] =	ssyncset.done $0x0  }
.LBB2_2:
0x23: {  	s20 =	sshra.s32 s18, $0x2  }
0x24: {  	[sflag:s9] =	ssyncadd.s32 $0xFFFFC000;
	s18 =	smov.u32 s19;
	s21 =	sadd.s32 $0x200, s19  }
0x25: {  	[tilespmem:s14], [sflag:$0x1] =	stream.indirect.gather [hbm4b:s5+s13], $0x80, s20, s13, $0xb8;
	[tilespmem:$0x1D000] =	vst v63  }
0x26: {  	p0 =	sne.s32 s19, $0x9C00;
	_ =	swait.ge [sflag:s15], $0x4000  }
.Ltmp0:
0x27: {  	[sflag:s15] =	ssyncset.done $0x0;
	(pc) =	sbr.rel @p0 .LBB2_2-.Ltmp0, $4  }
0x28: {  	s19 =	sadd.s32 $0x2800, s20;
	[sflag:s15] =	ssyncadd.s32 $0xFFFFC000  }
0x29: {  	[spmem:s3] =	stream.indirect.scatter.add.f32 [tilespmem:s14], [sflag:$0x2], $0x80, s19, s13, $0xb8;
	[tilespmem:$0x1D000] =	vst v63  }
0x2a: {  	_ =	swait.ge [sflag:s9], $0x4000  }
0x2b: {  	s19 =	smov.u32 s21;
	[sflag:s9] =	ssyncset.done $0x0  }
0x2c: {  	s18 =	sshra.s32 s18, $0x2;
	[sflag:s9] =	ssyncadd.s32 $0xFFFFC000  }
0x2d: {  	[tilespmem:s14], [sflag:$0x1] =	stream.indirect.gather [hbm4b:s5+s13], $0x80, s18, s13, $0xb8;
	[tilespmem:$0x1D000] =	vst v63  }
0x2e: {  	_ =	swait.ge [sflag:s15], $0x4000  }
0x2f: {  	[sflag:s15] =	ssyncset.done $0x0  }
0x30: {  	s18 =	sadd.s32 $0x2800, s18;
	[sflag:s15] =	ssyncadd.s32 $0xFFFFC000  }
0x31: {  	[spmem:s3] =	stream.indirect.scatter.add.f32 [tilespmem:s14], [sflag:$0x2], $0x80, s18, s13, $0xb8;
	[tilespmem:$0x1D000] =	vst v63  }
0x32: {  	_ =	swait.ge [sflag:s9], $0x4000  }
0x33: {  	s17 =	sadd.s32 $0x1, s17;
	[sflag:s9] =	ssyncset.done $0x0  }
0x34: {  	p0 =	sne.s32 s17, s8;
	[sflag:s9] =	ssyncadd.s32 $0xFFFFC000  }
.Ltmp1:
0x35: {  	[bflag:$0x0] =	sbarrier.arrive $0xFFFF;
	(pc) =	sbr.rel @p0 .LBB2_1-.Ltmp1, $4  }
0x36: {  	[hbm:s16], [sflag:s11] =	dma.local [spmem:s12], $0x2800  }
0x37: {  	_ =	swait.ge [sflag:s9], $0x2800  }
0x38: {  	[sflag:s9] =	ssyncset.done $0x0  }
0x39: {  	[sflag:s9] =	ssyncadd.s32 $0xFFFFD800  }
0x3a: {  	_ =	sfence.sel $0x180000  }
0x3b: {  	[bflag:$0x0] =	sbarrier.arrive $0xFFFF  }
0x3c: {  	p0 =	sne.s32 s0, $0x0;
	_ =	strace $0x90000056  }
0x3d: {  	s0 =	sadd.s32 @!p0 $0x100000, s1;
	[bflag:$0x2] =	sbarrier.arrive $0xFFFF  }
0x3e: {  	[sflag:s0] =	ssyncadd.tile.s32 @!p0 $0x1;
	_ =	shalt  }
.Lfunc_end2:
_tile_overlayer_lowered:
.L_overlay_start_2:
0x3f: {  	(tag) =	ssettag $0x2  }
0x40: {  	s0 =	rddreg [dreg:$0x0];
	s2 =	stileid.u32  }
0x41: {  	s1 =	rddreg [dreg:$0x1];
	p0 =	sne.s32 s2, $0x0  }
0x42: {  	s3 =	rddreg [dreg:$0x2];
	[bflag:$0x3] =	sbarrier.arrive $0xFFFF;
	s2 =	simm.s32 @!p0 $0x1C02  }
0x43: {  	[timem:s3], [sflag:s2] =	dma.local @!p0 [hbm:s0], s1  }
0x44: {  	s0 =	simm.s32 @!p0 $0x2  }
0x45: {  	_ =	swait.ge @!p0 [sflag:s0], s1  }
0x46: {  	s1 =	ssub.s32 @!p0 $0x0, s1;
	[sflag:s0] =	ssyncset.done @!p0 $0x0  }
0x47: {  	[sflag:s0] =	ssyncadd.s32 @!p0 s1  }
0x48: {  	[bflag:$0x3] =	sbarrier.arrive $0xFFFF  }
0x49: {  	_ =	shalt  }

// kernel: kernel.39.cloned.1.call-start
scs
__scs_entry_jumppad:
0x0: {  	(pc) =	sbr.rel $0x88, $3  }
0x1: {  	(tag) =	ssettag $0x0;
	lr =	simm.s32 $0x1  }
0x2: {  	[smem:$0x3F93] =	sst lr;
	_ =	strace $0xD0000000  }
0x3: {  	_ = 	snop  }
0x4: {  	_ = 	snop  }
0x5: {  	_ = 	snop  }
0x6: {  	_ = 	snop  }
0x7: {  	_ = 	snop  }
__scs_overlays_trampoline_lowered:
0x8: {  	[smem:$0x3FA2] =	sst s0  }
0x9: {  	[smem:$0x3FA3] =	sst s1  }
0xa: {  	[smem:$0x3FA4] =	sst s2  }
0xb: {  	[smem:$0x3FA5] =	sst s3  }
0xc: {  	[smem:$0x3FA6] =	sst s4  }
0xd: {  	[smem:$0x3FA7] =	sst s5  }
0xe: {  	[smem:$0x3FA8] =	sst s6  }
0xf: {  	[smem:$0x3FA9] =	sst s7  }
0x10: {  	[smem:$0x3FAA] =	sst s8  }
0x11: {  	[smem:$0x3FAB] =	sst s9;
	s0 =	simm.s32 @!p0 $0x0  }
0x12: {  	s1 =	sld [smem:$0x3F91];
	s0 =	simm.s32 @p0 $0x1  }
0x13: {  	[smem:$0x3FAC] =	sst s0;
	s0 =	simm.s32 @!p1 $0x0  }
0x14: {  	s2 =	sld [smem:$0x3F90];
	s0 =	simm.s32 @p1 $0x1  }
0x15: {  	[smem:$0x3FAD] =	sst s0;
	s0 =	simm.s32 @!p2 $0x0  }
0x16: {  	s3 =	sld [smem:$0x3FDB];
	s0 =	simm.s32 @p2 $0x1  }
0x17: {  	s4 =	simm.s32 $0x1BF5;
	[smem:$0x3FAF] =	sst s0  }
0x18: {  	s0 =	sld [smem:$0x3F92];
	_ =	swait.ge [sflag:s4], $0x0  }
0x19: {  	s7 =	sld [smem:$0x3F93]  }
0x1a: {  	s8 =	sadd.s32 $0xFFFFE003, lr  }
0x1b: {  	s9 =	sadd.s32 $0xFFFFFEF7, lr;
	s5 =	simm.s32 $0xFFFFFFFF;
	p2 =	slt.u32 s8, $0xFFFFF086  }
0x1c: {  	p1 =	slt.u32 s9, $0xF7A;
	s5 =	simm.s32 @!p2 $0x0  }
0x1d: {  	s5 =	simm.s32 @p1 $0x1;
	p0 =	seq.s32 s7, s2  }
0x1e: {  	s7 =	smul.u32 @!p0 $0xF7A, s2;
	p2 =	seq.s32 @!p0 s5, $0x0  }
0x1f: {  	s9 =	smul.u32 $0xF7A, s1;
	s8 =	simm.s32 @!p0 $0x1BF5;
	p2 =	por !p2, p0  }
0x20: {  	[sflag:s8] =	ssyncset.s32 @!p0 $0xFFFFF086;
	s6 =	sadd.s32 @!p0 s3, s7;
	s7 =	simm.s32 @!p0 $0x108  }
0x21: {  	s3 =	sadd.s32 s3, s9;
	s6 =	sadd.s32 @!p0 $0x88, s6;
	s7 =	simm.s32 @p2 $0x1082  }
0x22: {  	[simem:s7], [sflag:s8] =	dma.local @!p0 [hbm:s6], $0xF7A  }
0x23: {  	s9 =	sor.u32 $0xD0000000, s2;
	s6 =	simm.s32 $0x108;
	_ =	swait.ge @!p0 [sflag:s8], $0x0  }
0x24: {  	s3 =	sadd.s32 $0x88, s3;
	s6 =	simm.s32 @!p1 $0x1082;
	[sflag:s4] =	ssyncset.s32 $0xFFFFF086  }
0x25: {  	[simem:s6], [sflag:s4] =	dma.local [hbm:s3], $0xF7A  }
0x26: {  	[smem:$0x3F93] =	sst s1;
	(tag) =	ssettag s2;
	_ =	strace s9  }
0x27: {  	s1 =	sld [smem:$0x3FA3]  }
0x28: {  	s2 =	sld [smem:$0x3FA4]  }
0x29: {  	s4 =	sld [smem:$0x3FA6]  }
0x2a: {  	p0 =	seq.s32 s5, $0x0;
	s5 =	sld [smem:$0x3FA7]  }
0x2b: {  	s6 =	sld [smem:$0x3FA8]  }
0x2c: {  	s7 =	sld [smem:$0x3FA9]  }
0x2d: {  	s3 =	simm.s32 $0x108;
	s8 =	sld [smem:$0x3FAA]  }
0x2e: {  	s3 =	simm.s32 @!p0 $0x1082;
	s9 =	sld [smem:$0x3FAB]  }
0x2f: {  	lr =	sadd.s32 s0, s3;
	s0 =	sld [smem:$0x3FA2]  }
0x30: {  	s3 =	sld [smem:$0x3FA5]  }
0x31: {  	[smem:$0x3FAE] =	sst s10  }
0x32: {  	s10 =	sld [smem:$0x3FAC];
	_ =	sdelay $0x3  }
0x33: {  	p0 =	seq.s32 s10, $0x1;
	s10 =	sld [smem:$0x3FAE];
	_ =	sdelay $0x3  }
0x34: {  	[smem:$0x3FAE] =	sst s10  }
0x35: {  	s10 =	sld [smem:$0x3FAD];
	_ =	sdelay $0x3  }
0x36: {  	p1 =	seq.s32 s10, $0x1;
	s10 =	sld [smem:$0x3FAE];
	_ =	sdelay $0x3  }
0x37: {  	[smem:$0x3FAE] =	sst s10  }
0x38: {  	s10 =	sld [smem:$0x3FAF]  }
0x39: {  	_ = 	snop;
	(pc) =	sbr.ind lr, $3  }
0x3a: {  	_ = 	snop  }
0x3b: {  	_ = 	snop  }
0x3c: {  	p2 =	seq.s32 s10, $0x1;
	s10 =	sld [smem:$0x3FAE]  }
0x3d: {  	_ =	shalt  }
0x3e: {  	_ =	shalt  }
0x3f: {  	_ =	shalt  }
0x40: {  	_ =	shalt  }
0x41: {  	_ =	shalt  }
0x42: {  	_ =	shalt  }
0x43: {  	_ =	shalt  }
0x44: {  	_ =	shalt  }
0x45: {  	_ =	shalt  }
0x46: {  	_ =	shalt  }
0x47: {  	_ =	shalt  }
0x48: {  	_ =	shalt  }
0x49: {  	_ =	shalt  }
0x4a: {  	_ =	shalt  }
0x4b: {  	_ =	shalt  }
0x4c: {  	_ =	shalt  }
0x4d: {  	_ =	shalt  }
0x4e: {  	_ =	shalt  }
0x4f: {  	_ =	shalt  }
0x50: {  	_ =	shalt  }
0x51: {  	_ =	shalt  }
0x52: {  	_ =	shalt  }
0x53: {  	_ =	shalt  }
0x54: {  	_ =	shalt  }
0x55: {  	_ =	shalt  }
0x56: {  	_ =	shalt  }
0x57: {  	_ =	shalt  }
0x58: {  	_ =	shalt  }
0x59: {  	_ =	shalt  }
0x5a: {  	_ =	shalt  }
0x5b: {  	_ =	shalt  }
0x5c: {  	_ =	shalt  }
0x5d: {  	_ =	shalt  }
0x5e: {  	_ =	shalt  }
0x5f: {  	_ =	shalt  }
0x60: {  	_ =	shalt  }
0x61: {  	_ =	shalt  }
0x62: {  	_ =	shalt  }
0x63: {  	_ =	shalt  }
0x64: {  	_ =	shalt  }
0x65: {  	_ =	shalt  }
0x66: {  	_ =	shalt  }
0x67: {  	_ =	shalt  }
0x68: {  	_ =	shalt  }
0x69: {  	_ =	shalt  }
0x6a: {  	_ =	shalt  }
0x6b: {  	_ =	shalt  }
0x6c: {  	_ =	shalt  }
0x6d: {  	_ =	shalt  }
0x6e: {  	_ =	shalt  }
0x6f: {  	_ =	shalt  }
0x70: {  	_ =	shalt  }
0x71: {  	_ =	shalt  }
0x72: {  	_ =	shalt  }
0x73: {  	_ =	shalt  }
0x74: {  	_ =	shalt  }
0x75: {  	_ =	shalt  }
0x76: {  	_ =	shalt  }
0x77: {  	_ =	shalt  }
0x78: {  	_ =	shalt  }
0x79: {  	_ =	shalt  }
0x7a: {  	_ =	shalt  }
0x7b: {  	_ =	shalt  }
0x7c: {  	_ =	shalt  }
0x7d: {  	_ =	shalt  }
0x7e: {  	_ =	shalt  }
0x7f: {  	_ =	shalt  }
0x80: {  	_ =	shalt  }
0x81: {  	_ =	shalt  }
0x82: {  	_ =	shalt  }
0x83: {  	_ =	shalt  }
0x84: {  	_ =	shalt  }
0x85: {  	_ =	shalt  }
0x86: {  	_ =	shalt  }
0x87: {  	_ =	shalt  }
.Lfunc_end0:
.L_simem_size_0:
called_computation.6_lowered:
.L_overlay_start_0:
0x88: {  	s2 =	sld [smem:$0x3FD9]  }
0x89: {  	s3 =	sld [smem:$0x3FFE];
	_ =	sdelay $0x1  }
0x8a: {  	s1 =	srdreg.scid  }
0x8b: {  	s0 =	sand.u32 $0x1, s1  }
0x8c: {  	s17 =	sshll.u32 s0, $0xA;
	s2 =	sadd.s32 s3, s2  }
0x8d: {  	s2 =	sadd.s32 s2, s17  }
0x8e: {  	[smem:$0x3FBA] =	sst s2  }
0x8f: {  	_ = 	snop  }
0x90: {  	s2 =	sld [smem:$0x3FD0];
	(tm) =	ssettm $0x1  }
0x91: {  	s18 =	sld [smem:$0x3FFB];
	_ =	sdelay $0x3  }
0x92: {  	_ =	strace s18  }
0x93: {  	s3 =	sld [smem:$0x3FFC];
	_ =	sdelay $0x3  }
0x94: {  	_ =	strace s3  }
0x95: {  	s3 =	sld [smem:$0x3FFD];
	_ =	sdelay $0x3  }
0x96: {  	_ =	strace s3  }
0x97: {  	_ =	strace $0x8FFFFFFF  }
0x98: {  	s19 =	sld [smem:$0x3FDB];
	_ =	sdelay $0x1  }
0x99: {  	s4 =	simm.s32 $_scs_section_size  }
0x9a: {  	s5 =	simm.s32 $_size__tile_overlayer_lowered;
	s6 =	simm.s32 $_tile_overlayer_lowered  }
0x9b: {  	s22 =	simm.s32 $0x1BFF;
	s21 =	sshll.u32 s6, $0x1;
	s3 =	sadd.s32 s4, s19  }
0x9c: {  	s7 =	simm.s32 $0x0;
	s20 =	sshll.u32 s5, $0x1;
	s5 =	sadd.s32 s21, s3  }
0x9d: {  	[timem:s7], [sflag:s22] =	dma.local [hbm:s5], s20  }
0x9e: {  	_ =	swait.ge [sflag:s22], s20  }
0x9f: {  	s4 =	ssub.s32 $0x0, s20;
	[sflag:s22] =	ssyncset.done $0x0  }
0xa0: {  	[sflag:s22] =	ssyncadd.s32 s4;
	_ =	sdelay $0x1  }
0xa1: {  	s23 =	simm.s32 $0x1B8B  }
0xa2: {  	_ =	swait.ge [sflag:s23], $0x1  }
0xa3: {  	[sflag:s23] =	ssyncset.done $0x0  }
0xa4: {  	s25 =	simm.s32 $0x1B8E;
	s24 =	sld [smem:$0x3FFE];
	[sflag:s23] =	ssyncadd.s32 $0xFFFFFFFF  }
0xa5: {  	s26 =	simm.s32 $execute0_lowered;
	[smem:$0x3FD2] =	sst s25  }
0xa6: {  	s5 =	sshll.u32 s26, $0x1;
	_ =	strace $0x80000058;
	[dreg:$0x1] =	wrdreg $0xFFFFFFFF  }
0xa7: {  	s28 =	simm.s32 $_size_execute0_lowered;
	s3 =	sadd.s32 s3, s5;
	[dreg:$0x0] =	wrdreg $0x0  }
0xa8: {  	s5 =	sshll.u32 s28, $0x1;
	[dreg:$0x2] =	wrdreg s3  }
0xa9: {  	[dreg:$0x3] =	wrdreg s5  }
0xaa: {  	[dreg:$0x4] =	wrdreg $0xC0  }
0xab: {  	_ =	task [dreg:s7], $0x5FFFF  }
0xac: {  	[dreg:$0x1] =	wrdreg $0xFFFFFFFF  }
0xad: {  	[dreg:$0x0] =	wrdreg $0x60  }
0xae: {  	[dreg:$0x2] =	wrdreg s24  }
0xaf: {  	[dreg:$0x3] =	wrdreg s2  }
0xb0: {  	[dreg:$0x4] =	wrdreg $0x90000  }
0xb1: {  	[dreg:$0x5] =	wrdreg $0x9  }
0xb2: {  	_ =	task.clear_ibuf [dreg:s7], $0x6FFFF;
	_ =	strace $0x90000058  }
0xb3: {  	s29 =	simm.s32 $0x9;
	_ =	strace $0x8000005A  }
0xb4: {  	_ =	swait.ge [sflag:s29], $0x1  }
0xb5: {  	[sflag:s29] =	ssyncadd.s32 $0xFFFFFFFF  }
0xb6: {  	_ =	strace $0x9000005A  }
0xb7: {  	_ =	sfence  }
0xb8: {  	s30 =	sld [smem:$0x0];
	_ =	sdelay $0x2  }
0xb9: {  	s31 =	sshll.u32 s1, $0xD;
	s1 =	sshrl.u32 s1, $0x2  }
0xba: {  	s3 =	sand.u32 $0x4000, s31;
	s1 =	sadd.s32 s1, s30  }
0xbb: {  	s0 =	sor.u32 s3, s0;
	s1 =	sshll.u32 s1, $0x11  }
0xbc: {  	s0 =	sor.u32 s1, s0  }
0xbd: {  	s0 =	sadd.s32 $0x8F2B, s0  }
0xbe: {  	[sflag:s0] =	ssyncadd.remote.s32 $0x1  }
0xbf: {  	_ =	sfence.sel $0xFFFF  }
0xc0: {  	[dreg:$0x0] =	wrdreg $0xFFFFFFFF;
	(pc) =	sbr.abs _section_cstart, $3  }
0xc1: {  	[dreg:$0x1] =	wrdreg $0xFFFFFFFF  }
0xc2: {  	_ =	task.clear_ibuf [dreg:s7], $0x2FFFF;
	_ =	strace $0x9FFFFFFF  }
0xc3: {  	(tm) =	ssettm $0x7FFFFFFF  }
tec
execute0_lowered:
.L_overlay_start_1:
0x0: {  	(tag) =	ssettag $0x1  }
0x1: {  	s6 =	rddreg [dreg:$0x0]  }
0x2: {  	s2 =	rddreg [dreg:$0x1];
	s1 =	srdreg.scid  }
0x3: {  	s0 =	stileid.u32;
	s3 =	rddreg [dreg:$0x2]  }
0x4: {  	s4 =	simm.s32 $0x0;
	s13 =	simm.s32 $0x80;
	s14 =	simm.s32 $0x5000  }
0x5: {  	s15 =	simm.s32 $0x1;
	s7 =	sand.u32 $0x1, s1;
	s1 =	rddreg [dreg:$0x3]  }
0x6: {  	s5 =	sshll.u32 s0, $0x1;
	[smem:$0x7FF] =	sst s4;
	s10 =	smul.u32 $0x50000, s0  }
0x7: {  	s17 =	smul.u32 $0x2800, s0;
	s31 =	sshll.u32 s0, $0x6;
	s5 =	sor.u32 s7, s5  }
0x8: {  	_ =	strace $0x80000059;
	s9 =	smul.u32 $0x28000, s7;
	s7 =	ssub.s32 $0x2, s7  }
0x9: {  	s8 =	smul.u32 $0x500, s5;
	s5 =	sadd.s32 $0x90600, s6;
	s30 =	sshrl.u32 s7, $0x1  }
0xa: {  	s10 =	sshrl.u32 s10, $0x2;
	s9 =	sadd.s32 s9, s6;
	s11 =	ssub.s32 s7, s30  }
0xb: {  	s12 =	sadd.s32 s10, s3;
	s10 =	simm.s32 $0x2800;
	s8 =	sadd.s32 s8, s6  }
0xc: {  	s16 =	sadd.s32 $0x105C00, s9;
	s9 =	simm.s32 $0x2;
	s12 =	sshrl.u32 s12, $0x3  }
0xd: {  	s6 =	sadd.s32 $0x11200, s8;
	s7 =	sadd.s32 $0x7200, s8;
	s8 =	smax.u32 s11, $0x1  }
0xe: {  	s11 =	sor.u32 $0x1C02, s31;
	s16 =	sadd.s32 s17, s16;
	s17 =	simm.s32 $0x0  }
.LBB2_1:
0xf: {  	[tilespmem:s4], [sflag:$0x2] =	stream.linear.gather [hbm4b:s6+s4], $0x2780, $0x38;
	[tilespmem:$0x1D000] =	vst v63  }
0x10: {  	_ =	swait.ge [sflag:s9], $0x2780  }
0x11: {  	[sflag:s9] =	ssyncset.done $0x0  }
0x12: {  	[sflag:s9] =	ssyncadd.s32 $0xFFFFD880  }
0x13: {  	[tilespmem:s10], [sflag:$0x2] =	stream.linear.gather [hbm4b:s7+s4], $0x2780, $0x38;
	[tilespmem:$0x1D000] =	vst v63  }
0x14: {  	_ =	swait.ge [sflag:s9], $0x2780  }
0x15: {  	[sflag:s9] =	ssyncset.done $0x0  }
0x16: {  	[sflag:s9] =	ssyncadd.s32 $0xFFFFD880  }
0x17: {  	[spmem:s12], [sflag:s11] =	dma.local [hbm:s2], $0x2800  }
0x18: {  	_ =	swait.ge [sflag:s9], $0x2800  }
0x19: {  	[sflag:s9] =	ssyncset.done $0x0  }
0x1a: {  	[sflag:s9] =	ssyncadd.s32 $0xFFFFD800  }
0x1b: {  	s18 =	simm.s32 $0x0;
	[bflag:$0x0] =	sbarrier.arrive $0xFFFF  }
0x1c: {  	[tilespmem:s14], [sflag:$0x1] =	stream.indirect.gather [hbm4b:s5+s13], $0x80, s18, s13, $0xb8;
	[tilespmem:$0x1D000] =	vst v63  }
0x1d: {  	_ =	swait.ge [sflag:s15], $0x4000  }
0x1e: {  	[sflag:s15] =	ssyncset.done $0x0  }
0x1f: {  	s31 =	simm.s32 $0x2800;
	[sflag:s15] =	ssyncadd.s32 $0xFFFFC000  }
0x20: {  	[spmem:s3] =	stream.indirect.scatter.add.f32 [tilespmem:s14], [sflag:$0x2], $0x80, s31, s13, $0xb8;
	[tilespmem:$0x1D000] =	vst v63  }
0x21: {  	_ =	swait.ge [sflag:s9], $0x4000  }
0x22: {  	s19 =	simm.s32 $0x400;
	s18 =	simm.s32 $0x200;
	[sflag:s9] =	ssyncset.done $0x0  }
.LBB2_2:
0x23: {  	s20 =	sshra.s32 s18, $0x2  }
0x24: {  	[sflag:s9] =	ssyncadd.s32 $0xFFFFC000;
	s18 =	smov.u32 s19;
	s21 =	sadd.s32 $0x200, s19  }
0x25: {  	[tilespmem:s14], [sflag:$0x1] =	stream.indirect.gather [hbm4b:s5+s13], $0x80, s20, s13, $0xb8;
	[tilespmem:$0x1D000] =	vst v63  }
0x26: {  	p0 =	sne.s32 s19, $0x9C00;
	_ =	swait.ge [sflag:s15], $0x4000  }
.Ltmp0:
0x27: {  	[sflag:s15] =	ssyncset.done $0x0;
	(pc) =	sbr.rel @p0 .LBB2_2-.Ltmp0, $4  }
0x28: {  	s19 =	sadd.s32 $0x2800, s20;
	[sflag:s15] =	ssyncadd.s32 $0xFFFFC000  }
0x29: {  	[spmem:s3] =	stream.indirect.scatter.add.f32 [tilespmem:s14], [sflag:$0x2], $0x80, s19, s13, $0xb8;
	[tilespmem:$0x1D000] =	vst v63  }
0x2a: {  	_ =	swait.ge [sflag:s9], $0x4000  }
0x2b: {  	s19 =	smov.u32 s21;
	[sflag:s9] =	ssyncset.done $0x0  }
0x2c: {  	s18 =	sshra.s32 s18, $0x2;
	[sflag:s9] =	ssyncadd.s32 $0xFFFFC000  }
0x2d: {  	[tilespmem:s14], [sflag:$0x1] =	stream.indirect.gather [hbm4b:s5+s13], $0x80, s18, s13, $0xb8;
	[tilespmem:$0x1D000] =	vst v63  }
0x2e: {  	_ =	swait.ge [sflag:s15], $0x4000  }
0x2f: {  	[sflag:s15] =	ssyncset.done $0x0  }
0x30: {  	s18 =	sadd.s32 $0x2800, s18;
	[sflag:s15] =	ssyncadd.s32 $0xFFFFC000  }
0x31: {  	[spmem:s3] =	stream.indirect.scatter.add.f32 [tilespmem:s14], [sflag:$0x2], $0x80, s18, s13, $0xb8;
	[tilespmem:$0x1D000] =	vst v63  }
0x32: {  	_ =	swait.ge [sflag:s9], $0x4000  }
0x33: {  	s17 =	sadd.s32 $0x1, s17;
	[sflag:s9] =	ssyncset.done $0x0  }
0x34: {  	p0 =	sne.s32 s17, s8;
	[sflag:s9] =	ssyncadd.s32 $0xFFFFC000  }
.Ltmp1:
0x35: {  	[bflag:$0x0] =	sbarrier.arrive $0xFFFF;
	(pc) =	sbr.rel @p0 .LBB2_1-.Ltmp1, $4  }
0x36: {  	[hbm:s16], [sflag:s11] =	dma.local [spmem:s12], $0x2800  }
0x37: {  	_ =	swait.ge [sflag:s9], $0x2800  }
0x38: {  	[sflag:s9] =	ssyncset.done $0x0  }
0x39: {  	[sflag:s9] =	ssyncadd.s32 $0xFFFFD800  }
0x3a: {  	_ =	sfence.sel $0x180000  }
0x3b: {  	[bflag:$0x0] =	sbarrier.arrive $0xFFFF  }
0x3c: {  	p0 =	sne.s32 s0, $0x0;
	_ =	strace $0x90000059  }
0x3d: {  	s0 =	sadd.s32 @!p0 $0x100000, s1;
	[bflag:$0x2] =	sbarrier.arrive $0xFFFF  }
0x3e: {  	[sflag:s0] =	ssyncadd.tile.s32 @!p0 $0x1;
	_ =	shalt  }
.Lfunc_end2:
_tile_overlayer_lowered:
.L_overlay_start_2:
0x3f: {  	(tag) =	ssettag $0x2  }
0x40: {  	s0 =	rddreg [dreg:$0x0];
	s2 =	stileid.u32  }
0x41: {  	s1 =	rddreg [dreg:$0x1];
	p0 =	sne.s32 s2, $0x0  }
0x42: {  	s3 =	rddreg [dreg:$0x2];
	[bflag:$0x3] =	sbarrier.arrive $0xFFFF;
	s2 =	simm.s32 @!p0 $0x1C02  }
0x43: {  	[timem:s3], [sflag:s2] =	dma.local @!p0 [hbm:s0], s1  }
0x44: {  	s0 =	simm.s32 @!p0 $0x2  }
0x45: {  	_ =	swait.ge @!p0 [sflag:s0], s1  }
0x46: {  	s1 =	ssub.s32 @!p0 $0x0, s1;
	[sflag:s0] =	ssyncset.done @!p0 $0x0  }
0x47: {  	[sflag:s0] =	ssyncadd.s32 @!p0 s1  }
0x48: {  	[bflag:$0x3] =	sbarrier.arrive $0xFFFF  }
0x49: {  	_ =	shalt  }

// kernel: kernel.42.cloned.1.call-start
scs
__scs_entry_jumppad:
0x0: {  	(pc) =	sbr.rel $0x88, $3  }
0x1: {  	(tag) =	ssettag $0x0;
	lr =	simm.s32 $0x1  }
0x2: {  	[smem:$0x3F93] =	sst lr;
	_ =	strace $0xD0000000  }
0x3: {  	_ = 	snop  }
0x4: {  	_ = 	snop  }
0x5: {  	_ = 	snop  }
0x6: {  	_ = 	snop  }
0x7: {  	_ = 	snop  }
__scs_overlays_trampoline_lowered:
0x8: {  	[smem:$0x3FA2] =	sst s0  }
0x9: {  	[smem:$0x3FA3] =	sst s1  }
0xa: {  	[smem:$0x3FA4] =	sst s2  }
0xb: {  	[smem:$0x3FA5] =	sst s3  }
0xc: {  	[smem:$0x3FA6] =	sst s4  }
0xd: {  	[smem:$0x3FA7] =	sst s5  }
0xe: {  	[smem:$0x3FA8] =	sst s6  }
0xf: {  	[smem:$0x3FA9] =	sst s7  }
0x10: {  	[smem:$0x3FAA] =	sst s8  }
0x11: {  	[smem:$0x3FAB] =	sst s9;
	s0 =	simm.s32 @!p0 $0x0  }
0x12: {  	s1 =	sld [smem:$0x3F91];
	s0 =	simm.s32 @p0 $0x1  }
0x13: {  	[smem:$0x3FAC] =	sst s0;
	s0 =	simm.s32 @!p1 $0x0  }
0x14: {  	s2 =	sld [smem:$0x3F90];
	s0 =	simm.s32 @p1 $0x1  }
0x15: {  	[smem:$0x3FAD] =	sst s0;
	s0 =	simm.s32 @!p2 $0x0  }
0x16: {  	s3 =	sld [smem:$0x3FDB];
	s0 =	simm.s32 @p2 $0x1  }
0x17: {  	s4 =	simm.s32 $0x1BF5;
	[smem:$0x3FAF] =	sst s0  }
0x18: {  	s0 =	sld [smem:$0x3F92];
	_ =	swait.ge [sflag:s4], $0x0  }
0x19: {  	s7 =	sld [smem:$0x3F93]  }
0x1a: {  	s8 =	sadd.s32 $0xFFFFE003, lr  }
0x1b: {  	s9 =	sadd.s32 $0xFFFFFEF7, lr;
	s5 =	simm.s32 $0xFFFFFFFF;
	p2 =	slt.u32 s8, $0xFFFFF086  }
0x1c: {  	p1 =	slt.u32 s9, $0xF7A;
	s5 =	simm.s32 @!p2 $0x0  }
0x1d: {  	s5 =	simm.s32 @p1 $0x1;
	p0 =	seq.s32 s7, s2  }
0x1e: {  	s7 =	smul.u32 @!p0 $0xF7A, s2;
	p2 =	seq.s32 @!p0 s5, $0x0  }
0x1f: {  	s9 =	smul.u32 $0xF7A, s1;
	s8 =	simm.s32 @!p0 $0x1BF5;
	p2 =	por !p2, p0  }
0x20: {  	[sflag:s8] =	ssyncset.s32 @!p0 $0xFFFFF086;
	s6 =	sadd.s32 @!p0 s3, s7;
	s7 =	simm.s32 @!p0 $0x108  }
0x21: {  	s3 =	sadd.s32 s3, s9;
	s6 =	sadd.s32 @!p0 $0x88, s6;
	s7 =	simm.s32 @p2 $0x1082  }
0x22: {  	[simem:s7], [sflag:s8] =	dma.local @!p0 [hbm:s6], $0xF7A  }
0x23: {  	s9 =	sor.u32 $0xD0000000, s2;
	s6 =	simm.s32 $0x108;
	_ =	swait.ge @!p0 [sflag:s8], $0x0  }
0x24: {  	s3 =	sadd.s32 $0x88, s3;
	s6 =	simm.s32 @!p1 $0x1082;
	[sflag:s4] =	ssyncset.s32 $0xFFFFF086  }
0x25: {  	[simem:s6], [sflag:s4] =	dma.local [hbm:s3], $0xF7A  }
0x26: {  	[smem:$0x3F93] =	sst s1;
	(tag) =	ssettag s2;
	_ =	strace s9  }
0x27: {  	s1 =	sld [smem:$0x3FA3]  }
0x28: {  	s2 =	sld [smem:$0x3FA4]  }
0x29: {  	s4 =	sld [smem:$0x3FA6]  }
0x2a: {  	p0 =	seq.s32 s5, $0x0;
	s5 =	sld [smem:$0x3FA7]  }
0x2b: {  	s6 =	sld [smem:$0x3FA8]  }
0x2c: {  	s7 =	sld [smem:$0x3FA9]  }
0x2d: {  	s3 =	simm.s32 $0x108;
	s8 =	sld [smem:$0x3FAA]  }
0x2e: {  	s3 =	simm.s32 @!p0 $0x1082;
	s9 =	sld [smem:$0x3FAB]  }
0x2f: {  	lr =	sadd.s32 s0, s3;
	s0 =	sld [smem:$0x3FA2]  }
0x30: {  	s3 =	sld [smem:$0x3FA5]  }
0x31: {  	[smem:$0x3FAE] =	sst s10  }
0x32: {  	s10 =	sld [smem:$0x3FAC];
	_ =	sdelay $0x3  }
0x33: {  	p0 =	seq.s32 s10, $0x1;
	s10 =	sld [smem:$0x3FAE];
	_ =	sdelay $0x3  }
0x34: {  	[smem:$0x3FAE] =	sst s10  }
0x35: {  	s10 =	sld [smem:$0x3FAD];
	_ =	sdelay $0x3  }
0x36: {  	p1 =	seq.s32 s10, $0x1;
	s10 =	sld [smem:$0x3FAE];
	_ =	sdelay $0x3  }
0x37: {  	[smem:$0x3FAE] =	sst s10  }
0x38: {  	s10 =	sld [smem:$0x3FAF]  }
0x39: {  	_ = 	snop;
	(pc) =	sbr.ind lr, $3  }
0x3a: {  	_ = 	snop  }
0x3b: {  	_ = 	snop  }
0x3c: {  	p2 =	seq.s32 s10, $0x1;
	s10 =	sld [smem:$0x3FAE]  }
0x3d: {  	_ =	shalt  }
0x3e: {  	_ =	shalt  }
0x3f: {  	_ =	shalt  }
0x40: {  	_ =	shalt  }
0x41: {  	_ =	shalt  }
0x42: {  	_ =	shalt  }
0x43: {  	_ =	shalt  }
0x44: {  	_ =	shalt  }
0x45: {  	_ =	shalt  }
0x46: {  	_ =	shalt  }
0x47: {  	_ =	shalt  }
0x48: {  	_ =	shalt  }
0x49: {  	_ =	shalt  }
0x4a: {  	_ =	shalt  }
0x4b: {  	_ =	shalt  }
0x4c: {  	_ =	shalt  }
0x4d: {  	_ =	shalt  }
0x4e: {  	_ =	shalt  }
0x4f: {  	_ =	shalt  }
0x50: {  	_ =	shalt  }
0x51: {  	_ =	shalt  }
0x52: {  	_ =	shalt  }
0x53: {  	_ =	shalt  }
0x54: {  	_ =	shalt  }
0x55: {  	_ =	shalt  }
0x56: {  	_ =	shalt  }
0x57: {  	_ =	shalt  }
0x58: {  	_ =	shalt  }
0x59: {  	_ =	shalt  }
0x5a: {  	_ =	shalt  }
0x5b: {  	_ =	shalt  }
0x5c: {  	_ =	shalt  }
0x5d: {  	_ =	shalt  }
0x5e: {  	_ =	shalt  }
0x5f: {  	_ =	shalt  }
0x60: {  	_ =	shalt  }
0x61: {  	_ =	shalt  }
0x62: {  	_ =	shalt  }
0x63: {  	_ =	shalt  }
0x64: {  	_ =	shalt  }
0x65: {  	_ =	shalt  }
0x66: {  	_ =	shalt  }
0x67: {  	_ =	shalt  }
0x68: {  	_ =	shalt  }
0x69: {  	_ =	shalt  }
0x6a: {  	_ =	shalt  }
0x6b: {  	_ =	shalt  }
0x6c: {  	_ =	shalt  }
0x6d: {  	_ =	shalt  }
0x6e: {  	_ =	shalt  }
0x6f: {  	_ =	shalt  }
0x70: {  	_ =	shalt  }
0x71: {  	_ =	shalt  }
0x72: {  	_ =	shalt  }
0x73: {  	_ =	shalt  }
0x74: {  	_ =	shalt  }
0x75: {  	_ =	shalt  }
0x76: {  	_ =	shalt  }
0x77: {  	_ =	shalt  }
0x78: {  	_ =	shalt  }
0x79: {  	_ =	shalt  }
0x7a: {  	_ =	shalt  }
0x7b: {  	_ =	shalt  }
0x7c: {  	_ =	shalt  }
0x7d: {  	_ =	shalt  }
0x7e: {  	_ =	shalt  }
0x7f: {  	_ =	shalt  }
0x80: {  	_ =	shalt  }
0x81: {  	_ =	shalt  }
0x82: {  	_ =	shalt  }
0x83: {  	_ =	shalt  }
0x84: {  	_ =	shalt  }
0x85: {  	_ =	shalt  }
0x86: {  	_ =	shalt  }
0x87: {  	_ =	shalt  }
.Lfunc_end0:
.L_simem_size_0:
called_computation.7_lowered:
.L_overlay_start_0:
0x88: {  	s2 =	sld [smem:$0x3FD9]  }
0x89: {  	s3 =	sld [smem:$0x3FFE];
	_ =	sdelay $0x1  }
0x8a: {  	s1 =	srdreg.scid  }
0x8b: {  	s0 =	sand.u32 $0x1, s1  }
0x8c: {  	s17 =	sshll.u32 s0, $0xA;
	s2 =	sadd.s32 s3, s2  }
0x8d: {  	s2 =	sadd.s32 s2, s17  }
0x8e: {  	[smem:$0x3FBA] =	sst s2  }
0x8f: {  	_ = 	snop  }
0x90: {  	s18 =	sld [smem:$0x3FD0];
	(tm) =	ssettm $0x1  }
0x91: {  	s19 =	sld [smem:$0x3FFB];
	_ =	sdelay $0x3  }
0x92: {  	_ =	strace s19  }
0x93: {  	s2 =	sld [smem:$0x3FFC];
	_ =	sdelay $0x3  }
0x94: {  	_ =	strace s2  }
0x95: {  	s2 =	sld [smem:$0x3FFD];
	_ =	sdelay $0x3  }
0x96: {  	_ =	strace s2  }
0x97: {  	_ =	strace $0x8FFFFFFF  }
0x98: {  	s20 =	sld [smem:$0x3FDB];
	_ =	sdelay $0x1  }
0x99: {  	s4 =	simm.s32 $_scs_section_size  }
0x9a: {  	s5 =	simm.s32 $_size__tile_overlayer_lowered;
	s6 =	simm.s32 $_tile_overlayer_lowered  }
0x9b: {  	s7 =	simm.s32 $0x1BFF;
	s21 =	sshll.u32 s6, $0x1;
	s4 =	sadd.s32 s4, s20  }
0x9c: {  	s22 =	simm.s32 $0x0;
	s5 =	sshll.u32 s5, $0x1;
	s6 =	sadd.s32 s21, s4  }
0x9d: {  	[timem:s22], [sflag:s7] =	dma.local [hbm:s6], s5  }
0x9e: {  	_ =	swait.ge [sflag:s7], s5  }
0x9f: {  	s5 =	ssub.s32 $0x0, s5;
	[sflag:s7] =	ssyncset.done $0x0  }
0xa0: {  	[sflag:s7] =	ssyncadd.s32 s5;
	_ =	sdelay $0x1  }
0xa1: {  	s23 =	simm.s32 $0x1B8B  }
0xa2: {  	_ =	swait.ge [sflag:s23], $0x1  }
0xa3: {  	[sflag:s23] =	ssyncset.done $0x0  }
0xa4: {  	[sflag:s23] =	ssyncadd.s32 $0xFFFFFFFF  }
0xa5: {  	s5 =	sld [smem:$0x0]  }
0xa6: {  	s6 =	sand.u32 $0xFFFFFFFE, s1  }
0xa7: {  	p0 =	sne.s32 s1, s6  }
0xa8: {  	s6 =	sshll.u32 @p0 s6, $0xE  }
0xa9: {  	s6 =	sadd.s32 @p0 $0x11B8D, s6;
	s7 =	sshll.u32 @p0 s5, $0x11  }
0xaa: {  	s6 =	sor.u32 @p0 s7, s6  }
0xab: {  	[sflag:s6] =	ssyncadd.remote.s32 @p0 $0x1;
	_ =	sdelay $0x1  }
0xac: {  	s6 =	simm.s32 @p0 $0x1B8D  }
0xad: {  	_ =	swait.eq @p0 [sflag:s6], $0x1  }
0xae: {  	[sflag:s6] =	ssyncadd.s32 @p0 $0xFFFFFFFF  }
0xaf: {  	s7 =	sshll.u32 @!p0 s1, $0xE  }
0xb0: {  	s7 =	sor.u32 @!p0 $0x4000, s7;
	s6 =	simm.s32 @!p0 $0x1B8D  }
0xb1: {  	s5 =	sshll.u32 @!p0 s5, $0x11;
	s7 =	sadd.s32 @!p0 $0x11B8D, s7;
	_ =	swait.eq @!p0 [sflag:s6], $0x1  }
0xb2: {  	s5 =	sor.u32 @!p0 s5, s7;
	[sflag:s6] =	ssyncadd.s32 @!p0 $0xFFFFFFFF  }
0xb3: {  	s25 =	simm.s32 $0x1B8E;
	s24 =	sld [smem:$0x3FFE];
	[sflag:s5] =	ssyncadd.remote.s32 @!p0 $0x1  }
0xb4: {  	s26 =	simm.s32 $execute0_lowered;
	[smem:$0x3FD2] =	sst s25  }
0xb5: {  	s6 =	sshll.u32 s26, $0x1;
	_ =	strace $0x8000005B;
	[dreg:$0x1] =	wrdreg $0xFFFFFFFF  }
0xb6: {  	s28 =	simm.s32 $_size_execute0_lowered;
	s4 =	sadd.s32 s4, s6;
	[dreg:$0x0] =	wrdreg $0x0  }
0xb7: {  	s6 =	sshll.u32 s28, $0x1;
	[dreg:$0x2] =	wrdreg s4  }
0xb8: {  	[dreg:$0x3] =	wrdreg s6  }
0xb9: {  	[dreg:$0x4] =	wrdreg $0xC0  }
0xba: {  	_ =	task [dreg:s22], $0x5FFFF  }
0xbb: {  	[dreg:$0x1] =	wrdreg $0xFFFFFFFF  }
0xbc: {  	[dreg:$0x0] =	wrdreg $0x60  }
0xbd: {  	[dreg:$0x2] =	wrdreg s24  }
0xbe: {  	[dreg:$0x3] =	wrdreg s18  }
0xbf: {  	[dreg:$0x4] =	wrdreg $0x90000  }
0xc0: {  	[dreg:$0x5] =	wrdreg $0xA  }
0xc1: {  	_ =	task.clear_ibuf [dreg:s22], $0x6FFFF;
	_ =	strace $0x9000005B  }
0xc2: {  	s29 =	simm.s32 $0xA;
	_ =	strace $0x8000005D  }
0xc3: {  	_ =	swait.ge [sflag:s29], $0x1  }
0xc4: {  	[sflag:s29] =	ssyncadd.s32 $0xFFFFFFFF  }
0xc5: {  	_ =	strace $0x9000005D  }
0xc6: {  	_ =	sfence  }
0xc7: {  	s30 =	sld [smem:$0x0];
	_ =	sdelay $0x2  }
0xc8: {  	s31 =	sshll.u32 s1, $0xD;
	s1 =	sshrl.u32 s1, $0x2  }
0xc9: {  	s4 =	sand.u32 $0x4000, s31;
	s1 =	sadd.s32 s1, s30  }
0xca: {  	s0 =	sor.u32 s4, s0;
	s1 =	sshll.u32 s1, $0x11  }
0xcb: {  	s0 =	sor.u32 s1, s0  }
0xcc: {  	s0 =	sadd.s32 $0x8F2B, s0  }
0xcd: {  	[sflag:s0] =	ssyncadd.remote.s32 $0x1  }
0xce: {  	_ =	sfence.sel $0xFFFF  }
0xcf: {  	[dreg:$0x0] =	wrdreg $0xFFFFFFFF;
	(pc) =	sbr.abs _section_cstart, $3  }
0xd0: {  	[dreg:$0x1] =	wrdreg $0xFFFFFFFF  }
0xd1: {  	_ =	task.clear_ibuf [dreg:s22], $0x2FFFF;
	_ =	strace $0x9FFFFFFF  }
0xd2: {  	(tm) =	ssettm $0x7FFFFFFF  }
0xd3: {  	_ =	shalt  }
tec
execute0_lowered:
.L_overlay_start_1:
0x0: {  	(tag) =	ssettag $0x1  }
0x1: {  	s6 =	rddreg [dreg:$0x0]  }
0x2: {  	s2 =	rddreg [dreg:$0x1];
	s1 =	srdreg.scid  }
0x3: {  	s0 =	stileid.u32;
	s3 =	rddreg [dreg:$0x2]  }
0x4: {  	s4 =	simm.s32 $0x0;
	s13 =	simm.s32 $0x80;
	s14 =	simm.s32 $0x5000  }
0x5: {  	s15 =	simm.s32 $0x1;
	s7 =	sand.u32 $0x1, s1;
	s1 =	rddreg [dreg:$0x3]  }
0x6: {  	s5 =	sshll.u32 s0, $0x1;
	[smem:$0x7FF] =	sst s4;
	s10 =	smul.u32 $0x50000, s0  }
0x7: {  	s17 =	smul.u32 $0x2800, s0;
	s31 =	sshll.u32 s0, $0x6;
	s5 =	sor.u32 s7, s5  }
0x8: {  	_ =	strace $0x8000005C;
	s9 =	smul.u32 $0x28000, s7;
	s7 =	ssub.s32 $0x2, s7  }
0x9: {  	s8 =	smul.u32 $0x500, s5;
	s5 =	sadd.s32 $0xB7800, s6;
	s30 =	sshrl.u32 s7, $0x1  }
0xa: {  	s10 =	sshrl.u32 s10, $0x2;
	s9 =	sadd.s32 s9, s6;
	s11 =	ssub.s32 s7, s30  }
0xb: {  	s12 =	sadd.s32 s10, s3;
	s10 =	simm.s32 $0x2800;
	s8 =	sadd.s32 s8, s6  }
0xc: {  	s16 =	sadd.s32 $0x155C00, s9;
	s9 =	simm.s32 $0x2;
	s12 =	sshrl.u32 s12, $0x3  }
0xd: {  	s6 =	sadd.s32 $0x11200, s8;
	s7 =	sadd.s32 $0x7200, s8;
	s8 =	smax.u32 s11, $0x1  }
0xe: {  	s11 =	sor.u32 $0x1C02, s31;
	s16 =	sadd.s32 s17, s16;
	s17 =	simm.s32 $0x0  }
.LBB2_1:
0xf: {  	[tilespmem:s4], [sflag:$0x2] =	stream.linear.gather [hbm4b:s6+s4], $0x2780, $0x38;
	[tilespmem:$0x1D000] =	vst v63  }
0x10: {  	_ =	swait.ge [sflag:s9], $0x2780  }
0x11: {  	[sflag:s9] =	ssyncset.done $0x0  }
0x12: {  	[sflag:s9] =	ssyncadd.s32 $0xFFFFD880  }
0x13: {  	[tilespmem:s10], [sflag:$0x2] =	stream.linear.gather [hbm4b:s7+s4], $0x2780, $0x38;
	[tilespmem:$0x1D000] =	vst v63  }
0x14: {  	_ =	swait.ge [sflag:s9], $0x2780  }
0x15: {  	[sflag:s9] =	ssyncset.done $0x0  }
0x16: {  	[sflag:s9] =	ssyncadd.s32 $0xFFFFD880  }
0x17: {  	[spmem:s12], [sflag:s11] =	dma.local [hbm:s2], $0x2800  }
0x18: {  	_ =	swait.ge [sflag:s9], $0x2800  }
0x19: {  	[sflag:s9] =	ssyncset.done $0x0  }
0x1a: {  	[sflag:s9] =	ssyncadd.s32 $0xFFFFD800  }
0x1b: {  	s18 =	simm.s32 $0x0;
	[bflag:$0x0] =	sbarrier.arrive $0xFFFF  }
0x1c: {  	[tilespmem:s14], [sflag:$0x1] =	stream.indirect.gather [hbm4b:s5+s13], $0x80, s18, s13, $0xb8;
	[tilespmem:$0x1D000] =	vst v63  }
0x1d: {  	_ =	swait.ge [sflag:s15], $0x4000  }
0x1e: {  	[sflag:s15] =	ssyncset.done $0x0  }
0x1f: {  	s31 =	simm.s32 $0x2800;
	[sflag:s15] =	ssyncadd.s32 $0xFFFFC000  }
0x20: {  	[spmem:s3] =	stream.indirect.scatter.add.f32 [tilespmem:s14], [sflag:$0x2], $0x80, s31, s13, $0xb8;
	[tilespmem:$0x1D000] =	vst v63  }
0x21: {  	_ =	swait.ge [sflag:s9], $0x4000  }
0x22: {  	s19 =	simm.s32 $0x400;
	s18 =	simm.s32 $0x200;
	[sflag:s9] =	ssyncset.done $0x0  }
.LBB2_2:
0x23: {  	s20 =	sshra.s32 s18, $0x2  }
0x24: {  	[sflag:s9] =	ssyncadd.s32 $0xFFFFC000;
	s18 =	smov.u32 s19;
	s21 =	sadd.s32 $0x200, s19  }
0x25: {  	[tilespmem:s14], [sflag:$0x1] =	stream.indirect.gather [hbm4b:s5+s13], $0x80, s20, s13, $0xb8;
	[tilespmem:$0x1D000] =	vst v63  }
0x26: {  	p0 =	sne.s32 s19, $0x9C00;
	_ =	swait.ge [sflag:s15], $0x4000  }
.Ltmp0:
0x27: {  	[sflag:s15] =	ssyncset.done $0x0;
	(pc) =	sbr.rel @p0 .LBB2_2-.Ltmp0, $4  }
0x28: {  	s19 =	sadd.s32 $0x2800, s20;
	[sflag:s15] =	ssyncadd.s32 $0xFFFFC000  }
0x29: {  	[spmem:s3] =	stream.indirect.scatter.add.f32 [tilespmem:s14], [sflag:$0x2], $0x80, s19, s13, $0xb8;
	[tilespmem:$0x1D000] =	vst v63  }
0x2a: {  	_ =	swait.ge [sflag:s9], $0x4000  }
0x2b: {  	s19 =	smov.u32 s21;
	[sflag:s9] =	ssyncset.done $0x0  }
0x2c: {  	s18 =	sshra.s32 s18, $0x2;
	[sflag:s9] =	ssyncadd.s32 $0xFFFFC000  }
0x2d: {  	[tilespmem:s14], [sflag:$0x1] =	stream.indirect.gather [hbm4b:s5+s13], $0x80, s18, s13, $0xb8;
	[tilespmem:$0x1D000] =	vst v63  }
0x2e: {  	_ =	swait.ge [sflag:s15], $0x4000  }
0x2f: {  	[sflag:s15] =	ssyncset.done $0x0  }
0x30: {  	s18 =	sadd.s32 $0x2800, s18;
	[sflag:s15] =	ssyncadd.s32 $0xFFFFC000  }
0x31: {  	[spmem:s3] =	stream.indirect.scatter.add.f32 [tilespmem:s14], [sflag:$0x2], $0x80, s18, s13, $0xb8;
	[tilespmem:$0x1D000] =	vst v63  }
0x32: {  	_ =	swait.ge [sflag:s9], $0x4000  }
0x33: {  	s17 =	sadd.s32 $0x1, s17;
	[sflag:s9] =	ssyncset.done $0x0  }
0x34: {  	p0 =	sne.s32 s17, s8;
	[sflag:s9] =	ssyncadd.s32 $0xFFFFC000  }
.Ltmp1:
0x35: {  	[bflag:$0x0] =	sbarrier.arrive $0xFFFF;
	(pc) =	sbr.rel @p0 .LBB2_1-.Ltmp1, $4  }
0x36: {  	[hbm:s16], [sflag:s11] =	dma.local [spmem:s12], $0x2800  }
0x37: {  	_ =	swait.ge [sflag:s9], $0x2800  }
0x38: {  	[sflag:s9] =	ssyncset.done $0x0  }
0x39: {  	[sflag:s9] =	ssyncadd.s32 $0xFFFFD800  }
0x3a: {  	_ =	sfence.sel $0x180000  }
0x3b: {  	[bflag:$0x0] =	sbarrier.arrive $0xFFFF  }
0x3c: {  	p0 =	sne.s32 s0, $0x0;
	_ =	strace $0x9000005C  }
0x3d: {  	s0 =	sadd.s32 @!p0 $0x100000, s1;
	[bflag:$0x2] =	sbarrier.arrive $0xFFFF  }
0x3e: {  	[sflag:s0] =	ssyncadd.tile.s32 @!p0 $0x1;
	_ =	shalt  }
.Lfunc_end2:
_tile_overlayer_lowered:
.L_overlay_start_2:
0x3f: {  	(tag) =	ssettag $0x2  }
0x40: {  	s0 =	rddreg [dreg:$0x0];
	s2 =	stileid.u32  }
0x41: {  	s1 =	rddreg [dreg:$0x1];
	p0 =	sne.s32 s2, $0x0  }
0x42: {  	s3 =	rddreg [dreg:$0x2];
	[bflag:$0x3] =	sbarrier.arrive $0xFFFF;
	s2 =	simm.s32 @!p0 $0x1C02  }
0x43: {  	[timem:s3], [sflag:s2] =	dma.local @!p0 [hbm:s0], s1  }
0x44: {  	s0 =	simm.s32 @!p0 $0x2  }
0x45: {  	_ =	swait.ge @!p0 [sflag:s0], s1  }
0x46: {  	s1 =	ssub.s32 @!p0 $0x0, s1;
	[sflag:s0] =	ssyncset.done @!p0 $0x0  }
0x47: {  	[sflag:s0] =	ssyncadd.s32 @!p0 s1  }
0x48: {  	[bflag:$0x3] =	sbarrier.arrive $0xFFFF  }
0x49: {  	_ =	shalt  }

// kernel: kernel.45.cloned.1.call-start
scs
__scs_entry_jumppad:
0x0: {  	(pc) =	sbr.rel $0x88, $3  }
0x1: {  	(tag) =	ssettag $0x0;
	lr =	simm.s32 $0x1  }
0x2: {  	[smem:$0x3F93] =	sst lr;
	_ =	strace $0xD0000000  }
0x3: {  	_ = 	snop  }
0x4: {  	_ = 	snop  }
0x5: {  	_ = 	snop  }
0x6: {  	_ = 	snop  }
0x7: {  	_ = 	snop  }
__scs_overlays_trampoline_lowered:
0x8: {  	[smem:$0x3FA2] =	sst s0  }
0x9: {  	[smem:$0x3FA3] =	sst s1  }
0xa: {  	[smem:$0x3FA4] =	sst s2  }
0xb: {  	[smem:$0x3FA5] =	sst s3  }
0xc: {  	[smem:$0x3FA6] =	sst s4  }
0xd: {  	[smem:$0x3FA7] =	sst s5  }
0xe: {  	[smem:$0x3FA8] =	sst s6  }
0xf: {  	[smem:$0x3FA9] =	sst s7  }
0x10: {  	[smem:$0x3FAA] =	sst s8  }
0x11: {  	[smem:$0x3FAB] =	sst s9;
	s0 =	simm.s32 @!p0 $0x0  }
0x12: {  	s1 =	sld [smem:$0x3F91];
	s0 =	simm.s32 @p0 $0x1  }
0x13: {  	[smem:$0x3FAC] =	sst s0;
	s0 =	simm.s32 @!p1 $0x0  }
0x14: {  	s2 =	sld [smem:$0x3F90];
	s0 =	simm.s32 @p1 $0x1  }
0x15: {  	[smem:$0x3FAD] =	sst s0;
	s0 =	simm.s32 @!p2 $0x0  }
0x16: {  	s3 =	sld [smem:$0x3FDB];
	s0 =	simm.s32 @p2 $0x1  }
0x17: {  	s4 =	simm.s32 $0x1BF5;
	[smem:$0x3FAF] =	sst s0  }
0x18: {  	s0 =	sld [smem:$0x3F92];
	_ =	swait.ge [sflag:s4], $0x0  }
0x19: {  	s7 =	sld [smem:$0x3F93]  }
0x1a: {  	s8 =	sadd.s32 $0xFFFFE003, lr  }
0x1b: {  	s9 =	sadd.s32 $0xFFFFFEF7, lr;
	s5 =	simm.s32 $0xFFFFFFFF;
	p2 =	slt.u32 s8, $0xFFFFF086  }
0x1c: {  	p1 =	slt.u32 s9, $0xF7A;
	s5 =	simm.s32 @!p2 $0x0  }
0x1d: {  	s5 =	simm.s32 @p1 $0x1;
	p0 =	seq.s32 s7, s2  }
0x1e: {  	s7 =	smul.u32 @!p0 $0xF7A, s2;
	p2 =	seq.s32 @!p0 s5, $0x0  }
0x1f: {  	s9 =	smul.u32 $0xF7A, s1;
	s8 =	simm.s32 @!p0 $0x1BF5;
	p2 =	por !p2, p0  }
0x20: {  	[sflag:s8] =	ssyncset.s32 @!p0 $0xFFFFF086;
	s6 =	sadd.s32 @!p0 s3, s7;
	s7 =	simm.s32 @!p0 $0x108  }
0x21: {  	s3 =	sadd.s32 s3, s9;
	s6 =	sadd.s32 @!p0 $0x88, s6;
	s7 =	simm.s32 @p2 $0x1082  }
0x22: {  	[simem:s7], [sflag:s8] =	dma.local @!p0 [hbm:s6], $0xF7A  }
0x23: {  	s9 =	sor.u32 $0xD0000000, s2;
	s6 =	simm.s32 $0x108;
	_ =	swait.ge @!p0 [sflag:s8], $0x0  }
0x24: {  	s3 =	sadd.s32 $0x88, s3;
	s6 =	simm.s32 @!p1 $0x1082;
	[sflag:s4] =	ssyncset.s32 $0xFFFFF086  }
0x25: {  	[simem:s6], [sflag:s4] =	dma.local [hbm:s3], $0xF7A  }
0x26: {  	[smem:$0x3F93] =	sst s1;
	(tag) =	ssettag s2;
	_ =	strace s9  }
0x27: {  	s1 =	sld [smem:$0x3FA3]  }
0x28: {  	s2 =	sld [smem:$0x3FA4]  }
0x29: {  	s4 =	sld [smem:$0x3FA6]  }
0x2a: {  	p0 =	seq.s32 s5, $0x0;
	s5 =	sld [smem:$0x3FA7]  }
0x2b: {  	s6 =	sld [smem:$0x3FA8]  }
0x2c: {  	s7 =	sld [smem:$0x3FA9]  }
0x2d: {  	s3 =	simm.s32 $0x108;
	s8 =	sld [smem:$0x3FAA]  }
0x2e: {  	s3 =	simm.s32 @!p0 $0x1082;
	s9 =	sld [smem:$0x3FAB]  }
0x2f: {  	lr =	sadd.s32 s0, s3;
	s0 =	sld [smem:$0x3FA2]  }
0x30: {  	s3 =	sld [smem:$0x3FA5]  }
0x31: {  	[smem:$0x3FAE] =	sst s10  }
0x32: {  	s10 =	sld [smem:$0x3FAC];
	_ =	sdelay $0x3  }
0x33: {  	p0 =	seq.s32 s10, $0x1;
	s10 =	sld [smem:$0x3FAE];
	_ =	sdelay $0x3  }
0x34: {  	[smem:$0x3FAE] =	sst s10  }
0x35: {  	s10 =	sld [smem:$0x3FAD];
	_ =	sdelay $0x3  }
0x36: {  	p1 =	seq.s32 s10, $0x1;
	s10 =	sld [smem:$0x3FAE];
	_ =	sdelay $0x3  }
0x37: {  	[smem:$0x3FAE] =	sst s10  }
0x38: {  	s10 =	sld [smem:$0x3FAF]  }
0x39: {  	_ = 	snop;
	(pc) =	sbr.ind lr, $3  }
0x3a: {  	_ = 	snop  }
0x3b: {  	_ = 	snop  }
0x3c: {  	p2 =	seq.s32 s10, $0x1;
	s10 =	sld [smem:$0x3FAE]  }
0x3d: {  	_ =	shalt  }
0x3e: {  	_ =	shalt  }
0x3f: {  	_ =	shalt  }
0x40: {  	_ =	shalt  }
0x41: {  	_ =	shalt  }
0x42: {  	_ =	shalt  }
0x43: {  	_ =	shalt  }
0x44: {  	_ =	shalt  }
0x45: {  	_ =	shalt  }
0x46: {  	_ =	shalt  }
0x47: {  	_ =	shalt  }
0x48: {  	_ =	shalt  }
0x49: {  	_ =	shalt  }
0x4a: {  	_ =	shalt  }
0x4b: {  	_ =	shalt  }
0x4c: {  	_ =	shalt  }
0x4d: {  	_ =	shalt  }
0x4e: {  	_ =	shalt  }
0x4f: {  	_ =	shalt  }
0x50: {  	_ =	shalt  }
0x51: {  	_ =	shalt  }
0x52: {  	_ =	shalt  }
0x53: {  	_ =	shalt  }
0x54: {  	_ =	shalt  }
0x55: {  	_ =	shalt  }
0x56: {  	_ =	shalt  }
0x57: {  	_ =	shalt  }
0x58: {  	_ =	shalt  }
0x59: {  	_ =	shalt  }
0x5a: {  	_ =	shalt  }
0x5b: {  	_ =	shalt  }
0x5c: {  	_ =	shalt  }
0x5d: {  	_ =	shalt  }
0x5e: {  	_ =	shalt  }
0x5f: {  	_ =	shalt  }
0x60: {  	_ =	shalt  }
0x61: {  	_ =	shalt  }
0x62: {  	_ =	shalt  }
0x63: {  	_ =	shalt  }
0x64: {  	_ =	shalt  }
0x65: {  	_ =	shalt  }
0x66: {  	_ =	shalt  }
0x67: {  	_ =	shalt  }
0x68: {  	_ =	shalt  }
0x69: {  	_ =	shalt  }
0x6a: {  	_ =	shalt  }
0x6b: {  	_ =	shalt  }
0x6c: {  	_ =	shalt  }
0x6d: {  	_ =	shalt  }
0x6e: {  	_ =	shalt  }
0x6f: {  	_ =	shalt  }
0x70: {  	_ =	shalt  }
0x71: {  	_ =	shalt  }
0x72: {  	_ =	shalt  }
0x73: {  	_ =	shalt  }
0x74: {  	_ =	shalt  }
0x75: {  	_ =	shalt  }
0x76: {  	_ =	shalt  }
0x77: {  	_ =	shalt  }
0x78: {  	_ =	shalt  }
0x79: {  	_ =	shalt  }
0x7a: {  	_ =	shalt  }
0x7b: {  	_ =	shalt  }
0x7c: {  	_ =	shalt  }
0x7d: {  	_ =	shalt  }
0x7e: {  	_ =	shalt  }
0x7f: {  	_ =	shalt  }
0x80: {  	_ =	shalt  }
0x81: {  	_ =	shalt  }
0x82: {  	_ =	shalt  }
0x83: {  	_ =	shalt  }
0x84: {  	_ =	shalt  }
0x85: {  	_ =	shalt  }
0x86: {  	_ =	shalt  }
0x87: {  	_ =	shalt  }
.Lfunc_end0:
.L_simem_size_0:
called_computation.8_lowered:
.L_overlay_start_0:
0x88: {  	s2 =	sld [smem:$0x3FD9]  }
0x89: {  	s3 =	sld [smem:$0x3FFE];
	_ =	sdelay $0x1  }
0x8a: {  	s1 =	srdreg.scid  }
0x8b: {  	s0 =	sand.u32 $0x1, s1  }
0x8c: {  	s17 =	sshll.u32 s0, $0xA;
	s2 =	sadd.s32 s3, s2  }
0x8d: {  	s2 =	sadd.s32 s2, s17  }
0x8e: {  	[smem:$0x3FBA] =	sst s2  }
0x8f: {  	_ = 	snop  }
0x90: {  	s18 =	sld [smem:$0x3FD0];
	(tm) =	ssettm $0x1  }
0x91: {  	s19 =	sld [smem:$0x3FFB];
	_ =	sdelay $0x3  }
0x92: {  	_ =	strace s19  }
0x93: {  	s2 =	sld [smem:$0x3FFC];
	_ =	sdelay $0x3  }
0x94: {  	_ =	strace s2  }
0x95: {  	s2 =	sld [smem:$0x3FFD];
	_ =	sdelay $0x3  }
0x96: {  	_ =	strace s2  }
0x97: {  	_ =	strace $0x8FFFFFFF  }
0x98: {  	s20 =	sld [smem:$0x3FDB];
	_ =	sdelay $0x1  }
0x99: {  	s4 =	simm.s32 $_scs_section_size  }
0x9a: {  	s5 =	simm.s32 $_size__tile_overlayer_lowered;
	s6 =	simm.s32 $_tile_overlayer_lowered  }
0x9b: {  	s7 =	simm.s32 $0x1BFF;
	s21 =	sshll.u32 s6, $0x1;
	s4 =	sadd.s32 s4, s20  }
0x9c: {  	s22 =	simm.s32 $0x0;
	s5 =	sshll.u32 s5, $0x1;
	s6 =	sadd.s32 s21, s4  }
0x9d: {  	[timem:s22], [sflag:s7] =	dma.local [hbm:s6], s5  }
0x9e: {  	_ =	swait.ge [sflag:s7], s5  }
0x9f: {  	s5 =	ssub.s32 $0x0, s5;
	[sflag:s7] =	ssyncset.done $0x0  }
0xa0: {  	[sflag:s7] =	ssyncadd.s32 s5;
	_ =	sdelay $0x1  }
0xa1: {  	s23 =	simm.s32 $0x1B8B  }
0xa2: {  	_ =	swait.ge [sflag:s23], $0x1  }
0xa3: {  	[sflag:s23] =	ssyncset.done $0x0  }
0xa4: {  	[sflag:s23] =	ssyncadd.s32 $0xFFFFFFFF  }
0xa5: {  	s5 =	sld [smem:$0x0]  }
0xa6: {  	s6 =	sand.u32 $0xFFFFFFFE, s1  }
0xa7: {  	p0 =	sne.s32 s1, s6  }
0xa8: {  	s6 =	sshll.u32 @p0 s6, $0xE  }
0xa9: {  	s6 =	sadd.s32 @p0 $0x11B8D, s6;
	s7 =	sshll.u32 @p0 s5, $0x11  }
0xaa: {  	s6 =	sor.u32 @p0 s7, s6  }
0xab: {  	[sflag:s6] =	ssyncadd.remote.s32 @p0 $0x1;
	_ =	sdelay $0x1  }
0xac: {  	s6 =	simm.s32 @p0 $0x1B8D  }
0xad: {  	_ =	swait.eq @p0 [sflag:s6], $0x1  }
0xae: {  	[sflag:s6] =	ssyncadd.s32 @p0 $0xFFFFFFFF  }
0xaf: {  	s7 =	sshll.u32 @!p0 s1, $0xE  }
0xb0: {  	s7 =	sor.u32 @!p0 $0x4000, s7;
	s6 =	simm.s32 @!p0 $0x1B8D  }
0xb1: {  	s5 =	sshll.u32 @!p0 s5, $0x11;
	s7 =	sadd.s32 @!p0 $0x11B8D, s7;
	_ =	swait.eq @!p0 [sflag:s6], $0x1  }
0xb2: {  	s5 =	sor.u32 @!p0 s5, s7;
	[sflag:s6] =	ssyncadd.s32 @!p0 $0xFFFFFFFF  }
0xb3: {  	s25 =	simm.s32 $0x1B8E;
	s24 =	sld [smem:$0x3FFE];
	[sflag:s5] =	ssyncadd.remote.s32 @!p0 $0x1  }
0xb4: {  	s26 =	simm.s32 $execute0_lowered;
	[smem:$0x3FD2] =	sst s25  }
0xb5: {  	s6 =	sshll.u32 s26, $0x1;
	_ =	strace $0x8000005E;
	[dreg:$0x1] =	wrdreg $0xFFFFFFFF  }
0xb6: {  	s28 =	simm.s32 $_size_execute0_lowered;
	s4 =	sadd.s32 s4, s6;
	[dreg:$0x0] =	wrdreg $0x0  }
0xb7: {  	s6 =	sshll.u32 s28, $0x1;
	[dreg:$0x2] =	wrdreg s4  }
0xb8: {  	[dreg:$0x3] =	wrdreg s6  }
0xb9: {  	[dreg:$0x4] =	wrdreg $0xC0  }
0xba: {  	_ =	task [dreg:s22], $0x5FFFF  }
0xbb: {  	[dreg:$0x1] =	wrdreg $0xFFFFFFFF  }
0xbc: {  	[dreg:$0x0] =	wrdreg $0x60  }
0xbd: {  	[dreg:$0x2] =	wrdreg s24  }
0xbe: {  	[dreg:$0x3] =	wrdreg s18  }
0xbf: {  	[dreg:$0x4] =	wrdreg $0x90000  }
0xc0: {  	[dreg:$0x5] =	wrdreg $0xB  }
0xc1: {  	_ =	task.clear_ibuf [dreg:s22], $0x6FFFF;
	_ =	strace $0x9000005E  }
0xc2: {  	s29 =	simm.s32 $0xB;
	_ =	strace $0x80000060  }
0xc3: {  	_ =	swait.ge [sflag:s29], $0x1  }
0xc4: {  	[sflag:s29] =	ssyncadd.s32 $0xFFFFFFFF  }
0xc5: {  	_ =	strace $0x90000060  }
0xc6: {  	_ =	sfence  }
0xc7: {  	s30 =	sld [smem:$0x0];
	_ =	sdelay $0x2  }
0xc8: {  	s31 =	sshll.u32 s1, $0xD;
	s1 =	sshrl.u32 s1, $0x2  }
0xc9: {  	s4 =	sand.u32 $0x4000, s31;
	s1 =	sadd.s32 s1, s30  }
0xca: {  	s0 =	sor.u32 s4, s0;
	s1 =	sshll.u32 s1, $0x11  }
0xcb: {  	s0 =	sor.u32 s1, s0  }
0xcc: {  	s0 =	sadd.s32 $0x8F2B, s0  }
0xcd: {  	[sflag:s0] =	ssyncadd.remote.s32 $0x1  }
0xce: {  	_ =	sfence.sel $0xFFFF  }
0xcf: {  	[dreg:$0x0] =	wrdreg $0xFFFFFFFF;
	(pc) =	sbr.abs _section_cstart, $3  }
0xd0: {  	[dreg:$0x1] =	wrdreg $0xFFFFFFFF  }
0xd1: {  	_ =	task.clear_ibuf [dreg:s22], $0x2FFFF;
	_ =	strace $0x9FFFFFFF  }
0xd2: {  	(tm) =	ssettm $0x7FFFFFFF  }
0xd3: {  	_ =	shalt  }
tec
execute0_lowered:
.L_overlay_start_1:
0x0: {  	(tag) =	ssettag $0x1  }
0x1: {  	s6 =	rddreg [dreg:$0x0]  }
0x2: {  	s2 =	rddreg [dreg:$0x1];
	s1 =	srdreg.scid  }
0x3: {  	s0 =	stileid.u32;
	s3 =	rddreg [dreg:$0x2]  }
0x4: {  	s4 =	simm.s32 $0x0;
	s13 =	simm.s32 $0x80;
	s14 =	simm.s32 $0x5000  }
0x5: {  	s15 =	simm.s32 $0x1;
	s7 =	sand.u32 $0x1, s1;
	s1 =	rddreg [dreg:$0x3]  }
0x6: {  	s5 =	sshll.u32 s0, $0x1;
	[smem:$0x7FF] =	sst s4;
	s10 =	smul.u32 $0x50000, s0  }
0x7: {  	s17 =	smul.u32 $0x2800, s0;
	s31 =	sshll.u32 s0, $0x6;
	s5 =	sor.u32 s7, s5  }
0x8: {  	_ =	strace $0x8000005F;
	s9 =	smul.u32 $0x28000, s7;
	s7 =	ssub.s32 $0x2, s7  }
0x9: {  	s8 =	smul.u32 $0x500, s5;
	s5 =	sadd.s32 $0xDEA00, s6;
	s30 =	sshrl.u32 s7, $0x1  }
0xa: {  	s10 =	sshrl.u32 s10, $0x2;
	s9 =	sadd.s32 s9, s6;
	s11 =	ssub.s32 s7, s30  }
0xb: {  	s12 =	sadd.s32 s10, s3;
	s10 =	simm.s32 $0x2800;
	s8 =	sadd.s32 s8, s6  }
0xc: {  	s16 =	sadd.s32 $0x1A5C00, s9;
	s9 =	simm.s32 $0x2;
	s12 =	sshrl.u32 s12, $0x3  }
0xd: {  	s6 =	sadd.s32 $0x11200, s8;
	s7 =	sadd.s32 $0x7200, s8;
	s8 =	smax.u32 s11, $0x1  }
0xe: {  	s11 =	sor.u32 $0x1C02, s31;
	s16 =	sadd.s32 s17, s16;
	s17 =	simm.s32 $0x0  }
.LBB2_1:
0xf: {  	[tilespmem:s4], [sflag:$0x2] =	stream.linear.gather [hbm4b:s6+s4], $0x2780, $0x38;
	[tilespmem:$0x1D000] =	vst v63  }
0x10: {  	_ =	swait.ge [sflag:s9], $0x2780  }
0x11: {  	[sflag:s9] =	ssyncset.done $0x0  }
0x12: {  	[sflag:s9] =	ssyncadd.s32 $0xFFFFD880  }
0x13: {  	[tilespmem:s10], [sflag:$0x2] =	stream.linear.gather [hbm4b:s7+s4], $0x2780, $0x38;
	[tilespmem:$0x1D000] =	vst v63  }
0x14: {  	_ =	swait.ge [sflag:s9], $0x2780  }
0x15: {  	[sflag:s9] =	ssyncset.done $0x0  }
0x16: {  	[sflag:s9] =	ssyncadd.s32 $0xFFFFD880  }
0x17: {  	[spmem:s12], [sflag:s11] =	dma.local [hbm:s2], $0x2800  }
0x18: {  	_ =	swait.ge [sflag:s9], $0x2800  }
0x19: {  	[sflag:s9] =	ssyncset.done $0x0  }
0x1a: {  	[sflag:s9] =	ssyncadd.s32 $0xFFFFD800  }
0x1b: {  	s18 =	simm.s32 $0x0;
	[bflag:$0x0] =	sbarrier.arrive $0xFFFF  }
0x1c: {  	[tilespmem:s14], [sflag:$0x1] =	stream.indirect.gather [hbm4b:s5+s13], $0x80, s18, s13, $0xb8;
	[tilespmem:$0x1D000] =	vst v63  }
0x1d: {  	_ =	swait.ge [sflag:s15], $0x4000  }
0x1e: {  	[sflag:s15] =	ssyncset.done $0x0  }
0x1f: {  	s31 =	simm.s32 $0x2800;
	[sflag:s15] =	ssyncadd.s32 $0xFFFFC000  }
0x20: {  	[spmem:s3] =	stream.indirect.scatter.add.f32 [tilespmem:s14], [sflag:$0x2], $0x80, s31, s13, $0xb8;
	[tilespmem:$0x1D000] =	vst v63  }
0x21: {  	_ =	swait.ge [sflag:s9], $0x4000  }
0x22: {  	s19 =	simm.s32 $0x400;
	s18 =	simm.s32 $0x200;
	[sflag:s9] =	ssyncset.done $0x0  }
.LBB2_2:
0x23: {  	s20 =	sshra.s32 s18, $0x2  }
0x24: {  	[sflag:s9] =	ssyncadd.s32 $0xFFFFC000;
	s18 =	smov.u32 s19;
	s21 =	sadd.s32 $0x200, s19  }
0x25: {  	[tilespmem:s14], [sflag:$0x1] =	stream.indirect.gather [hbm4b:s5+s13], $0x80, s20, s13, $0xb8;
	[tilespmem:$0x1D000] =	vst v63  }
0x26: {  	p0 =	sne.s32 s19, $0x9C00;
	_ =	swait.ge [sflag:s15], $0x4000  }
.Ltmp0:
0x27: {  	[sflag:s15] =	ssyncset.done $0x0;
	(pc) =	sbr.rel @p0 .LBB2_2-.Ltmp0, $4  }
0x28: {  	s19 =	sadd.s32 $0x2800, s20;
	[sflag:s15] =	ssyncadd.s32 $0xFFFFC000  }
0x29: {  	[spmem:s3] =	stream.indirect.scatter.add.f32 [tilespmem:s14], [sflag:$0x2], $0x80, s19, s13, $0xb8;
	[tilespmem:$0x1D000] =	vst v63  }
0x2a: {  	_ =	swait.ge [sflag:s9], $0x4000  }
0x2b: {  	s19 =	smov.u32 s21;
	[sflag:s9] =	ssyncset.done $0x0  }
0x2c: {  	s18 =	sshra.s32 s18, $0x2;
	[sflag:s9] =	ssyncadd.s32 $0xFFFFC000  }
0x2d: {  	[tilespmem:s14], [sflag:$0x1] =	stream.indirect.gather [hbm4b:s5+s13], $0x80, s18, s13, $0xb8;
	[tilespmem:$0x1D000] =	vst v63  }
0x2e: {  	_ =	swait.ge [sflag:s15], $0x4000  }
0x2f: {  	[sflag:s15] =	ssyncset.done $0x0  }
0x30: {  	s18 =	sadd.s32 $0x2800, s18;
	[sflag:s15] =	ssyncadd.s32 $0xFFFFC000  }
0x31: {  	[spmem:s3] =	stream.indirect.scatter.add.f32 [tilespmem:s14], [sflag:$0x2], $0x80, s18, s13, $0xb8;
	[tilespmem:$0x1D000] =	vst v63  }
0x32: {  	_ =	swait.ge [sflag:s9], $0x4000  }
0x33: {  	s17 =	sadd.s32 $0x1, s17;
	[sflag:s9] =	ssyncset.done $0x0  }
0x34: {  	p0 =	sne.s32 s17, s8;
	[sflag:s9] =	ssyncadd.s32 $0xFFFFC000  }
.Ltmp1:
0x35: {  	[bflag:$0x0] =	sbarrier.arrive $0xFFFF;
	(pc) =	sbr.rel @p0 .LBB2_1-.Ltmp1, $4  }
0x36: {  	[hbm:s16], [sflag:s11] =	dma.local [spmem:s12], $0x2800  }
0x37: {  	_ =	swait.ge [sflag:s9], $0x2800  }
0x38: {  	[sflag:s9] =	ssyncset.done $0x0  }
0x39: {  	[sflag:s9] =	ssyncadd.s32 $0xFFFFD800  }
0x3a: {  	_ =	sfence.sel $0x180000  }
0x3b: {  	[bflag:$0x0] =	sbarrier.arrive $0xFFFF  }
0x3c: {  	p0 =	sne.s32 s0, $0x0;
	_ =	strace $0x9000005F  }
0x3d: {  	s0 =	sadd.s32 @!p0 $0x100000, s1;
	[bflag:$0x2] =	sbarrier.arrive $0xFFFF  }
0x3e: {  	[sflag:s0] =	ssyncadd.tile.s32 @!p0 $0x1;
	_ =	shalt  }
.Lfunc_end2:
_tile_overlayer_lowered:
.L_overlay_start_2:
0x3f: {  	(tag) =	ssettag $0x2  }
0x40: {  	s0 =	rddreg [dreg:$0x0];
	s2 =	stileid.u32  }
0x41: {  	s1 =	rddreg [dreg:$0x1];
	p0 =	sne.s32 s2, $0x0  }
0x42: {  	s3 =	rddreg [dreg:$0x2];
	[bflag:$0x3] =	sbarrier.arrive $0xFFFF;
	s2 =	simm.s32 @!p0 $0x1C02  }
0x43: {  	[timem:s3], [sflag:s2] =	dma.local @!p0 [hbm:s0], s1  }
0x44: {  	s0 =	simm.s32 @!p0 $0x2  }
0x45: {  	_ =	swait.ge @!p0 [sflag:s0], s1  }
0x46: {  	s1 =	ssub.s32 @!p0 $0x0, s1;
	[sflag:s0] =	ssyncset.done @!p0 $0x0  }
0x47: {  	[sflag:s0] =	ssyncadd.s32 @!p0 s1  }
0x48: {  	[bflag:$0x3] =	sbarrier.arrive $0xFFFF  }
0x49: {  	_ =	shalt  }

// kernel: kernel.48.cloned.1.call-start
scs
__scs_entry_jumppad:
0x0: {  	(pc) =	sbr.rel $0x88, $3  }
0x1: {  	(tag) =	ssettag $0x0;
	lr =	simm.s32 $0x1  }
0x2: {  	[smem:$0x3F93] =	sst lr;
	_ =	strace $0xD0000000  }
0x3: {  	_ = 	snop  }
0x4: {  	_ = 	snop  }
0x5: {  	_ = 	snop  }
0x6: {  	_ = 	snop  }
0x7: {  	_ = 	snop  }
__scs_overlays_trampoline_lowered:
0x8: {  	[smem:$0x3FA2] =	sst s0  }
0x9: {  	[smem:$0x3FA3] =	sst s1  }
0xa: {  	[smem:$0x3FA4] =	sst s2  }
0xb: {  	[smem:$0x3FA5] =	sst s3  }
0xc: {  	[smem:$0x3FA6] =	sst s4  }
0xd: {  	[smem:$0x3FA7] =	sst s5  }
0xe: {  	[smem:$0x3FA8] =	sst s6  }
0xf: {  	[smem:$0x3FA9] =	sst s7  }
0x10: {  	[smem:$0x3FAA] =	sst s8  }
0x11: {  	[smem:$0x3FAB] =	sst s9;
	s0 =	simm.s32 @!p0 $0x0  }
0x12: {  	s1 =	sld [smem:$0x3F91];
	s0 =	simm.s32 @p0 $0x1  }
0x13: {  	[smem:$0x3FAC] =	sst s0;
	s0 =	simm.s32 @!p1 $0x0  }
0x14: {  	s2 =	sld [smem:$0x3F90];
	s0 =	simm.s32 @p1 $0x1  }
0x15: {  	[smem:$0x3FAD] =	sst s0;
	s0 =	simm.s32 @!p2 $0x0  }
0x16: {  	s3 =	sld [smem:$0x3FDB];
	s0 =	simm.s32 @p2 $0x1  }
0x17: {  	s4 =	simm.s32 $0x1BF5;
	[smem:$0x3FAF] =	sst s0  }
0x18: {  	s0 =	sld [smem:$0x3F92];
	_ =	swait.ge [sflag:s4], $0x0  }
0x19: {  	s7 =	sld [smem:$0x3F93]  }
0x1a: {  	s8 =	sadd.s32 $0xFFFFE003, lr  }
0x1b: {  	s9 =	sadd.s32 $0xFFFFFEF7, lr;
	s5 =	simm.s32 $0xFFFFFFFF;
	p2 =	slt.u32 s8, $0xFFFFF086  }
0x1c: {  	p1 =	slt.u32 s9, $0xF7A;
	s5 =	simm.s32 @!p2 $0x0  }
0x1d: {  	s5 =	simm.s32 @p1 $0x1;
	p0 =	seq.s32 s7, s2  }
0x1e: {  	s7 =	smul.u32 @!p0 $0xF7A, s2;
	p2 =	seq.s32 @!p0 s5, $0x0  }
0x1f: {  	s9 =	smul.u32 $0xF7A, s1;
	s8 =	simm.s32 @!p0 $0x1BF5;
	p2 =	por !p2, p0  }
0x20: {  	[sflag:s8] =	ssyncset.s32 @!p0 $0xFFFFF086;
	s6 =	sadd.s32 @!p0 s3, s7;
	s7 =	simm.s32 @!p0 $0x108  }
0x21: {  	s3 =	sadd.s32 s3, s9;
	s6 =	sadd.s32 @!p0 $0x88, s6;
	s7 =	simm.s32 @p2 $0x1082  }
0x22: {  	[simem:s7], [sflag:s8] =	dma.local @!p0 [hbm:s6], $0xF7A  }
0x23: {  	s9 =	sor.u32 $0xD0000000, s2;
	s6 =	simm.s32 $0x108;
	_ =	swait.ge @!p0 [sflag:s8], $0x0  }
0x24: {  	s3 =	sadd.s32 $0x88, s3;
	s6 =	simm.s32 @!p1 $0x1082;
	[sflag:s4] =	ssyncset.s32 $0xFFFFF086  }
0x25: {  	[simem:s6], [sflag:s4] =	dma.local [hbm:s3], $0xF7A  }
0x26: {  	[smem:$0x3F93] =	sst s1;
	(tag) =	ssettag s2;
	_ =	strace s9  }
0x27: {  	s1 =	sld [smem:$0x3FA3]  }
0x28: {  	s2 =	sld [smem:$0x3FA4]  }
0x29: {  	s4 =	sld [smem:$0x3FA6]  }
0x2a: {  	p0 =	seq.s32 s5, $0x0;
	s5 =	sld [smem:$0x3FA7]  }
0x2b: {  	s6 =	sld [smem:$0x3FA8]  }
0x2c: {  	s7 =	sld [smem:$0x3FA9]  }
0x2d: {  	s3 =	simm.s32 $0x108;
	s8 =	sld [smem:$0x3FAA]  }
0x2e: {  	s3 =	simm.s32 @!p0 $0x1082;
	s9 =	sld [smem:$0x3FAB]  }
0x2f: {  	lr =	sadd.s32 s0, s3;
	s0 =	sld [smem:$0x3FA2]  }
0x30: {  	s3 =	sld [smem:$0x3FA5]  }
0x31: {  	[smem:$0x3FAE] =	sst s10  }
0x32: {  	s10 =	sld [smem:$0x3FAC];
	_ =	sdelay $0x3  }
0x33: {  	p0 =	seq.s32 s10, $0x1;
	s10 =	sld [smem:$0x3FAE];
	_ =	sdelay $0x3  }
0x34: {  	[smem:$0x3FAE] =	sst s10  }
0x35: {  	s10 =	sld [smem:$0x3FAD];
	_ =	sdelay $0x3  }
0x36: {  	p1 =	seq.s32 s10, $0x1;
	s10 =	sld [smem:$0x3FAE];
	_ =	sdelay $0x3  }
0x37: {  	[smem:$0x3FAE] =	sst s10  }
0x38: {  	s10 =	sld [smem:$0x3FAF]  }
0x39: {  	_ = 	snop;
	(pc) =	sbr.ind lr, $3  }
0x3a: {  	_ = 	snop  }
0x3b: {  	_ = 	snop  }
0x3c: {  	p2 =	seq.s32 s10, $0x1;
	s10 =	sld [smem:$0x3FAE]  }
0x3d: {  	_ =	shalt  }
0x3e: {  	_ =	shalt  }
0x3f: {  	_ =	shalt  }
0x40: {  	_ =	shalt  }
0x41: {  	_ =	shalt  }
0x42: {  	_ =	shalt  }
0x43: {  	_ =	shalt  }
0x44: {  	_ =	shalt  }
0x45: {  	_ =	shalt  }
0x46: {  	_ =	shalt  }
0x47: {  	_ =	shalt  }
0x48: {  	_ =	shalt  }
0x49: {  	_ =	shalt  }
0x4a: {  	_ =	shalt  }
0x4b: {  	_ =	shalt  }
0x4c: {  	_ =	shalt  }
0x4d: {  	_ =	shalt  }
0x4e: {  	_ =	shalt  }
0x4f: {  	_ =	shalt  }
0x50: {  	_ =	shalt  }
0x51: {  	_ =	shalt  }
0x52: {  	_ =	shalt  }
0x53: {  	_ =	shalt  }
0x54: {  	_ =	shalt  }
0x55: {  	_ =	shalt  }
0x56: {  	_ =	shalt  }
0x57: {  	_ =	shalt  }
0x58: {  	_ =	shalt  }
0x59: {  	_ =	shalt  }
0x5a: {  	_ =	shalt  }
0x5b: {  	_ =	shalt  }
0x5c: {  	_ =	shalt  }
0x5d: {  	_ =	shalt  }
0x5e: {  	_ =	shalt  }
0x5f: {  	_ =	shalt  }
0x60: {  	_ =	shalt  }
0x61: {  	_ =	shalt  }
0x62: {  	_ =	shalt  }
0x63: {  	_ =	shalt  }
0x64: {  	_ =	shalt  }
0x65: {  	_ =	shalt  }
0x66: {  	_ =	shalt  }
0x67: {  	_ =	shalt  }
0x68: {  	_ =	shalt  }
0x69: {  	_ =	shalt  }
0x6a: {  	_ =	shalt  }
0x6b: {  	_ =	shalt  }
0x6c: {  	_ =	shalt  }
0x6d: {  	_ =	shalt  }
0x6e: {  	_ =	shalt  }
0x6f: {  	_ =	shalt  }
0x70: {  	_ =	shalt  }
0x71: {  	_ =	shalt  }
0x72: {  	_ =	shalt  }
0x73: {  	_ =	shalt  }
0x74: {  	_ =	shalt  }
0x75: {  	_ =	shalt  }
0x76: {  	_ =	shalt  }
0x77: {  	_ =	shalt  }
0x78: {  	_ =	shalt  }
0x79: {  	_ =	shalt  }
0x7a: {  	_ =	shalt  }
0x7b: {  	_ =	shalt  }
0x7c: {  	_ =	shalt  }
0x7d: {  	_ =	shalt  }
0x7e: {  	_ =	shalt  }
0x7f: {  	_ =	shalt  }
0x80: {  	_ =	shalt  }
0x81: {  	_ =	shalt  }
0x82: {  	_ =	shalt  }
0x83: {  	_ =	shalt  }
0x84: {  	_ =	shalt  }
0x85: {  	_ =	shalt  }
0x86: {  	_ =	shalt  }
0x87: {  	_ =	shalt  }
.Lfunc_end0:
.L_simem_size_0:
called_computation.9_lowered:
.L_overlay_start_0:
0x88: {  	s2 =	sld [smem:$0x3FD9]  }
0x89: {  	s3 =	sld [smem:$0x3FFE];
	_ =	sdelay $0x1  }
0x8a: {  	s1 =	srdreg.scid  }
0x8b: {  	s0 =	sand.u32 $0x1, s1  }
0x8c: {  	s17 =	sshll.u32 s0, $0xA;
	s2 =	sadd.s32 s3, s2  }
0x8d: {  	s2 =	sadd.s32 s2, s17  }
0x8e: {  	[smem:$0x3FBA] =	sst s2  }
0x8f: {  	_ = 	snop  }
0x90: {  	s2 =	sld [smem:$0x3FD0];
	(tm) =	ssettm $0x1  }
0x91: {  	s18 =	sld [smem:$0x3FFB];
	_ =	sdelay $0x3  }
0x92: {  	_ =	strace s18  }
0x93: {  	s3 =	sld [smem:$0x3FFC];
	_ =	sdelay $0x3  }
0x94: {  	_ =	strace s3  }
0x95: {  	s3 =	sld [smem:$0x3FFD];
	_ =	sdelay $0x3  }
0x96: {  	_ =	strace s3  }
0x97: {  	_ =	strace $0x8FFFFFFF  }
0x98: {  	s19 =	sld [smem:$0x3FDB];
	_ =	sdelay $0x1  }
0x99: {  	s4 =	simm.s32 $_scs_section_size  }
0x9a: {  	s5 =	simm.s32 $_size__tile_overlayer_lowered;
	s6 =	simm.s32 $_tile_overlayer_lowered  }
0x9b: {  	s22 =	simm.s32 $0x1BFF;
	s21 =	sshll.u32 s6, $0x1;
	s3 =	sadd.s32 s4, s19  }
0x9c: {  	s7 =	simm.s32 $0x0;
	s20 =	sshll.u32 s5, $0x1;
	s5 =	sadd.s32 s21, s3  }
0x9d: {  	[timem:s7], [sflag:s22] =	dma.local [hbm:s5], s20  }
0x9e: {  	_ =	swait.ge [sflag:s22], s20  }
0x9f: {  	s4 =	ssub.s32 $0x0, s20;
	[sflag:s22] =	ssyncset.done $0x0  }
0xa0: {  	[sflag:s22] =	ssyncadd.s32 s4;
	_ =	sdelay $0x1  }
0xa1: {  	s23 =	simm.s32 $0x1B8B  }
0xa2: {  	_ =	swait.ge [sflag:s23], $0x1  }
0xa3: {  	[sflag:s23] =	ssyncset.done $0x0  }
0xa4: {  	s25 =	simm.s32 $0x1B8E;
	s24 =	sld [smem:$0x3FFE];
	[sflag:s23] =	ssyncadd.s32 $0xFFFFFFFF  }
0xa5: {  	s26 =	simm.s32 $execute0_lowered;
	[smem:$0x3FD2] =	sst s25  }
0xa6: {  	s5 =	sshll.u32 s26, $0x1;
	_ =	strace $0x80000061;
	[dreg:$0x1] =	wrdreg $0xFFFFFFFF  }
0xa7: {  	s28 =	simm.s32 $_size_execute0_lowered;
	s3 =	sadd.s32 s3, s5;
	[dreg:$0x0] =	wrdreg $0x0  }
0xa8: {  	s5 =	sshll.u32 s28, $0x1;
	[dreg:$0x2] =	wrdreg s3  }
0xa9: {  	[dreg:$0x3] =	wrdreg s5  }
0xaa: {  	[dreg:$0x4] =	wrdreg $0xC0  }
0xab: {  	_ =	task [dreg:s7], $0x5FFFF  }
0xac: {  	[dreg:$0x1] =	wrdreg $0xFFFFFFFF  }
0xad: {  	[dreg:$0x0] =	wrdreg $0x60  }
0xae: {  	[dreg:$0x2] =	wrdreg s24  }
0xaf: {  	[dreg:$0x3] =	wrdreg s2  }
0xb0: {  	[dreg:$0x4] =	wrdreg $0x90000  }
0xb1: {  	[dreg:$0x5] =	wrdreg $0x9  }
0xb2: {  	_ =	task.clear_ibuf [dreg:s7], $0x6FFFF;
	_ =	strace $0x90000061  }
0xb3: {  	s29 =	simm.s32 $0x9;
	_ =	strace $0x80000063  }
0xb4: {  	_ =	swait.ge [sflag:s29], $0x1  }
0xb5: {  	[sflag:s29] =	ssyncadd.s32 $0xFFFFFFFF  }
0xb6: {  	_ =	strace $0x90000063  }
0xb7: {  	_ =	sfence  }
0xb8: {  	s30 =	sld [smem:$0x0];
	_ =	sdelay $0x2  }
0xb9: {  	s31 =	sshll.u32 s1, $0xD;
	s1 =	sshrl.u32 s1, $0x2  }
0xba: {  	s3 =	sand.u32 $0x4000, s31;
	s1 =	sadd.s32 s1, s30  }
0xbb: {  	s0 =	sor.u32 s3, s0;
	s1 =	sshll.u32 s1, $0x11  }
0xbc: {  	s0 =	sor.u32 s1, s0  }
0xbd: {  	s0 =	sadd.s32 $0x8F2B, s0  }
0xbe: {  	[sflag:s0] =	ssyncadd.remote.s32 $0x1  }
0xbf: {  	_ =	sfence.sel $0xFFFF  }
0xc0: {  	[dreg:$0x0] =	wrdreg $0xFFFFFFFF;
	(pc) =	sbr.abs _section_cstart, $3  }
0xc1: {  	[dreg:$0x1] =	wrdreg $0xFFFFFFFF  }
0xc2: {  	_ =	task.clear_ibuf [dreg:s7], $0x2FFFF;
	_ =	strace $0x9FFFFFFF  }
0xc3: {  	(tm) =	ssettm $0x7FFFFFFF  }
tec
execute0_lowered:
.L_overlay_start_1:
0x0: {  	(tag) =	ssettag $0x1  }
0x1: {  	s6 =	rddreg [dreg:$0x0]  }
0x2: {  	s2 =	rddreg [dreg:$0x1];
	s1 =	srdreg.scid  }
0x3: {  	s0 =	stileid.u32;
	s3 =	rddreg [dreg:$0x2]  }
0x4: {  	s4 =	simm.s32 $0x0;
	s13 =	simm.s32 $0x80;
	s14 =	simm.s32 $0x5000  }
0x5: {  	s15 =	simm.s32 $0x1;
	s7 =	sand.u32 $0x1, s1;
	s1 =	rddreg [dreg:$0x3]  }
0x6: {  	s5 =	sshll.u32 s0, $0x1;
	[smem:$0x7FF] =	sst s4;
	s10 =	smul.u32 $0x50000, s0  }
0x7: {  	s17 =	smul.u32 $0x2800, s0;
	s31 =	sshll.u32 s0, $0x6;
	s5 =	sor.u32 s7, s5  }
0x8: {  	_ =	strace $0x80000062;
	s9 =	smul.u32 $0x28000, s7;
	s7 =	ssub.s32 $0x2, s7  }
0x9: {  	s8 =	smul.u32 $0x500, s5;
	s5 =	sadd.s32 $0x69400, s6;
	s30 =	sshrl.u32 s7, $0x1  }
0xa: {  	s10 =	sshrl.u32 s10, $0x2;
	s9 =	sadd.s32 s9, s6;
	s11 =	ssub.s32 s7, s30  }
0xb: {  	s12 =	sadd.s32 s10, s3;
	s10 =	simm.s32 $0x2800;
	s8 =	sadd.s32 s8, s6  }
0xc: {  	s16 =	sadd.s32 $0xB7800, s9;
	s9 =	simm.s32 $0x2;
	s12 =	sshrl.u32 s12, $0x3  }
0xd: {  	s6 =	sadd.s32 $0x11200, s8;
	s7 =	sadd.s32 $0x7200, s8;
	s8 =	smax.u32 s11, $0x1  }
0xe: {  	s11 =	sor.u32 $0x1C02, s31;
	s16 =	sadd.s32 s17, s16;
	s17 =	simm.s32 $0x0  }
.LBB2_1:
0xf: {  	[tilespmem:s4], [sflag:$0x2] =	stream.linear.gather [hbm4b:s6+s4], $0x2780, $0x38;
	[tilespmem:$0x1D000] =	vst v63  }
0x10: {  	_ =	swait.ge [sflag:s9], $0x2780  }
0x11: {  	[sflag:s9] =	ssyncset.done $0x0  }
0x12: {  	[sflag:s9] =	ssyncadd.s32 $0xFFFFD880  }
0x13: {  	[tilespmem:s10], [sflag:$0x2] =	stream.linear.gather [hbm4b:s7+s4], $0x2780, $0x38;
	[tilespmem:$0x1D000] =	vst v63  }
0x14: {  	_ =	swait.ge [sflag:s9], $0x2780  }
0x15: {  	[sflag:s9] =	ssyncset.done $0x0  }
0x16: {  	[sflag:s9] =	ssyncadd.s32 $0xFFFFD880  }
0x17: {  	[spmem:s12], [sflag:s11] =	dma.local [hbm:s2], $0x2800  }
0x18: {  	_ =	swait.ge [sflag:s9], $0x2800  }
0x19: {  	[sflag:s9] =	ssyncset.done $0x0  }
0x1a: {  	[sflag:s9] =	ssyncadd.s32 $0xFFFFD800  }
0x1b: {  	s18 =	simm.s32 $0x0;
	[bflag:$0x0] =	sbarrier.arrive $0xFFFF  }
0x1c: {  	[tilespmem:s14], [sflag:$0x1] =	stream.indirect.gather [hbm4b:s5+s13], $0x80, s18, s13, $0xb8;
	[tilespmem:$0x1D000] =	vst v63  }
0x1d: {  	_ =	swait.ge [sflag:s15], $0x4000  }
0x1e: {  	[sflag:s15] =	ssyncset.done $0x0  }
0x1f: {  	s31 =	simm.s32 $0x2800;
	[sflag:s15] =	ssyncadd.s32 $0xFFFFC000  }
0x20: {  	[spmem:s3] =	stream.indirect.scatter.add.f32 [tilespmem:s14], [sflag:$0x2], $0x80, s31, s13, $0xb8;
	[tilespmem:$0x1D000] =	vst v63  }
0x21: {  	_ =	swait.ge [sflag:s9], $0x4000  }
0x22: {  	s19 =	simm.s32 $0x400;
	s18 =	simm.s32 $0x200;
	[sflag:s9] =	ssyncset.done $0x0  }
.LBB2_2:
0x23: {  	s20 =	sshra.s32 s18, $0x2  }
0x24: {  	[sflag:s9] =	ssyncadd.s32 $0xFFFFC000;
	s18 =	smov.u32 s19;
	s21 =	sadd.s32 $0x200, s19  }
0x25: {  	[tilespmem:s14], [sflag:$0x1] =	stream.indirect.gather [hbm4b:s5+s13], $0x80, s20, s13, $0xb8;
	[tilespmem:$0x1D000] =	vst v63  }
0x26: {  	p0 =	sne.s32 s19, $0x9C00;
	_ =	swait.ge [sflag:s15], $0x4000  }
.Ltmp0:
0x27: {  	[sflag:s15] =	ssyncset.done $0x0;
	(pc) =	sbr.rel @p0 .LBB2_2-.Ltmp0, $4  }
0x28: {  	s19 =	sadd.s32 $0x2800, s20;
	[sflag:s15] =	ssyncadd.s32 $0xFFFFC000  }
0x29: {  	[spmem:s3] =	stream.indirect.scatter.add.f32 [tilespmem:s14], [sflag:$0x2], $0x80, s19, s13, $0xb8;
	[tilespmem:$0x1D000] =	vst v63  }
0x2a: {  	_ =	swait.ge [sflag:s9], $0x4000  }
0x2b: {  	s19 =	smov.u32 s21;
	[sflag:s9] =	ssyncset.done $0x0  }
0x2c: {  	s18 =	sshra.s32 s18, $0x2;
	[sflag:s9] =	ssyncadd.s32 $0xFFFFC000  }
0x2d: {  	[tilespmem:s14], [sflag:$0x1] =	stream.indirect.gather [hbm4b:s5+s13], $0x80, s18, s13, $0xb8;
	[tilespmem:$0x1D000] =	vst v63  }
0x2e: {  	_ =	swait.ge [sflag:s15], $0x4000  }
0x2f: {  	[sflag:s15] =	ssyncset.done $0x0  }
0x30: {  	s18 =	sadd.s32 $0x2800, s18;
	[sflag:s15] =	ssyncadd.s32 $0xFFFFC000  }
0x31: {  	[spmem:s3] =	stream.indirect.scatter.add.f32 [tilespmem:s14], [sflag:$0x2], $0x80, s18, s13, $0xb8;
	[tilespmem:$0x1D000] =	vst v63  }
0x32: {  	_ =	swait.ge [sflag:s9], $0x4000  }
0x33: {  	s17 =	sadd.s32 $0x1, s17;
	[sflag:s9] =	ssyncset.done $0x0  }
0x34: {  	p0 =	sne.s32 s17, s8;
	[sflag:s9] =	ssyncadd.s32 $0xFFFFC000  }
.Ltmp1:
0x35: {  	[bflag:$0x0] =	sbarrier.arrive $0xFFFF;
	(pc) =	sbr.rel @p0 .LBB2_1-.Ltmp1, $4  }
0x36: {  	[hbm:s16], [sflag:s11] =	dma.local [spmem:s12], $0x2800  }
0x37: {  	_ =	swait.ge [sflag:s9], $0x2800  }
0x38: {  	[sflag:s9] =	ssyncset.done $0x0  }
0x39: {  	[sflag:s9] =	ssyncadd.s32 $0xFFFFD800  }
0x3a: {  	_ =	sfence.sel $0x180000  }
0x3b: {  	[bflag:$0x0] =	sbarrier.arrive $0xFFFF  }
0x3c: {  	p0 =	sne.s32 s0, $0x0;
	_ =	strace $0x90000062  }
0x3d: {  	s0 =	sadd.s32 @!p0 $0x100000, s1;
	[bflag:$0x2] =	sbarrier.arrive $0xFFFF  }
0x3e: {  	[sflag:s0] =	ssyncadd.tile.s32 @!p0 $0x1;
	_ =	shalt  }
.Lfunc_end2:
_tile_overlayer_lowered:
.L_overlay_start_2:
0x3f: {  	(tag) =	ssettag $0x2  }
0x40: {  	s0 =	rddreg [dreg:$0x0];
	s2 =	stileid.u32  }
0x41: {  	s1 =	rddreg [dreg:$0x1];
	p0 =	sne.s32 s2, $0x0  }
0x42: {  	s3 =	rddreg [dreg:$0x2];
	[bflag:$0x3] =	sbarrier.arrive $0xFFFF;
	s2 =	simm.s32 @!p0 $0x1C02  }
0x43: {  	[timem:s3], [sflag:s2] =	dma.local @!p0 [hbm:s0], s1  }
0x44: {  	s0 =	simm.s32 @!p0 $0x2  }
0x45: {  	_ =	swait.ge @!p0 [sflag:s0], s1  }
0x46: {  	s1 =	ssub.s32 @!p0 $0x0, s1;
	[sflag:s0] =	ssyncset.done @!p0 $0x0  }
0x47: {  	[sflag:s0] =	ssyncadd.s32 @!p0 s1  }
0x48: {  	[bflag:$0x3] =	sbarrier.arrive $0xFFFF  }
0x49: {  	_ =	shalt  }

// kernel: kernel.51.cloned.1.call-start
scs
__scs_entry_jumppad:
0x0: {  	(pc) =	sbr.rel $0x88, $3  }
0x1: {  	(tag) =	ssettag $0x0;
	lr =	simm.s32 $0x1  }
0x2: {  	[smem:$0x3F93] =	sst lr;
	_ =	strace $0xD0000000  }
0x3: {  	_ = 	snop  }
0x4: {  	_ = 	snop  }
0x5: {  	_ = 	snop  }
0x6: {  	_ = 	snop  }
0x7: {  	_ = 	snop  }
__scs_overlays_trampoline_lowered:
0x8: {  	[smem:$0x3FA2] =	sst s0  }
0x9: {  	[smem:$0x3FA3] =	sst s1  }
0xa: {  	[smem:$0x3FA4] =	sst s2  }
0xb: {  	[smem:$0x3FA5] =	sst s3  }
0xc: {  	[smem:$0x3FA6] =	sst s4  }
0xd: {  	[smem:$0x3FA7] =	sst s5  }
0xe: {  	[smem:$0x3FA8] =	sst s6  }
0xf: {  	[smem:$0x3FA9] =	sst s7  }
0x10: {  	[smem:$0x3FAA] =	sst s8  }
0x11: {  	[smem:$0x3FAB] =	sst s9;
	s0 =	simm.s32 @!p0 $0x0  }
0x12: {  	s1 =	sld [smem:$0x3F91];
	s0 =	simm.s32 @p0 $0x1  }
0x13: {  	[smem:$0x3FAC] =	sst s0;
	s0 =	simm.s32 @!p1 $0x0  }
0x14: {  	s2 =	sld [smem:$0x3F90];
	s0 =	simm.s32 @p1 $0x1  }
0x15: {  	[smem:$0x3FAD] =	sst s0;
	s0 =	simm.s32 @!p2 $0x0  }
0x16: {  	s3 =	sld [smem:$0x3FDB];
	s0 =	simm.s32 @p2 $0x1  }
0x17: {  	s4 =	simm.s32 $0x1BF5;
	[smem:$0x3FAF] =	sst s0  }
0x18: {  	s0 =	sld [smem:$0x3F92];
	_ =	swait.ge [sflag:s4], $0x0  }
0x19: {  	s7 =	sld [smem:$0x3F93]  }
0x1a: {  	s8 =	sadd.s32 $0xFFFFE003, lr  }
0x1b: {  	s9 =	sadd.s32 $0xFFFFFEF7, lr;
	s5 =	simm.s32 $0xFFFFFFFF;
	p2 =	slt.u32 s8, $0xFFFFF086  }
0x1c: {  	p1 =	slt.u32 s9, $0xF7A;
	s5 =	simm.s32 @!p2 $0x0  }
0x1d: {  	s5 =	simm.s32 @p1 $0x1;
	p0 =	seq.s32 s7, s2  }
0x1e: {  	s7 =	smul.u32 @!p0 $0xF7A, s2;
	p2 =	seq.s32 @!p0 s5, $0x0  }
0x1f: {  	s9 =	smul.u32 $0xF7A, s1;
	s8 =	simm.s32 @!p0 $0x1BF5;
	p2 =	por !p2, p0  }
0x20: {  	[sflag:s8] =	ssyncset.s32 @!p0 $0xFFFFF086;
	s6 =	sadd.s32 @!p0 s3, s7;
	s7 =	simm.s32 @!p0 $0x108  }
0x21: {  	s3 =	sadd.s32 s3, s9;
	s6 =	sadd.s32 @!p0 $0x88, s6;
	s7 =	simm.s32 @p2 $0x1082  }
0x22: {  	[simem:s7], [sflag:s8] =	dma.local @!p0 [hbm:s6], $0xF7A  }
0x23: {  	s9 =	sor.u32 $0xD0000000, s2;
	s6 =	simm.s32 $0x108;
	_ =	swait.ge @!p0 [sflag:s8], $0x0  }
0x24: {  	s3 =	sadd.s32 $0x88, s3;
	s6 =	simm.s32 @!p1 $0x1082;
	[sflag:s4] =	ssyncset.s32 $0xFFFFF086  }
0x25: {  	[simem:s6], [sflag:s4] =	dma.local [hbm:s3], $0xF7A  }
0x26: {  	[smem:$0x3F93] =	sst s1;
	(tag) =	ssettag s2;
	_ =	strace s9  }
0x27: {  	s1 =	sld [smem:$0x3FA3]  }
0x28: {  	s2 =	sld [smem:$0x3FA4]  }
0x29: {  	s4 =	sld [smem:$0x3FA6]  }
0x2a: {  	p0 =	seq.s32 s5, $0x0;
	s5 =	sld [smem:$0x3FA7]  }
0x2b: {  	s6 =	sld [smem:$0x3FA8]  }
0x2c: {  	s7 =	sld [smem:$0x3FA9]  }
0x2d: {  	s3 =	simm.s32 $0x108;
	s8 =	sld [smem:$0x3FAA]  }
0x2e: {  	s3 =	simm.s32 @!p0 $0x1082;
	s9 =	sld [smem:$0x3FAB]  }
0x2f: {  	lr =	sadd.s32 s0, s3;
	s0 =	sld [smem:$0x3FA2]  }
0x30: {  	s3 =	sld [smem:$0x3FA5]  }
0x31: {  	[smem:$0x3FAE] =	sst s10  }
0x32: {  	s10 =	sld [smem:$0x3FAC];
	_ =	sdelay $0x3  }
0x33: {  	p0 =	seq.s32 s10, $0x1;
	s10 =	sld [smem:$0x3FAE];
	_ =	sdelay $0x3  }
0x34: {  	[smem:$0x3FAE] =	sst s10  }
0x35: {  	s10 =	sld [smem:$0x3FAD];
	_ =	sdelay $0x3  }
0x36: {  	p1 =	seq.s32 s10, $0x1;
	s10 =	sld [smem:$0x3FAE];
	_ =	sdelay $0x3  }
0x37: {  	[smem:$0x3FAE] =	sst s10  }
0x38: {  	s10 =	sld [smem:$0x3FAF]  }
0x39: {  	_ = 	snop;
	(pc) =	sbr.ind lr, $3  }
0x3a: {  	_ = 	snop  }
0x3b: {  	_ = 	snop  }
0x3c: {  	p2 =	seq.s32 s10, $0x1;
	s10 =	sld [smem:$0x3FAE]  }
0x3d: {  	_ =	shalt  }
0x3e: {  	_ =	shalt  }
0x3f: {  	_ =	shalt  }
0x40: {  	_ =	shalt  }
0x41: {  	_ =	shalt  }
0x42: {  	_ =	shalt  }
0x43: {  	_ =	shalt  }
0x44: {  	_ =	shalt  }
0x45: {  	_ =	shalt  }
0x46: {  	_ =	shalt  }
0x47: {  	_ =	shalt  }
0x48: {  	_ =	shalt  }
0x49: {  	_ =	shalt  }
0x4a: {  	_ =	shalt  }
0x4b: {  	_ =	shalt  }
0x4c: {  	_ =	shalt  }
0x4d: {  	_ =	shalt  }
0x4e: {  	_ =	shalt  }
0x4f: {  	_ =	shalt  }
0x50: {  	_ =	shalt  }
0x51: {  	_ =	shalt  }
0x52: {  	_ =	shalt  }
0x53: {  	_ =	shalt  }
0x54: {  	_ =	shalt  }
0x55: {  	_ =	shalt  }
0x56: {  	_ =	shalt  }
0x57: {  	_ =	shalt  }
0x58: {  	_ =	shalt  }
0x59: {  	_ =	shalt  }
0x5a: {  	_ =	shalt  }
0x5b: {  	_ =	shalt  }
0x5c: {  	_ =	shalt  }
0x5d: {  	_ =	shalt  }
0x5e: {  	_ =	shalt  }
0x5f: {  	_ =	shalt  }
0x60: {  	_ =	shalt  }
0x61: {  	_ =	shalt  }
0x62: {  	_ =	shalt  }
0x63: {  	_ =	shalt  }
0x64: {  	_ =	shalt  }
0x65: {  	_ =	shalt  }
0x66: {  	_ =	shalt  }
0x67: {  	_ =	shalt  }
0x68: {  	_ =	shalt  }
0x69: {  	_ =	shalt  }
0x6a: {  	_ =	shalt  }
0x6b: {  	_ =	shalt  }
0x6c: {  	_ =	shalt  }
0x6d: {  	_ =	shalt  }
0x6e: {  	_ =	shalt  }
0x6f: {  	_ =	shalt  }
0x70: {  	_ =	shalt  }
0x71: {  	_ =	shalt  }
0x72: {  	_ =	shalt  }
0x73: {  	_ =	shalt  }
0x74: {  	_ =	shalt  }
0x75: {  	_ =	shalt  }
0x76: {  	_ =	shalt  }
0x77: {  	_ =	shalt  }
0x78: {  	_ =	shalt  }
0x79: {  	_ =	shalt  }
0x7a: {  	_ =	shalt  }
0x7b: {  	_ =	shalt  }
0x7c: {  	_ =	shalt  }
0x7d: {  	_ =	shalt  }
0x7e: {  	_ =	shalt  }
0x7f: {  	_ =	shalt  }
0x80: {  	_ =	shalt  }
0x81: {  	_ =	shalt  }
0x82: {  	_ =	shalt  }
0x83: {  	_ =	shalt  }
0x84: {  	_ =	shalt  }
0x85: {  	_ =	shalt  }
0x86: {  	_ =	shalt  }
0x87: {  	_ =	shalt  }
.Lfunc_end0:
.L_simem_size_0:
called_computation.10_lowered:
.L_overlay_start_0:
0x88: {  	s2 =	sld [smem:$0x3FD9]  }
0x89: {  	s3 =	sld [smem:$0x3FFE];
	_ =	sdelay $0x1  }
0x8a: {  	s1 =	srdreg.scid  }
0x8b: {  	s0 =	sand.u32 $0x1, s1  }
0x8c: {  	s17 =	sshll.u32 s0, $0xA;
	s2 =	sadd.s32 s3, s2  }
0x8d: {  	s2 =	sadd.s32 s2, s17  }
0x8e: {  	[smem:$0x3FBA] =	sst s2  }
0x8f: {  	_ = 	snop  }
0x90: {  	s18 =	sld [smem:$0x3FD0];
	(tm) =	ssettm $0x1  }
0x91: {  	s19 =	sld [smem:$0x3FFB];
	_ =	sdelay $0x3  }
0x92: {  	_ =	strace s19  }
0x93: {  	s2 =	sld [smem:$0x3FFC];
	_ =	sdelay $0x3  }
0x94: {  	_ =	strace s2  }
0x95: {  	s2 =	sld [smem:$0x3FFD];
	_ =	sdelay $0x3  }
0x96: {  	_ =	strace s2  }
0x97: {  	_ =	strace $0x8FFFFFFF  }
0x98: {  	s20 =	sld [smem:$0x3FDB];
	_ =	sdelay $0x1  }
0x99: {  	s4 =	simm.s32 $_scs_section_size  }
0x9a: {  	s5 =	simm.s32 $_size__tile_overlayer_lowered;
	s6 =	simm.s32 $_tile_overlayer_lowered  }
0x9b: {  	s7 =	simm.s32 $0x1BFF;
	s21 =	sshll.u32 s6, $0x1;
	s4 =	sadd.s32 s4, s20  }
0x9c: {  	s22 =	simm.s32 $0x0;
	s5 =	sshll.u32 s5, $0x1;
	s6 =	sadd.s32 s21, s4  }
0x9d: {  	[timem:s22], [sflag:s7] =	dma.local [hbm:s6], s5  }
0x9e: {  	_ =	swait.ge [sflag:s7], s5  }
0x9f: {  	s5 =	ssub.s32 $0x0, s5;
	[sflag:s7] =	ssyncset.done $0x0  }
0xa0: {  	[sflag:s7] =	ssyncadd.s32 s5;
	_ =	sdelay $0x1  }
0xa1: {  	s23 =	simm.s32 $0x1B8B  }
0xa2: {  	_ =	swait.ge [sflag:s23], $0x1  }
0xa3: {  	[sflag:s23] =	ssyncset.done $0x0  }
0xa4: {  	[sflag:s23] =	ssyncadd.s32 $0xFFFFFFFF  }
0xa5: {  	s5 =	sld [smem:$0x0]  }
0xa6: {  	s6 =	sand.u32 $0xFFFFFFFE, s1  }
0xa7: {  	p0 =	sne.s32 s1, s6  }
0xa8: {  	s6 =	sshll.u32 @p0 s6, $0xE  }
0xa9: {  	s6 =	sadd.s32 @p0 $0x11B8D, s6;
	s7 =	sshll.u32 @p0 s5, $0x11  }
0xaa: {  	s6 =	sor.u32 @p0 s7, s6  }
0xab: {  	[sflag:s6] =	ssyncadd.remote.s32 @p0 $0x1;
	_ =	sdelay $0x1  }
0xac: {  	s6 =	simm.s32 @p0 $0x1B8D  }
0xad: {  	_ =	swait.eq @p0 [sflag:s6], $0x1  }
0xae: {  	[sflag:s6] =	ssyncadd.s32 @p0 $0xFFFFFFFF  }
0xaf: {  	s7 =	sshll.u32 @!p0 s1, $0xE  }
0xb0: {  	s7 =	sor.u32 @!p0 $0x4000, s7;
	s6 =	simm.s32 @!p0 $0x1B8D  }
0xb1: {  	s5 =	sshll.u32 @!p0 s5, $0x11;
	s7 =	sadd.s32 @!p0 $0x11B8D, s7;
	_ =	swait.eq @!p0 [sflag:s6], $0x1  }
0xb2: {  	s5 =	sor.u32 @!p0 s5, s7;
	[sflag:s6] =	ssyncadd.s32 @!p0 $0xFFFFFFFF  }
0xb3: {  	s25 =	simm.s32 $0x1B8E;
	s24 =	sld [smem:$0x3FFE];
	[sflag:s5] =	ssyncadd.remote.s32 @!p0 $0x1  }
0xb4: {  	s26 =	simm.s32 $execute0_lowered;
	[smem:$0x3FD2] =	sst s25  }
0xb5: {  	s6 =	sshll.u32 s26, $0x1;
	_ =	strace $0x80000064;
	[dreg:$0x1] =	wrdreg $0xFFFFFFFF  }
0xb6: {  	s28 =	simm.s32 $_size_execute0_lowered;
	s4 =	sadd.s32 s4, s6;
	[dreg:$0x0] =	wrdreg $0x0  }
0xb7: {  	s6 =	sshll.u32 s28, $0x1;
	[dreg:$0x2] =	wrdreg s4  }
0xb8: {  	[dreg:$0x3] =	wrdreg s6  }
0xb9: {  	[dreg:$0x4] =	wrdreg $0xC0  }
0xba: {  	_ =	task [dreg:s22], $0x5FFFF  }
0xbb: {  	[dreg:$0x1] =	wrdreg $0xFFFFFFFF  }
0xbc: {  	[dreg:$0x0] =	wrdreg $0x60  }
0xbd: {  	[dreg:$0x2] =	wrdreg s24  }
0xbe: {  	[dreg:$0x3] =	wrdreg s18  }
0xbf: {  	[dreg:$0x4] =	wrdreg $0x90000  }
0xc0: {  	[dreg:$0x5] =	wrdreg $0xA  }
0xc1: {  	_ =	task.clear_ibuf [dreg:s22], $0x6FFFF;
	_ =	strace $0x90000064  }
0xc2: {  	s29 =	simm.s32 $0xA;
	_ =	strace $0x80000066  }
0xc3: {  	_ =	swait.ge [sflag:s29], $0x1  }
0xc4: {  	[sflag:s29] =	ssyncadd.s32 $0xFFFFFFFF  }
0xc5: {  	_ =	strace $0x90000066  }
0xc6: {  	_ =	sfence  }
0xc7: {  	s30 =	sld [smem:$0x0];
	_ =	sdelay $0x2  }
0xc8: {  	s31 =	sshll.u32 s1, $0xD;
	s1 =	sshrl.u32 s1, $0x2  }
0xc9: {  	s4 =	sand.u32 $0x4000, s31;
	s1 =	sadd.s32 s1, s30  }
0xca: {  	s0 =	sor.u32 s4, s0;
	s1 =	sshll.u32 s1, $0x11  }
0xcb: {  	s0 =	sor.u32 s1, s0  }
0xcc: {  	s0 =	sadd.s32 $0x8F2B, s0  }
0xcd: {  	[sflag:s0] =	ssyncadd.remote.s32 $0x1  }
0xce: {  	_ =	sfence.sel $0xFFFF  }
0xcf: {  	[dreg:$0x0] =	wrdreg $0xFFFFFFFF;
	(pc) =	sbr.abs _section_cstart, $3  }
0xd0: {  	[dreg:$0x1] =	wrdreg $0xFFFFFFFF  }
0xd1: {  	_ =	task.clear_ibuf [dreg:s22], $0x2FFFF;
	_ =	strace $0x9FFFFFFF  }
0xd2: {  	(tm) =	ssettm $0x7FFFFFFF  }
0xd3: {  	_ =	shalt  }
tec
execute0_lowered:
.L_overlay_start_1:
0x0: {  	(tag) =	ssettag $0x1  }
0x1: {  	s6 =	rddreg [dreg:$0x0]  }
0x2: {  	s2 =	rddreg [dreg:$0x1];
	s1 =	srdreg.scid  }
0x3: {  	s0 =	stileid.u32;
	s3 =	rddreg [dreg:$0x2]  }
0x4: {  	s4 =	simm.s32 $0x0;
	s13 =	simm.s32 $0x80;
	s14 =	simm.s32 $0x5000  }
0x5: {  	s15 =	simm.s32 $0x1;
	s7 =	sand.u32 $0x1, s1;
	s1 =	rddreg [dreg:$0x3]  }
0x6: {  	s5 =	sshll.u32 s0, $0x1;
	[smem:$0x7FF] =	sst s4;
	s10 =	smul.u32 $0x50000, s0  }
0x7: {  	s17 =	smul.u32 $0x2800, s0;
	s31 =	sshll.u32 s0, $0x6;
	s5 =	sor.u32 s7, s5  }
0x8: {  	_ =	strace $0x80000065;
	s9 =	smul.u32 $0x28000, s7;
	s7 =	ssub.s32 $0x2, s7  }
0x9: {  	s8 =	smul.u32 $0x500, s5;
	s5 =	sadd.s32 $0x90600, s6;
	s30 =	sshrl.u32 s7, $0x1  }
0xa: {  	s10 =	sshrl.u32 s10, $0x2;
	s9 =	sadd.s32 s9, s6;
	s11 =	ssub.s32 s7, s30  }
0xb: {  	s12 =	sadd.s32 s10, s3;
	s10 =	simm.s32 $0x2800;
	s8 =	sadd.s32 s8, s6  }
0xc: {  	s16 =	sadd.s32 $0x107800, s9;
	s9 =	simm.s32 $0x2;
	s12 =	sshrl.u32 s12, $0x3  }
0xd: {  	s6 =	sadd.s32 $0x11200, s8;
	s7 =	sadd.s32 $0x7200, s8;
	s8 =	smax.u32 s11, $0x1  }
0xe: {  	s11 =	sor.u32 $0x1C02, s31;
	s16 =	sadd.s32 s17, s16;
	s17 =	simm.s32 $0x0  }
.LBB2_1:
0xf: {  	[tilespmem:s4], [sflag:$0x2] =	stream.linear.gather [hbm4b:s6+s4], $0x2780, $0x38;
	[tilespmem:$0x1D000] =	vst v63  }
0x10: {  	_ =	swait.ge [sflag:s9], $0x2780  }
0x11: {  	[sflag:s9] =	ssyncset.done $0x0  }
0x12: {  	[sflag:s9] =	ssyncadd.s32 $0xFFFFD880  }
0x13: {  	[tilespmem:s10], [sflag:$0x2] =	stream.linear.gather [hbm4b:s7+s4], $0x2780, $0x38;
	[tilespmem:$0x1D000] =	vst v63  }
0x14: {  	_ =	swait.ge [sflag:s9], $0x2780  }
0x15: {  	[sflag:s9] =	ssyncset.done $0x0  }
0x16: {  	[sflag:s9] =	ssyncadd.s32 $0xFFFFD880  }
0x17: {  	[spmem:s12], [sflag:s11] =	dma.local [hbm:s2], $0x2800  }
0x18: {  	_ =	swait.ge [sflag:s9], $0x2800  }
0x19: {  	[sflag:s9] =	ssyncset.done $0x0  }
0x1a: {  	[sflag:s9] =	ssyncadd.s32 $0xFFFFD800  }
0x1b: {  	s18 =	simm.s32 $0x0;
	[bflag:$0x0] =	sbarrier.arrive $0xFFFF  }
0x1c: {  	[tilespmem:s14], [sflag:$0x1] =	stream.indirect.gather [hbm4b:s5+s13], $0x80, s18, s13, $0xb8;
	[tilespmem:$0x1D000] =	vst v63  }
0x1d: {  	_ =	swait.ge [sflag:s15], $0x4000  }
0x1e: {  	[sflag:s15] =	ssyncset.done $0x0  }
0x1f: {  	s31 =	simm.s32 $0x2800;
	[sflag:s15] =	ssyncadd.s32 $0xFFFFC000  }
0x20: {  	[spmem:s3] =	stream.indirect.scatter.add.f32 [tilespmem:s14], [sflag:$0x2], $0x80, s31, s13, $0xb8;
	[tilespmem:$0x1D000] =	vst v63  }
0x21: {  	_ =	swait.ge [sflag:s9], $0x4000  }
0x22: {  	s19 =	simm.s32 $0x400;
	s18 =	simm.s32 $0x200;
	[sflag:s9] =	ssyncset.done $0x0  }
.LBB2_2:
0x23: {  	s20 =	sshra.s32 s18, $0x2  }
0x24: {  	[sflag:s9] =	ssyncadd.s32 $0xFFFFC000;
	s18 =	smov.u32 s19;
	s21 =	sadd.s32 $0x200, s19  }
0x25: {  	[tilespmem:s14], [sflag:$0x1] =	stream.indirect.gather [hbm4b:s5+s13], $0x80, s20, s13, $0xb8;
	[tilespmem:$0x1D000] =	vst v63  }
0x26: {  	p0 =	sne.s32 s19, $0x9C00;
	_ =	swait.ge [sflag:s15], $0x4000  }
.Ltmp0:
0x27: {  	[sflag:s15] =	ssyncset.done $0x0;
	(pc) =	sbr.rel @p0 .LBB2_2-.Ltmp0, $4  }
0x28: {  	s19 =	sadd.s32 $0x2800, s20;
	[sflag:s15] =	ssyncadd.s32 $0xFFFFC000  }
0x29: {  	[spmem:s3] =	stream.indirect.scatter.add.f32 [tilespmem:s14], [sflag:$0x2], $0x80, s19, s13, $0xb8;
	[tilespmem:$0x1D000] =	vst v63  }
0x2a: {  	_ =	swait.ge [sflag:s9], $0x4000  }
0x2b: {  	s19 =	smov.u32 s21;
	[sflag:s9] =	ssyncset.done $0x0  }
0x2c: {  	s18 =	sshra.s32 s18, $0x2;
	[sflag:s9] =	ssyncadd.s32 $0xFFFFC000  }
0x2d: {  	[tilespmem:s14], [sflag:$0x1] =	stream.indirect.gather [hbm4b:s5+s13], $0x80, s18, s13, $0xb8;
	[tilespmem:$0x1D000] =	vst v63  }
0x2e: {  	_ =	swait.ge [sflag:s15], $0x4000  }
0x2f: {  	[sflag:s15] =	ssyncset.done $0x0  }
0x30: {  	s18 =	sadd.s32 $0x2800, s18;
	[sflag:s15] =	ssyncadd.s32 $0xFFFFC000  }
0x31: {  	[spmem:s3] =	stream.indirect.scatter.add.f32 [tilespmem:s14], [sflag:$0x2], $0x80, s18, s13, $0xb8;
	[tilespmem:$0x1D000] =	vst v63  }
0x32: {  	_ =	swait.ge [sflag:s9], $0x4000  }
0x33: {  	s17 =	sadd.s32 $0x1, s17;
	[sflag:s9] =	ssyncset.done $0x0  }
0x34: {  	p0 =	sne.s32 s17, s8;
	[sflag:s9] =	ssyncadd.s32 $0xFFFFC000  }
.Ltmp1:
0x35: {  	[bflag:$0x0] =	sbarrier.arrive $0xFFFF;
	(pc) =	sbr.rel @p0 .LBB2_1-.Ltmp1, $4  }
0x36: {  	[hbm:s16], [sflag:s11] =	dma.local [spmem:s12], $0x2800  }
0x37: {  	_ =	swait.ge [sflag:s9], $0x2800  }
0x38: {  	[sflag:s9] =	ssyncset.done $0x0  }
0x39: {  	[sflag:s9] =	ssyncadd.s32 $0xFFFFD800  }
0x3a: {  	_ =	sfence.sel $0x180000  }
0x3b: {  	[bflag:$0x0] =	sbarrier.arrive $0xFFFF  }
0x3c: {  	p0 =	sne.s32 s0, $0x0;
	_ =	strace $0x90000065  }
0x3d: {  	s0 =	sadd.s32 @!p0 $0x100000, s1;
	[bflag:$0x2] =	sbarrier.arrive $0xFFFF  }
0x3e: {  	[sflag:s0] =	ssyncadd.tile.s32 @!p0 $0x1;
	_ =	shalt  }
.Lfunc_end2:
_tile_overlayer_lowered:
.L_overlay_start_2:
0x3f: {  	(tag) =	ssettag $0x2  }
0x40: {  	s0 =	rddreg [dreg:$0x0];
	s2 =	stileid.u32  }
0x41: {  	s1 =	rddreg [dreg:$0x1];
	p0 =	sne.s32 s2, $0x0  }
0x42: {  	s3 =	rddreg [dreg:$0x2];
	[bflag:$0x3] =	sbarrier.arrive $0xFFFF;
	s2 =	simm.s32 @!p0 $0x1C02  }
0x43: {  	[timem:s3], [sflag:s2] =	dma.local @!p0 [hbm:s0], s1  }
0x44: {  	s0 =	simm.s32 @!p0 $0x2  }
0x45: {  	_ =	swait.ge @!p0 [sflag:s0], s1  }
0x46: {  	s1 =	ssub.s32 @!p0 $0x0, s1;
	[sflag:s0] =	ssyncset.done @!p0 $0x0  }
0x47: {  	[sflag:s0] =	ssyncadd.s32 @!p0 s1  }
0x48: {  	[bflag:$0x3] =	sbarrier.arrive $0xFFFF  }
0x49: {  	_ =	shalt  }

// kernel: kernel.54.cloned.1.call-start
scs
__scs_entry_jumppad:
0x0: {  	(pc) =	sbr.rel $0x88, $3  }
0x1: {  	(tag) =	ssettag $0x0;
	lr =	simm.s32 $0x1  }
0x2: {  	[smem:$0x3F93] =	sst lr;
	_ =	strace $0xD0000000  }
0x3: {  	_ = 	snop  }
0x4: {  	_ = 	snop  }
0x5: {  	_ = 	snop  }
0x6: {  	_ = 	snop  }
0x7: {  	_ = 	snop  }
__scs_overlays_trampoline_lowered:
0x8: {  	[smem:$0x3FA2] =	sst s0  }
0x9: {  	[smem:$0x3FA3] =	sst s1  }
0xa: {  	[smem:$0x3FA4] =	sst s2  }
0xb: {  	[smem:$0x3FA5] =	sst s3  }
0xc: {  	[smem:$0x3FA6] =	sst s4  }
0xd: {  	[smem:$0x3FA7] =	sst s5  }
0xe: {  	[smem:$0x3FA8] =	sst s6  }
0xf: {  	[smem:$0x3FA9] =	sst s7  }
0x10: {  	[smem:$0x3FAA] =	sst s8  }
0x11: {  	[smem:$0x3FAB] =	sst s9;
	s0 =	simm.s32 @!p0 $0x0  }
0x12: {  	s1 =	sld [smem:$0x3F91];
	s0 =	simm.s32 @p0 $0x1  }
0x13: {  	[smem:$0x3FAC] =	sst s0;
	s0 =	simm.s32 @!p1 $0x0  }
0x14: {  	s2 =	sld [smem:$0x3F90];
	s0 =	simm.s32 @p1 $0x1  }
0x15: {  	[smem:$0x3FAD] =	sst s0;
	s0 =	simm.s32 @!p2 $0x0  }
0x16: {  	s3 =	sld [smem:$0x3FDB];
	s0 =	simm.s32 @p2 $0x1  }
0x17: {  	s4 =	simm.s32 $0x1BF5;
	[smem:$0x3FAF] =	sst s0  }
0x18: {  	s0 =	sld [smem:$0x3F92];
	_ =	swait.ge [sflag:s4], $0x0  }
0x19: {  	s7 =	sld [smem:$0x3F93]  }
0x1a: {  	s8 =	sadd.s32 $0xFFFFE003, lr  }
0x1b: {  	s9 =	sadd.s32 $0xFFFFFEF7, lr;
	s5 =	simm.s32 $0xFFFFFFFF;
	p2 =	slt.u32 s8, $0xFFFFF086  }
0x1c: {  	p1 =	slt.u32 s9, $0xF7A;
	s5 =	simm.s32 @!p2 $0x0  }
0x1d: {  	s5 =	simm.s32 @p1 $0x1;
	p0 =	seq.s32 s7, s2  }
0x1e: {  	s7 =	smul.u32 @!p0 $0xF7A, s2;
	p2 =	seq.s32 @!p0 s5, $0x0  }
0x1f: {  	s9 =	smul.u32 $0xF7A, s1;
	s8 =	simm.s32 @!p0 $0x1BF5;
	p2 =	por !p2, p0  }
0x20: {  	[sflag:s8] =	ssyncset.s32 @!p0 $0xFFFFF086;
	s6 =	sadd.s32 @!p0 s3, s7;
	s7 =	simm.s32 @!p0 $0x108  }
0x21: {  	s3 =	sadd.s32 s3, s9;
	s6 =	sadd.s32 @!p0 $0x88, s6;
	s7 =	simm.s32 @p2 $0x1082  }
0x22: {  	[simem:s7], [sflag:s8] =	dma.local @!p0 [hbm:s6], $0xF7A  }
0x23: {  	s9 =	sor.u32 $0xD0000000, s2;
	s6 =	simm.s32 $0x108;
	_ =	swait.ge @!p0 [sflag:s8], $0x0  }
0x24: {  	s3 =	sadd.s32 $0x88, s3;
	s6 =	simm.s32 @!p1 $0x1082;
	[sflag:s4] =	ssyncset.s32 $0xFFFFF086  }
0x25: {  	[simem:s6], [sflag:s4] =	dma.local [hbm:s3], $0xF7A  }
0x26: {  	[smem:$0x3F93] =	sst s1;
	(tag) =	ssettag s2;
	_ =	strace s9  }
0x27: {  	s1 =	sld [smem:$0x3FA3]  }
0x28: {  	s2 =	sld [smem:$0x3FA4]  }
0x29: {  	s4 =	sld [smem:$0x3FA6]  }
0x2a: {  	p0 =	seq.s32 s5, $0x0;
	s5 =	sld [smem:$0x3FA7]  }
0x2b: {  	s6 =	sld [smem:$0x3FA8]  }
0x2c: {  	s7 =	sld [smem:$0x3FA9]  }
0x2d: {  	s3 =	simm.s32 $0x108;
	s8 =	sld [smem:$0x3FAA]  }
0x2e: {  	s3 =	simm.s32 @!p0 $0x1082;
	s9 =	sld [smem:$0x3FAB]  }
0x2f: {  	lr =	sadd.s32 s0, s3;
	s0 =	sld [smem:$0x3FA2]  }
0x30: {  	s3 =	sld [smem:$0x3FA5]  }
0x31: {  	[smem:$0x3FAE] =	sst s10  }
0x32: {  	s10 =	sld [smem:$0x3FAC];
	_ =	sdelay $0x3  }
0x33: {  	p0 =	seq.s32 s10, $0x1;
	s10 =	sld [smem:$0x3FAE];
	_ =	sdelay $0x3  }
0x34: {  	[smem:$0x3FAE] =	sst s10  }
0x35: {  	s10 =	sld [smem:$0x3FAD];
	_ =	sdelay $0x3  }
0x36: {  	p1 =	seq.s32 s10, $0x1;
	s10 =	sld [smem:$0x3FAE];
	_ =	sdelay $0x3  }
0x37: {  	[smem:$0x3FAE] =	sst s10  }
0x38: {  	s10 =	sld [smem:$0x3FAF]  }
0x39: {  	_ = 	snop;
	(pc) =	sbr.ind lr, $3  }
0x3a: {  	_ = 	snop  }
0x3b: {  	_ = 	snop  }
0x3c: {  	p2 =	seq.s32 s10, $0x1;
	s10 =	sld [smem:$0x3FAE]  }
0x3d: {  	_ =	shalt  }
0x3e: {  	_ =	shalt  }
0x3f: {  	_ =	shalt  }
0x40: {  	_ =	shalt  }
0x41: {  	_ =	shalt  }
0x42: {  	_ =	shalt  }
0x43: {  	_ =	shalt  }
0x44: {  	_ =	shalt  }
0x45: {  	_ =	shalt  }
0x46: {  	_ =	shalt  }
0x47: {  	_ =	shalt  }
0x48: {  	_ =	shalt  }
0x49: {  	_ =	shalt  }
0x4a: {  	_ =	shalt  }
0x4b: {  	_ =	shalt  }
0x4c: {  	_ =	shalt  }
0x4d: {  	_ =	shalt  }
0x4e: {  	_ =	shalt  }
0x4f: {  	_ =	shalt  }
0x50: {  	_ =	shalt  }
0x51: {  	_ =	shalt  }
0x52: {  	_ =	shalt  }
0x53: {  	_ =	shalt  }
0x54: {  	_ =	shalt  }
0x55: {  	_ =	shalt  }
0x56: {  	_ =	shalt  }
0x57: {  	_ =	shalt  }
0x58: {  	_ =	shalt  }
0x59: {  	_ =	shalt  }
0x5a: {  	_ =	shalt  }
0x5b: {  	_ =	shalt  }
0x5c: {  	_ =	shalt  }
0x5d: {  	_ =	shalt  }
0x5e: {  	_ =	shalt  }
0x5f: {  	_ =	shalt  }
0x60: {  	_ =	shalt  }
0x61: {  	_ =	shalt  }
0x62: {  	_ =	shalt  }
0x63: {  	_ =	shalt  }
0x64: {  	_ =	shalt  }
0x65: {  	_ =	shalt  }
0x66: {  	_ =	shalt  }
0x67: {  	_ =	shalt  }
0x68: {  	_ =	shalt  }
0x69: {  	_ =	shalt  }
0x6a: {  	_ =	shalt  }
0x6b: {  	_ =	shalt  }
0x6c: {  	_ =	shalt  }
0x6d: {  	_ =	shalt  }
0x6e: {  	_ =	shalt  }
0x6f: {  	_ =	shalt  }
0x70: {  	_ =	shalt  }
0x71: {  	_ =	shalt  }
0x72: {  	_ =	shalt  }
0x73: {  	_ =	shalt  }
0x74: {  	_ =	shalt  }
0x75: {  	_ =	shalt  }
0x76: {  	_ =	shalt  }
0x77: {  	_ =	shalt  }
0x78: {  	_ =	shalt  }
0x79: {  	_ =	shalt  }
0x7a: {  	_ =	shalt  }
0x7b: {  	_ =	shalt  }
0x7c: {  	_ =	shalt  }
0x7d: {  	_ =	shalt  }
0x7e: {  	_ =	shalt  }
0x7f: {  	_ =	shalt  }
0x80: {  	_ =	shalt  }
0x81: {  	_ =	shalt  }
0x82: {  	_ =	shalt  }
0x83: {  	_ =	shalt  }
0x84: {  	_ =	shalt  }
0x85: {  	_ =	shalt  }
0x86: {  	_ =	shalt  }
0x87: {  	_ =	shalt  }
.Lfunc_end0:
.L_simem_size_0:
called_computation.11_lowered:
.L_overlay_start_0:
0x88: {  	s2 =	sld [smem:$0x3FD9]  }
0x89: {  	s3 =	sld [smem:$0x3FFE];
	_ =	sdelay $0x1  }
0x8a: {  	s1 =	srdreg.scid  }
0x8b: {  	s0 =	sand.u32 $0x1, s1  }
0x8c: {  	s17 =	sshll.u32 s0, $0xA;
	s2 =	sadd.s32 s3, s2  }
0x8d: {  	s2 =	sadd.s32 s2, s17  }
0x8e: {  	[smem:$0x3FBA] =	sst s2  }
0x8f: {  	_ = 	snop  }
0x90: {  	s2 =	sld [smem:$0x3FD0];
	(tm) =	ssettm $0x1  }
0x91: {  	s18 =	sld [smem:$0x3FFB];
	_ =	sdelay $0x3  }
0x92: {  	_ =	strace s18  }
0x93: {  	s3 =	sld [smem:$0x3FFC];
	_ =	sdelay $0x3  }
0x94: {  	_ =	strace s3  }
0x95: {  	s3 =	sld [smem:$0x3FFD];
	_ =	sdelay $0x3  }
0x96: {  	_ =	strace s3  }
0x97: {  	_ =	strace $0x8FFFFFFF  }
0x98: {  	s19 =	sld [smem:$0x3FDB];
	_ =	sdelay $0x1  }
0x99: {  	s4 =	simm.s32 $_scs_section_size  }
0x9a: {  	s5 =	simm.s32 $_size__tile_overlayer_lowered;
	s6 =	simm.s32 $_tile_overlayer_lowered  }
0x9b: {  	s22 =	simm.s32 $0x1BFF;
	s21 =	sshll.u32 s6, $0x1;
	s3 =	sadd.s32 s4, s19  }
0x9c: {  	s7 =	simm.s32 $0x0;
	s20 =	sshll.u32 s5, $0x1;
	s5 =	sadd.s32 s21, s3  }
0x9d: {  	[timem:s7], [sflag:s22] =	dma.local [hbm:s5], s20  }
0x9e: {  	_ =	swait.ge [sflag:s22], s20  }
0x9f: {  	s4 =	ssub.s32 $0x0, s20;
	[sflag:s22] =	ssyncset.done $0x0  }
0xa0: {  	[sflag:s22] =	ssyncadd.s32 s4;
	_ =	sdelay $0x1  }
0xa1: {  	s23 =	simm.s32 $0x1B8B  }
0xa2: {  	_ =	swait.ge [sflag:s23], $0x1  }
0xa3: {  	[sflag:s23] =	ssyncset.done $0x0  }
0xa4: {  	s25 =	simm.s32 $0x1B8E;
	s24 =	sld [smem:$0x3FFE];
	[sflag:s23] =	ssyncadd.s32 $0xFFFFFFFF  }
0xa5: {  	s26 =	simm.s32 $execute0_lowered;
	[smem:$0x3FD2] =	sst s25  }
0xa6: {  	s5 =	sshll.u32 s26, $0x1;
	_ =	strace $0x80000067;
	[dreg:$0x1] =	wrdreg $0xFFFFFFFF  }
0xa7: {  	s28 =	simm.s32 $_size_execute0_lowered;
	s3 =	sadd.s32 s3, s5;
	[dreg:$0x0] =	wrdreg $0x0  }
0xa8: {  	s5 =	sshll.u32 s28, $0x1;
	[dreg:$0x2] =	wrdreg s3  }
0xa9: {  	[dreg:$0x3] =	wrdreg s5  }
0xaa: {  	[dreg:$0x4] =	wrdreg $0xC0  }
0xab: {  	_ =	task [dreg:s7], $0x5FFFF  }
0xac: {  	[dreg:$0x1] =	wrdreg $0xFFFFFFFF  }
0xad: {  	[dreg:$0x0] =	wrdreg $0x60  }
0xae: {  	[dreg:$0x2] =	wrdreg s24  }
0xaf: {  	[dreg:$0x3] =	wrdreg s2  }
0xb0: {  	[dreg:$0x4] =	wrdreg $0x90000  }
0xb1: {  	[dreg:$0x5] =	wrdreg $0x9  }
0xb2: {  	_ =	task.clear_ibuf [dreg:s7], $0x6FFFF;
	_ =	strace $0x90000067  }
0xb3: {  	s29 =	simm.s32 $0x9;
	_ =	strace $0x80000069  }
0xb4: {  	_ =	swait.ge [sflag:s29], $0x1  }
0xb5: {  	[sflag:s29] =	ssyncadd.s32 $0xFFFFFFFF  }
0xb6: {  	_ =	strace $0x90000069  }
0xb7: {  	_ =	sfence  }
0xb8: {  	s30 =	sld [smem:$0x0];
	_ =	sdelay $0x2  }
0xb9: {  	s31 =	sshll.u32 s1, $0xD;
	s1 =	sshrl.u32 s1, $0x2  }
0xba: {  	s3 =	sand.u32 $0x4000, s31;
	s1 =	sadd.s32 s1, s30  }
0xbb: {  	s0 =	sor.u32 s3, s0;
	s1 =	sshll.u32 s1, $0x11  }
0xbc: {  	s0 =	sor.u32 s1, s0  }
0xbd: {  	s0 =	sadd.s32 $0x8F2B, s0  }
0xbe: {  	[sflag:s0] =	ssyncadd.remote.s32 $0x1  }
0xbf: {  	_ =	sfence.sel $0xFFFF  }
0xc0: {  	[dreg:$0x0] =	wrdreg $0xFFFFFFFF;
	(pc) =	sbr.abs _section_cstart, $3  }
0xc1: {  	[dreg:$0x1] =	wrdreg $0xFFFFFFFF  }
0xc2: {  	_ =	task.clear_ibuf [dreg:s7], $0x2FFFF;
	_ =	strace $0x9FFFFFFF  }
0xc3: {  	(tm) =	ssettm $0x7FFFFFFF  }
tec
execute0_lowered:
.L_overlay_start_1:
0x0: {  	(tag) =	ssettag $0x1  }
0x1: {  	s6 =	rddreg [dreg:$0x0]  }
0x2: {  	s2 =	rddreg [dreg:$0x1];
	s1 =	srdreg.scid  }
0x3: {  	s0 =	stileid.u32;
	s3 =	rddreg [dreg:$0x2]  }
0x4: {  	s4 =	simm.s32 $0x0;
	s13 =	simm.s32 $0x80;
	s14 =	simm.s32 $0x5000  }
0x5: {  	s15 =	simm.s32 $0x1;
	s7 =	sand.u32 $0x1, s1;
	s1 =	rddreg [dreg:$0x3]  }
0x6: {  	s5 =	sshll.u32 s0, $0x1;
	[smem:$0x7FF] =	sst s4;
	s10 =	smul.u32 $0x50000, s0  }
0x7: {  	s17 =	smul.u32 $0x2800, s0;
	s31 =	sshll.u32 s0, $0x6;
	s5 =	sor.u32 s7, s5  }
0x8: {  	_ =	strace $0x80000068;
	s9 =	smul.u32 $0x28000, s7;
	s7 =	ssub.s32 $0x2, s7  }
0x9: {  	s8 =	smul.u32 $0x500, s5;
	s5 =	sadd.s32 $0x1B200, s6;
	s30 =	sshrl.u32 s7, $0x1  }
0xa: {  	s10 =	sshrl.u32 s10, $0x2;
	s9 =	sadd.s32 s9, s6;
	s11 =	ssub.s32 s7, s30  }
0xb: {  	s12 =	sadd.s32 s10, s3;
	s10 =	simm.s32 $0x2800;
	s8 =	sadd.s32 s8, s6  }
0xc: {  	s16 =	sadd.s32 $0x42400, s9;
	s9 =	simm.s32 $0x2;
	s12 =	sshrl.u32 s12, $0x3  }
0xd: {  	s6 =	sadd.s32 $0x11200, s8;
	s7 =	sadd.s32 $0x7200, s8;
	s8 =	smax.u32 s11, $0x1  }
0xe: {  	s11 =	sor.u32 $0x1C02, s31;
	s16 =	sadd.s32 s17, s16;
	s17 =	simm.s32 $0x0  }
.LBB2_1:
0xf: {  	[tilespmem:s4], [sflag:$0x2] =	stream.linear.gather [hbm4b:s6+s4], $0x2780, $0x38;
	[tilespmem:$0x1D000] =	vst v63  }
0x10: {  	_ =	swait.ge [sflag:s9], $0x2780  }
0x11: {  	[sflag:s9] =	ssyncset.done $0x0  }
0x12: {  	[sflag:s9] =	ssyncadd.s32 $0xFFFFD880  }
0x13: {  	[tilespmem:s10], [sflag:$0x2] =	stream.linear.gather [hbm4b:s7+s4], $0x2780, $0x38;
	[tilespmem:$0x1D000] =	vst v63  }
0x14: {  	_ =	swait.ge [sflag:s9], $0x2780  }
0x15: {  	[sflag:s9] =	ssyncset.done $0x0  }
0x16: {  	[sflag:s9] =	ssyncadd.s32 $0xFFFFD880  }
0x17: {  	[spmem:s12], [sflag:s11] =	dma.local [hbm:s2], $0x2800  }
0x18: {  	_ =	swait.ge [sflag:s9], $0x2800  }
0x19: {  	[sflag:s9] =	ssyncset.done $0x0  }
0x1a: {  	[sflag:s9] =	ssyncadd.s32 $0xFFFFD800  }
0x1b: {  	s18 =	simm.s32 $0x0;
	[bflag:$0x0] =	sbarrier.arrive $0xFFFF  }
0x1c: {  	[tilespmem:s14], [sflag:$0x1] =	stream.indirect.gather [hbm4b:s5+s13], $0x80, s18, s13, $0xb8;
	[tilespmem:$0x1D000] =	vst v63  }
0x1d: {  	_ =	swait.ge [sflag:s15], $0x4000  }
0x1e: {  	[sflag:s15] =	ssyncset.done $0x0  }
0x1f: {  	s31 =	simm.s32 $0x2800;
	[sflag:s15] =	ssyncadd.s32 $0xFFFFC000  }
0x20: {  	[spmem:s3] =	stream.indirect.scatter.add.f32 [tilespmem:s14], [sflag:$0x2], $0x80, s31, s13, $0xb8;
	[tilespmem:$0x1D000] =	vst v63  }
0x21: {  	_ =	swait.ge [sflag:s9], $0x4000  }
0x22: {  	s19 =	simm.s32 $0x400;
	s18 =	simm.s32 $0x200;
	[sflag:s9] =	ssyncset.done $0x0  }
.LBB2_2:
0x23: {  	s20 =	sshra.s32 s18, $0x2  }
0x24: {  	[sflag:s9] =	ssyncadd.s32 $0xFFFFC000;
	s18 =	smov.u32 s19;
	s21 =	sadd.s32 $0x200, s19  }
0x25: {  	[tilespmem:s14], [sflag:$0x1] =	stream.indirect.gather [hbm4b:s5+s13], $0x80, s20, s13, $0xb8;
	[tilespmem:$0x1D000] =	vst v63  }
0x26: {  	p0 =	sne.s32 s19, $0x9C00;
	_ =	swait.ge [sflag:s15], $0x4000  }
.Ltmp0:
0x27: {  	[sflag:s15] =	ssyncset.done $0x0;
	(pc) =	sbr.rel @p0 .LBB2_2-.Ltmp0, $4  }
0x28: {  	s19 =	sadd.s32 $0x2800, s20;
	[sflag:s15] =	ssyncadd.s32 $0xFFFFC000  }
0x29: {  	[spmem:s3] =	stream.indirect.scatter.add.f32 [tilespmem:s14], [sflag:$0x2], $0x80, s19, s13, $0xb8;
	[tilespmem:$0x1D000] =	vst v63  }
0x2a: {  	_ =	swait.ge [sflag:s9], $0x4000  }
0x2b: {  	s19 =	smov.u32 s21;
	[sflag:s9] =	ssyncset.done $0x0  }
0x2c: {  	s18 =	sshra.s32 s18, $0x2;
	[sflag:s9] =	ssyncadd.s32 $0xFFFFC000  }
0x2d: {  	[tilespmem:s14], [sflag:$0x1] =	stream.indirect.gather [hbm4b:s5+s13], $0x80, s18, s13, $0xb8;
	[tilespmem:$0x1D000] =	vst v63  }
0x2e: {  	_ =	swait.ge [sflag:s15], $0x4000  }
0x2f: {  	[sflag:s15] =	ssyncset.done $0x0  }
0x30: {  	s18 =	sadd.s32 $0x2800, s18;
	[sflag:s15] =	ssyncadd.s32 $0xFFFFC000  }
0x31: {  	[spmem:s3] =	stream.indirect.scatter.add.f32 [tilespmem:s14], [sflag:$0x2], $0x80, s18, s13, $0xb8;
	[tilespmem:$0x1D000] =	vst v63  }
0x32: {  	_ =	swait.ge [sflag:s9], $0x4000  }
0x33: {  	s17 =	sadd.s32 $0x1, s17;
	[sflag:s9] =	ssyncset.done $0x0  }
0x34: {  	p0 =	sne.s32 s17, s8;
	[sflag:s9] =	ssyncadd.s32 $0xFFFFC000  }
.Ltmp1:
0x35: {  	[bflag:$0x0] =	sbarrier.arrive $0xFFFF;
	(pc) =	sbr.rel @p0 .LBB2_1-.Ltmp1, $4  }
0x36: {  	[hbm:s16], [sflag:s11] =	dma.local [spmem:s12], $0x2800  }
0x37: {  	_ =	swait.ge [sflag:s9], $0x2800  }
0x38: {  	[sflag:s9] =	ssyncset.done $0x0  }
0x39: {  	[sflag:s9] =	ssyncadd.s32 $0xFFFFD800  }
0x3a: {  	_ =	sfence.sel $0x180000  }
0x3b: {  	[bflag:$0x0] =	sbarrier.arrive $0xFFFF  }
0x3c: {  	p0 =	sne.s32 s0, $0x0;
	_ =	strace $0x90000068  }
0x3d: {  	s0 =	sadd.s32 @!p0 $0x100000, s1;
	[bflag:$0x2] =	sbarrier.arrive $0xFFFF  }
0x3e: {  	[sflag:s0] =	ssyncadd.tile.s32 @!p0 $0x1;
	_ =	shalt  }
.Lfunc_end2:
_tile_overlayer_lowered:
.L_overlay_start_2:
0x3f: {  	(tag) =	ssettag $0x2  }
0x40: {  	s0 =	rddreg [dreg:$0x0];
	s2 =	stileid.u32  }
0x41: {  	s1 =	rddreg [dreg:$0x1];
	p0 =	sne.s32 s2, $0x0  }
0x42: {  	s3 =	rddreg [dreg:$0x2];
	[bflag:$0x3] =	sbarrier.arrive $0xFFFF;
	s2 =	simm.s32 @!p0 $0x1C02  }
0x43: {  	[timem:s3], [sflag:s2] =	dma.local @!p0 [hbm:s0], s1  }
0x44: {  	s0 =	simm.s32 @!p0 $0x2  }
0x45: {  	_ =	swait.ge @!p0 [sflag:s0], s1  }
0x46: {  	s1 =	ssub.s32 @!p0 $0x0, s1;
	[sflag:s0] =	ssyncset.done @!p0 $0x0  }
0x47: {  	[sflag:s0] =	ssyncadd.s32 @!p0 s1  }
0x48: {  	[bflag:$0x3] =	sbarrier.arrive $0xFFFF  }
0x49: {  	_ =	shalt  }

// kernel: kernel.57.cloned.1.call-start
scs
__scs_entry_jumppad:
0x0: {  	(pc) =	sbr.rel $0x88, $3  }
0x1: {  	(tag) =	ssettag $0x0;
	lr =	simm.s32 $0x1  }
0x2: {  	[smem:$0x3F93] =	sst lr;
	_ =	strace $0xD0000000  }
0x3: {  	_ = 	snop  }
0x4: {  	_ = 	snop  }
0x5: {  	_ = 	snop  }
0x6: {  	_ = 	snop  }
0x7: {  	_ = 	snop  }
__scs_overlays_trampoline_lowered:
0x8: {  	[smem:$0x3FA2] =	sst s0  }
0x9: {  	[smem:$0x3FA3] =	sst s1  }
0xa: {  	[smem:$0x3FA4] =	sst s2  }
0xb: {  	[smem:$0x3FA5] =	sst s3  }
0xc: {  	[smem:$0x3FA6] =	sst s4  }
0xd: {  	[smem:$0x3FA7] =	sst s5  }
0xe: {  	[smem:$0x3FA8] =	sst s6  }
0xf: {  	[smem:$0x3FA9] =	sst s7  }
0x10: {  	[smem:$0x3FAA] =	sst s8  }
0x11: {  	[smem:$0x3FAB] =	sst s9;
	s0 =	simm.s32 @!p0 $0x0  }
0x12: {  	s1 =	sld [smem:$0x3F91];
	s0 =	simm.s32 @p0 $0x1  }
0x13: {  	[smem:$0x3FAC] =	sst s0;
	s0 =	simm.s32 @!p1 $0x0  }
0x14: {  	s2 =	sld [smem:$0x3F90];
	s0 =	simm.s32 @p1 $0x1  }
0x15: {  	[smem:$0x3FAD] =	sst s0;
	s0 =	simm.s32 @!p2 $0x0  }
0x16: {  	s3 =	sld [smem:$0x3FDB];
	s0 =	simm.s32 @p2 $0x1  }
0x17: {  	s4 =	simm.s32 $0x1BF5;
	[smem:$0x3FAF] =	sst s0  }
0x18: {  	s0 =	sld [smem:$0x3F92];
	_ =	swait.ge [sflag:s4], $0x0  }
0x19: {  	s7 =	sld [smem:$0x3F93]  }
0x1a: {  	s8 =	sadd.s32 $0xFFFFE003, lr  }
0x1b: {  	s9 =	sadd.s32 $0xFFFFFEF7, lr;
	s5 =	simm.s32 $0xFFFFFFFF;
	p2 =	slt.u32 s8, $0xFFFFF086  }
0x1c: {  	p1 =	slt.u32 s9, $0xF7A;
	s5 =	simm.s32 @!p2 $0x0  }
0x1d: {  	s5 =	simm.s32 @p1 $0x1;
	p0 =	seq.s32 s7, s2  }
0x1e: {  	s7 =	smul.u32 @!p0 $0xF7A, s2;
	p2 =	seq.s32 @!p0 s5, $0x0  }
0x1f: {  	s9 =	smul.u32 $0xF7A, s1;
	s8 =	simm.s32 @!p0 $0x1BF5;
	p2 =	por !p2, p0  }
0x20: {  	[sflag:s8] =	ssyncset.s32 @!p0 $0xFFFFF086;
	s6 =	sadd.s32 @!p0 s3, s7;
	s7 =	simm.s32 @!p0 $0x108  }
0x21: {  	s3 =	sadd.s32 s3, s9;
	s6 =	sadd.s32 @!p0 $0x88, s6;
	s7 =	simm.s32 @p2 $0x1082  }
0x22: {  	[simem:s7], [sflag:s8] =	dma.local @!p0 [hbm:s6], $0xF7A  }
0x23: {  	s9 =	sor.u32 $0xD0000000, s2;
	s6 =	simm.s32 $0x108;
	_ =	swait.ge @!p0 [sflag:s8], $0x0  }
0x24: {  	s3 =	sadd.s32 $0x88, s3;
	s6 =	simm.s32 @!p1 $0x1082;
	[sflag:s4] =	ssyncset.s32 $0xFFFFF086  }
0x25: {  	[simem:s6], [sflag:s4] =	dma.local [hbm:s3], $0xF7A  }
0x26: {  	[smem:$0x3F93] =	sst s1;
	(tag) =	ssettag s2;
	_ =	strace s9  }
0x27: {  	s1 =	sld [smem:$0x3FA3]  }
0x28: {  	s2 =	sld [smem:$0x3FA4]  }
0x29: {  	s4 =	sld [smem:$0x3FA6]  }
0x2a: {  	p0 =	seq.s32 s5, $0x0;
	s5 =	sld [smem:$0x3FA7]  }
0x2b: {  	s6 =	sld [smem:$0x3FA8]  }
0x2c: {  	s7 =	sld [smem:$0x3FA9]  }
0x2d: {  	s3 =	simm.s32 $0x108;
	s8 =	sld [smem:$0x3FAA]  }
0x2e: {  	s3 =	simm.s32 @!p0 $0x1082;
	s9 =	sld [smem:$0x3FAB]  }
0x2f: {  	lr =	sadd.s32 s0, s3;
	s0 =	sld [smem:$0x3FA2]  }
0x30: {  	s3 =	sld [smem:$0x3FA5]  }
0x31: {  	[smem:$0x3FAE] =	sst s10  }
0x32: {  	s10 =	sld [smem:$0x3FAC];
	_ =	sdelay $0x3  }
0x33: {  	p0 =	seq.s32 s10, $0x1;
	s10 =	sld [smem:$0x3FAE];
	_ =	sdelay $0x3  }
0x34: {  	[smem:$0x3FAE] =	sst s10  }
0x35: {  	s10 =	sld [smem:$0x3FAD];
	_ =	sdelay $0x3  }
0x36: {  	p1 =	seq.s32 s10, $0x1;
	s10 =	sld [smem:$0x3FAE];
	_ =	sdelay $0x3  }
0x37: {  	[smem:$0x3FAE] =	sst s10  }
0x38: {  	s10 =	sld [smem:$0x3FAF]  }
0x39: {  	_ = 	snop;
	(pc) =	sbr.ind lr, $3  }
0x3a: {  	_ = 	snop  }
0x3b: {  	_ = 	snop  }
0x3c: {  	p2 =	seq.s32 s10, $0x1;
	s10 =	sld [smem:$0x3FAE]  }
0x3d: {  	_ =	shalt  }
0x3e: {  	_ =	shalt  }
0x3f: {  	_ =	shalt  }
0x40: {  	_ =	shalt  }
0x41: {  	_ =	shalt  }
0x42: {  	_ =	shalt  }
0x43: {  	_ =	shalt  }
0x44: {  	_ =	shalt  }
0x45: {  	_ =	shalt  }
0x46: {  	_ =	shalt  }
0x47: {  	_ =	shalt  }
0x48: {  	_ =	shalt  }
0x49: {  	_ =	shalt  }
0x4a: {  	_ =	shalt  }
0x4b: {  	_ =	shalt  }
0x4c: {  	_ =	shalt  }
0x4d: {  	_ =	shalt  }
0x4e: {  	_ =	shalt  }
0x4f: {  	_ =	shalt  }
0x50: {  	_ =	shalt  }
0x51: {  	_ =	shalt  }
0x52: {  	_ =	shalt  }
0x53: {  	_ =	shalt  }
0x54: {  	_ =	shalt  }
0x55: {  	_ =	shalt  }
0x56: {  	_ =	shalt  }
0x57: {  	_ =	shalt  }
0x58: {  	_ =	shalt  }
0x59: {  	_ =	shalt  }
0x5a: {  	_ =	shalt  }
0x5b: {  	_ =	shalt  }
0x5c: {  	_ =	shalt  }
0x5d: {  	_ =	shalt  }
0x5e: {  	_ =	shalt  }
0x5f: {  	_ =	shalt  }
0x60: {  	_ =	shalt  }
0x61: {  	_ =	shalt  }
0x62: {  	_ =	shalt  }
0x63: {  	_ =	shalt  }
0x64: {  	_ =	shalt  }
0x65: {  	_ =	shalt  }
0x66: {  	_ =	shalt  }
0x67: {  	_ =	shalt  }
0x68: {  	_ =	shalt  }
0x69: {  	_ =	shalt  }
0x6a: {  	_ =	shalt  }
0x6b: {  	_ =	shalt  }
0x6c: {  	_ =	shalt  }
0x6d: {  	_ =	shalt  }
0x6e: {  	_ =	shalt  }
0x6f: {  	_ =	shalt  }
0x70: {  	_ =	shalt  }
0x71: {  	_ =	shalt  }
0x72: {  	_ =	shalt  }
0x73: {  	_ =	shalt  }
0x74: {  	_ =	shalt  }
0x75: {  	_ =	shalt  }
0x76: {  	_ =	shalt  }
0x77: {  	_ =	shalt  }
0x78: {  	_ =	shalt  }
0x79: {  	_ =	shalt  }
0x7a: {  	_ =	shalt  }
0x7b: {  	_ =	shalt  }
0x7c: {  	_ =	shalt  }
0x7d: {  	_ =	shalt  }
0x7e: {  	_ =	shalt  }
0x7f: {  	_ =	shalt  }
0x80: {  	_ =	shalt  }
0x81: {  	_ =	shalt  }
0x82: {  	_ =	shalt  }
0x83: {  	_ =	shalt  }
0x84: {  	_ =	shalt  }
0x85: {  	_ =	shalt  }
0x86: {  	_ =	shalt  }
0x87: {  	_ =	shalt  }
.Lfunc_end0:
.L_simem_size_0:
called_computation.12_lowered:
.L_overlay_start_0:
0x88: {  	s2 =	sld [smem:$0x3FD9]  }
0x89: {  	s3 =	sld [smem:$0x3FFE];
	_ =	sdelay $0x1  }
0x8a: {  	s1 =	srdreg.scid  }
0x8b: {  	s0 =	sand.u32 $0x1, s1  }
0x8c: {  	s17 =	sshll.u32 s0, $0xA;
	s2 =	sadd.s32 s3, s2  }
0x8d: {  	s2 =	sadd.s32 s2, s17  }
0x8e: {  	[smem:$0x3FBA] =	sst s2  }
0x8f: {  	_ = 	snop  }
0x90: {  	s2 =	sld [smem:$0x3FD0];
	(tm) =	ssettm $0x1  }
0x91: {  	s18 =	sld [smem:$0x3FFB];
	_ =	sdelay $0x3  }
0x92: {  	_ =	strace s18  }
0x93: {  	s3 =	sld [smem:$0x3FFC];
	_ =	sdelay $0x3  }
0x94: {  	_ =	strace s3  }
0x95: {  	s3 =	sld [smem:$0x3FFD];
	_ =	sdelay $0x3  }
0x96: {  	_ =	strace s3  }
0x97: {  	_ =	strace $0x8FFFFFFF  }
0x98: {  	s19 =	sld [smem:$0x3FDB];
	_ =	sdelay $0x1  }
0x99: {  	s4 =	simm.s32 $_scs_section_size  }
0x9a: {  	s5 =	simm.s32 $_size__tile_overlayer_lowered;
	s6 =	simm.s32 $_tile_overlayer_lowered  }
0x9b: {  	s22 =	simm.s32 $0x1BFF;
	s21 =	sshll.u32 s6, $0x1;
	s3 =	sadd.s32 s4, s19  }
0x9c: {  	s7 =	simm.s32 $0x0;
	s20 =	sshll.u32 s5, $0x1;
	s5 =	sadd.s32 s21, s3  }
0x9d: {  	[timem:s7], [sflag:s22] =	dma.local [hbm:s5], s20  }
0x9e: {  	_ =	swait.ge [sflag:s22], s20  }
0x9f: {  	s4 =	ssub.s32 $0x0, s20;
	[sflag:s22] =	ssyncset.done $0x0  }
0xa0: {  	[sflag:s22] =	ssyncadd.s32 s4;
	_ =	sdelay $0x1  }
0xa1: {  	s23 =	simm.s32 $0x1B8B  }
0xa2: {  	_ =	swait.ge [sflag:s23], $0x1  }
0xa3: {  	[sflag:s23] =	ssyncset.done $0x0  }
0xa4: {  	s25 =	simm.s32 $0x1B8E;
	s24 =	sld [smem:$0x3FFE];
	[sflag:s23] =	ssyncadd.s32 $0xFFFFFFFF  }
0xa5: {  	s26 =	simm.s32 $execute0_lowered;
	[smem:$0x3FD2] =	sst s25  }
0xa6: {  	s5 =	sshll.u32 s26, $0x1;
	_ =	strace $0x8000006A;
	[dreg:$0x1] =	wrdreg $0xFFFFFFFF  }
0xa7: {  	s28 =	simm.s32 $_size_execute0_lowered;
	s3 =	sadd.s32 s3, s5;
	[dreg:$0x0] =	wrdreg $0x0  }
0xa8: {  	s5 =	sshll.u32 s28, $0x1;
	[dreg:$0x2] =	wrdreg s3  }
0xa9: {  	[dreg:$0x3] =	wrdreg s5  }
0xaa: {  	[dreg:$0x4] =	wrdreg $0xC0  }
0xab: {  	_ =	task [dreg:s7], $0x5FFFF  }
0xac: {  	[dreg:$0x1] =	wrdreg $0xFFFFFFFF  }
0xad: {  	[dreg:$0x0] =	wrdreg $0x60  }
0xae: {  	[dreg:$0x2] =	wrdreg s24  }
0xaf: {  	[dreg:$0x3] =	wrdreg s2  }
0xb0: {  	[dreg:$0x4] =	wrdreg $0x90000  }
0xb1: {  	[dreg:$0x5] =	wrdreg $0x9  }
0xb2: {  	_ =	task.clear_ibuf [dreg:s7], $0x6FFFF;
	_ =	strace $0x9000006A  }
0xb3: {  	s29 =	simm.s32 $0x9;
	_ =	strace $0x8000006C  }
0xb4: {  	_ =	swait.ge [sflag:s29], $0x1  }
0xb5: {  	[sflag:s29] =	ssyncadd.s32 $0xFFFFFFFF  }
0xb6: {  	_ =	strace $0x9000006C  }
0xb7: {  	_ =	sfence  }
0xb8: {  	s30 =	sld [smem:$0x0];
	_ =	sdelay $0x2  }
0xb9: {  	s31 =	sshll.u32 s1, $0xD;
	s1 =	sshrl.u32 s1, $0x2  }
0xba: {  	s3 =	sand.u32 $0x4000, s31;
	s1 =	sadd.s32 s1, s30  }
0xbb: {  	s0 =	sor.u32 s3, s0;
	s1 =	sshll.u32 s1, $0x11  }
0xbc: {  	s0 =	sor.u32 s1, s0  }
0xbd: {  	s0 =	sadd.s32 $0x8F2B, s0  }
0xbe: {  	[sflag:s0] =	ssyncadd.remote.s32 $0x1  }
0xbf: {  	_ =	sfence.sel $0xFFFF  }
0xc0: {  	[dreg:$0x0] =	wrdreg $0xFFFFFFFF;
	(pc) =	sbr.abs _section_cstart, $3  }
0xc1: {  	[dreg:$0x1] =	wrdreg $0xFFFFFFFF  }
0xc2: {  	_ =	task.clear_ibuf [dreg:s7], $0x2FFFF;
	_ =	strace $0x9FFFFFFF  }
0xc3: {  	(tm) =	ssettm $0x7FFFFFFF  }
tec
execute0_lowered:
.L_overlay_start_1:
0x0: {  	(tag) =	ssettag $0x1  }
0x1: {  	s6 =	rddreg [dreg:$0x0]  }
0x2: {  	s2 =	rddreg [dreg:$0x1];
	s1 =	srdreg.scid  }
0x3: {  	s0 =	stileid.u32;
	s3 =	rddreg [dreg:$0x2]  }
0x4: {  	s4 =	simm.s32 $0x0;
	s13 =	simm.s32 $0x80;
	s14 =	simm.s32 $0x5000  }
0x5: {  	s15 =	simm.s32 $0x1;
	s7 =	sand.u32 $0x1, s1;
	s1 =	rddreg [dreg:$0x3]  }
0x6: {  	s5 =	sshll.u32 s0, $0x1;
	[smem:$0x7FF] =	sst s4;
	s10 =	smul.u32 $0x50000, s0  }
0x7: {  	s17 =	smul.u32 $0x2800, s0;
	s31 =	sshll.u32 s0, $0x6;
	s5 =	sor.u32 s7, s5  }
0x8: {  	_ =	strace $0x8000006B;
	s9 =	smul.u32 $0x28000, s7;
	s7 =	ssub.s32 $0x2, s7  }
0x9: {  	s8 =	smul.u32 $0x500, s5;
	s5 =	sadd.s32 $0x1B200, s6;
	s30 =	sshrl.u32 s7, $0x1  }
0xa: {  	s10 =	sshrl.u32 s10, $0x2;
	s9 =	sadd.s32 s9, s6;
	s11 =	ssub.s32 s7, s30  }
0xb: {  	s12 =	sadd.s32 s10, s3;
	s10 =	simm.s32 $0x2800;
	s8 =	sadd.s32 s8, s6  }
0xc: {  	s16 =	sadd.s32 $0x42400, s9;
	s9 =	simm.s32 $0x2;
	s12 =	sshrl.u32 s12, $0x3  }
0xd: {  	s6 =	sadd.s32 $0x11200, s8;
	s7 =	sadd.s32 $0x7200, s8;
	s8 =	smax.u32 s11, $0x1  }
0xe: {  	s11 =	sor.u32 $0x1C02, s31;
	s16 =	sadd.s32 s17, s16;
	s17 =	simm.s32 $0x0  }
.LBB2_1:
0xf: {  	[tilespmem:s4], [sflag:$0x2] =	stream.linear.gather [hbm4b:s6+s4], $0x2780, $0x38;
	[tilespmem:$0x1D000] =	vst v63  }
0x10: {  	_ =	swait.ge [sflag:s9], $0x2780  }
0x11: {  	[sflag:s9] =	ssyncset.done $0x0  }
0x12: {  	[sflag:s9] =	ssyncadd.s32 $0xFFFFD880  }
0x13: {  	[tilespmem:s10], [sflag:$0x2] =	stream.linear.gather [hbm4b:s7+s4], $0x2780, $0x38;
	[tilespmem:$0x1D000] =	vst v63  }
0x14: {  	_ =	swait.ge [sflag:s9], $0x2780  }
0x15: {  	[sflag:s9] =	ssyncset.done $0x0  }
0x16: {  	[sflag:s9] =	ssyncadd.s32 $0xFFFFD880  }
0x17: {  	[spmem:s12], [sflag:s11] =	dma.local [hbm:s2], $0x2800  }
0x18: {  	_ =	swait.ge [sflag:s9], $0x2800  }
0x19: {  	[sflag:s9] =	ssyncset.done $0x0  }
0x1a: {  	[sflag:s9] =	ssyncadd.s32 $0xFFFFD800  }
0x1b: {  	s18 =	simm.s32 $0x0;
	[bflag:$0x0] =	sbarrier.arrive $0xFFFF  }
0x1c: {  	[tilespmem:s14], [sflag:$0x1] =	stream.indirect.gather [hbm4b:s5+s13], $0x80, s18, s13, $0xb8;
	[tilespmem:$0x1D000] =	vst v63  }
0x1d: {  	_ =	swait.ge [sflag:s15], $0x4000  }
0x1e: {  	[sflag:s15] =	ssyncset.done $0x0  }
0x1f: {  	s31 =	simm.s32 $0x2800;
	[sflag:s15] =	ssyncadd.s32 $0xFFFFC000  }
0x20: {  	[spmem:s3] =	stream.indirect.scatter.add.f32 [tilespmem:s14], [sflag:$0x2], $0x80, s31, s13, $0xb8;
	[tilespmem:$0x1D000] =	vst v63  }
0x21: {  	_ =	swait.ge [sflag:s9], $0x4000  }
0x22: {  	s19 =	simm.s32 $0x400;
	s18 =	simm.s32 $0x200;
	[sflag:s9] =	ssyncset.done $0x0  }
.LBB2_2:
0x23: {  	s20 =	sshra.s32 s18, $0x2  }
0x24: {  	[sflag:s9] =	ssyncadd.s32 $0xFFFFC000;
	s18 =	smov.u32 s19;
	s21 =	sadd.s32 $0x200, s19  }
0x25: {  	[tilespmem:s14], [sflag:$0x1] =	stream.indirect.gather [hbm4b:s5+s13], $0x80, s20, s13, $0xb8;
	[tilespmem:$0x1D000] =	vst v63  }
0x26: {  	p0 =	sne.s32 s19, $0x9C00;
	_ =	swait.ge [sflag:s15], $0x4000  }
.Ltmp0:
0x27: {  	[sflag:s15] =	ssyncset.done $0x0;
	(pc) =	sbr.rel @p0 .LBB2_2-.Ltmp0, $4  }
0x28: {  	s19 =	sadd.s32 $0x2800, s20;
	[sflag:s15] =	ssyncadd.s32 $0xFFFFC000  }
0x29: {  	[spmem:s3] =	stream.indirect.scatter.add.f32 [tilespmem:s14], [sflag:$0x2], $0x80, s19, s13, $0xb8;
	[tilespmem:$0x1D000] =	vst v63  }
0x2a: {  	_ =	swait.ge [sflag:s9], $0x4000  }
0x2b: {  	s19 =	smov.u32 s21;
	[sflag:s9] =	ssyncset.done $0x0  }
0x2c: {  	s18 =	sshra.s32 s18, $0x2;
	[sflag:s9] =	ssyncadd.s32 $0xFFFFC000  }
0x2d: {  	[tilespmem:s14], [sflag:$0x1] =	stream.indirect.gather [hbm4b:s5+s13], $0x80, s18, s13, $0xb8;
	[tilespmem:$0x1D000] =	vst v63  }
0x2e: {  	_ =	swait.ge [sflag:s15], $0x4000  }
0x2f: {  	[sflag:s15] =	ssyncset.done $0x0  }
0x30: {  	s18 =	sadd.s32 $0x2800, s18;
	[sflag:s15] =	ssyncadd.s32 $0xFFFFC000  }
0x31: {  	[spmem:s3] =	stream.indirect.scatter.add.f32 [tilespmem:s14], [sflag:$0x2], $0x80, s18, s13, $0xb8;
	[tilespmem:$0x1D000] =	vst v63  }
0x32: {  	_ =	swait.ge [sflag:s9], $0x4000  }
0x33: {  	s17 =	sadd.s32 $0x1, s17;
	[sflag:s9] =	ssyncset.done $0x0  }
0x34: {  	p0 =	sne.s32 s17, s8;
	[sflag:s9] =	ssyncadd.s32 $0xFFFFC000  }
.Ltmp1:
0x35: {  	[bflag:$0x0] =	sbarrier.arrive $0xFFFF;
	(pc) =	sbr.rel @p0 .LBB2_1-.Ltmp1, $4  }
0x36: {  	[hbm:s16], [sflag:s11] =	dma.local [spmem:s12], $0x2800  }
0x37: {  	_ =	swait.ge [sflag:s9], $0x2800  }
0x38: {  	[sflag:s9] =	ssyncset.done $0x0  }
0x39: {  	[sflag:s9] =	ssyncadd.s32 $0xFFFFD800  }
0x3a: {  	_ =	sfence.sel $0x180000  }
0x3b: {  	[bflag:$0x0] =	sbarrier.arrive $0xFFFF  }
0x3c: {  	p0 =	sne.s32 s0, $0x0;
	_ =	strace $0x9000006B  }
0x3d: {  	s0 =	sadd.s32 @!p0 $0x100000, s1;
	[bflag:$0x2] =	sbarrier.arrive $0xFFFF  }
0x3e: {  	[sflag:s0] =	ssyncadd.tile.s32 @!p0 $0x1;
	_ =	shalt  }
.Lfunc_end2:
_tile_overlayer_lowered:
.L_overlay_start_2:
0x3f: {  	(tag) =	ssettag $0x2  }
0x40: {  	s0 =	rddreg [dreg:$0x0];
	s2 =	stileid.u32  }
0x41: {  	s1 =	rddreg [dreg:$0x1];
	p0 =	sne.s32 s2, $0x0  }
0x42: {  	s3 =	rddreg [dreg:$0x2];
	[bflag:$0x3] =	sbarrier.arrive $0xFFFF;
	s2 =	simm.s32 @!p0 $0x1C02  }
0x43: {  	[timem:s3], [sflag:s2] =	dma.local @!p0 [hbm:s0], s1  }
0x44: {  	s0 =	simm.s32 @!p0 $0x2  }
0x45: {  	_ =	swait.ge @!p0 [sflag:s0], s1  }
0x46: {  	s1 =	ssub.s32 @!p0 $0x0, s1;
	[sflag:s0] =	ssyncset.done @!p0 $0x0  }
0x47: {  	[sflag:s0] =	ssyncadd.s32 @!p0 s1  }
0x48: {  	[bflag:$0x3] =	sbarrier.arrive $0xFFFF  }
0x49: {  	_ =	shalt  }

</sc_bundles>
